<compile_context>
chip_gen: v7x
topology: tpu7x:2x2x1
jax: 0.10.2.dev20260603
libtpu: 0.0.44.dev20260713+nightly
codegen_flags: <defaults>
</compile_context>

<pallas_src>
import functools
import math

import jax
import jax.numpy as jnp
from jax import lax
from jax.experimental import pallas as pl
from jax.experimental.pallas import tpu as pltpu
from jax.experimental.pallas import tpu_sc as plsc

N = 10000
E = 320000
D = 128
F = 32
NG = 64
OUT = 7

NP4 = N // 4
FP = 4 * F

NW = 32
EPW = E // NW
K = 80
CHUNKS = EPW // K
NB = 5
GROUPS = CHUNKS // NB
NT = 16
SLC = 640
TAIL0 = (NT - 1) * SLC
TAIL = N - TAIL0

BLK = NP4
GRID = NP4 // BLK

_BNC = 1.0 / math.sqrt(1.0 + 1e-5)


@functools.lru_cache(maxsize=None)
def _build_sc_scatter():
    mesh = plsc.VectorSubcoreMesh(core_axis_name="c", subcore_axis_name="s")

    @functools.partial(
        pl.kernel,
        mesh=mesh,
        compiler_params=pltpu.CompilerParams(use_tc_tiling_on_sc=False),
        out_type=jax.ShapeDtypeStruct((2, N, F), jnp.float32),
        scratch_types=[
            pltpu.VMEM((CHUNKS, K), jnp.int32),
            pltpu.VMEM((CHUNKS, K), jnp.int32),
            pltpu.VMEM((NB, K, F), jnp.float32),
            pltpu.VMEM_SHARED((N, F), jnp.float32),
        ] + [pltpu.SemaphoreType.DMA] * (2 * NB),
    )
    def sc_scatter(z_hbm, src_hbm, dst_hbm, zero_hbm, out_hbm,
                   src_all, dst_all, rows, acc_sh, *sems):
        cid = lax.axis_index("c")
        sid = lax.axis_index("s")
        wid = sid * 2 + cid
        r0 = pl.multiple_of(sid * SLC, 8)

        @pl.when(sid < NT - 1)
        def _():
            pltpu.sync_copy(zero_hbm.at[pl.ds(r0, SLC)],
                            acc_sh.at[pl.ds(r0, SLC)])

        @pl.when(sid == NT - 1)
        def _():
            pltpu.sync_copy(zero_hbm.at[pl.ds(TAIL0, TAIL)],
                            acc_sh.at[pl.ds(TAIL0, TAIL)])

        pltpu.sync_copy(src_hbm.at[wid], src_all)
        pltpu.sync_copy(dst_hbm.at[wid], dst_all)
        plsc.subcore_barrier()

        def scatter_drain(b):
            pltpu.make_async_copy(rows.at[b], acc_sh.at[dst_all.at[0]],
                                  sems[NB + b]).wait()

        def body(g, carry):
            j0 = g * NB
            gh = []
            for b in range(NB):
                @pl.when(g > 0)
                def _(b=b):
                    scatter_drain(b)

                gh.append(pltpu.async_copy(
                    z_hbm.at[src_all.at[j0 + b]], rows.at[b], sems[b]))
            for b in range(NB):
                gh[b].wait()
                pltpu.async_copy(rows.at[b],
                                 acc_sh.at[dst_all.at[j0 + b]],
                                 sems[NB + b], add=True)
            return carry

        lax.fori_loop(0, GROUPS, body, 0, unroll=False)
        for b in range(NB):
            scatter_drain(b)

        plsc.subcore_barrier()

        @pl.when(sid < NT - 1)
        def _():
            pltpu.sync_copy(acc_sh.at[pl.ds(r0, SLC)],
                            out_hbm.at[cid, pl.ds(r0, SLC)])

        @pl.when(sid == NT - 1)
        def _():
            pltpu.sync_copy(acc_sh.at[pl.ds(TAIL0, TAIL)],
                            out_hbm.at[cid, pl.ds(TAIL0, TAIL)])

    return sc_scatter


def _pre_body(x4_ref, w128_ref, wbot_ref,
              pw0_ref, pb0_ref, pw1_ref, pb1_ref, ew_ref, eb_ref, y0_ref):
    x4 = x4_ref[:]
    outs = []
    for s in range(4):
        xs = x4[:, D * s:D * (s + 1)]
        s0 = xs[:, D - 2:D - 1]
        s1 = xs[:, D - 1:D]
        x0 = jnp.maximum(s0 * pw0_ref[:] + pb0_ref[:], 0.0)
        x1 = jnp.maximum(s1 * pw1_ref[:] + pb1_ref[:], 0.0)
        xc = jnp.concatenate([x0, x1], axis=1)
        xc = jnp.dot(xc, ew_ref[:], preferred_element_type=jnp.float32) + eb_ref[:]
        outs.append(jnp.dot(xs, w128_ref[:], preferred_element_type=jnp.float32)
                    + jnp.dot(xc, wbot_ref[:], preferred_element_type=jnp.float32))
    y0_ref[:] = jnp.concatenate(outs, axis=1)


def _mid_body(z_ref, part_ref, res_ref, ba_ref, g_ref, be_ref, wb_ref,
              bb_ref, wnext_ref, gout_ref, znext_ref, *, add_res):
    p = part_ref[:]
    t = z_ref[:] + p[0] + p[1] + ba_ref[:]
    h = jnp.maximum(t * _BNC * g_ref[:] + be_ref[:], 0.0)
    g = jnp.maximum(jnp.dot(h, wb_ref[:], preferred_element_type=jnp.float32)
                    + bb_ref[:], 0.0)
    if add_res:
        g = g + res_ref[:]
    gout_ref[:] = g
    znext_ref[:] = jnp.dot(g, wnext_ref[:], preferred_element_type=jnp.float32)


def _final_body(z2_ref, part_ref, g1_ref, g0_ref, batch_ref,
                ba_ref, g_ref, be_ref, wb_ref, bb_ref,
                p1w_ref, p1b_ref, p2w_ref, p2b_ref, out_ref, acc_ref):
    i = pl.program_id(0)
    p = part_ref[:]
    t = z2_ref[:] + p[0] + p[1] + ba_ref[:]
    h = jnp.maximum(t * _BNC * g_ref[:] + be_ref[:], 0.0)
    g2 = (jnp.dot(h, wb_ref[:], preferred_element_type=jnp.float32)
          + bb_ref[:] + g1_ref[:] + g0_ref[:])

    @pl.when(i == 0)
    def _():
        acc_ref[:] = jnp.zeros_like(acc_ref)

    ones = jnp.ones((BLK, 1), jnp.float32)
    iota = lax.broadcasted_iota(jnp.int32, (BLK, NG), 1)
    blockacc = acc_ref[:]
    for s in range(4):
        oneh = (batch_ref[:, s:s + 1] == iota).astype(jnp.float32)
        gext = jnp.concatenate([g2[:, F * s:F * (s + 1)], ones], axis=1)
        blockacc = blockacc + lax.dot_general(
            oneh, gext, (((0,), (0,)), ((), ())),
            preferred_element_type=jnp.float32)
    acc_ref[:] = blockacc

    @pl.when(i == pl.num_programs(0) - 1)
    def _():
        seg = acc_ref[:, 0:F]
        cnt = acc_ref[:, F:F + 1]
        pooled = seg / jnp.maximum(cnt, 1.0)
        o = jnp.maximum(jnp.dot(pooled, p1w_ref[:],
                                preferred_element_type=jnp.float32)
                        + p1b_ref[:], 0.0)
        o = jnp.dot(o, p2w_ref[:], preferred_element_type=jnp.float32) + p2b_ref[:]
        m = jnp.max(o, axis=1, keepdims=True)
        lse = m + jnp.log(jnp.sum(jnp.exp(o - m), axis=1, keepdims=True))
        out_ref[:] = o - lse


def _row_spec(d):
    return pl.BlockSpec((BLK, d), lambda i: (i, 0))


def _full_spec(shape):
    nd = len(shape)
    return pl.BlockSpec(shape, lambda i: (0,) * nd)


def _part_spec():
    return pl.BlockSpec((2, BLK, FP), lambda i: (0, i, 0))


def _pre_call(x4, w128, wbot, pw0, pb0, pw1, pb1, ew, eb):
    return pl.pallas_call(
        _pre_body,
        grid=(GRID,),
        in_specs=[_row_spec(4 * D), _full_spec((D, F)),
                  _full_spec((2 * 8, F)), _full_spec((1, 8)), _full_spec((1, 8)),
                  _full_spec((1, 8)), _full_spec((1, 8)),
                  _full_spec((16, 16)), _full_spec((1, 16))],
        out_specs=_row_spec(FP),
        out_shape=jax.ShapeDtypeStruct((NP4, FP), jnp.float32),
    )(x4, w128, wbot, pw0, pb0, pw1, pb1, ew, eb)


def _mid_call(z, part, res, ba, g, be, wb_bd, bb, wnext_bd, add_res):
    body = functools.partial(_mid_body, add_res=add_res)
    return pl.pallas_call(
        body,
        grid=(GRID,),
        in_specs=[_row_spec(FP), _part_spec(), _row_spec(FP),
                  _full_spec((1, FP)), _full_spec((1, FP)), _full_spec((1, FP)),
                  _full_spec((FP, FP)), _full_spec((1, FP)),
                  _full_spec((FP, FP))],
        out_specs=[_row_spec(FP), _row_spec(FP)],
        out_shape=[jax.ShapeDtypeStruct((NP4, FP), jnp.float32),
                   jax.ShapeDtypeStruct((NP4, FP), jnp.float32)],
    )(z, part, res, ba, g, be, wb_bd, bb, wnext_bd)


def _final_call(z2, part, g1, g0, batch4, ba, g, be, wb_bd, bb,
                p1w, p1b, p2w, p2b):
    return pl.pallas_call(
        _final_body,
        grid=(GRID,),
        in_specs=[_row_spec(FP), _part_spec(), _row_spec(FP), _row_spec(FP),
                  _row_spec(4),
                  _full_spec((1, FP)), _full_spec((1, FP)), _full_spec((1, FP)),
                  _full_spec((FP, FP)), _full_spec((1, FP)),
                  _full_spec((F, 16)), _full_spec((1, 16)),
                  _full_spec((16, OUT)), _full_spec((1, OUT))],
        out_specs=pl.BlockSpec((NG, OUT), lambda i: (0, 0)),
        out_shape=jax.ShapeDtypeStruct((NG, OUT), jnp.float32),
        scratch_shapes=[pltpu.VMEM((NG, F + 1), jnp.float32)],
    )(z2, part, g1, g0, batch4, ba, g, be, wb_bd, bb, p1w, p1b, p2w, p2b)


def kernel(x, edge_index, batch, preW0, preb0, preW1, preb1, eW, eb,
           m0Wa, m0ba, m0g, m0be, m0Wb, m0bb,
           m1Wa, m1ba, m1g, m1be, m1Wb, m1bb,
           m2Wa, m2ba, m2g, m2be, m2Wb, m2bb,
           p1W, p1b, p2W, p2b):
    src = edge_index[0].reshape(NW, CHUNKS, K)
    dst = edge_index[1].reshape(NW, CHUNKS, K)
    zeros = jnp.zeros((N, F), jnp.float32)
    x4 = x.reshape(NP4, 4 * D)
    batch4 = batch.reshape(NP4, 4)
    w128 = jnp.concatenate([m0Wa[:D - 2], jnp.zeros((2, F), jnp.float32)],
                           axis=0)
    wbot = m0Wa[D - 2:]
    def bd(w):
        out = jnp.zeros((FP, FP), jnp.float32)
        for s in range(4):
            out = out.at[F * s:F * (s + 1), F * s:F * (s + 1)].set(w)
        return out
    r4 = lambda a: jnp.tile(a.reshape(1, -1), (1, 4))
    r = lambda a: a.reshape(1, -1)

    sc_scatter = _build_sc_scatter()
    flat = lambda a: a.reshape(N, F)
    pack2 = lambda a: a.reshape(2, NP4, FP)

    y0 = _pre_call(x4, w128, wbot, preW0, r(preb0), preW1, r(preb1),
                   eW, r(eb))
    part0 = pack2(sc_scatter(flat(y0), src, dst, zeros))
    g0, z1 = _mid_call(y0, part0, y0, r4(m0ba), r4(m0g), r4(m0be),
                       bd(m0Wb), r4(m0bb), bd(m1Wa), add_res=False)
    part1 = pack2(sc_scatter(flat(z1), src, dst, zeros))
    g1, z2 = _mid_call(z1, part1, g0, r4(m1ba), r4(m1g), r4(m1be),
                       bd(m1Wb), r4(m1bb), bd(m2Wa), add_res=True)
    part2 = pack2(sc_scatter(flat(z2), src, dst, zeros))
    return _final_call(z2, part2, g1, g0, batch4, r4(m2ba), r4(m2g),
                       r4(m2be), bd(m2Wb), r4(m2bb), p1W, r(p1b),
                       p2W, r(p2b))

# --- scband reference (transcript-rebuilt; emitter-appended) ---
"""Pipeline reference for scband-struc-fea-gnn-68410239091211 (READ-ONLY COPY).

The authoritative reference and input builder live on the scoring server;
editing this copy changes nothing except your own understanding.
"""

import jax, jax.numpy as jnp
import numpy as np

N = 10000
E = 320000
D = 128
ED = 8
NG = 64
OUT = 7
IN_DIM = D - 2 + 2 * ED  # 142
H = ED * 4  # 32


def _lin(k, fi, fo):
    kw, kb = jax.random.split(k)
    return (jax.random.normal(kw, (fi, fo), jnp.float32) / np.sqrt(fi),
            jax.random.normal(kb, (fo,), jnp.float32) * 0.01)


def setup_inputs():
    ks = jax.random.split(jax.random.key(0), 16)
    inp = {}
    inp["x"] = jax.random.normal(ks[0], (N, D), jnp.float32)
    inp["edge_index"] = jax.random.randint(ks[1], (2, E), 0, N, jnp.int32)
    inp["batch"] = jnp.sort(jax.random.randint(ks[2], (N,), 0, NG, jnp.int32))
    inp["preW0"], inp["preb0"] = _lin(ks[3], 1, ED)
    inp["preW1"], inp["preb1"] = _lin(ks[4], 1, ED)
    inp["eW"], inp["eb"] = _lin(ks[5], 2 * ED, 2 * ED)
    dims = [(IN_DIM, H), (H, H), (H, H)]
    for i in range(3):
        ka, kg, kb2 = jax.random.split(ks[6 + i], 3)
        inp["m%dWa" % i], inp["m%dba" % i] = _lin(ka, dims[i][0], H)
        inp["m%dg" % i] = 1.0 + 0.1 * jax.random.normal(kg, (H,), jnp.float32)
        inp["m%dbe" % i] = 0.01 * jax.random.normal(jax.random.fold_in(kg, 1), (H,), jnp.float32)
        inp["m%dWb" % i], inp["m%dbb" % i] = _lin(kb2, H, H)
    inp["p1W"], inp["p1b"] = _lin(ks[9], H, 2 * ED)
    inp["p2W"], inp["p2b"] = _lin(ks[10], 2 * ED, OUT)
    return inp


def _bn(h, g, be):
    # eval-mode BatchNorm1d with running_mean=0, running_var=1
    return h / jnp.sqrt(1.0 + 1e-5) * g + be


def _mlp(h, Wa, ba, g, be, Wb, bb):
    h = h @ Wa + ba
    h = jax.nn.relu(_bn(h, g, be))
    return h @ Wb + bb


def reference(x, edge_index, batch, preW0, preb0, preW1, preb1, eW, eb,
              m0Wa, m0ba, m0g, m0be, m0Wb, m0bb,
              m1Wa, m1ba, m1g, m1be, m1Wb, m1bb,
              m2Wa, m2ba, m2g, m2be, m2Wb, m2bb,
              p1W, p1b, p2W, p2b):
    ident = x[:, :D - 2]
    struc = x[:, -2:]
    x0 = jax.nn.relu(struc[:, 0:1] @ preW0 + preb0)
    x1 = jax.nn.relu(struc[:, 1:2] @ preW1 + preb1)
    xc = jnp.concatenate([x0, x1], axis=1) @ eW + eb
    new_x = jnp.concatenate([ident, xc], axis=1)
    src, dst = edge_index[0], edge_index[1]
    # GIN layer 0: nn((1+eps)*x + sum_{j in N(i)} x_j), eps=0
    agg0 = jnp.zeros_like(new_x).at[dst].add(new_x[src])
    g0 = jax.nn.relu(_mlp(new_x + agg0, m0Wa, m0ba, m0g, m0be, m0Wb, m0bb))
    # dropout is identity in eval mode
    agg1 = jnp.zeros_like(g0).at[dst].add(g0[src])
    g1 = jax.nn.relu(_mlp(g0 + agg1, m1Wa, m1ba, m1g, m1be, m1Wb, m1bb)) + g0
    agg2 = jnp.zeros_like(g1).at[dst].add(g1[src])
    g2 = _mlp(g1 + agg2, m2Wa, m2ba, m2g, m2be, m2Wb, m2bb) + g1 + g0
    # global_mean_pool over batch ids
    seg = jax.ops.segment_sum(g2, batch, num_segments=NG)
    cnt = jax.ops.segment_sum(jnp.ones((N, 1), jnp.float32), batch, num_segments=NG)
    pooled = seg / jnp.maximum(cnt, 1.0)
    o = jax.nn.relu(pooled @ p1W + p1b)
    o = o @ p2W + p2b
    return jax.nn.log_softmax(o, axis=1)

if __name__ == "__main__":
    import jax
    _d = setup_inputs()
    print(jax.jit(kernel)(*tuple(_d.values())))

</pallas_src>

<mosaic_0001>
#map = affine_map<(d0, d1) -> (0, 0)>
#map1 = affine_map<(d0, d1) -> (0, 0, 0)>
module attributes {stable_mosaic.version = 14 : i64} {
  func.func @sc_scatter(%arg0: i32, %arg1: i32, %arg2: memref<10000x32xf32, #tpu.memory_space<hbm>>, %arg3: memref<32x125x80xi32, #tpu.memory_space<hbm>>, %arg4: memref<32x125x80xi32, #tpu.memory_space<hbm>>, %arg5: memref<10000x32xf32, #tpu.memory_space<hbm>>, %arg6: memref<2x10000x32xf32, #tpu.memory_space<hbm>>, %arg7: memref<125x80xi32, #tpu.memory_space<vmem>>, %arg8: memref<125x80xi32, #tpu.memory_space<vmem>>, %arg9: memref<5x80x32xf32, #tpu.memory_space<vmem>>, %arg10: memref<10000x32xf32, #tpu.memory_space<vmem_shared>>, %arg11: memref<!tpu.dma_semaphore, #tpu.memory_space<semaphore_mem>>, %arg12: memref<!tpu.dma_semaphore, #tpu.memory_space<semaphore_mem>>, %arg13: memref<!tpu.dma_semaphore, #tpu.memory_space<semaphore_mem>>, %arg14: memref<!tpu.dma_semaphore, #tpu.memory_space<semaphore_mem>>, %arg15: memref<!tpu.dma_semaphore, #tpu.memory_space<semaphore_mem>>, %arg16: memref<!tpu.dma_semaphore, #tpu.memory_space<semaphore_mem>>, %arg17: memref<!tpu.dma_semaphore, #tpu.memory_space<semaphore_mem>>, %arg18: memref<!tpu.dma_semaphore, #tpu.memory_space<semaphore_mem>>, %arg19: memref<!tpu.dma_semaphore, #tpu.memory_space<semaphore_mem>>, %arg20: memref<!tpu.dma_semaphore, #tpu.memory_space<semaphore_mem>>) attributes {dimension_semantics = [#tpu.dimension_semantics<core_parallel>, #tpu.dimension_semantics<subcore_parallel>], iteration_bounds = array<i64: 2, 16>, scalar_prefetch = 0 : i64, scratch_operands = 14 : i64, tpu.core_type = #tpu.core_type<sc_vector_subcore>, window_params = [{transform_indices = #map}, {transform_indices = #map1}, {transform_indices = #map1}, {transform_indices = #map}, {transform_indices = #map1}]} {
    %mul3A = arith.constant 2 : i32
    %mul3A_0 = arith.muli %arg1, %mul3A : i32
    %add3A = arith.addi %mul3A_0, %arg0 : i32
    %mul3A_1 = arith.constant 640 : i32
    %mul3A_2 = arith.muli %arg1, %mul3A_1 : i32
    %multiple_of3A = tpu.assume_multiple %mul3A_2, 8 : i32
    %lt3A = arith.constant 15 : i32
    %lt3A_3 = arith.cmpi slt, %arg1, %lt3A : i32
    %convert_element_type3A = arith.extui %lt3A_3 : i1 to i32
    %cond3A = arith.constant 0 : i32
    %cond3A_4 = arith.cmpi ne, %convert_element_type3A, %cond3A : i32
    scf.if %cond3A_4 {
      "tpu.region"() ({
        %run_scoped3A = tpu.sem_alloc : memref<!tpu.dma_semaphore, #tpu.memory_space<semaphore_mem>>
        %dma_start3A = arith.constant 0 : i32
        %dma_start3A_84 = tpu.memref_slice %arg10[%multiple_of3A, %dma_start3A] : memref<10000x32xf32, #tpu.memory_space<vmem_shared>> -> memref<640x32xf32, #tpu.memory_space<vmem_shared>>
        %dma_start3A_85 = arith.constant 0 : i32
        %dma_start3A_86 = tpu.memref_slice %arg5[%multiple_of3A, %dma_start3A_85] : memref<10000x32xf32, #tpu.memory_space<hbm>> -> memref<640x32xf32, #tpu.memory_space<hbm>>
        tpu.enqueue_dma source(%dma_start3A_86 : memref<640x32xf32, #tpu.memory_space<hbm>>) target(%dma_start3A_84 : memref<640x32xf32, #tpu.memory_space<vmem_shared>>) target_semaphore(%run_scoped3A : memref<!tpu.dma_semaphore, #tpu.memory_space<semaphore_mem>>)
        %dma_wait3A_87 = arith.constant 0 : i32
        %dma_wait3A_88 = tpu.memref_slice %arg10[%multiple_of3A, %dma_wait3A_87] : memref<10000x32xf32, #tpu.memory_space<vmem_shared>> -> memref<640x32xf32, #tpu.memory_space<vmem_shared>>
        %dma_wait3A_89 = arith.constant 0 : i32
        %dma_wait3A_90 = tpu.memref_slice %arg5[%multiple_of3A, %dma_wait3A_89] : memref<10000x32xf32, #tpu.memory_space<hbm>> -> memref<640x32xf32, #tpu.memory_space<hbm>>
        tpu.wait_dma2 semaphore(%run_scoped3A : memref<!tpu.dma_semaphore, #tpu.memory_space<semaphore_mem>>) src(%dma_wait3A_90 : memref<640x32xf32, #tpu.memory_space<hbm>>) dst(%dma_wait3A_88 : memref<640x32xf32, #tpu.memory_space<vmem_shared>>)
        tpu.yield
      }) : () -> ()
    } else {
    }
    %eq3A = arith.constant 15 : i32
    %eq3A_5 = arith.cmpi eq, %arg1, %eq3A : i32
    %convert_element_type3A_6 = arith.extui %eq3A_5 : i1 to i32
    %cond3A_7 = arith.constant 0 : i32
    %cond3A_8 = arith.cmpi ne, %convert_element_type3A_6, %cond3A_7 : i32
    scf.if %cond3A_8 {
      "tpu.region"() ({
        %run_scoped3A = tpu.sem_alloc : memref<!tpu.dma_semaphore, #tpu.memory_space<semaphore_mem>>
        %dma_start3A = arith.constant 9600 : i32
        %dma_start3A_84 = arith.constant 0 : i32
        %dma_start3A_85 = tpu.memref_slice %arg10[%dma_start3A, %dma_start3A_84] : memref<10000x32xf32, #tpu.memory_space<vmem_shared>> -> memref<400x32xf32, #tpu.memory_space<vmem_shared>>
        %dma_start3A_86 = arith.constant 9600 : i32
        %dma_start3A_87 = arith.constant 0 : i32
        %dma_start3A_88 = tpu.memref_slice %arg5[%dma_start3A_86, %dma_start3A_87] : memref<10000x32xf32, #tpu.memory_space<hbm>> -> memref<400x32xf32, #tpu.memory_space<hbm>>
        tpu.enqueue_dma source(%dma_start3A_88 : memref<400x32xf32, #tpu.memory_space<hbm>>) target(%dma_start3A_85 : memref<400x32xf32, #tpu.memory_space<vmem_shared>>) target_semaphore(%run_scoped3A : memref<!tpu.dma_semaphore, #tpu.memory_space<semaphore_mem>>)
        %dma_wait3A_89 = arith.constant 9600 : i32
        %dma_wait3A_90 = arith.constant 0 : i32
        %dma_wait3A_91 = tpu.memref_slice %arg10[%dma_wait3A_89, %dma_wait3A_90] : memref<10000x32xf32, #tpu.memory_space<vmem_shared>> -> memref<400x32xf32, #tpu.memory_space<vmem_shared>>
        %dma_wait3A_92 = arith.constant 9600 : i32
        %dma_wait3A_93 = arith.constant 0 : i32
        %dma_wait3A_94 = tpu.memref_slice %arg5[%dma_wait3A_92, %dma_wait3A_93] : memref<10000x32xf32, #tpu.memory_space<hbm>> -> memref<400x32xf32, #tpu.memory_space<hbm>>
        tpu.wait_dma2 semaphore(%run_scoped3A : memref<!tpu.dma_semaphore, #tpu.memory_space<semaphore_mem>>) src(%dma_wait3A_94 : memref<400x32xf32, #tpu.memory_space<hbm>>) dst(%dma_wait3A_91 : memref<400x32xf32, #tpu.memory_space<vmem_shared>>)
        tpu.yield
      }) : () -> ()
    } else {
    }
    "tpu.region"() ({
      %run_scoped3A = tpu.sem_alloc : memref<!tpu.dma_semaphore, #tpu.memory_space<semaphore_mem>>
      %dma_start3A = arith.constant 0 : i32
      %dma_start3A_84 = arith.constant 0 : i32
      %dma_start3A_85 = tpu.memref_slice %arg3[%add3A, %dma_start3A, %dma_start3A_84] : memref<32x125x80xi32, #tpu.memory_space<hbm>> -> memref<1x125x80xi32, #tpu.memory_space<hbm>>
      %dma_start3A_86 = tpu.memref_squeeze %dma_start3A_85 : memref<1x125x80xi32, #tpu.memory_space<hbm>> -> memref<125x80xi32, #tpu.memory_space<hbm>>
      %dma_start3A_87 = arith.constant 0 : i32
      %dma_start3A_88 = arith.constant 0 : i32
      %dma_start3A_89 = tpu.memref_slice %arg3[%add3A, %dma_start3A_87, %dma_start3A_88] : memref<32x125x80xi32, #tpu.memory_space<hbm>> -> memref<1x125x80xi32, #tpu.memory_space<hbm>>
      %dma_start3A_90 = tpu.memref_squeeze %dma_start3A_89 : memref<1x125x80xi32, #tpu.memory_space<hbm>> -> memref<125x80xi32, #tpu.memory_space<hbm>>
      tpu.enqueue_dma source(%dma_start3A_90 : memref<125x80xi32, #tpu.memory_space<hbm>>) target(%arg7 : memref<125x80xi32, #tpu.memory_space<vmem>>) target_semaphore(%run_scoped3A : memref<!tpu.dma_semaphore, #tpu.memory_space<semaphore_mem>>)
      %dma_wait3A_91 = arith.constant 0 : i32
      %dma_wait3A_92 = arith.constant 0 : i32
      %dma_wait3A_93 = tpu.memref_slice %arg3[%add3A, %dma_wait3A_91, %dma_wait3A_92] : memref<32x125x80xi32, #tpu.memory_space<hbm>> -> memref<1x125x80xi32, #tpu.memory_space<hbm>>
      %dma_wait3A_94 = tpu.memref_squeeze %dma_wait3A_93 : memref<1x125x80xi32, #tpu.memory_space<hbm>> -> memref<125x80xi32, #tpu.memory_space<hbm>>
      %dma_wait3A_95 = arith.constant 0 : i32
      %dma_wait3A_96 = arith.constant 0 : i32
      %dma_wait3A_97 = tpu.memref_slice %arg3[%add3A, %dma_wait3A_95, %dma_wait3A_96] : memref<32x125x80xi32, #tpu.memory_space<hbm>> -> memref<1x125x80xi32, #tpu.memory_space<hbm>>
      %dma_wait3A_98 = tpu.memref_squeeze %dma_wait3A_97 : memref<1x125x80xi32, #tpu.memory_space<hbm>> -> memref<125x80xi32, #tpu.memory_space<hbm>>
      tpu.wait_dma2 semaphore(%run_scoped3A : memref<!tpu.dma_semaphore, #tpu.memory_space<semaphore_mem>>) src(%dma_wait3A_98 : memref<125x80xi32, #tpu.memory_space<hbm>>) dst(%arg7 : memref<125x80xi32, #tpu.memory_space<vmem>>)
      tpu.yield
    }) : () -> ()
    "tpu.region"() ({
      %run_scoped3A = tpu.sem_alloc : memref<!tpu.dma_semaphore, #tpu.memory_space<semaphore_mem>>
      %dma_start3A = arith.constant 0 : i32
      %dma_start3A_84 = arith.constant 0 : i32
      %dma_start3A_85 = tpu.memref_slice %arg4[%add3A, %dma_start3A, %dma_start3A_84] : memref<32x125x80xi32, #tpu.memory_space<hbm>> -> memref<1x125x80xi32, #tpu.memory_space<hbm>>
      %dma_start3A_86 = tpu.memref_squeeze %dma_start3A_85 : memref<1x125x80xi32, #tpu.memory_space<hbm>> -> memref<125x80xi32, #tpu.memory_space<hbm>>
      %dma_start3A_87 = arith.constant 0 : i32
      %dma_start3A_88 = arith.constant 0 : i32
      %dma_start3A_89 = tpu.memref_slice %arg4[%add3A, %dma_start3A_87, %dma_start3A_88] : memref<32x125x80xi32, #tpu.memory_space<hbm>> -> memref<1x125x80xi32, #tpu.memory_space<hbm>>
      %dma_start3A_90 = tpu.memref_squeeze %dma_start3A_89 : memref<1x125x80xi32, #tpu.memory_space<hbm>> -> memref<125x80xi32, #tpu.memory_space<hbm>>
      tpu.enqueue_dma source(%dma_start3A_90 : memref<125x80xi32, #tpu.memory_space<hbm>>) target(%arg8 : memref<125x80xi32, #tpu.memory_space<vmem>>) target_semaphore(%run_scoped3A : memref<!tpu.dma_semaphore, #tpu.memory_space<semaphore_mem>>)
      %dma_wait3A_91 = arith.constant 0 : i32
      %dma_wait3A_92 = arith.constant 0 : i32
      %dma_wait3A_93 = tpu.memref_slice %arg4[%add3A, %dma_wait3A_91, %dma_wait3A_92] : memref<32x125x80xi32, #tpu.memory_space<hbm>> -> memref<1x125x80xi32, #tpu.memory_space<hbm>>
      %dma_wait3A_94 = tpu.memref_squeeze %dma_wait3A_93 : memref<1x125x80xi32, #tpu.memory_space<hbm>> -> memref<125x80xi32, #tpu.memory_space<hbm>>
      %dma_wait3A_95 = arith.constant 0 : i32
      %dma_wait3A_96 = arith.constant 0 : i32
      %dma_wait3A_97 = tpu.memref_slice %arg4[%add3A, %dma_wait3A_95, %dma_wait3A_96] : memref<32x125x80xi32, #tpu.memory_space<hbm>> -> memref<1x125x80xi32, #tpu.memory_space<hbm>>
      %dma_wait3A_98 = tpu.memref_squeeze %dma_wait3A_97 : memref<1x125x80xi32, #tpu.memory_space<hbm>> -> memref<125x80xi32, #tpu.memory_space<hbm>>
      tpu.wait_dma2 semaphore(%run_scoped3A : memref<!tpu.dma_semaphore, #tpu.memory_space<semaphore_mem>>) src(%dma_wait3A_98 : memref<125x80xi32, #tpu.memory_space<hbm>>) dst(%arg8 : memref<125x80xi32, #tpu.memory_space<vmem>>)
      tpu.yield
    }) : () -> ()
    %barrier3A = arith.constant 0 : index
    tpu.barrier barrier_id(%barrier3A)
    %scan3A = arith.constant 0 : i32
    %scan3A_9 = arith.constant 0 : i32
    %scan3A_10 = arith.constant 25 : i32
    %scan3A_11 = arith.addi %scan3A_9, %scan3A_10 : i32
    %scan3A_12 = arith.constant 1 : i32
    scf.for %scan3A_84 = %scan3A_9 to %scan3A_11 step %scan3A_12  : i32 {
      %mul3A_85 = arith.constant 5 : i32
      %mul3A_86 = arith.muli %scan3A_84, %mul3A_85 : i32
      %gt3A = arith.constant 0 : i32
      %gt3A_87 = arith.cmpi sgt, %scan3A_84, %gt3A : i32
      %convert_element_type3A_88 = arith.extui %gt3A_87 : i1 to i32
      %cond3A_89 = arith.constant 0 : i32
      %cond3A_90 = arith.cmpi ne, %convert_element_type3A_88, %cond3A_89 : i32
      scf.if %cond3A_90 {
        %dma_wait3A_295 = arith.constant 0 : i32
        %dma_wait3A_296 = arith.constant 0 : i32
        %dma_wait3A_297 = arith.constant 0 : i32
        %dma_wait3A_298 = arith.constant 0 : i32
        %dma_wait3A_299 = tpu.memref_slice %arg9[%dma_wait3A_295, %dma_wait3A_297, %dma_wait3A_298] : memref<5x80x32xf32, #tpu.memory_space<vmem>> -> memref<1x80x32xf32, #tpu.memory_space<vmem>>
        %dma_wait3A_300 = tpu.memref_squeeze %dma_wait3A_299 : memref<1x80x32xf32, #tpu.memory_space<vmem>> -> memref<80x32xf32, #tpu.memory_space<vmem>>
        %dma_wait3A_301 = arith.constant 0 : i32
        %dma_wait3A_302 = tpu.memref_slice %arg8[%dma_wait3A_296, %dma_wait3A_301] : memref<125x80xi32, #tpu.memory_space<vmem>> -> memref<1x80xi32, #tpu.memory_space<vmem>>
        %dma_wait3A_303 = tpu.memref_squeeze %dma_wait3A_302 : memref<1x80xi32, #tpu.memory_space<vmem>> -> memref<80xi32, #tpu.memory_space<vmem>>
        %dma_wait3A_304 = arith.constant 0 : i32
        %dma_wait3A_305 = arith.constant 0 : i32
        %dma_wait3A_306 = tpu.memref_slice %arg10[%dma_wait3A_304, %dma_wait3A_305] : memref<10000x32xf32, #tpu.memory_space<vmem_shared>> -> memref<10000x32xf32, #tpu.memory_space<vmem_shared>>
        tpu.wait_indirect_dma semaphore(%arg16 : memref<!tpu.dma_semaphore, #tpu.memory_space<semaphore_mem>>) src(%dma_wait3A_300 : memref<80x32xf32, #tpu.memory_space<vmem>>) dst(%dma_wait3A_306 : memref<10000x32xf32, #tpu.memory_space<vmem_shared>>)
      } else {
      }
      %add3A_91 = arith.constant 0 : i32
      %add3A_92 = arith.addi %mul3A_86, %add3A_91 : i32
      %dma_start3A = arith.constant 0 : i32
      %dma_start3A_93 = arith.constant 0 : i32
      %dma_start3A_94 = arith.constant 0 : i32
      %dma_start3A_95 = tpu.memref_slice %arg9[%dma_start3A, %dma_start3A_93, %dma_start3A_94] : memref<5x80x32xf32, #tpu.memory_space<vmem>> -> memref<1x80x32xf32, #tpu.memory_space<vmem>>
      %dma_start3A_96 = tpu.memref_squeeze %dma_start3A_95 : memref<1x80x32xf32, #tpu.memory_space<vmem>> -> memref<80x32xf32, #tpu.memory_space<vmem>>
      %dma_start3A_97 = arith.constant 0 : i32
      %dma_start3A_98 = tpu.memref_slice %arg7[%add3A_92, %dma_start3A_97] : memref<125x80xi32, #tpu.memory_space<vmem>> -> memref<1x80xi32, #tpu.memory_space<vmem>>
      %dma_start3A_99 = tpu.memref_squeeze %dma_start3A_98 : memref<1x80xi32, #tpu.memory_space<vmem>> -> memref<80xi32, #tpu.memory_space<vmem>>
      %dma_start3A_100 = arith.constant 0 : i32
      %dma_start3A_101 = arith.constant 0 : i32
      %dma_start3A_102 = tpu.memref_slice %arg2[%dma_start3A_100, %dma_start3A_101] : memref<10000x32xf32, #tpu.memory_space<hbm>> -> memref<10000x32xf32, #tpu.memory_space<hbm>>
      tpu.enqueue_indirect_dma source(%dma_start3A_102 : memref<10000x32xf32, #tpu.memory_space<hbm>>) target(%dma_start3A_96 : memref<80x32xf32, #tpu.memory_space<vmem>>) offsets(%dma_start3A_99 : memref<80xi32, #tpu.memory_space<vmem>>) semaphore(%arg11 : memref<!tpu.dma_semaphore, #tpu.memory_space<semaphore_mem>>)
      %gt3A_103 = arith.constant 0 : i32
      %gt3A_104 = arith.cmpi sgt, %scan3A_84, %gt3A_103 : i32
      %convert_element_type3A_105 = arith.extui %gt3A_104 : i1 to i32
      %cond3A_106 = arith.constant 0 : i32
      %cond3A_107 = arith.cmpi ne, %convert_element_type3A_105, %cond3A_106 : i32
      scf.if %cond3A_107 {
        %dma_wait3A_295 = arith.constant 1 : i32
        %dma_wait3A_296 = arith.constant 0 : i32
        %dma_wait3A_297 = arith.constant 0 : i32
        %dma_wait3A_298 = arith.constant 0 : i32
        %dma_wait3A_299 = tpu.memref_slice %arg9[%dma_wait3A_295, %dma_wait3A_297, %dma_wait3A_298] : memref<5x80x32xf32, #tpu.memory_space<vmem>> -> memref<1x80x32xf32, #tpu.memory_space<vmem>>
        %dma_wait3A_300 = tpu.memref_squeeze %dma_wait3A_299 : memref<1x80x32xf32, #tpu.memory_space<vmem>> -> memref<80x32xf32, #tpu.memory_space<vmem>>
        %dma_wait3A_301 = arith.constant 0 : i32
        %dma_wait3A_302 = tpu.memref_slice %arg8[%dma_wait3A_296, %dma_wait3A_301] : memref<125x80xi32, #tpu.memory_space<vmem>> -> memref<1x80xi32, #tpu.memory_space<vmem>>
        %dma_wait3A_303 = tpu.memref_squeeze %dma_wait3A_302 : memref<1x80xi32, #tpu.memory_space<vmem>> -> memref<80xi32, #tpu.memory_space<vmem>>
        %dma_wait3A_304 = arith.constant 0 : i32
        %dma_wait3A_305 = arith.constant 0 : i32
        %dma_wait3A_306 = tpu.memref_slice %arg10[%dma_wait3A_304, %dma_wait3A_305] : memref<10000x32xf32, #tpu.memory_space<vmem_shared>> -> memref<10000x32xf32, #tpu.memory_space<vmem_shared>>
        tpu.wait_indirect_dma semaphore(%arg17 : memref<!tpu.dma_semaphore, #tpu.memory_space<semaphore_mem>>) src(%dma_wait3A_300 : memref<80x32xf32, #tpu.memory_space<vmem>>) dst(%dma_wait3A_306 : memref<10000x32xf32, #tpu.memory_space<vmem_shared>>)
      } else {
      }
      %add3A_108 = arith.constant 1 : i32
      %add3A_109 = arith.addi %mul3A_86, %add3A_108 : i32
      %dma_start3A_110 = arith.constant 1 : i32
      %dma_start3A_111 = arith.constant 0 : i32
      %dma_start3A_112 = arith.constant 0 : i32
      %dma_start3A_113 = tpu.memref_slice %arg9[%dma_start3A_110, %dma_start3A_111, %dma_start3A_112] : memref<5x80x32xf32, #tpu.memory_space<vmem>> -> memref<1x80x32xf32, #tpu.memory_space<vmem>>
      %dma_start3A_114 = tpu.memref_squeeze %dma_start3A_113 : memref<1x80x32xf32, #tpu.memory_space<vmem>> -> memref<80x32xf32, #tpu.memory_space<vmem>>
      %dma_start3A_115 = arith.constant 0 : i32
      %dma_start3A_116 = tpu.memref_slice %arg7[%add3A_109, %dma_start3A_115] : memref<125x80xi32, #tpu.memory_space<vmem>> -> memref<1x80xi32, #tpu.memory_space<vmem>>
      %dma_start3A_117 = tpu.memref_squeeze %dma_start3A_116 : memref<1x80xi32, #tpu.memory_space<vmem>> -> memref<80xi32, #tpu.memory_space<vmem>>
      %dma_start3A_118 = arith.constant 0 : i32
      %dma_start3A_119 = arith.constant 0 : i32
      %dma_start3A_120 = tpu.memref_slice %arg2[%dma_start3A_118, %dma_start3A_119] : memref<10000x32xf32, #tpu.memory_space<hbm>> -> memref<10000x32xf32, #tpu.memory_space<hbm>>
      tpu.enqueue_indirect_dma source(%dma_start3A_120 : memref<10000x32xf32, #tpu.memory_space<hbm>>) target(%dma_start3A_114 : memref<80x32xf32, #tpu.memory_space<vmem>>) offsets(%dma_start3A_117 : memref<80xi32, #tpu.memory_space<vmem>>) semaphore(%arg12 : memref<!tpu.dma_semaphore, #tpu.memory_space<semaphore_mem>>)
      %gt3A_121 = arith.constant 0 : i32
      %gt3A_122 = arith.cmpi sgt, %scan3A_84, %gt3A_121 : i32
      %convert_element_type3A_123 = arith.extui %gt3A_122 : i1 to i32
      %cond3A_124 = arith.constant 0 : i32
      %cond3A_125 = arith.cmpi ne, %convert_element_type3A_123, %cond3A_124 : i32
      scf.if %cond3A_125 {
        %dma_wait3A_295 = arith.constant 2 : i32
        %dma_wait3A_296 = arith.constant 0 : i32
        %dma_wait3A_297 = arith.constant 0 : i32
        %dma_wait3A_298 = arith.constant 0 : i32
        %dma_wait3A_299 = tpu.memref_slice %arg9[%dma_wait3A_295, %dma_wait3A_297, %dma_wait3A_298] : memref<5x80x32xf32, #tpu.memory_space<vmem>> -> memref<1x80x32xf32, #tpu.memory_space<vmem>>
        %dma_wait3A_300 = tpu.memref_squeeze %dma_wait3A_299 : memref<1x80x32xf32, #tpu.memory_space<vmem>> -> memref<80x32xf32, #tpu.memory_space<vmem>>
        %dma_wait3A_301 = arith.constant 0 : i32
        %dma_wait3A_302 = tpu.memref_slice %arg8[%dma_wait3A_296, %dma_wait3A_301] : memref<125x80xi32, #tpu.memory_space<vmem>> -> memref<1x80xi32, #tpu.memory_space<vmem>>
        %dma_wait3A_303 = tpu.memref_squeeze %dma_wait3A_302 : memref<1x80xi32, #tpu.memory_space<vmem>> -> memref<80xi32, #tpu.memory_space<vmem>>
        %dma_wait3A_304 = arith.constant 0 : i32
        %dma_wait3A_305 = arith.constant 0 : i32
        %dma_wait3A_306 = tpu.memref_slice %arg10[%dma_wait3A_304, %dma_wait3A_305] : memref<10000x32xf32, #tpu.memory_space<vmem_shared>> -> memref<10000x32xf32, #tpu.memory_space<vmem_shared>>
        tpu.wait_indirect_dma semaphore(%arg18 : memref<!tpu.dma_semaphore, #tpu.memory_space<semaphore_mem>>) src(%dma_wait3A_300 : memref<80x32xf32, #tpu.memory_space<vmem>>) dst(%dma_wait3A_306 : memref<10000x32xf32, #tpu.memory_space<vmem_shared>>)
      } else {
      }
      %add3A_126 = arith.constant 2 : i32
      %add3A_127 = arith.addi %mul3A_86, %add3A_126 : i32
      %dma_start3A_128 = arith.constant 2 : i32
      %dma_start3A_129 = arith.constant 0 : i32
      %dma_start3A_130 = arith.constant 0 : i32
      %dma_start3A_131 = tpu.memref_slice %arg9[%dma_start3A_128, %dma_start3A_129, %dma_start3A_130] : memref<5x80x32xf32, #tpu.memory_space<vmem>> -> memref<1x80x32xf32, #tpu.memory_space<vmem>>
      %dma_start3A_132 = tpu.memref_squeeze %dma_start3A_131 : memref<1x80x32xf32, #tpu.memory_space<vmem>> -> memref<80x32xf32, #tpu.memory_space<vmem>>
      %dma_start3A_133 = arith.constant 0 : i32
      %dma_start3A_134 = tpu.memref_slice %arg7[%add3A_127, %dma_start3A_133] : memref<125x80xi32, #tpu.memory_space<vmem>> -> memref<1x80xi32, #tpu.memory_space<vmem>>
      %dma_start3A_135 = tpu.memref_squeeze %dma_start3A_134 : memref<1x80xi32, #tpu.memory_space<vmem>> -> memref<80xi32, #tpu.memory_space<vmem>>
      %dma_start3A_136 = arith.constant 0 : i32
      %dma_start3A_137 = arith.constant 0 : i32
      %dma_start3A_138 = tpu.memref_slice %arg2[%dma_start3A_136, %dma_start3A_137] : memref<10000x32xf32, #tpu.memory_space<hbm>> -> memref<10000x32xf32, #tpu.memory_space<hbm>>
      tpu.enqueue_indirect_dma source(%dma_start3A_138 : memref<10000x32xf32, #tpu.memory_space<hbm>>) target(%dma_start3A_132 : memref<80x32xf32, #tpu.memory_space<vmem>>) offsets(%dma_start3A_135 : memref<80xi32, #tpu.memory_space<vmem>>) semaphore(%arg13 : memref<!tpu.dma_semaphore, #tpu.memory_space<semaphore_mem>>)
      %gt3A_139 = arith.constant 0 : i32
      %gt3A_140 = arith.cmpi sgt, %scan3A_84, %gt3A_139 : i32
      %convert_element_type3A_141 = arith.extui %gt3A_140 : i1 to i32
      %cond3A_142 = arith.constant 0 : i32
      %cond3A_143 = arith.cmpi ne, %convert_element_type3A_141, %cond3A_142 : i32
      scf.if %cond3A_143 {
        %dma_wait3A_295 = arith.constant 3 : i32
        %dma_wait3A_296 = arith.constant 0 : i32
        %dma_wait3A_297 = arith.constant 0 : i32
        %dma_wait3A_298 = arith.constant 0 : i32
        %dma_wait3A_299 = tpu.memref_slice %arg9[%dma_wait3A_295, %dma_wait3A_297, %dma_wait3A_298] : memref<5x80x32xf32, #tpu.memory_space<vmem>> -> memref<1x80x32xf32, #tpu.memory_space<vmem>>
        %dma_wait3A_300 = tpu.memref_squeeze %dma_wait3A_299 : memref<1x80x32xf32, #tpu.memory_space<vmem>> -> memref<80x32xf32, #tpu.memory_space<vmem>>
        %dma_wait3A_301 = arith.constant 0 : i32
        %dma_wait3A_302 = tpu.memref_slice %arg8[%dma_wait3A_296, %dma_wait3A_301] : memref<125x80xi32, #tpu.memory_space<vmem>> -> memref<1x80xi32, #tpu.memory_space<vmem>>
        %dma_wait3A_303 = tpu.memref_squeeze %dma_wait3A_302 : memref<1x80xi32, #tpu.memory_space<vmem>> -> memref<80xi32, #tpu.memory_space<vmem>>
        %dma_wait3A_304 = arith.constant 0 : i32
        %dma_wait3A_305 = arith.constant 0 : i32
        %dma_wait3A_306 = tpu.memref_slice %arg10[%dma_wait3A_304, %dma_wait3A_305] : memref<10000x32xf32, #tpu.memory_space<vmem_shared>> -> memref<10000x32xf32, #tpu.memory_space<vmem_shared>>
        tpu.wait_indirect_dma semaphore(%arg19 : memref<!tpu.dma_semaphore, #tpu.memory_space<semaphore_mem>>) src(%dma_wait3A_300 : memref<80x32xf32, #tpu.memory_space<vmem>>) dst(%dma_wait3A_306 : memref<10000x32xf32, #tpu.memory_space<vmem_shared>>)
      } else {
      }
      %add3A_144 = arith.constant 3 : i32
      %add3A_145 = arith.addi %mul3A_86, %add3A_144 : i32
      %dma_start3A_146 = arith.constant 3 : i32
      %dma_start3A_147 = arith.constant 0 : i32
      %dma_start3A_148 = arith.constant 0 : i32
      %dma_start3A_149 = tpu.memref_slice %arg9[%dma_start3A_146, %dma_start3A_147, %dma_start3A_148] : memref<5x80x32xf32, #tpu.memory_space<vmem>> -> memref<1x80x32xf32, #tpu.memory_space<vmem>>
      %dma_start3A_150 = tpu.memref_squeeze %dma_start3A_149 : memref<1x80x32xf32, #tpu.memory_space<vmem>> -> memref<80x32xf32, #tpu.memory_space<vmem>>
      %dma_start3A_151 = arith.constant 0 : i32
      %dma_start3A_152 = tpu.memref_slice %arg7[%add3A_145, %dma_start3A_151] : memref<125x80xi32, #tpu.memory_space<vmem>> -> memref<1x80xi32, #tpu.memory_space<vmem>>
      %dma_start3A_153 = tpu.memref_squeeze %dma_start3A_152 : memref<1x80xi32, #tpu.memory_space<vmem>> -> memref<80xi32, #tpu.memory_space<vmem>>
      %dma_start3A_154 = arith.constant 0 : i32
      %dma_start3A_155 = arith.constant 0 : i32
      %dma_start3A_156 = tpu.memref_slice %arg2[%dma_start3A_154, %dma_start3A_155] : memref<10000x32xf32, #tpu.memory_space<hbm>> -> memref<10000x32xf32, #tpu.memory_space<hbm>>
      tpu.enqueue_indirect_dma source(%dma_start3A_156 : memref<10000x32xf32, #tpu.memory_space<hbm>>) target(%dma_start3A_150 : memref<80x32xf32, #tpu.memory_space<vmem>>) offsets(%dma_start3A_153 : memref<80xi32, #tpu.memory_space<vmem>>) semaphore(%arg14 : memref<!tpu.dma_semaphore, #tpu.memory_space<semaphore_mem>>)
      %gt3A_157 = arith.constant 0 : i32
      %gt3A_158 = arith.cmpi sgt, %scan3A_84, %gt3A_157 : i32
      %convert_element_type3A_159 = arith.extui %gt3A_158 : i1 to i32
      %cond3A_160 = arith.constant 0 : i32
      %cond3A_161 = arith.cmpi ne, %convert_element_type3A_159, %cond3A_160 : i32
      scf.if %cond3A_161 {
        %dma_wait3A_295 = arith.constant 4 : i32
        %dma_wait3A_296 = arith.constant 0 : i32
        %dma_wait3A_297 = arith.constant 0 : i32
        %dma_wait3A_298 = arith.constant 0 : i32
        %dma_wait3A_299 = tpu.memref_slice %arg9[%dma_wait3A_295, %dma_wait3A_297, %dma_wait3A_298] : memref<5x80x32xf32, #tpu.memory_space<vmem>> -> memref<1x80x32xf32, #tpu.memory_space<vmem>>
        %dma_wait3A_300 = tpu.memref_squeeze %dma_wait3A_299 : memref<1x80x32xf32, #tpu.memory_space<vmem>> -> memref<80x32xf32, #tpu.memory_space<vmem>>
        %dma_wait3A_301 = arith.constant 0 : i32
        %dma_wait3A_302 = tpu.memref_slice %arg8[%dma_wait3A_296, %dma_wait3A_301] : memref<125x80xi32, #tpu.memory_space<vmem>> -> memref<1x80xi32, #tpu.memory_space<vmem>>
        %dma_wait3A_303 = tpu.memref_squeeze %dma_wait3A_302 : memref<1x80xi32, #tpu.memory_space<vmem>> -> memref<80xi32, #tpu.memory_space<vmem>>
        %dma_wait3A_304 = arith.constant 0 : i32
        %dma_wait3A_305 = arith.constant 0 : i32
        %dma_wait3A_306 = tpu.memref_slice %arg10[%dma_wait3A_304, %dma_wait3A_305] : memref<10000x32xf32, #tpu.memory_space<vmem_shared>> -> memref<10000x32xf32, #tpu.memory_space<vmem_shared>>
        tpu.wait_indirect_dma semaphore(%arg20 : memref<!tpu.dma_semaphore, #tpu.memory_space<semaphore_mem>>) src(%dma_wait3A_300 : memref<80x32xf32, #tpu.memory_space<vmem>>) dst(%dma_wait3A_306 : memref<10000x32xf32, #tpu.memory_space<vmem_shared>>)
      } else {
      }
      %add3A_162 = arith.constant 4 : i32
      %add3A_163 = arith.addi %mul3A_86, %add3A_162 : i32
      %dma_start3A_164 = arith.constant 4 : i32
      %dma_start3A_165 = arith.constant 0 : i32
      %dma_start3A_166 = arith.constant 0 : i32
      %dma_start3A_167 = tpu.memref_slice %arg9[%dma_start3A_164, %dma_start3A_165, %dma_start3A_166] : memref<5x80x32xf32, #tpu.memory_space<vmem>> -> memref<1x80x32xf32, #tpu.memory_space<vmem>>
      %dma_start3A_168 = tpu.memref_squeeze %dma_start3A_167 : memref<1x80x32xf32, #tpu.memory_space<vmem>> -> memref<80x32xf32, #tpu.memory_space<vmem>>
      %dma_start3A_169 = arith.constant 0 : i32
      %dma_start3A_170 = tpu.memref_slice %arg7[%add3A_163, %dma_start3A_169] : memref<125x80xi32, #tpu.memory_space<vmem>> -> memref<1x80xi32, #tpu.memory_space<vmem>>
      %dma_start3A_171 = tpu.memref_squeeze %dma_start3A_170 : memref<1x80xi32, #tpu.memory_space<vmem>> -> memref<80xi32, #tpu.memory_space<vmem>>
      %dma_start3A_172 = arith.constant 0 : i32
      %dma_start3A_173 = arith.constant 0 : i32
      %dma_start3A_174 = tpu.memref_slice %arg2[%dma_start3A_172, %dma_start3A_173] : memref<10000x32xf32, #tpu.memory_space<hbm>> -> memref<10000x32xf32, #tpu.memory_space<hbm>>
      tpu.enqueue_indirect_dma source(%dma_start3A_174 : memref<10000x32xf32, #tpu.memory_space<hbm>>) target(%dma_start3A_168 : memref<80x32xf32, #tpu.memory_space<vmem>>) offsets(%dma_start3A_171 : memref<80xi32, #tpu.memory_space<vmem>>) semaphore(%arg15 : memref<!tpu.dma_semaphore, #tpu.memory_space<semaphore_mem>>)
      %dma_wait3A_175 = arith.constant 0 : i32
      %dma_wait3A_176 = arith.constant 0 : i32
      %dma_wait3A_177 = arith.constant 0 : i32
      %dma_wait3A_178 = tpu.memref_slice %arg9[%dma_wait3A_175, %dma_wait3A_176, %dma_wait3A_177] : memref<5x80x32xf32, #tpu.memory_space<vmem>> -> memref<1x80x32xf32, #tpu.memory_space<vmem>>
      %dma_wait3A_179 = tpu.memref_squeeze %dma_wait3A_178 : memref<1x80x32xf32, #tpu.memory_space<vmem>> -> memref<80x32xf32, #tpu.memory_space<vmem>>
      %dma_wait3A_180 = arith.constant 0 : i32
      %dma_wait3A_181 = tpu.memref_slice %arg7[%add3A_92, %dma_wait3A_180] : memref<125x80xi32, #tpu.memory_space<vmem>> -> memref<1x80xi32, #tpu.memory_space<vmem>>
      %dma_wait3A_182 = tpu.memref_squeeze %dma_wait3A_181 : memref<1x80xi32, #tpu.memory_space<vmem>> -> memref<80xi32, #tpu.memory_space<vmem>>
      %dma_wait3A_183 = arith.constant 0 : i32
      %dma_wait3A_184 = arith.constant 0 : i32
      %dma_wait3A_185 = tpu.memref_slice %arg2[%dma_wait3A_183, %dma_wait3A_184] : memref<10000x32xf32, #tpu.memory_space<hbm>> -> memref<10000x32xf32, #tpu.memory_space<hbm>>
      tpu.wait_indirect_dma semaphore(%arg11 : memref<!tpu.dma_semaphore, #tpu.memory_space<semaphore_mem>>) src(%dma_wait3A_185 : memref<10000x32xf32, #tpu.memory_space<hbm>>) dst(%dma_wait3A_179 : memref<80x32xf32, #tpu.memory_space<vmem>>)
      %add3A_186 = arith.constant 0 : i32
      %add3A_187 = arith.addi %mul3A_86, %add3A_186 : i32
      %dma_start3A_188 = arith.constant 0 : i32
      %dma_start3A_189 = arith.constant 0 : i32
      %dma_start3A_190 = arith.constant 0 : i32
      %dma_start3A_191 = tpu.memref_slice %arg9[%dma_start3A_188, %dma_start3A_189, %dma_start3A_190] : memref<5x80x32xf32, #tpu.memory_space<vmem>> -> memref<1x80x32xf32, #tpu.memory_space<vmem>>
      %dma_start3A_192 = tpu.memref_squeeze %dma_start3A_191 : memref<1x80x32xf32, #tpu.memory_space<vmem>> -> memref<80x32xf32, #tpu.memory_space<vmem>>
      %dma_start3A_193 = arith.constant 0 : i32
      %dma_start3A_194 = tpu.memref_slice %arg8[%add3A_187, %dma_start3A_193] : memref<125x80xi32, #tpu.memory_space<vmem>> -> memref<1x80xi32, #tpu.memory_space<vmem>>
      %dma_start3A_195 = tpu.memref_squeeze %dma_start3A_194 : memref<1x80xi32, #tpu.memory_space<vmem>> -> memref<80xi32, #tpu.memory_space<vmem>>
      %dma_start3A_196 = arith.constant 0 : i32
      %dma_start3A_197 = arith.constant 0 : i32
      %dma_start3A_198 = tpu.memref_slice %arg10[%dma_start3A_196, %dma_start3A_197] : memref<10000x32xf32, #tpu.memory_space<vmem_shared>> -> memref<10000x32xf32, #tpu.memory_space<vmem_shared>>
      tpu.enqueue_indirect_dma source(%dma_start3A_192 : memref<80x32xf32, #tpu.memory_space<vmem>>) target(%dma_start3A_198 : memref<10000x32xf32, #tpu.memory_space<vmem_shared>>) offsets(%dma_start3A_195 : memref<80xi32, #tpu.memory_space<vmem>>) semaphore(%arg16 : memref<!tpu.dma_semaphore, #tpu.memory_space<semaphore_mem>>) {add = true}
      %dma_wait3A_199 = arith.constant 1 : i32
      %dma_wait3A_200 = arith.constant 0 : i32
      %dma_wait3A_201 = arith.constant 0 : i32
      %dma_wait3A_202 = tpu.memref_slice %arg9[%dma_wait3A_199, %dma_wait3A_200, %dma_wait3A_201] : memref<5x80x32xf32, #tpu.memory_space<vmem>> -> memref<1x80x32xf32, #tpu.memory_space<vmem>>
      %dma_wait3A_203 = tpu.memref_squeeze %dma_wait3A_202 : memref<1x80x32xf32, #tpu.memory_space<vmem>> -> memref<80x32xf32, #tpu.memory_space<vmem>>
      %dma_wait3A_204 = arith.constant 0 : i32
      %dma_wait3A_205 = tpu.memref_slice %arg7[%add3A_109, %dma_wait3A_204] : memref<125x80xi32, #tpu.memory_space<vmem>> -> memref<1x80xi32, #tpu.memory_space<vmem>>
      %dma_wait3A_206 = tpu.memref_squeeze %dma_wait3A_205 : memref<1x80xi32, #tpu.memory_space<vmem>> -> memref<80xi32, #tpu.memory_space<vmem>>
      %dma_wait3A_207 = arith.constant 0 : i32
      %dma_wait3A_208 = arith.constant 0 : i32
      %dma_wait3A_209 = tpu.memref_slice %arg2[%dma_wait3A_207, %dma_wait3A_208] : memref<10000x32xf32, #tpu.memory_space<hbm>> -> memref<10000x32xf32, #tpu.memory_space<hbm>>
      tpu.wait_indirect_dma semaphore(%arg12 : memref<!tpu.dma_semaphore, #tpu.memory_space<semaphore_mem>>) src(%dma_wait3A_209 : memref<10000x32xf32, #tpu.memory_space<hbm>>) dst(%dma_wait3A_203 : memref<80x32xf32, #tpu.memory_space<vmem>>)
      %add3A_210 = arith.constant 1 : i32
      %add3A_211 = arith.addi %mul3A_86, %add3A_210 : i32
      %dma_start3A_212 = arith.constant 1 : i32
      %dma_start3A_213 = arith.constant 0 : i32
      %dma_start3A_214 = arith.constant 0 : i32
      %dma_start3A_215 = tpu.memref_slice %arg9[%dma_start3A_212, %dma_start3A_213, %dma_start3A_214] : memref<5x80x32xf32, #tpu.memory_space<vmem>> -> memref<1x80x32xf32, #tpu.memory_space<vmem>>
      %dma_start3A_216 = tpu.memref_squeeze %dma_start3A_215 : memref<1x80x32xf32, #tpu.memory_space<vmem>> -> memref<80x32xf32, #tpu.memory_space<vmem>>
      %dma_start3A_217 = arith.constant 0 : i32
      %dma_start3A_218 = tpu.memref_slice %arg8[%add3A_211, %dma_start3A_217] : memref<125x80xi32, #tpu.memory_space<vmem>> -> memref<1x80xi32, #tpu.memory_space<vmem>>
      %dma_start3A_219 = tpu.memref_squeeze %dma_start3A_218 : memref<1x80xi32, #tpu.memory_space<vmem>> -> memref<80xi32, #tpu.memory_space<vmem>>
      %dma_start3A_220 = arith.constant 0 : i32
      %dma_start3A_221 = arith.constant 0 : i32
      %dma_start3A_222 = tpu.memref_slice %arg10[%dma_start3A_220, %dma_start3A_221] : memref<10000x32xf32, #tpu.memory_space<vmem_shared>> -> memref<10000x32xf32, #tpu.memory_space<vmem_shared>>
      tpu.enqueue_indirect_dma source(%dma_start3A_216 : memref<80x32xf32, #tpu.memory_space<vmem>>) target(%dma_start3A_222 : memref<10000x32xf32, #tpu.memory_space<vmem_shared>>) offsets(%dma_start3A_219 : memref<80xi32, #tpu.memory_space<vmem>>) semaphore(%arg17 : memref<!tpu.dma_semaphore, #tpu.memory_space<semaphore_mem>>) {add = true}
      %dma_wait3A_223 = arith.constant 2 : i32
      %dma_wait3A_224 = arith.constant 0 : i32
      %dma_wait3A_225 = arith.constant 0 : i32
      %dma_wait3A_226 = tpu.memref_slice %arg9[%dma_wait3A_223, %dma_wait3A_224, %dma_wait3A_225] : memref<5x80x32xf32, #tpu.memory_space<vmem>> -> memref<1x80x32xf32, #tpu.memory_space<vmem>>
      %dma_wait3A_227 = tpu.memref_squeeze %dma_wait3A_226 : memref<1x80x32xf32, #tpu.memory_space<vmem>> -> memref<80x32xf32, #tpu.memory_space<vmem>>
      %dma_wait3A_228 = arith.constant 0 : i32
      %dma_wait3A_229 = tpu.memref_slice %arg7[%add3A_127, %dma_wait3A_228] : memref<125x80xi32, #tpu.memory_space<vmem>> -> memref<1x80xi32, #tpu.memory_space<vmem>>
      %dma_wait3A_230 = tpu.memref_squeeze %dma_wait3A_229 : memref<1x80xi32, #tpu.memory_space<vmem>> -> memref<80xi32, #tpu.memory_space<vmem>>
      %dma_wait3A_231 = arith.constant 0 : i32
      %dma_wait3A_232 = arith.constant 0 : i32
      %dma_wait3A_233 = tpu.memref_slice %arg2[%dma_wait3A_231, %dma_wait3A_232] : memref<10000x32xf32, #tpu.memory_space<hbm>> -> memref<10000x32xf32, #tpu.memory_space<hbm>>
      tpu.wait_indirect_dma semaphore(%arg13 : memref<!tpu.dma_semaphore, #tpu.memory_space<semaphore_mem>>) src(%dma_wait3A_233 : memref<10000x32xf32, #tpu.memory_space<hbm>>) dst(%dma_wait3A_227 : memref<80x32xf32, #tpu.memory_space<vmem>>)
      %add3A_234 = arith.constant 2 : i32
      %add3A_235 = arith.addi %mul3A_86, %add3A_234 : i32
      %dma_start3A_236 = arith.constant 2 : i32
      %dma_start3A_237 = arith.constant 0 : i32
      %dma_start3A_238 = arith.constant 0 : i32
      %dma_start3A_239 = tpu.memref_slice %arg9[%dma_start3A_236, %dma_start3A_237, %dma_start3A_238] : memref<5x80x32xf32, #tpu.memory_space<vmem>> -> memref<1x80x32xf32, #tpu.memory_space<vmem>>
      %dma_start3A_240 = tpu.memref_squeeze %dma_start3A_239 : memref<1x80x32xf32, #tpu.memory_space<vmem>> -> memref<80x32xf32, #tpu.memory_space<vmem>>
      %dma_start3A_241 = arith.constant 0 : i32
      %dma_start3A_242 = tpu.memref_slice %arg8[%add3A_235, %dma_start3A_241] : memref<125x80xi32, #tpu.memory_space<vmem>> -> memref<1x80xi32, #tpu.memory_space<vmem>>
      %dma_start3A_243 = tpu.memref_squeeze %dma_start3A_242 : memref<1x80xi32, #tpu.memory_space<vmem>> -> memref<80xi32, #tpu.memory_space<vmem>>
      %dma_start3A_244 = arith.constant 0 : i32
      %dma_start3A_245 = arith.constant 0 : i32
      %dma_start3A_246 = tpu.memref_slice %arg10[%dma_start3A_244, %dma_start3A_245] : memref<10000x32xf32, #tpu.memory_space<vmem_shared>> -> memref<10000x32xf32, #tpu.memory_space<vmem_shared>>
      tpu.enqueue_indirect_dma source(%dma_start3A_240 : memref<80x32xf32, #tpu.memory_space<vmem>>) target(%dma_start3A_246 : memref<10000x32xf32, #tpu.memory_space<vmem_shared>>) offsets(%dma_start3A_243 : memref<80xi32, #tpu.memory_space<vmem>>) semaphore(%arg18 : memref<!tpu.dma_semaphore, #tpu.memory_space<semaphore_mem>>) {add = true}
      %dma_wait3A_247 = arith.constant 3 : i32
      %dma_wait3A_248 = arith.constant 0 : i32
      %dma_wait3A_249 = arith.constant 0 : i32
      %dma_wait3A_250 = tpu.memref_slice %arg9[%dma_wait3A_247, %dma_wait3A_248, %dma_wait3A_249] : memref<5x80x32xf32, #tpu.memory_space<vmem>> -> memref<1x80x32xf32, #tpu.memory_space<vmem>>
      %dma_wait3A_251 = tpu.memref_squeeze %dma_wait3A_250 : memref<1x80x32xf32, #tpu.memory_space<vmem>> -> memref<80x32xf32, #tpu.memory_space<vmem>>
      %dma_wait3A_252 = arith.constant 0 : i32
      %dma_wait3A_253 = tpu.memref_slice %arg7[%add3A_145, %dma_wait3A_252] : memref<125x80xi32, #tpu.memory_space<vmem>> -> memref<1x80xi32, #tpu.memory_space<vmem>>
      %dma_wait3A_254 = tpu.memref_squeeze %dma_wait3A_253 : memref<1x80xi32, #tpu.memory_space<vmem>> -> memref<80xi32, #tpu.memory_space<vmem>>
      %dma_wait3A_255 = arith.constant 0 : i32
      %dma_wait3A_256 = arith.constant 0 : i32
      %dma_wait3A_257 = tpu.memref_slice %arg2[%dma_wait3A_255, %dma_wait3A_256] : memref<10000x32xf32, #tpu.memory_space<hbm>> -> memref<10000x32xf32, #tpu.memory_space<hbm>>
      tpu.wait_indirect_dma semaphore(%arg14 : memref<!tpu.dma_semaphore, #tpu.memory_space<semaphore_mem>>) src(%dma_wait3A_257 : memref<10000x32xf32, #tpu.memory_space<hbm>>) dst(%dma_wait3A_251 : memref<80x32xf32, #tpu.memory_space<vmem>>)
      %add3A_258 = arith.constant 3 : i32
      %add3A_259 = arith.addi %mul3A_86, %add3A_258 : i32
      %dma_start3A_260 = arith.constant 3 : i32
      %dma_start3A_261 = arith.constant 0 : i32
      %dma_start3A_262 = arith.constant 0 : i32
      %dma_start3A_263 = tpu.memref_slice %arg9[%dma_start3A_260, %dma_start3A_261, %dma_start3A_262] : memref<5x80x32xf32, #tpu.memory_space<vmem>> -> memref<1x80x32xf32, #tpu.memory_space<vmem>>
      %dma_start3A_264 = tpu.memref_squeeze %dma_start3A_263 : memref<1x80x32xf32, #tpu.memory_space<vmem>> -> memref<80x32xf32, #tpu.memory_space<vmem>>
      %dma_start3A_265 = arith.constant 0 : i32
      %dma_start3A_266 = tpu.memref_slice %arg8[%add3A_259, %dma_start3A_265] : memref<125x80xi32, #tpu.memory_space<vmem>> -> memref<1x80xi32, #tpu.memory_space<vmem>>
      %dma_start3A_267 = tpu.memref_squeeze %dma_start3A_266 : memref<1x80xi32, #tpu.memory_space<vmem>> -> memref<80xi32, #tpu.memory_space<vmem>>
      %dma_start3A_268 = arith.constant 0 : i32
      %dma_start3A_269 = arith.constant 0 : i32
      %dma_start3A_270 = tpu.memref_slice %arg10[%dma_start3A_268, %dma_start3A_269] : memref<10000x32xf32, #tpu.memory_space<vmem_shared>> -> memref<10000x32xf32, #tpu.memory_space<vmem_shared>>
      tpu.enqueue_indirect_dma source(%dma_start3A_264 : memref<80x32xf32, #tpu.memory_space<vmem>>) target(%dma_start3A_270 : memref<10000x32xf32, #tpu.memory_space<vmem_shared>>) offsets(%dma_start3A_267 : memref<80xi32, #tpu.memory_space<vmem>>) semaphore(%arg19 : memref<!tpu.dma_semaphore, #tpu.memory_space<semaphore_mem>>) {add = true}
      %dma_wait3A_271 = arith.constant 4 : i32
      %dma_wait3A_272 = arith.constant 0 : i32
      %dma_wait3A_273 = arith.constant 0 : i32
      %dma_wait3A_274 = tpu.memref_slice %arg9[%dma_wait3A_271, %dma_wait3A_272, %dma_wait3A_273] : memref<5x80x32xf32, #tpu.memory_space<vmem>> -> memref<1x80x32xf32, #tpu.memory_space<vmem>>
      %dma_wait3A_275 = tpu.memref_squeeze %dma_wait3A_274 : memref<1x80x32xf32, #tpu.memory_space<vmem>> -> memref<80x32xf32, #tpu.memory_space<vmem>>
      %dma_wait3A_276 = arith.constant 0 : i32
      %dma_wait3A_277 = tpu.memref_slice %arg7[%add3A_163, %dma_wait3A_276] : memref<125x80xi32, #tpu.memory_space<vmem>> -> memref<1x80xi32, #tpu.memory_space<vmem>>
      %dma_wait3A_278 = tpu.memref_squeeze %dma_wait3A_277 : memref<1x80xi32, #tpu.memory_space<vmem>> -> memref<80xi32, #tpu.memory_space<vmem>>
      %dma_wait3A_279 = arith.constant 0 : i32
      %dma_wait3A_280 = arith.constant 0 : i32
      %dma_wait3A_281 = tpu.memref_slice %arg2[%dma_wait3A_279, %dma_wait3A_280] : memref<10000x32xf32, #tpu.memory_space<hbm>> -> memref<10000x32xf32, #tpu.memory_space<hbm>>
      tpu.wait_indirect_dma semaphore(%arg15 : memref<!tpu.dma_semaphore, #tpu.memory_space<semaphore_mem>>) src(%dma_wait3A_281 : memref<10000x32xf32, #tpu.memory_space<hbm>>) dst(%dma_wait3A_275 : memref<80x32xf32, #tpu.memory_space<vmem>>)
      %add3A_282 = arith.constant 4 : i32
      %add3A_283 = arith.addi %mul3A_86, %add3A_282 : i32
      %dma_start3A_284 = arith.constant 4 : i32
      %dma_start3A_285 = arith.constant 0 : i32
      %dma_start3A_286 = arith.constant 0 : i32
      %dma_start3A_287 = tpu.memref_slice %arg9[%dma_start3A_284, %dma_start3A_285, %dma_start3A_286] : memref<5x80x32xf32, #tpu.memory_space<vmem>> -> memref<1x80x32xf32, #tpu.memory_space<vmem>>
      %dma_start3A_288 = tpu.memref_squeeze %dma_start3A_287 : memref<1x80x32xf32, #tpu.memory_space<vmem>> -> memref<80x32xf32, #tpu.memory_space<vmem>>
      %dma_start3A_289 = arith.constant 0 : i32
      %dma_start3A_290 = tpu.memref_slice %arg8[%add3A_283, %dma_start3A_289] : memref<125x80xi32, #tpu.memory_space<vmem>> -> memref<1x80xi32, #tpu.memory_space<vmem>>
      %dma_start3A_291 = tpu.memref_squeeze %dma_start3A_290 : memref<1x80xi32, #tpu.memory_space<vmem>> -> memref<80xi32, #tpu.memory_space<vmem>>
      %dma_start3A_292 = arith.constant 0 : i32
      %dma_start3A_293 = arith.constant 0 : i32
      %dma_start3A_294 = tpu.memref_slice %arg10[%dma_start3A_292, %dma_start3A_293] : memref<10000x32xf32, #tpu.memory_space<vmem_shared>> -> memref<10000x32xf32, #tpu.memory_space<vmem_shared>>
      tpu.enqueue_indirect_dma source(%dma_start3A_288 : memref<80x32xf32, #tpu.memory_space<vmem>>) target(%dma_start3A_294 : memref<10000x32xf32, #tpu.memory_space<vmem_shared>>) offsets(%dma_start3A_291 : memref<80xi32, #tpu.memory_space<vmem>>) semaphore(%arg20 : memref<!tpu.dma_semaphore, #tpu.memory_space<semaphore_mem>>) {add = true}
    }
    %scan3A_13 = arith.constant 25 : i32
    %dma_wait3A = arith.constant 0 : i32
    %dma_wait3A_14 = arith.constant 0 : i32
    %dma_wait3A_15 = arith.constant 0 : i32
    %dma_wait3A_16 = arith.constant 0 : i32
    %dma_wait3A_17 = tpu.memref_slice %arg9[%dma_wait3A, %dma_wait3A_15, %dma_wait3A_16] : memref<5x80x32xf32, #tpu.memory_space<vmem>> -> memref<1x80x32xf32, #tpu.memory_space<vmem>>
    %dma_wait3A_18 = tpu.memref_squeeze %dma_wait3A_17 : memref<1x80x32xf32, #tpu.memory_space<vmem>> -> memref<80x32xf32, #tpu.memory_space<vmem>>
    %dma_wait3A_19 = arith.constant 0 : i32
    %dma_wait3A_20 = tpu.memref_slice %arg8[%dma_wait3A_14, %dma_wait3A_19] : memref<125x80xi32, #tpu.memory_space<vmem>> -> memref<1x80xi32, #tpu.memory_space<vmem>>
    %dma_wait3A_21 = tpu.memref_squeeze %dma_wait3A_20 : memref<1x80xi32, #tpu.memory_space<vmem>> -> memref<80xi32, #tpu.memory_space<vmem>>
    %dma_wait3A_22 = arith.constant 0 : i32
    %dma_wait3A_23 = arith.constant 0 : i32
    %dma_wait3A_24 = tpu.memref_slice %arg10[%dma_wait3A_22, %dma_wait3A_23] : memref<10000x32xf32, #tpu.memory_space<vmem_shared>> -> memref<10000x32xf32, #tpu.memory_space<vmem_shared>>
    tpu.wait_indirect_dma semaphore(%arg16 : memref<!tpu.dma_semaphore, #tpu.memory_space<semaphore_mem>>) src(%dma_wait3A_18 : memref<80x32xf32, #tpu.memory_space<vmem>>) dst(%dma_wait3A_24 : memref<10000x32xf32, #tpu.memory_space<vmem_shared>>)
    %dma_wait3A_25 = arith.constant 1 : i32
    %dma_wait3A_26 = arith.constant 0 : i32
    %dma_wait3A_27 = arith.constant 0 : i32
    %dma_wait3A_28 = arith.constant 0 : i32
    %dma_wait3A_29 = tpu.memref_slice %arg9[%dma_wait3A_25, %dma_wait3A_27, %dma_wait3A_28] : memref<5x80x32xf32, #tpu.memory_space<vmem>> -> memref<1x80x32xf32, #tpu.memory_space<vmem>>
    %dma_wait3A_30 = tpu.memref_squeeze %dma_wait3A_29 : memref<1x80x32xf32, #tpu.memory_space<vmem>> -> memref<80x32xf32, #tpu.memory_space<vmem>>
    %dma_wait3A_31 = arith.constant 0 : i32
    %dma_wait3A_32 = tpu.memref_slice %arg8[%dma_wait3A_26, %dma_wait3A_31] : memref<125x80xi32, #tpu.memory_space<vmem>> -> memref<1x80xi32, #tpu.memory_space<vmem>>
    %dma_wait3A_33 = tpu.memref_squeeze %dma_wait3A_32 : memref<1x80xi32, #tpu.memory_space<vmem>> -> memref<80xi32, #tpu.memory_space<vmem>>
    %dma_wait3A_34 = arith.constant 0 : i32
    %dma_wait3A_35 = arith.constant 0 : i32
    %dma_wait3A_36 = tpu.memref_slice %arg10[%dma_wait3A_34, %dma_wait3A_35] : memref<10000x32xf32, #tpu.memory_space<vmem_shared>> -> memref<10000x32xf32, #tpu.memory_space<vmem_shared>>
    tpu.wait_indirect_dma semaphore(%arg17 : memref<!tpu.dma_semaphore, #tpu.memory_space<semaphore_mem>>) src(%dma_wait3A_30 : memref<80x32xf32, #tpu.memory_space<vmem>>) dst(%dma_wait3A_36 : memref<10000x32xf32, #tpu.memory_space<vmem_shared>>)
    %dma_wait3A_37 = arith.constant 2 : i32
    %dma_wait3A_38 = arith.constant 0 : i32
    %dma_wait3A_39 = arith.constant 0 : i32
    %dma_wait3A_40 = arith.constant 0 : i32
    %dma_wait3A_41 = tpu.memref_slice %arg9[%dma_wait3A_37, %dma_wait3A_39, %dma_wait3A_40] : memref<5x80x32xf32, #tpu.memory_space<vmem>> -> memref<1x80x32xf32, #tpu.memory_space<vmem>>
    %dma_wait3A_42 = tpu.memref_squeeze %dma_wait3A_41 : memref<1x80x32xf32, #tpu.memory_space<vmem>> -> memref<80x32xf32, #tpu.memory_space<vmem>>
    %dma_wait3A_43 = arith.constant 0 : i32
    %dma_wait3A_44 = tpu.memref_slice %arg8[%dma_wait3A_38, %dma_wait3A_43] : memref<125x80xi32, #tpu.memory_space<vmem>> -> memref<1x80xi32, #tpu.memory_space<vmem>>
    %dma_wait3A_45 = tpu.memref_squeeze %dma_wait3A_44 : memref<1x80xi32, #tpu.memory_space<vmem>> -> memref<80xi32, #tpu.memory_space<vmem>>
    %dma_wait3A_46 = arith.constant 0 : i32
    %dma_wait3A_47 = arith.constant 0 : i32
    %dma_wait3A_48 = tpu.memref_slice %arg10[%dma_wait3A_46, %dma_wait3A_47] : memref<10000x32xf32, #tpu.memory_space<vmem_shared>> -> memref<10000x32xf32, #tpu.memory_space<vmem_shared>>
    tpu.wait_indirect_dma semaphore(%arg18 : memref<!tpu.dma_semaphore, #tpu.memory_space<semaphore_mem>>) src(%dma_wait3A_42 : memref<80x32xf32, #tpu.memory_space<vmem>>) dst(%dma_wait3A_48 : memref<10000x32xf32, #tpu.memory_space<vmem_shared>>)
    %dma_wait3A_49 = arith.constant 3 : i32
    %dma_wait3A_50 = arith.constant 0 : i32
    %dma_wait3A_51 = arith.constant 0 : i32
    %dma_wait3A_52 = arith.constant 0 : i32
    %dma_wait3A_53 = tpu.memref_slice %arg9[%dma_wait3A_49, %dma_wait3A_51, %dma_wait3A_52] : memref<5x80x32xf32, #tpu.memory_space<vmem>> -> memref<1x80x32xf32, #tpu.memory_space<vmem>>
    %dma_wait3A_54 = tpu.memref_squeeze %dma_wait3A_53 : memref<1x80x32xf32, #tpu.memory_space<vmem>> -> memref<80x32xf32, #tpu.memory_space<vmem>>
    %dma_wait3A_55 = arith.constant 0 : i32
    %dma_wait3A_56 = tpu.memref_slice %arg8[%dma_wait3A_50, %dma_wait3A_55] : memref<125x80xi32, #tpu.memory_space<vmem>> -> memref<1x80xi32, #tpu.memory_space<vmem>>
    %dma_wait3A_57 = tpu.memref_squeeze %dma_wait3A_56 : memref<1x80xi32, #tpu.memory_space<vmem>> -> memref<80xi32, #tpu.memory_space<vmem>>
    %dma_wait3A_58 = arith.constant 0 : i32
    %dma_wait3A_59 = arith.constant 0 : i32
    %dma_wait3A_60 = tpu.memref_slice %arg10[%dma_wait3A_58, %dma_wait3A_59] : memref<10000x32xf32, #tpu.memory_space<vmem_shared>> -> memref<10000x32xf32, #tpu.memory_space<vmem_shared>>
    tpu.wait_indirect_dma semaphore(%arg19 : memref<!tpu.dma_semaphore, #tpu.memory_space<semaphore_mem>>) src(%dma_wait3A_54 : memref<80x32xf32, #tpu.memory_space<vmem>>) dst(%dma_wait3A_60 : memref<10000x32xf32, #tpu.memory_space<vmem_shared>>)
    %dma_wait3A_61 = arith.constant 4 : i32
    %dma_wait3A_62 = arith.constant 0 : i32
    %dma_wait3A_63 = arith.constant 0 : i32
    %dma_wait3A_64 = arith.constant 0 : i32
    %dma_wait3A_65 = tpu.memref_slice %arg9[%dma_wait3A_61, %dma_wait3A_63, %dma_wait3A_64] : memref<5x80x32xf32, #tpu.memory_space<vmem>> -> memref<1x80x32xf32, #tpu.memory_space<vmem>>
    %dma_wait3A_66 = tpu.memref_squeeze %dma_wait3A_65 : memref<1x80x32xf32, #tpu.memory_space<vmem>> -> memref<80x32xf32, #tpu.memory_space<vmem>>
    %dma_wait3A_67 = arith.constant 0 : i32
    %dma_wait3A_68 = tpu.memref_slice %arg8[%dma_wait3A_62, %dma_wait3A_67] : memref<125x80xi32, #tpu.memory_space<vmem>> -> memref<1x80xi32, #tpu.memory_space<vmem>>
    %dma_wait3A_69 = tpu.memref_squeeze %dma_wait3A_68 : memref<1x80xi32, #tpu.memory_space<vmem>> -> memref<80xi32, #tpu.memory_space<vmem>>
    %dma_wait3A_70 = arith.constant 0 : i32
    %dma_wait3A_71 = arith.constant 0 : i32
    %dma_wait3A_72 = tpu.memref_slice %arg10[%dma_wait3A_70, %dma_wait3A_71] : memref<10000x32xf32, #tpu.memory_space<vmem_shared>> -> memref<10000x32xf32, #tpu.memory_space<vmem_shared>>
    tpu.wait_indirect_dma semaphore(%arg20 : memref<!tpu.dma_semaphore, #tpu.memory_space<semaphore_mem>>) src(%dma_wait3A_66 : memref<80x32xf32, #tpu.memory_space<vmem>>) dst(%dma_wait3A_72 : memref<10000x32xf32, #tpu.memory_space<vmem_shared>>)
    %barrier3A_73 = arith.constant 0 : index
    tpu.barrier barrier_id(%barrier3A_73)
    %lt3A_74 = arith.constant 15 : i32
    %lt3A_75 = arith.cmpi slt, %arg1, %lt3A_74 : i32
    %convert_element_type3A_76 = arith.extui %lt3A_75 : i1 to i32
    %cond3A_77 = arith.constant 0 : i32
    %cond3A_78 = arith.cmpi ne, %convert_element_type3A_76, %cond3A_77 : i32
    scf.if %cond3A_78 {
      "tpu.region"() ({
        %run_scoped3A = tpu.sem_alloc : memref<!tpu.dma_semaphore, #tpu.memory_space<semaphore_mem>>
        %dma_start3A = arith.constant 0 : i32
        %dma_start3A_84 = tpu.memref_slice %arg6[%arg0, %multiple_of3A, %dma_start3A] : memref<2x10000x32xf32, #tpu.memory_space<hbm>> -> memref<1x640x32xf32, #tpu.memory_space<hbm>>
        %dma_start3A_85 = tpu.memref_squeeze %dma_start3A_84 : memref<1x640x32xf32, #tpu.memory_space<hbm>> -> memref<640x32xf32, #tpu.memory_space<hbm>>
        %dma_start3A_86 = arith.constant 0 : i32
        %dma_start3A_87 = tpu.memref_slice %arg10[%multiple_of3A, %dma_start3A_86] : memref<10000x32xf32, #tpu.memory_space<vmem_shared>> -> memref<640x32xf32, #tpu.memory_space<vmem_shared>>
        tpu.enqueue_dma source(%dma_start3A_87 : memref<640x32xf32, #tpu.memory_space<vmem_shared>>) target(%dma_start3A_85 : memref<640x32xf32, #tpu.memory_space<hbm>>) target_semaphore(%run_scoped3A : memref<!tpu.dma_semaphore, #tpu.memory_space<semaphore_mem>>)
        %dma_wait3A_88 = arith.constant 0 : i32
        %dma_wait3A_89 = tpu.memref_slice %arg6[%arg0, %multiple_of3A, %dma_wait3A_88] : memref<2x10000x32xf32, #tpu.memory_space<hbm>> -> memref<1x640x32xf32, #tpu.memory_space<hbm>>
        %dma_wait3A_90 = tpu.memref_squeeze %dma_wait3A_89 : memref<1x640x32xf32, #tpu.memory_space<hbm>> -> memref<640x32xf32, #tpu.memory_space<hbm>>
        %dma_wait3A_91 = arith.constant 0 : i32
        %dma_wait3A_92 = tpu.memref_slice %arg10[%multiple_of3A, %dma_wait3A_91] : memref<10000x32xf32, #tpu.memory_space<vmem_shared>> -> memref<640x32xf32, #tpu.memory_space<vmem_shared>>
        tpu.wait_dma2 semaphore(%run_scoped3A : memref<!tpu.dma_semaphore, #tpu.memory_space<semaphore_mem>>) src(%dma_wait3A_92 : memref<640x32xf32, #tpu.memory_space<vmem_shared>>) dst(%dma_wait3A_90 : memref<640x32xf32, #tpu.memory_space<hbm>>)
        tpu.yield
      }) : () -> ()
    } else {
    }
    %eq3A_79 = arith.constant 15 : i32
    %eq3A_80 = arith.cmpi eq, %arg1, %eq3A_79 : i32
    %convert_element_type3A_81 = arith.extui %eq3A_80 : i1 to i32
    %cond3A_82 = arith.constant 0 : i32
    %cond3A_83 = arith.cmpi ne, %convert_element_type3A_81, %cond3A_82 : i32
    scf.if %cond3A_83 {
      "tpu.region"() ({
        %run_scoped3A = tpu.sem_alloc : memref<!tpu.dma_semaphore, #tpu.memory_space<semaphore_mem>>
        %dma_start3A = arith.constant 9600 : i32
        %dma_start3A_84 = arith.constant 0 : i32
        %dma_start3A_85 = tpu.memref_slice %arg6[%arg0, %dma_start3A, %dma_start3A_84] : memref<2x10000x32xf32, #tpu.memory_space<hbm>> -> memref<1x400x32xf32, #tpu.memory_space<hbm>>
        %dma_start3A_86 = tpu.memref_squeeze %dma_start3A_85 : memref<1x400x32xf32, #tpu.memory_space<hbm>> -> memref<400x32xf32, #tpu.memory_space<hbm>>
        %dma_start3A_87 = arith.constant 9600 : i32
        %dma_start3A_88 = arith.constant 0 : i32
        %dma_start3A_89 = tpu.memref_slice %arg10[%dma_start3A_87, %dma_start3A_88] : memref<10000x32xf32, #tpu.memory_space<vmem_shared>> -> memref<400x32xf32, #tpu.memory_space<vmem_shared>>
        tpu.enqueue_dma source(%dma_start3A_89 : memref<400x32xf32, #tpu.memory_space<vmem_shared>>) target(%dma_start3A_86 : memref<400x32xf32, #tpu.memory_space<hbm>>) target_semaphore(%run_scoped3A : memref<!tpu.dma_semaphore, #tpu.memory_space<semaphore_mem>>)
        %dma_wait3A_90 = arith.constant 9600 : i32
        %dma_wait3A_91 = arith.constant 0 : i32
        %dma_wait3A_92 = tpu.memref_slice %arg6[%arg0, %dma_wait3A_90, %dma_wait3A_91] : memref<2x10000x32xf32, #tpu.memory_space<hbm>> -> memref<1x400x32xf32, #tpu.memory_space<hbm>>
        %dma_wait3A_93 = tpu.memref_squeeze %dma_wait3A_92 : memref<1x400x32xf32, #tpu.memory_space<hbm>> -> memref<400x32xf32, #tpu.memory_space<hbm>>
        %dma_wait3A_94 = arith.constant 9600 : i32
        %dma_wait3A_95 = arith.constant 0 : i32
        %dma_wait3A_96 = tpu.memref_slice %arg10[%dma_wait3A_94, %dma_wait3A_95] : memref<10000x32xf32, #tpu.memory_space<vmem_shared>> -> memref<400x32xf32, #tpu.memory_space<vmem_shared>>
        tpu.wait_dma2 semaphore(%run_scoped3A : memref<!tpu.dma_semaphore, #tpu.memory_space<semaphore_mem>>) src(%dma_wait3A_96 : memref<400x32xf32, #tpu.memory_space<vmem_shared>>) dst(%dma_wait3A_93 : memref<400x32xf32, #tpu.memory_space<hbm>>)
        tpu.yield
      }) : () -> ()
    } else {
    }
    return
  }
}

#map = affine_map<(d0, d1) -> (0, 0)>
#map1 = affine_map<(d0, d1) -> (0, 0, 0)>
module attributes {stable_mosaic.version = 14 : i64} {
  func.func @sc_scatter(%arg0: i32, %arg1: i32, %arg2: memref<10000x32xf32, #tpu.memory_space<hbm>>, %arg3: memref<32x125x80xi32, #tpu.memory_space<hbm>>, %arg4: memref<32x125x80xi32, #tpu.memory_space<hbm>>, %arg5: memref<10000x32xf32, #tpu.memory_space<hbm>>, %arg6: memref<2x10000x32xf32, #tpu.memory_space<hbm>>, %arg7: memref<125x80xi32, #tpu.memory_space<vmem>>, %arg8: memref<125x80xi32, #tpu.memory_space<vmem>>, %arg9: memref<5x80x32xf32, #tpu.memory_space<vmem>>, %arg10: memref<10000x32xf32, #tpu.memory_space<vmem_shared>>, %arg11: memref<!tpu.dma_semaphore, #tpu.memory_space<semaphore_mem>>, %arg12: memref<!tpu.dma_semaphore, #tpu.memory_space<semaphore_mem>>, %arg13: memref<!tpu.dma_semaphore, #tpu.memory_space<semaphore_mem>>, %arg14: memref<!tpu.dma_semaphore, #tpu.memory_space<semaphore_mem>>, %arg15: memref<!tpu.dma_semaphore, #tpu.memory_space<semaphore_mem>>, %arg16: memref<!tpu.dma_semaphore, #tpu.memory_space<semaphore_mem>>, %arg17: memref<!tpu.dma_semaphore, #tpu.memory_space<semaphore_mem>>, %arg18: memref<!tpu.dma_semaphore, #tpu.memory_space<semaphore_mem>>, %arg19: memref<!tpu.dma_semaphore, #tpu.memory_space<semaphore_mem>>, %arg20: memref<!tpu.dma_semaphore, #tpu.memory_space<semaphore_mem>>) attributes {dimension_semantics = [#tpu.dimension_semantics<core_parallel>, #tpu.dimension_semantics<subcore_parallel>], iteration_bounds = array<i64: 2, 16>, scalar_prefetch = 0 : i64, scratch_operands = 14 : i64, tpu.core_type = #tpu.core_type<sc_vector_subcore>, window_params = [{transform_indices = #map}, {transform_indices = #map1}, {transform_indices = #map1}, {transform_indices = #map}, {transform_indices = #map1}]} {
    %mul3A = arith.constant 2 : i32
    %mul3A_0 = arith.muli %arg1, %mul3A : i32
    %add3A = arith.addi %mul3A_0, %arg0 : i32
    %mul3A_1 = arith.constant 640 : i32
    %mul3A_2 = arith.muli %arg1, %mul3A_1 : i32
    %multiple_of3A = tpu.assume_multiple %mul3A_2, 8 : i32
    %lt3A = arith.constant 15 : i32
    %lt3A_3 = arith.cmpi slt, %arg1, %lt3A : i32
    %convert_element_type3A = arith.extui %lt3A_3 : i1 to i32
    %cond3A = arith.constant 0 : i32
    %cond3A_4 = arith.cmpi ne, %convert_element_type3A, %cond3A : i32
    scf.if %cond3A_4 {
      "tpu.region"() ({
        %run_scoped3A = tpu.sem_alloc : memref<!tpu.dma_semaphore, #tpu.memory_space<semaphore_mem>>
        %dma_start3A = arith.constant 0 : i32
        %dma_start3A_84 = tpu.memref_slice %arg10[%multiple_of3A, %dma_start3A] : memref<10000x32xf32, #tpu.memory_space<vmem_shared>> -> memref<640x32xf32, #tpu.memory_space<vmem_shared>>
        %dma_start3A_85 = arith.constant 0 : i32
        %dma_start3A_86 = tpu.memref_slice %arg5[%multiple_of3A, %dma_start3A_85] : memref<10000x32xf32, #tpu.memory_space<hbm>> -> memref<640x32xf32, #tpu.memory_space<hbm>>
        tpu.enqueue_dma source(%dma_start3A_86 : memref<640x32xf32, #tpu.memory_space<hbm>>) target(%dma_start3A_84 : memref<640x32xf32, #tpu.memory_space<vmem_shared>>) target_semaphore(%run_scoped3A : memref<!tpu.dma_semaphore, #tpu.memory_space<semaphore_mem>>)
        %dma_wait3A_87 = arith.constant 0 : i32
        %dma_wait3A_88 = tpu.memref_slice %arg10[%multiple_of3A, %dma_wait3A_87] : memref<10000x32xf32, #tpu.memory_space<vmem_shared>> -> memref<640x32xf32, #tpu.memory_space<vmem_shared>>
        %dma_wait3A_89 = arith.constant 0 : i32
        %dma_wait3A_90 = tpu.memref_slice %arg5[%multiple_of3A, %dma_wait3A_89] : memref<10000x32xf32, #tpu.memory_space<hbm>> -> memref<640x32xf32, #tpu.memory_space<hbm>>
        tpu.wait_dma2 semaphore(%run_scoped3A : memref<!tpu.dma_semaphore, #tpu.memory_space<semaphore_mem>>) src(%dma_wait3A_90 : memref<640x32xf32, #tpu.memory_space<hbm>>) dst(%dma_wait3A_88 : memref<640x32xf32, #tpu.memory_space<vmem_shared>>)
        tpu.yield
      }) : () -> ()
    } else {
    }
    %eq3A = arith.constant 15 : i32
    %eq3A_5 = arith.cmpi eq, %arg1, %eq3A : i32
    %convert_element_type3A_6 = arith.extui %eq3A_5 : i1 to i32
    %cond3A_7 = arith.constant 0 : i32
    %cond3A_8 = arith.cmpi ne, %convert_element_type3A_6, %cond3A_7 : i32
    scf.if %cond3A_8 {
      "tpu.region"() ({
        %run_scoped3A = tpu.sem_alloc : memref<!tpu.dma_semaphore, #tpu.memory_space<semaphore_mem>>
        %dma_start3A = arith.constant 9600 : i32
        %dma_start3A_84 = arith.constant 0 : i32
        %dma_start3A_85 = tpu.memref_slice %arg10[%dma_start3A, %dma_start3A_84] : memref<10000x32xf32, #tpu.memory_space<vmem_shared>> -> memref<400x32xf32, #tpu.memory_space<vmem_shared>>
        %dma_start3A_86 = arith.constant 9600 : i32
        %dma_start3A_87 = arith.constant 0 : i32
        %dma_start3A_88 = tpu.memref_slice %arg5[%dma_start3A_86, %dma_start3A_87] : memref<10000x32xf32, #tpu.memory_space<hbm>> -> memref<400x32xf32, #tpu.memory_space<hbm>>
        tpu.enqueue_dma source(%dma_start3A_88 : memref<400x32xf32, #tpu.memory_space<hbm>>) target(%dma_start3A_85 : memref<400x32xf32, #tpu.memory_space<vmem_shared>>) target_semaphore(%run_scoped3A : memref<!tpu.dma_semaphore, #tpu.memory_space<semaphore_mem>>)
        %dma_wait3A_89 = arith.constant 9600 : i32
        %dma_wait3A_90 = arith.constant 0 : i32
        %dma_wait3A_91 = tpu.memref_slice %arg10[%dma_wait3A_89, %dma_wait3A_90] : memref<10000x32xf32, #tpu.memory_space<vmem_shared>> -> memref<400x32xf32, #tpu.memory_space<vmem_shared>>
        %dma_wait3A_92 = arith.constant 9600 : i32
        %dma_wait3A_93 = arith.constant 0 : i32
        %dma_wait3A_94 = tpu.memref_slice %arg5[%dma_wait3A_92, %dma_wait3A_93] : memref<10000x32xf32, #tpu.memory_space<hbm>> -> memref<400x32xf32, #tpu.memory_space<hbm>>
        tpu.wait_dma2 semaphore(%run_scoped3A : memref<!tpu.dma_semaphore, #tpu.memory_space<semaphore_mem>>) src(%dma_wait3A_94 : memref<400x32xf32, #tpu.memory_space<hbm>>) dst(%dma_wait3A_91 : memref<400x32xf32, #tpu.memory_space<vmem_shared>>)
        tpu.yield
      }) : () -> ()
    } else {
    }
    "tpu.region"() ({
      %run_scoped3A = tpu.sem_alloc : memref<!tpu.dma_semaphore, #tpu.memory_space<semaphore_mem>>
      %dma_start3A = arith.constant 0 : i32
      %dma_start3A_84 = arith.constant 0 : i32
      %dma_start3A_85 = tpu.memref_slice %arg3[%add3A, %dma_start3A, %dma_start3A_84] : memref<32x125x80xi32, #tpu.memory_space<hbm>> -> memref<1x125x80xi32, #tpu.memory_space<hbm>>
      %dma_start3A_86 = tpu.memref_squeeze %dma_start3A_85 : memref<1x125x80xi32, #tpu.memory_space<hbm>> -> memref<125x80xi32, #tpu.memory_space<hbm>>
      %dma_start3A_87 = arith.constant 0 : i32
      %dma_start3A_88 = arith.constant 0 : i32
      %dma_start3A_89 = tpu.memref_slice %arg3[%add3A, %dma_start3A_87, %dma_start3A_88] : memref<32x125x80xi32, #tpu.memory_space<hbm>> -> memref<1x125x80xi32, #tpu.memory_space<hbm>>
      %dma_start3A_90 = tpu.memref_squeeze %dma_start3A_89 : memref<1x125x80xi32, #tpu.memory_space<hbm>> -> memref<125x80xi32, #tpu.memory_space<hbm>>
      tpu.enqueue_dma source(%dma_start3A_90 : memref<125x80xi32, #tpu.memory_space<hbm>>) target(%arg7 : memref<125x80xi32, #tpu.memory_space<vmem>>) target_semaphore(%run_scoped3A : memref<!tpu.dma_semaphore, #tpu.memory_space<semaphore_mem>>)
      %dma_wait3A_91 = arith.constant 0 : i32
      %dma_wait3A_92 = arith.constant 0 : i32
      %dma_wait3A_93 = tpu.memref_slice %arg3[%add3A, %dma_wait3A_91, %dma_wait3A_92] : memref<32x125x80xi32, #tpu.memory_space<hbm>> -> memref<1x125x80xi32, #tpu.memory_space<hbm>>
      %dma_wait3A_94 = tpu.memref_squeeze %dma_wait3A_93 : memref<1x125x80xi32, #tpu.memory_space<hbm>> -> memref<125x80xi32, #tpu.memory_space<hbm>>
      %dma_wait3A_95 = arith.constant 0 : i32
      %dma_wait3A_96 = arith.constant 0 : i32
      %dma_wait3A_97 = tpu.memref_slice %arg3[%add3A, %dma_wait3A_95, %dma_wait3A_96] : memref<32x125x80xi32, #tpu.memory_space<hbm>> -> memref<1x125x80xi32, #tpu.memory_space<hbm>>
      %dma_wait3A_98 = tpu.memref_squeeze %dma_wait3A_97 : memref<1x125x80xi32, #tpu.memory_space<hbm>> -> memref<125x80xi32, #tpu.memory_space<hbm>>
      tpu.wait_dma2 semaphore(%run_scoped3A : memref<!tpu.dma_semaphore, #tpu.memory_space<semaphore_mem>>) src(%dma_wait3A_98 : memref<125x80xi32, #tpu.memory_space<hbm>>) dst(%arg7 : memref<125x80xi32, #tpu.memory_space<vmem>>)
      tpu.yield
    }) : () -> ()
    "tpu.region"() ({
      %run_scoped3A = tpu.sem_alloc : memref<!tpu.dma_semaphore, #tpu.memory_space<semaphore_mem>>
      %dma_start3A = arith.constant 0 : i32
      %dma_start3A_84 = arith.constant 0 : i32
      %dma_start3A_85 = tpu.memref_slice %arg4[%add3A, %dma_start3A, %dma_start3A_84] : memref<32x125x80xi32, #tpu.memory_space<hbm>> -> memref<1x125x80xi32, #tpu.memory_space<hbm>>
      %dma_start3A_86 = tpu.memref_squeeze %dma_start3A_85 : memref<1x125x80xi32, #tpu.memory_space<hbm>> -> memref<125x80xi32, #tpu.memory_space<hbm>>
      %dma_start3A_87 = arith.constant 0 : i32
      %dma_start3A_88 = arith.constant 0 : i32
      %dma_start3A_89 = tpu.memref_slice %arg4[%add3A, %dma_start3A_87, %dma_start3A_88] : memref<32x125x80xi32, #tpu.memory_space<hbm>> -> memref<1x125x80xi32, #tpu.memory_space<hbm>>
      %dma_start3A_90 = tpu.memref_squeeze %dma_start3A_89 : memref<1x125x80xi32, #tpu.memory_space<hbm>> -> memref<125x80xi32, #tpu.memory_space<hbm>>
      tpu.enqueue_dma source(%dma_start3A_90 : memref<125x80xi32, #tpu.memory_space<hbm>>) target(%arg8 : memref<125x80xi32, #tpu.memory_space<vmem>>) target_semaphore(%run_scoped3A : memref<!tpu.dma_semaphore, #tpu.memory_space<semaphore_mem>>)
      %dma_wait3A_91 = arith.constant 0 : i32
      %dma_wait3A_92 = arith.constant 0 : i32
      %dma_wait3A_93 = tpu.memref_slice %arg4[%add3A, %dma_wait3A_91, %dma_wait3A_92] : memref<32x125x80xi32, #tpu.memory_space<hbm>> -> memref<1x125x80xi32, #tpu.memory_space<hbm>>
      %dma_wait3A_94 = tpu.memref_squeeze %dma_wait3A_93 : memref<1x125x80xi32, #tpu.memory_space<hbm>> -> memref<125x80xi32, #tpu.memory_space<hbm>>
      %dma_wait3A_95 = arith.constant 0 : i32
      %dma_wait3A_96 = arith.constant 0 : i32
      %dma_wait3A_97 = tpu.memref_slice %arg4[%add3A, %dma_wait3A_95, %dma_wait3A_96] : memref<32x125x80xi32, #tpu.memory_space<hbm>> -> memref<1x125x80xi32, #tpu.memory_space<hbm>>
      %dma_wait3A_98 = tpu.memref_squeeze %dma_wait3A_97 : memref<1x125x80xi32, #tpu.memory_space<hbm>> -> memref<125x80xi32, #tpu.memory_space<hbm>>
      tpu.wait_dma2 semaphore(%run_scoped3A : memref<!tpu.dma_semaphore, #tpu.memory_space<semaphore_mem>>) src(%dma_wait3A_98 : memref<125x80xi32, #tpu.memory_space<hbm>>) dst(%arg8 : memref<125x80xi32, #tpu.memory_space<vmem>>)
      tpu.yield
    }) : () -> ()
    %barrier3A = arith.constant 0 : index
    tpu.barrier barrier_id(%barrier3A)
    %scan3A = arith.constant 0 : i32
    %scan3A_9 = arith.constant 0 : i32
    %scan3A_10 = arith.constant 25 : i32
    %scan3A_11 = arith.addi %scan3A_9, %scan3A_10 : i32
    %scan3A_12 = arith.constant 1 : i32
    scf.for %scan3A_84 = %scan3A_9 to %scan3A_11 step %scan3A_12  : i32 {
      %mul3A_85 = arith.constant 5 : i32
      %mul3A_86 = arith.muli %scan3A_84, %mul3A_85 : i32
      %gt3A = arith.constant 0 : i32
      %gt3A_87 = arith.cmpi sgt, %scan3A_84, %gt3A : i32
      %convert_element_type3A_88 = arith.extui %gt3A_87 : i1 to i32
      %cond3A_89 = arith.constant 0 : i32
      %cond3A_90 = arith.cmpi ne, %convert_element_type3A_88, %cond3A_89 : i32
      scf.if %cond3A_90 {
        %dma_wait3A_295 = arith.constant 0 : i32
        %dma_wait3A_296 = arith.constant 0 : i32
        %dma_wait3A_297 = arith.constant 0 : i32
        %dma_wait3A_298 = arith.constant 0 : i32
        %dma_wait3A_299 = tpu.memref_slice %arg9[%dma_wait3A_295, %dma_wait3A_297, %dma_wait3A_298] : memref<5x80x32xf32, #tpu.memory_space<vmem>> -> memref<1x80x32xf32, #tpu.memory_space<vmem>>
        %dma_wait3A_300 = tpu.memref_squeeze %dma_wait3A_299 : memref<1x80x32xf32, #tpu.memory_space<vmem>> -> memref<80x32xf32, #tpu.memory_space<vmem>>
        %dma_wait3A_301 = arith.constant 0 : i32
        %dma_wait3A_302 = tpu.memref_slice %arg8[%dma_wait3A_296, %dma_wait3A_301] : memref<125x80xi32, #tpu.memory_space<vmem>> -> memref<1x80xi32, #tpu.memory_space<vmem>>
        %dma_wait3A_303 = tpu.memref_squeeze %dma_wait3A_302 : memref<1x80xi32, #tpu.memory_space<vmem>> -> memref<80xi32, #tpu.memory_space<vmem>>
        %dma_wait3A_304 = arith.constant 0 : i32
        %dma_wait3A_305 = arith.constant 0 : i32
        %dma_wait3A_306 = tpu.memref_slice %arg10[%dma_wait3A_304, %dma_wait3A_305] : memref<10000x32xf32, #tpu.memory_space<vmem_shared>> -> memref<10000x32xf32, #tpu.memory_space<vmem_shared>>
        tpu.wait_indirect_dma semaphore(%arg16 : memref<!tpu.dma_semaphore, #tpu.memory_space<semaphore_mem>>) src(%dma_wait3A_300 : memref<80x32xf32, #tpu.memory_space<vmem>>) dst(%dma_wait3A_306 : memref<10000x32xf32, #tpu.memory_space<vmem_shared>>)
      } else {
      }
      %add3A_91 = arith.constant 0 : i32
      %add3A_92 = arith.addi %mul3A_86, %add3A_91 : i32
      %dma_start3A = arith.constant 0 : i32
      %dma_start3A_93 = arith.constant 0 : i32
      %dma_start3A_94 = arith.constant 0 : i32
      %dma_start3A_95 = tpu.memref_slice %arg9[%dma_start3A, %dma_start3A_93, %dma_start3A_94] : memref<5x80x32xf32, #tpu.memory_space<vmem>> -> memref<1x80x32xf32, #tpu.memory_space<vmem>>
      %dma_start3A_96 = tpu.memref_squeeze %dma_start3A_95 : memref<1x80x32xf32, #tpu.memory_space<vmem>> -> memref<80x32xf32, #tpu.memory_space<vmem>>
      %dma_start3A_97 = arith.constant 0 : i32
      %dma_start3A_98 = tpu.memref_slice %arg7[%add3A_92, %dma_start3A_97] : memref<125x80xi32, #tpu.memory_space<vmem>> -> memref<1x80xi32, #tpu.memory_space<vmem>>
      %dma_start3A_99 = tpu.memref_squeeze %dma_start3A_98 : memref<1x80xi32, #tpu.memory_space<vmem>> -> memref<80xi32, #tpu.memory_space<vmem>>
      %dma_start3A_100 = arith.constant 0 : i32
      %dma_start3A_101 = arith.constant 0 : i32
      %dma_start3A_102 = tpu.memref_slice %arg2[%dma_start3A_100, %dma_start3A_101] : memref<10000x32xf32, #tpu.memory_space<hbm>> -> memref<10000x32xf32, #tpu.memory_space<hbm>>
      tpu.enqueue_indirect_dma source(%dma_start3A_102 : memref<10000x32xf32, #tpu.memory_space<hbm>>) target(%dma_start3A_96 : memref<80x32xf32, #tpu.memory_space<vmem>>) offsets(%dma_start3A_99 : memref<80xi32, #tpu.memory_space<vmem>>) semaphore(%arg11 : memref<!tpu.dma_semaphore, #tpu.memory_space<semaphore_mem>>)
      %gt3A_103 = arith.constant 0 : i32
      %gt3A_104 = arith.cmpi sgt, %scan3A_84, %gt3A_103 : i32
      %convert_element_type3A_105 = arith.extui %gt3A_104 : i1 to i32
      %cond3A_106 = arith.constant 0 : i32
      %cond3A_107 = arith.cmpi ne, %convert_element_type3A_105, %cond3A_106 : i32
      scf.if %cond3A_107 {
        %dma_wait3A_295 = arith.constant 1 : i32
        %dma_wait3A_296 = arith.constant 0 : i32
        %dma_wait3A_297 = arith.constant 0 : i32
        %dma_wait3A_298 = arith.constant 0 : i32
        %dma_wait3A_299 = tpu.memref_slice %arg9[%dma_wait3A_295, %dma_wait3A_297, %dma_wait3A_298] : memref<5x80x32xf32, #tpu.memory_space<vmem>> -> memref<1x80x32xf32, #tpu.memory_space<vmem>>
        %dma_wait3A_300 = tpu.memref_squeeze %dma_wait3A_299 : memref<1x80x32xf32, #tpu.memory_space<vmem>> -> memref<80x32xf32, #tpu.memory_space<vmem>>
        %dma_wait3A_301 = arith.constant 0 : i32
        %dma_wait3A_302 = tpu.memref_slice %arg8[%dma_wait3A_296, %dma_wait3A_301] : memref<125x80xi32, #tpu.memory_space<vmem>> -> memref<1x80xi32, #tpu.memory_space<vmem>>
        %dma_wait3A_303 = tpu.memref_squeeze %dma_wait3A_302 : memref<1x80xi32, #tpu.memory_space<vmem>> -> memref<80xi32, #tpu.memory_space<vmem>>
        %dma_wait3A_304 = arith.constant 0 : i32
        %dma_wait3A_305 = arith.constant 0 : i32
        %dma_wait3A_306 = tpu.memref_slice %arg10[%dma_wait3A_304, %dma_wait3A_305] : memref<10000x32xf32, #tpu.memory_space<vmem_shared>> -> memref<10000x32xf32, #tpu.memory_space<vmem_shared>>
        tpu.wait_indirect_dma semaphore(%arg17 : memref<!tpu.dma_semaphore, #tpu.memory_space<semaphore_mem>>) src(%dma_wait3A_300 : memref<80x32xf32, #tpu.memory_space<vmem>>) dst(%dma_wait3A_306 : memref<10000x32xf32, #tpu.memory_space<vmem_shared>>)
      } else {
      }
      %add3A_108 = arith.constant 1 : i32
      %add3A_109 = arith.addi %mul3A_86, %add3A_108 : i32
      %dma_start3A_110 = arith.constant 1 : i32
      %dma_start3A_111 = arith.constant 0 : i32
      %dma_start3A_112 = arith.constant 0 : i32
      %dma_start3A_113 = tpu.memref_slice %arg9[%dma_start3A_110, %dma_start3A_111, %dma_start3A_112] : memref<5x80x32xf32, #tpu.memory_space<vmem>> -> memref<1x80x32xf32, #tpu.memory_space<vmem>>
      %dma_start3A_114 = tpu.memref_squeeze %dma_start3A_113 : memref<1x80x32xf32, #tpu.memory_space<vmem>> -> memref<80x32xf32, #tpu.memory_space<vmem>>
      %dma_start3A_115 = arith.constant 0 : i32
      %dma_start3A_116 = tpu.memref_slice %arg7[%add3A_109, %dma_start3A_115] : memref<125x80xi32, #tpu.memory_space<vmem>> -> memref<1x80xi32, #tpu.memory_space<vmem>>
      %dma_start3A_117 = tpu.memref_squeeze %dma_start3A_116 : memref<1x80xi32, #tpu.memory_space<vmem>> -> memref<80xi32, #tpu.memory_space<vmem>>
      %dma_start3A_118 = arith.constant 0 : i32
      %dma_start3A_119 = arith.constant 0 : i32
      %dma_start3A_120 = tpu.memref_slice %arg2[%dma_start3A_118, %dma_start3A_119] : memref<10000x32xf32, #tpu.memory_space<hbm>> -> memref<10000x32xf32, #tpu.memory_space<hbm>>
      tpu.enqueue_indirect_dma source(%dma_start3A_120 : memref<10000x32xf32, #tpu.memory_space<hbm>>) target(%dma_start3A_114 : memref<80x32xf32, #tpu.memory_space<vmem>>) offsets(%dma_start3A_117 : memref<80xi32, #tpu.memory_space<vmem>>) semaphore(%arg12 : memref<!tpu.dma_semaphore, #tpu.memory_space<semaphore_mem>>)
      %gt3A_121 = arith.constant 0 : i32
      %gt3A_122 = arith.cmpi sgt, %scan3A_84, %gt3A_121 : i32
      %convert_element_type3A_123 = arith.extui %gt3A_122 : i1 to i32
      %cond3A_124 = arith.constant 0 : i32
      %cond3A_125 = arith.cmpi ne, %convert_element_type3A_123, %cond3A_124 : i32
      scf.if %cond3A_125 {
        %dma_wait3A_295 = arith.constant 2 : i32
        %dma_wait3A_296 = arith.constant 0 : i32
        %dma_wait3A_297 = arith.constant 0 : i32
        %dma_wait3A_298 = arith.constant 0 : i32
        %dma_wait3A_299 = tpu.memref_slice %arg9[%dma_wait3A_295, %dma_wait3A_297, %dma_wait3A_298] : memref<5x80x32xf32, #tpu.memory_space<vmem>> -> memref<1x80x32xf32, #tpu.memory_space<vmem>>
        %dma_wait3A_300 = tpu.memref_squeeze %dma_wait3A_299 : memref<1x80x32xf32, #tpu.memory_space<vmem>> -> memref<80x32xf32, #tpu.memory_space<vmem>>
        %dma_wait3A_301 = arith.constant 0 : i32
        %dma_wait3A_302 = tpu.memref_slice %arg8[%dma_wait3A_296, %dma_wait3A_301] : memref<125x80xi32, #tpu.memory_space<vmem>> -> memref<1x80xi32, #tpu.memory_space<vmem>>
        %dma_wait3A_303 = tpu.memref_squeeze %dma_wait3A_302 : memref<1x80xi32, #tpu.memory_space<vmem>> -> memref<80xi32, #tpu.memory_space<vmem>>
        %dma_wait3A_304 = arith.constant 0 : i32
        %dma_wait3A_305 = arith.constant 0 : i32
        %dma_wait3A_306 = tpu.memref_slice %arg10[%dma_wait3A_304, %dma_wait3A_305] : memref<10000x32xf32, #tpu.memory_space<vmem_shared>> -> memref<10000x32xf32, #tpu.memory_space<vmem_shared>>
        tpu.wait_indirect_dma semaphore(%arg18 : memref<!tpu.dma_semaphore, #tpu.memory_space<semaphore_mem>>) src(%dma_wait3A_300 : memref<80x32xf32, #tpu.memory_space<vmem>>) dst(%dma_wait3A_306 : memref<10000x32xf32, #tpu.memory_space<vmem_shared>>)
      } else {
      }
      %add3A_126 = arith.constant 2 : i32
      %add3A_127 = arith.addi %mul3A_86, %add3A_126 : i32
      %dma_start3A_128 = arith.constant 2 : i32
      %dma_start3A_129 = arith.constant 0 : i32
      %dma_start3A_130 = arith.constant 0 : i32
      %dma_start3A_131 = tpu.memref_slice %arg9[%dma_start3A_128, %dma_start3A_129, %dma_start3A_130] : memref<5x80x32xf32, #tpu.memory_space<vmem>> -> memref<1x80x32xf32, #tpu.memory_space<vmem>>
      %dma_start3A_132 = tpu.memref_squeeze %dma_start3A_131 : memref<1x80x32xf32, #tpu.memory_space<vmem>> -> memref<80x32xf32, #tpu.memory_space<vmem>>
      %dma_start3A_133 = arith.constant 0 : i32
      %dma_start3A_134 = tpu.memref_slice %arg7[%add3A_127, %dma_start3A_133] : memref<125x80xi32, #tpu.memory_space<vmem>> -> memref<1x80xi32, #tpu.memory_space<vmem>>
      %dma_start3A_135 = tpu.memref_squeeze %dma_start3A_134 : memref<1x80xi32, #tpu.memory_space<vmem>> -> memref<80xi32, #tpu.memory_space<vmem>>
      %dma_start3A_136 = arith.constant 0 : i32
      %dma_start3A_137 = arith.constant 0 : i32
      %dma_start3A_138 = tpu.memref_slice %arg2[%dma_start3A_136, %dma_start3A_137] : memref<10000x32xf32, #tpu.memory_space<hbm>> -> memref<10000x32xf32, #tpu.memory_space<hbm>>
      tpu.enqueue_indirect_dma source(%dma_start3A_138 : memref<10000x32xf32, #tpu.memory_space<hbm>>) target(%dma_start3A_132 : memref<80x32xf32, #tpu.memory_space<vmem>>) offsets(%dma_start3A_135 : memref<80xi32, #tpu.memory_space<vmem>>) semaphore(%arg13 : memref<!tpu.dma_semaphore, #tpu.memory_space<semaphore_mem>>)
      %gt3A_139 = arith.constant 0 : i32
      %gt3A_140 = arith.cmpi sgt, %scan3A_84, %gt3A_139 : i32
      %convert_element_type3A_141 = arith.extui %gt3A_140 : i1 to i32
      %cond3A_142 = arith.constant 0 : i32
      %cond3A_143 = arith.cmpi ne, %convert_element_type3A_141, %cond3A_142 : i32
      scf.if %cond3A_143 {
        %dma_wait3A_295 = arith.constant 3 : i32
        %dma_wait3A_296 = arith.constant 0 : i32
        %dma_wait3A_297 = arith.constant 0 : i32
        %dma_wait3A_298 = arith.constant 0 : i32
        %dma_wait3A_299 = tpu.memref_slice %arg9[%dma_wait3A_295, %dma_wait3A_297, %dma_wait3A_298] : memref<5x80x32xf32, #tpu.memory_space<vmem>> -> memref<1x80x32xf32, #tpu.memory_space<vmem>>
        %dma_wait3A_300 = tpu.memref_squeeze %dma_wait3A_299 : memref<1x80x32xf32, #tpu.memory_space<vmem>> -> memref<80x32xf32, #tpu.memory_space<vmem>>
        %dma_wait3A_301 = arith.constant 0 : i32
        %dma_wait3A_302 = tpu.memref_slice %arg8[%dma_wait3A_296, %dma_wait3A_301] : memref<125x80xi32, #tpu.memory_space<vmem>> -> memref<1x80xi32, #tpu.memory_space<vmem>>
        %dma_wait3A_303 = tpu.memref_squeeze %dma_wait3A_302 : memref<1x80xi32, #tpu.memory_space<vmem>> -> memref<80xi32, #tpu.memory_space<vmem>>
        %dma_wait3A_304 = arith.constant 0 : i32
        %dma_wait3A_305 = arith.constant 0 : i32
        %dma_wait3A_306 = tpu.memref_slice %arg10[%dma_wait3A_304, %dma_wait3A_305] : memref<10000x32xf32, #tpu.memory_space<vmem_shared>> -> memref<10000x32xf32, #tpu.memory_space<vmem_shared>>
        tpu.wait_indirect_dma semaphore(%arg19 : memref<!tpu.dma_semaphore, #tpu.memory_space<semaphore_mem>>) src(%dma_wait3A_300 : memref<80x32xf32, #tpu.memory_space<vmem>>) dst(%dma_wait3A_306 : memref<10000x32xf32, #tpu.memory_space<vmem_shared>>)
      } else {
      }
      %add3A_144 = arith.constant 3 : i32
      %add3A_145 = arith.addi %mul3A_86, %add3A_144 : i32
      %dma_start3A_146 = arith.constant 3 : i32
      %dma_start3A_147 = arith.constant 0 : i32
      %dma_start3A_148 = arith.constant 0 : i32
      %dma_start3A_149 = tpu.memref_slice %arg9[%dma_start3A_146, %dma_start3A_147, %dma_start3A_148] : memref<5x80x32xf32, #tpu.memory_space<vmem>> -> memref<1x80x32xf32, #tpu.memory_space<vmem>>
      %dma_start3A_150 = tpu.memref_squeeze %dma_start3A_149 : memref<1x80x32xf32, #tpu.memory_space<vmem>> -> memref<80x32xf32, #tpu.memory_space<vmem>>
      %dma_start3A_151 = arith.constant 0 : i32
      %dma_start3A_152 = tpu.memref_slice %arg7[%add3A_145, %dma_start3A_151] : memref<125x80xi32, #tpu.memory_space<vmem>> -> memref<1x80xi32, #tpu.memory_space<vmem>>
      %dma_start3A_153 = tpu.memref_squeeze %dma_start3A_152 : memref<1x80xi32, #tpu.memory_space<vmem>> -> memref<80xi32, #tpu.memory_space<vmem>>
      %dma_start3A_154 = arith.constant 0 : i32
      %dma_start3A_155 = arith.constant 0 : i32
      %dma_start3A_156 = tpu.memref_slice %arg2[%dma_start3A_154, %dma_start3A_155] : memref<10000x32xf32, #tpu.memory_space<hbm>> -> memref<10000x32xf32, #tpu.memory_space<hbm>>
      tpu.enqueue_indirect_dma source(%dma_start3A_156 : memref<10000x32xf32, #tpu.memory_space<hbm>>) target(%dma_start3A_150 : memref<80x32xf32, #tpu.memory_space<vmem>>) offsets(%dma_start3A_153 : memref<80xi32, #tpu.memory_space<vmem>>) semaphore(%arg14 : memref<!tpu.dma_semaphore, #tpu.memory_space<semaphore_mem>>)
      %gt3A_157 = arith.constant 0 : i32
      %gt3A_158 = arith.cmpi sgt, %scan3A_84, %gt3A_157 : i32
      %convert_element_type3A_159 = arith.extui %gt3A_158 : i1 to i32
      %cond3A_160 = arith.constant 0 : i32
      %cond3A_161 = arith.cmpi ne, %convert_element_type3A_159, %cond3A_160 : i32
      scf.if %cond3A_161 {
        %dma_wait3A_295 = arith.constant 4 : i32
        %dma_wait3A_296 = arith.constant 0 : i32
        %dma_wait3A_297 = arith.constant 0 : i32
        %dma_wait3A_298 = arith.constant 0 : i32
        %dma_wait3A_299 = tpu.memref_slice %arg9[%dma_wait3A_295, %dma_wait3A_297, %dma_wait3A_298] : memref<5x80x32xf32, #tpu.memory_space<vmem>> -> memref<1x80x32xf32, #tpu.memory_space<vmem>>
        %dma_wait3A_300 = tpu.memref_squeeze %dma_wait3A_299 : memref<1x80x32xf32, #tpu.memory_space<vmem>> -> memref<80x32xf32, #tpu.memory_space<vmem>>
        %dma_wait3A_301 = arith.constant 0 : i32
        %dma_wait3A_302 = tpu.memref_slice %arg8[%dma_wait3A_296, %dma_wait3A_301] : memref<125x80xi32, #tpu.memory_space<vmem>> -> memref<1x80xi32, #tpu.memory_space<vmem>>
        %dma_wait3A_303 = tpu.memref_squeeze %dma_wait3A_302 : memref<1x80xi32, #tpu.memory_space<vmem>> -> memref<80xi32, #tpu.memory_space<vmem>>
        %dma_wait3A_304 = arith.constant 0 : i32
        %dma_wait3A_305 = arith.constant 0 : i32
        %dma_wait3A_306 = tpu.memref_slice %arg10[%dma_wait3A_304, %dma_wait3A_305] : memref<10000x32xf32, #tpu.memory_space<vmem_shared>> -> memref<10000x32xf32, #tpu.memory_space<vmem_shared>>
        tpu.wait_indirect_dma semaphore(%arg20 : memref<!tpu.dma_semaphore, #tpu.memory_space<semaphore_mem>>) src(%dma_wait3A_300 : memref<80x32xf32, #tpu.memory_space<vmem>>) dst(%dma_wait3A_306 : memref<10000x32xf32, #tpu.memory_space<vmem_shared>>)
      } else {
      }
      %add3A_162 = arith.constant 4 : i32
      %add3A_163 = arith.addi %mul3A_86, %add3A_162 : i32
      %dma_start3A_164 = arith.constant 4 : i32
      %dma_start3A_165 = arith.constant 0 : i32
      %dma_start3A_166 = arith.constant 0 : i32
      %dma_start3A_167 = tpu.memref_slice %arg9[%dma_start3A_164, %dma_start3A_165, %dma_start3A_166] : memref<5x80x32xf32, #tpu.memory_space<vmem>> -> memref<1x80x32xf32, #tpu.memory_space<vmem>>
      %dma_start3A_168 = tpu.memref_squeeze %dma_start3A_167 : memref<1x80x32xf32, #tpu.memory_space<vmem>> -> memref<80x32xf32, #tpu.memory_space<vmem>>
      %dma_start3A_169 = arith.constant 0 : i32
      %dma_start3A_170 = tpu.memref_slice %arg7[%add3A_163, %dma_start3A_169] : memref<125x80xi32, #tpu.memory_space<vmem>> -> memref<1x80xi32, #tpu.memory_space<vmem>>
      %dma_start3A_171 = tpu.memref_squeeze %dma_start3A_170 : memref<1x80xi32, #tpu.memory_space<vmem>> -> memref<80xi32, #tpu.memory_space<vmem>>
      %dma_start3A_172 = arith.constant 0 : i32
      %dma_start3A_173 = arith.constant 0 : i32
      %dma_start3A_174 = tpu.memref_slice %arg2[%dma_start3A_172, %dma_start3A_173] : memref<10000x32xf32, #tpu.memory_space<hbm>> -> memref<10000x32xf32, #tpu.memory_space<hbm>>
      tpu.enqueue_indirect_dma source(%dma_start3A_174 : memref<10000x32xf32, #tpu.memory_space<hbm>>) target(%dma_start3A_168 : memref<80x32xf32, #tpu.memory_space<vmem>>) offsets(%dma_start3A_171 : memref<80xi32, #tpu.memory_space<vmem>>) semaphore(%arg15 : memref<!tpu.dma_semaphore, #tpu.memory_space<semaphore_mem>>)
      %dma_wait3A_175 = arith.constant 0 : i32
      %dma_wait3A_176 = arith.constant 0 : i32
      %dma_wait3A_177 = arith.constant 0 : i32
      %dma_wait3A_178 = tpu.memref_slice %arg9[%dma_wait3A_175, %dma_wait3A_176, %dma_wait3A_177] : memref<5x80x32xf32, #tpu.memory_space<vmem>> -> memref<1x80x32xf32, #tpu.memory_space<vmem>>
      %dma_wait3A_179 = tpu.memref_squeeze %dma_wait3A_178 : memref<1x80x32xf32, #tpu.memory_space<vmem>> -> memref<80x32xf32, #tpu.memory_space<vmem>>
      %dma_wait3A_180 = arith.constant 0 : i32
      %dma_wait3A_181 = tpu.memref_slice %arg7[%add3A_92, %dma_wait3A_180] : memref<125x80xi32, #tpu.memory_space<vmem>> -> memref<1x80xi32, #tpu.memory_space<vmem>>
      %dma_wait3A_182 = tpu.memref_squeeze %dma_wait3A_181 : memref<1x80xi32, #tpu.memory_space<vmem>> -> memref<80xi32, #tpu.memory_space<vmem>>
      %dma_wait3A_183 = arith.constant 0 : i32
      %dma_wait3A_184 = arith.constant 0 : i32
      %dma_wait3A_185 = tpu.memref_slice %arg2[%dma_wait3A_183, %dma_wait3A_184] : memref<10000x32xf32, #tpu.memory_space<hbm>> -> memref<10000x32xf32, #tpu.memory_space<hbm>>
      tpu.wait_indirect_dma semaphore(%arg11 : memref<!tpu.dma_semaphore, #tpu.memory_space<semaphore_mem>>) src(%dma_wait3A_185 : memref<10000x32xf32, #tpu.memory_space<hbm>>) dst(%dma_wait3A_179 : memref<80x32xf32, #tpu.memory_space<vmem>>)
      %add3A_186 = arith.constant 0 : i32
      %add3A_187 = arith.addi %mul3A_86, %add3A_186 : i32
      %dma_start3A_188 = arith.constant 0 : i32
      %dma_start3A_189 = arith.constant 0 : i32
      %dma_start3A_190 = arith.constant 0 : i32
      %dma_start3A_191 = tpu.memref_slice %arg9[%dma_start3A_188, %dma_start3A_189, %dma_start3A_190] : memref<5x80x32xf32, #tpu.memory_space<vmem>> -> memref<1x80x32xf32, #tpu.memory_space<vmem>>
      %dma_start3A_192 = tpu.memref_squeeze %dma_start3A_191 : memref<1x80x32xf32, #tpu.memory_space<vmem>> -> memref<80x32xf32, #tpu.memory_space<vmem>>
      %dma_start3A_193 = arith.constant 0 : i32
      %dma_start3A_194 = tpu.memref_slice %arg8[%add3A_187, %dma_start3A_193] : memref<125x80xi32, #tpu.memory_space<vmem>> -> memref<1x80xi32, #tpu.memory_space<vmem>>
      %dma_start3A_195 = tpu.memref_squeeze %dma_start3A_194 : memref<1x80xi32, #tpu.memory_space<vmem>> -> memref<80xi32, #tpu.memory_space<vmem>>
      %dma_start3A_196 = arith.constant 0 : i32
      %dma_start3A_197 = arith.constant 0 : i32
      %dma_start3A_198 = tpu.memref_slice %arg10[%dma_start3A_196, %dma_start3A_197] : memref<10000x32xf32, #tpu.memory_space<vmem_shared>> -> memref<10000x32xf32, #tpu.memory_space<vmem_shared>>
      tpu.enqueue_indirect_dma source(%dma_start3A_192 : memref<80x32xf32, #tpu.memory_space<vmem>>) target(%dma_start3A_198 : memref<10000x32xf32, #tpu.memory_space<vmem_shared>>) offsets(%dma_start3A_195 : memref<80xi32, #tpu.memory_space<vmem>>) semaphore(%arg16 : memref<!tpu.dma_semaphore, #tpu.memory_space<semaphore_mem>>) {add = true}
      %dma_wait3A_199 = arith.constant 1 : i32
      %dma_wait3A_200 = arith.constant 0 : i32
      %dma_wait3A_201 = arith.constant 0 : i32
      %dma_wait3A_202 = tpu.memref_slice %arg9[%dma_wait3A_199, %dma_wait3A_200, %dma_wait3A_201] : memref<5x80x32xf32, #tpu.memory_space<vmem>> -> memref<1x80x32xf32, #tpu.memory_space<vmem>>
      %dma_wait3A_203 = tpu.memref_squeeze %dma_wait3A_202 : memref<1x80x32xf32, #tpu.memory_space<vmem>> -> memref<80x32xf32, #tpu.memory_space<vmem>>
      %dma_wait3A_204 = arith.constant 0 : i32
      %dma_wait3A_205 = tpu.memref_slice %arg7[%add3A_109, %dma_wait3A_204] : memref<125x80xi32, #tpu.memory_space<vmem>> -> memref<1x80xi32, #tpu.memory_space<vmem>>
      %dma_wait3A_206 = tpu.memref_squeeze %dma_wait3A_205 : memref<1x80xi32, #tpu.memory_space<vmem>> -> memref<80xi32, #tpu.memory_space<vmem>>
      %dma_wait3A_207 = arith.constant 0 : i32
      %dma_wait3A_208 = arith.constant 0 : i32
      %dma_wait3A_209 = tpu.memref_slice %arg2[%dma_wait3A_207, %dma_wait3A_208] : memref<10000x32xf32, #tpu.memory_space<hbm>> -> memref<10000x32xf32, #tpu.memory_space<hbm>>
      tpu.wait_indirect_dma semaphore(%arg12 : memref<!tpu.dma_semaphore, #tpu.memory_space<semaphore_mem>>) src(%dma_wait3A_209 : memref<10000x32xf32, #tpu.memory_space<hbm>>) dst(%dma_wait3A_203 : memref<80x32xf32, #tpu.memory_space<vmem>>)
      %add3A_210 = arith.constant 1 : i32
      %add3A_211 = arith.addi %mul3A_86, %add3A_210 : i32
      %dma_start3A_212 = arith.constant 1 : i32
      %dma_start3A_213 = arith.constant 0 : i32
      %dma_start3A_214 = arith.constant 0 : i32
      %dma_start3A_215 = tpu.memref_slice %arg9[%dma_start3A_212, %dma_start3A_213, %dma_start3A_214] : memref<5x80x32xf32, #tpu.memory_space<vmem>> -> memref<1x80x32xf32, #tpu.memory_space<vmem>>
      %dma_start3A_216 = tpu.memref_squeeze %dma_start3A_215 : memref<1x80x32xf32, #tpu.memory_space<vmem>> -> memref<80x32xf32, #tpu.memory_space<vmem>>
      %dma_start3A_217 = arith.constant 0 : i32
      %dma_start3A_218 = tpu.memref_slice %arg8[%add3A_211, %dma_start3A_217] : memref<125x80xi32, #tpu.memory_space<vmem>> -> memref<1x80xi32, #tpu.memory_space<vmem>>
      %dma_start3A_219 = tpu.memref_squeeze %dma_start3A_218 : memref<1x80xi32, #tpu.memory_space<vmem>> -> memref<80xi32, #tpu.memory_space<vmem>>
      %dma_start3A_220 = arith.constant 0 : i32
      %dma_start3A_221 = arith.constant 0 : i32
      %dma_start3A_222 = tpu.memref_slice %arg10[%dma_start3A_220, %dma_start3A_221] : memref<10000x32xf32, #tpu.memory_space<vmem_shared>> -> memref<10000x32xf32, #tpu.memory_space<vmem_shared>>
      tpu.enqueue_indirect_dma source(%dma_start3A_216 : memref<80x32xf32, #tpu.memory_space<vmem>>) target(%dma_start3A_222 : memref<10000x32xf32, #tpu.memory_space<vmem_shared>>) offsets(%dma_start3A_219 : memref<80xi32, #tpu.memory_space<vmem>>) semaphore(%arg17 : memref<!tpu.dma_semaphore, #tpu.memory_space<semaphore_mem>>) {add = true}
      %dma_wait3A_223 = arith.constant 2 : i32
      %dma_wait3A_224 = arith.constant 0 : i32
      %dma_wait3A_225 = arith.constant 0 : i32
      %dma_wait3A_226 = tpu.memref_slice %arg9[%dma_wait3A_223, %dma_wait3A_224, %dma_wait3A_225] : memref<5x80x32xf32, #tpu.memory_space<vmem>> -> memref<1x80x32xf32, #tpu.memory_space<vmem>>
      %dma_wait3A_227 = tpu.memref_squeeze %dma_wait3A_226 : memref<1x80x32xf32, #tpu.memory_space<vmem>> -> memref<80x32xf32, #tpu.memory_space<vmem>>
      %dma_wait3A_228 = arith.constant 0 : i32
      %dma_wait3A_229 = tpu.memref_slice %arg7[%add3A_127, %dma_wait3A_228] : memref<125x80xi32, #tpu.memory_space<vmem>> -> memref<1x80xi32, #tpu.memory_space<vmem>>
      %dma_wait3A_230 = tpu.memref_squeeze %dma_wait3A_229 : memref<1x80xi32, #tpu.memory_space<vmem>> -> memref<80xi32, #tpu.memory_space<vmem>>
      %dma_wait3A_231 = arith.constant 0 : i32
      %dma_wait3A_232 = arith.constant 0 : i32
      %dma_wait3A_233 = tpu.memref_slice %arg2[%dma_wait3A_231, %dma_wait3A_232] : memref<10000x32xf32, #tpu.memory_space<hbm>> -> memref<10000x32xf32, #tpu.memory_space<hbm>>
      tpu.wait_indirect_dma semaphore(%arg13 : memref<!tpu.dma_semaphore, #tpu.memory_space<semaphore_mem>>) src(%dma_wait3A_233 : memref<10000x32xf32, #tpu.memory_space<hbm>>) dst(%dma_wait3A_227 : memref<80x32xf32, #tpu.memory_space<vmem>>)
      %add3A_234 = arith.constant 2 : i32
      %add3A_235 = arith.addi %mul3A_86, %add3A_234 : i32
      %dma_start3A_236 = arith.constant 2 : i32
      %dma_start3A_237 = arith.constant 0 : i32
      %dma_start3A_238 = arith.constant 0 : i32
      %dma_start3A_239 = tpu.memref_slice %arg9[%dma_start3A_236, %dma_start3A_237, %dma_start3A_238] : memref<5x80x32xf32, #tpu.memory_space<vmem>> -> memref<1x80x32xf32, #tpu.memory_space<vmem>>
      %dma_start3A_240 = tpu.memref_squeeze %dma_start3A_239 : memref<1x80x32xf32, #tpu.memory_space<vmem>> -> memref<80x32xf32, #tpu.memory_space<vmem>>
      %dma_start3A_241 = arith.constant 0 : i32
      %dma_start3A_242 = tpu.memref_slice %arg8[%add3A_235, %dma_start3A_241] : memref<125x80xi32, #tpu.memory_space<vmem>> -> memref<1x80xi32, #tpu.memory_space<vmem>>
      %dma_start3A_243 = tpu.memref_squeeze %dma_start3A_242 : memref<1x80xi32, #tpu.memory_space<vmem>> -> memref<80xi32, #tpu.memory_space<vmem>>
      %dma_start3A_244 = arith.constant 0 : i32
      %dma_start3A_245 = arith.constant 0 : i32
      %dma_start3A_246 = tpu.memref_slice %arg10[%dma_start3A_244, %dma_start3A_245] : memref<10000x32xf32, #tpu.memory_space<vmem_shared>> -> memref<10000x32xf32, #tpu.memory_space<vmem_shared>>
      tpu.enqueue_indirect_dma source(%dma_start3A_240 : memref<80x32xf32, #tpu.memory_space<vmem>>) target(%dma_start3A_246 : memref<10000x32xf32, #tpu.memory_space<vmem_shared>>) offsets(%dma_start3A_243 : memref<80xi32, #tpu.memory_space<vmem>>) semaphore(%arg18 : memref<!tpu.dma_semaphore, #tpu.memory_space<semaphore_mem>>) {add = true}
      %dma_wait3A_247 = arith.constant 3 : i32
      %dma_wait3A_248 = arith.constant 0 : i32
      %dma_wait3A_249 = arith.constant 0 : i32
      %dma_wait3A_250 = tpu.memref_slice %arg9[%dma_wait3A_247, %dma_wait3A_248, %dma_wait3A_249] : memref<5x80x32xf32, #tpu.memory_space<vmem>> -> memref<1x80x32xf32, #tpu.memory_space<vmem>>
      %dma_wait3A_251 = tpu.memref_squeeze %dma_wait3A_250 : memref<1x80x32xf32, #tpu.memory_space<vmem>> -> memref<80x32xf32, #tpu.memory_space<vmem>>
      %dma_wait3A_252 = arith.constant 0 : i32
      %dma_wait3A_253 = tpu.memref_slice %arg7[%add3A_145, %dma_wait3A_252] : memref<125x80xi32, #tpu.memory_space<vmem>> -> memref<1x80xi32, #tpu.memory_space<vmem>>
      %dma_wait3A_254 = tpu.memref_squeeze %dma_wait3A_253 : memref<1x80xi32, #tpu.memory_space<vmem>> -> memref<80xi32, #tpu.memory_space<vmem>>
      %dma_wait3A_255 = arith.constant 0 : i32
      %dma_wait3A_256 = arith.constant 0 : i32
      %dma_wait3A_257 = tpu.memref_slice %arg2[%dma_wait3A_255, %dma_wait3A_256] : memref<10000x32xf32, #tpu.memory_space<hbm>> -> memref<10000x32xf32, #tpu.memory_space<hbm>>
      tpu.wait_indirect_dma semaphore(%arg14 : memref<!tpu.dma_semaphore, #tpu.memory_space<semaphore_mem>>) src(%dma_wait3A_257 : memref<10000x32xf32, #tpu.memory_space<hbm>>) dst(%dma_wait3A_251 : memref<80x32xf32, #tpu.memory_space<vmem>>)
      %add3A_258 = arith.constant 3 : i32
      %add3A_259 = arith.addi %mul3A_86, %add3A_258 : i32
      %dma_start3A_260 = arith.constant 3 : i32
      %dma_start3A_261 = arith.constant 0 : i32
      %dma_start3A_262 = arith.constant 0 : i32
      %dma_start3A_263 = tpu.memref_slice %arg9[%dma_start3A_260, %dma_start3A_261, %dma_start3A_262] : memref<5x80x32xf32, #tpu.memory_space<vmem>> -> memref<1x80x32xf32, #tpu.memory_space<vmem>>
      %dma_start3A_264 = tpu.memref_squeeze %dma_start3A_263 : memref<1x80x32xf32, #tpu.memory_space<vmem>> -> memref<80x32xf32, #tpu.memory_space<vmem>>
      %dma_start3A_265 = arith.constant 0 : i32
      %dma_start3A_266 = tpu.memref_slice %arg8[%add3A_259, %dma_start3A_265] : memref<125x80xi32, #tpu.memory_space<vmem>> -> memref<1x80xi32, #tpu.memory_space<vmem>>
      %dma_start3A_267 = tpu.memref_squeeze %dma_start3A_266 : memref<1x80xi32, #tpu.memory_space<vmem>> -> memref<80xi32, #tpu.memory_space<vmem>>
      %dma_start3A_268 = arith.constant 0 : i32
      %dma_start3A_269 = arith.constant 0 : i32
      %dma_start3A_270 = tpu.memref_slice %arg10[%dma_start3A_268, %dma_start3A_269] : memref<10000x32xf32, #tpu.memory_space<vmem_shared>> -> memref<10000x32xf32, #tpu.memory_space<vmem_shared>>
      tpu.enqueue_indirect_dma source(%dma_start3A_264 : memref<80x32xf32, #tpu.memory_space<vmem>>) target(%dma_start3A_270 : memref<10000x32xf32, #tpu.memory_space<vmem_shared>>) offsets(%dma_start3A_267 : memref<80xi32, #tpu.memory_space<vmem>>) semaphore(%arg19 : memref<!tpu.dma_semaphore, #tpu.memory_space<semaphore_mem>>) {add = true}
      %dma_wait3A_271 = arith.constant 4 : i32
      %dma_wait3A_272 = arith.constant 0 : i32
      %dma_wait3A_273 = arith.constant 0 : i32
      %dma_wait3A_274 = tpu.memref_slice %arg9[%dma_wait3A_271, %dma_wait3A_272, %dma_wait3A_273] : memref<5x80x32xf32, #tpu.memory_space<vmem>> -> memref<1x80x32xf32, #tpu.memory_space<vmem>>
      %dma_wait3A_275 = tpu.memref_squeeze %dma_wait3A_274 : memref<1x80x32xf32, #tpu.memory_space<vmem>> -> memref<80x32xf32, #tpu.memory_space<vmem>>
      %dma_wait3A_276 = arith.constant 0 : i32
      %dma_wait3A_277 = tpu.memref_slice %arg7[%add3A_163, %dma_wait3A_276] : memref<125x80xi32, #tpu.memory_space<vmem>> -> memref<1x80xi32, #tpu.memory_space<vmem>>
      %dma_wait3A_278 = tpu.memref_squeeze %dma_wait3A_277 : memref<1x80xi32, #tpu.memory_space<vmem>> -> memref<80xi32, #tpu.memory_space<vmem>>
      %dma_wait3A_279 = arith.constant 0 : i32
      %dma_wait3A_280 = arith.constant 0 : i32
      %dma_wait3A_281 = tpu.memref_slice %arg2[%dma_wait3A_279, %dma_wait3A_280] : memref<10000x32xf32, #tpu.memory_space<hbm>> -> memref<10000x32xf32, #tpu.memory_space<hbm>>
      tpu.wait_indirect_dma semaphore(%arg15 : memref<!tpu.dma_semaphore, #tpu.memory_space<semaphore_mem>>) src(%dma_wait3A_281 : memref<10000x32xf32, #tpu.memory_space<hbm>>) dst(%dma_wait3A_275 : memref<80x32xf32, #tpu.memory_space<vmem>>)
      %add3A_282 = arith.constant 4 : i32
      %add3A_283 = arith.addi %mul3A_86, %add3A_282 : i32
      %dma_start3A_284 = arith.constant 4 : i32
      %dma_start3A_285 = arith.constant 0 : i32
      %dma_start3A_286 = arith.constant 0 : i32
      %dma_start3A_287 = tpu.memref_slice %arg9[%dma_start3A_284, %dma_start3A_285, %dma_start3A_286] : memref<5x80x32xf32, #tpu.memory_space<vmem>> -> memref<1x80x32xf32, #tpu.memory_space<vmem>>
      %dma_start3A_288 = tpu.memref_squeeze %dma_start3A_287 : memref<1x80x32xf32, #tpu.memory_space<vmem>> -> memref<80x32xf32, #tpu.memory_space<vmem>>
      %dma_start3A_289 = arith.constant 0 : i32
      %dma_start3A_290 = tpu.memref_slice %arg8[%add3A_283, %dma_start3A_289] : memref<125x80xi32, #tpu.memory_space<vmem>> -> memref<1x80xi32, #tpu.memory_space<vmem>>
      %dma_start3A_291 = tpu.memref_squeeze %dma_start3A_290 : memref<1x80xi32, #tpu.memory_space<vmem>> -> memref<80xi32, #tpu.memory_space<vmem>>
      %dma_start3A_292 = arith.constant 0 : i32
      %dma_start3A_293 = arith.constant 0 : i32
      %dma_start3A_294 = tpu.memref_slice %arg10[%dma_start3A_292, %dma_start3A_293] : memref<10000x32xf32, #tpu.memory_space<vmem_shared>> -> memref<10000x32xf32, #tpu.memory_space<vmem_shared>>
      tpu.enqueue_indirect_dma source(%dma_start3A_288 : memref<80x32xf32, #tpu.memory_space<vmem>>) target(%dma_start3A_294 : memref<10000x32xf32, #tpu.memory_space<vmem_shared>>) offsets(%dma_start3A_291 : memref<80xi32, #tpu.memory_space<vmem>>) semaphore(%arg20 : memref<!tpu.dma_semaphore, #tpu.memory_space<semaphore_mem>>) {add = true}
    }
    %scan3A_13 = arith.constant 25 : i32
    %dma_wait3A = arith.constant 0 : i32
    %dma_wait3A_14 = arith.constant 0 : i32
    %dma_wait3A_15 = arith.constant 0 : i32
    %dma_wait3A_16 = arith.constant 0 : i32
    %dma_wait3A_17 = tpu.memref_slice %arg9[%dma_wait3A, %dma_wait3A_15, %dma_wait3A_16] : memref<5x80x32xf32, #tpu.memory_space<vmem>> -> memref<1x80x32xf32, #tpu.memory_space<vmem>>
    %dma_wait3A_18 = tpu.memref_squeeze %dma_wait3A_17 : memref<1x80x32xf32, #tpu.memory_space<vmem>> -> memref<80x32xf32, #tpu.memory_space<vmem>>
    %dma_wait3A_19 = arith.constant 0 : i32
    %dma_wait3A_20 = tpu.memref_slice %arg8[%dma_wait3A_14, %dma_wait3A_19] : memref<125x80xi32, #tpu.memory_space<vmem>> -> memref<1x80xi32, #tpu.memory_space<vmem>>
    %dma_wait3A_21 = tpu.memref_squeeze %dma_wait3A_20 : memref<1x80xi32, #tpu.memory_space<vmem>> -> memref<80xi32, #tpu.memory_space<vmem>>
    %dma_wait3A_22 = arith.constant 0 : i32
    %dma_wait3A_23 = arith.constant 0 : i32
    %dma_wait3A_24 = tpu.memref_slice %arg10[%dma_wait3A_22, %dma_wait3A_23] : memref<10000x32xf32, #tpu.memory_space<vmem_shared>> -> memref<10000x32xf32, #tpu.memory_space<vmem_shared>>
    tpu.wait_indirect_dma semaphore(%arg16 : memref<!tpu.dma_semaphore, #tpu.memory_space<semaphore_mem>>) src(%dma_wait3A_18 : memref<80x32xf32, #tpu.memory_space<vmem>>) dst(%dma_wait3A_24 : memref<10000x32xf32, #tpu.memory_space<vmem_shared>>)
    %dma_wait3A_25 = arith.constant 1 : i32
    %dma_wait3A_26 = arith.constant 0 : i32
    %dma_wait3A_27 = arith.constant 0 : i32
    %dma_wait3A_28 = arith.constant 0 : i32
    %dma_wait3A_29 = tpu.memref_slice %arg9[%dma_wait3A_25, %dma_wait3A_27, %dma_wait3A_28] : memref<5x80x32xf32, #tpu.memory_space<vmem>> -> memref<1x80x32xf32, #tpu.memory_space<vmem>>
    %dma_wait3A_30 = tpu.memref_squeeze %dma_wait3A_29 : memref<1x80x32xf32, #tpu.memory_space<vmem>> -> memref<80x32xf32, #tpu.memory_space<vmem>>
    %dma_wait3A_31 = arith.constant 0 : i32
    %dma_wait3A_32 = tpu.memref_slice %arg8[%dma_wait3A_26, %dma_wait3A_31] : memref<125x80xi32, #tpu.memory_space<vmem>> -> memref<1x80xi32, #tpu.memory_space<vmem>>
    %dma_wait3A_33 = tpu.memref_squeeze %dma_wait3A_32 : memref<1x80xi32, #tpu.memory_space<vmem>> -> memref<80xi32, #tpu.memory_space<vmem>>
    %dma_wait3A_34 = arith.constant 0 : i32
    %dma_wait3A_35 = arith.constant 0 : i32
    %dma_wait3A_36 = tpu.memref_slice %arg10[%dma_wait3A_34, %dma_wait3A_35] : memref<10000x32xf32, #tpu.memory_space<vmem_shared>> -> memref<10000x32xf32, #tpu.memory_space<vmem_shared>>
    tpu.wait_indirect_dma semaphore(%arg17 : memref<!tpu.dma_semaphore, #tpu.memory_space<semaphore_mem>>) src(%dma_wait3A_30 : memref<80x32xf32, #tpu.memory_space<vmem>>) dst(%dma_wait3A_36 : memref<10000x32xf32, #tpu.memory_space<vmem_shared>>)
    %dma_wait3A_37 = arith.constant 2 : i32
    %dma_wait3A_38 = arith.constant 0 : i32
    %dma_wait3A_39 = arith.constant 0 : i32
    %dma_wait3A_40 = arith.constant 0 : i32
    %dma_wait3A_41 = tpu.memref_slice %arg9[%dma_wait3A_37, %dma_wait3A_39, %dma_wait3A_40] : memref<5x80x32xf32, #tpu.memory_space<vmem>> -> memref<1x80x32xf32, #tpu.memory_space<vmem>>
    %dma_wait3A_42 = tpu.memref_squeeze %dma_wait3A_41 : memref<1x80x32xf32, #tpu.memory_space<vmem>> -> memref<80x32xf32, #tpu.memory_space<vmem>>
    %dma_wait3A_43 = arith.constant 0 : i32
    %dma_wait3A_44 = tpu.memref_slice %arg8[%dma_wait3A_38, %dma_wait3A_43] : memref<125x80xi32, #tpu.memory_space<vmem>> -> memref<1x80xi32, #tpu.memory_space<vmem>>
    %dma_wait3A_45 = tpu.memref_squeeze %dma_wait3A_44 : memref<1x80xi32, #tpu.memory_space<vmem>> -> memref<80xi32, #tpu.memory_space<vmem>>
    %dma_wait3A_46 = arith.constant 0 : i32
    %dma_wait3A_47 = arith.constant 0 : i32
    %dma_wait3A_48 = tpu.memref_slice %arg10[%dma_wait3A_46, %dma_wait3A_47] : memref<10000x32xf32, #tpu.memory_space<vmem_shared>> -> memref<10000x32xf32, #tpu.memory_space<vmem_shared>>
    tpu.wait_indirect_dma semaphore(%arg18 : memref<!tpu.dma_semaphore, #tpu.memory_space<semaphore_mem>>) src(%dma_wait3A_42 : memref<80x32xf32, #tpu.memory_space<vmem>>) dst(%dma_wait3A_48 : memref<10000x32xf32, #tpu.memory_space<vmem_shared>>)
    %dma_wait3A_49 = arith.constant 3 : i32
    %dma_wait3A_50 = arith.constant 0 : i32
    %dma_wait3A_51 = arith.constant 0 : i32
    %dma_wait3A_52 = arith.constant 0 : i32
    %dma_wait3A_53 = tpu.memref_slice %arg9[%dma_wait3A_49, %dma_wait3A_51, %dma_wait3A_52] : memref<5x80x32xf32, #tpu.memory_space<vmem>> -> memref<1x80x32xf32, #tpu.memory_space<vmem>>
    %dma_wait3A_54 = tpu.memref_squeeze %dma_wait3A_53 : memref<1x80x32xf32, #tpu.memory_space<vmem>> -> memref<80x32xf32, #tpu.memory_space<vmem>>
    %dma_wait3A_55 = arith.constant 0 : i32
    %dma_wait3A_56 = tpu.memref_slice %arg8[%dma_wait3A_50, %dma_wait3A_55] : memref<125x80xi32, #tpu.memory_space<vmem>> -> memref<1x80xi32, #tpu.memory_space<vmem>>
    %dma_wait3A_57 = tpu.memref_squeeze %dma_wait3A_56 : memref<1x80xi32, #tpu.memory_space<vmem>> -> memref<80xi32, #tpu.memory_space<vmem>>
    %dma_wait3A_58 = arith.constant 0 : i32
    %dma_wait3A_59 = arith.constant 0 : i32
    %dma_wait3A_60 = tpu.memref_slice %arg10[%dma_wait3A_58, %dma_wait3A_59] : memref<10000x32xf32, #tpu.memory_space<vmem_shared>> -> memref<10000x32xf32, #tpu.memory_space<vmem_shared>>
    tpu.wait_indirect_dma semaphore(%arg19 : memref<!tpu.dma_semaphore, #tpu.memory_space<semaphore_mem>>) src(%dma_wait3A_54 : memref<80x32xf32, #tpu.memory_space<vmem>>) dst(%dma_wait3A_60 : memref<10000x32xf32, #tpu.memory_space<vmem_shared>>)
    %dma_wait3A_61 = arith.constant 4 : i32
    %dma_wait3A_62 = arith.constant 0 : i32
    %dma_wait3A_63 = arith.constant 0 : i32
    %dma_wait3A_64 = arith.constant 0 : i32
    %dma_wait3A_65 = tpu.memref_slice %arg9[%dma_wait3A_61, %dma_wait3A_63, %dma_wait3A_64] : memref<5x80x32xf32, #tpu.memory_space<vmem>> -> memref<1x80x32xf32, #tpu.memory_space<vmem>>
    %dma_wait3A_66 = tpu.memref_squeeze %dma_wait3A_65 : memref<1x80x32xf32, #tpu.memory_space<vmem>> -> memref<80x32xf32, #tpu.memory_space<vmem>>
    %dma_wait3A_67 = arith.constant 0 : i32
    %dma_wait3A_68 = tpu.memref_slice %arg8[%dma_wait3A_62, %dma_wait3A_67] : memref<125x80xi32, #tpu.memory_space<vmem>> -> memref<1x80xi32, #tpu.memory_space<vmem>>
    %dma_wait3A_69 = tpu.memref_squeeze %dma_wait3A_68 : memref<1x80xi32, #tpu.memory_space<vmem>> -> memref<80xi32, #tpu.memory_space<vmem>>
    %dma_wait3A_70 = arith.constant 0 : i32
    %dma_wait3A_71 = arith.constant 0 : i32
    %dma_wait3A_72 = tpu.memref_slice %arg10[%dma_wait3A_70, %dma_wait3A_71] : memref<10000x32xf32, #tpu.memory_space<vmem_shared>> -> memref<10000x32xf32, #tpu.memory_space<vmem_shared>>
    tpu.wait_indirect_dma semaphore(%arg20 : memref<!tpu.dma_semaphore, #tpu.memory_space<semaphore_mem>>) src(%dma_wait3A_66 : memref<80x32xf32, #tpu.memory_space<vmem>>) dst(%dma_wait3A_72 : memref<10000x32xf32, #tpu.memory_space<vmem_shared>>)
    %barrier3A_73 = arith.constant 0 : index
    tpu.barrier barrier_id(%barrier3A_73)
    %lt3A_74 = arith.constant 15 : i32
    %lt3A_75 = arith.cmpi slt, %arg1, %lt3A_74 : i32
    %convert_element_type3A_76 = arith.extui %lt3A_75 : i1 to i32
    %cond3A_77 = arith.constant 0 : i32
    %cond3A_78 = arith.cmpi ne, %convert_element_type3A_76, %cond3A_77 : i32
    scf.if %cond3A_78 {
      "tpu.region"() ({
        %run_scoped3A = tpu.sem_alloc : memref<!tpu.dma_semaphore, #tpu.memory_space<semaphore_mem>>
        %dma_start3A = arith.constant 0 : i32
        %dma_start3A_84 = tpu.memref_slice %arg6[%arg0, %multiple_of3A, %dma_start3A] : memref<2x10000x32xf32, #tpu.memory_space<hbm>> -> memref<1x640x32xf32, #tpu.memory_space<hbm>>
        %dma_start3A_85 = tpu.memref_squeeze %dma_start3A_84 : memref<1x640x32xf32, #tpu.memory_space<hbm>> -> memref<640x32xf32, #tpu.memory_space<hbm>>
        %dma_start3A_86 = arith.constant 0 : i32
        %dma_start3A_87 = tpu.memref_slice %arg10[%multiple_of3A, %dma_start3A_86] : memref<10000x32xf32, #tpu.memory_space<vmem_shared>> -> memref<640x32xf32, #tpu.memory_space<vmem_shared>>
        tpu.enqueue_dma source(%dma_start3A_87 : memref<640x32xf32, #tpu.memory_space<vmem_shared>>) target(%dma_start3A_85 : memref<640x32xf32, #tpu.memory_space<hbm>>) target_semaphore(%run_scoped3A : memref<!tpu.dma_semaphore, #tpu.memory_space<semaphore_mem>>)
        %dma_wait3A_88 = arith.constant 0 : i32
        %dma_wait3A_89 = tpu.memref_slice %arg6[%arg0, %multiple_of3A, %dma_wait3A_88] : memref<2x10000x32xf32, #tpu.memory_space<hbm>> -> memref<1x640x32xf32, #tpu.memory_space<hbm>>
        %dma_wait3A_90 = tpu.memref_squeeze %dma_wait3A_89 : memref<1x640x32xf32, #tpu.memory_space<hbm>> -> memref<640x32xf32, #tpu.memory_space<hbm>>
        %dma_wait3A_91 = arith.constant 0 : i32
        %dma_wait3A_92 = tpu.memref_slice %arg10[%multiple_of3A, %dma_wait3A_91] : memref<10000x32xf32, #tpu.memory_space<vmem_shared>> -> memref<640x32xf32, #tpu.memory_space<vmem_shared>>
        tpu.wait_dma2 semaphore(%run_scoped3A : memref<!tpu.dma_semaphore, #tpu.memory_space<semaphore_mem>>) src(%dma_wait3A_92 : memref<640x32xf32, #tpu.memory_space<vmem_shared>>) dst(%dma_wait3A_90 : memref<640x32xf32, #tpu.memory_space<hbm>>)
        tpu.yield
      }) : () -> ()
    } else {
    }
    %eq3A_79 = arith.constant 15 : i32
    %eq3A_80 = arith.cmpi eq, %arg1, %eq3A_79 : i32
    %convert_element_type3A_81 = arith.extui %eq3A_80 : i1 to i32
    %cond3A_82 = arith.constant 0 : i32
    %cond3A_83 = arith.cmpi ne, %convert_element_type3A_81, %cond3A_82 : i32
    scf.if %cond3A_83 {
      "tpu.region"() ({
        %run_scoped3A = tpu.sem_alloc : memref<!tpu.dma_semaphore, #tpu.memory_space<semaphore_mem>>
        %dma_start3A = arith.constant 9600 : i32
        %dma_start3A_84 = arith.constant 0 : i32
        %dma_start3A_85 = tpu.memref_slice %arg6[%arg0, %dma_start3A, %dma_start3A_84] : memref<2x10000x32xf32, #tpu.memory_space<hbm>> -> memref<1x400x32xf32, #tpu.memory_space<hbm>>
        %dma_start3A_86 = tpu.memref_squeeze %dma_start3A_85 : memref<1x400x32xf32, #tpu.memory_space<hbm>> -> memref<400x32xf32, #tpu.memory_space<hbm>>
        %dma_start3A_87 = arith.constant 9600 : i32
        %dma_start3A_88 = arith.constant 0 : i32
        %dma_start3A_89 = tpu.memref_slice %arg10[%dma_start3A_87, %dma_start3A_88] : memref<10000x32xf32, #tpu.memory_space<vmem_shared>> -> memref<400x32xf32, #tpu.memory_space<vmem_shared>>
        tpu.enqueue_dma source(%dma_start3A_89 : memref<400x32xf32, #tpu.memory_space<vmem_shared>>) target(%dma_start3A_86 : memref<400x32xf32, #tpu.memory_space<hbm>>) target_semaphore(%run_scoped3A : memref<!tpu.dma_semaphore, #tpu.memory_space<semaphore_mem>>)
        %dma_wait3A_90 = arith.constant 9600 : i32
        %dma_wait3A_91 = arith.constant 0 : i32
        %dma_wait3A_92 = tpu.memref_slice %arg6[%arg0, %dma_wait3A_90, %dma_wait3A_91] : memref<2x10000x32xf32, #tpu.memory_space<hbm>> -> memref<1x400x32xf32, #tpu.memory_space<hbm>>
        %dma_wait3A_93 = tpu.memref_squeeze %dma_wait3A_92 : memref<1x400x32xf32, #tpu.memory_space<hbm>> -> memref<400x32xf32, #tpu.memory_space<hbm>>
        %dma_wait3A_94 = arith.constant 9600 : i32
        %dma_wait3A_95 = arith.constant 0 : i32
        %dma_wait3A_96 = tpu.memref_slice %arg10[%dma_wait3A_94, %dma_wait3A_95] : memref<10000x32xf32, #tpu.memory_space<vmem_shared>> -> memref<400x32xf32, #tpu.memory_space<vmem_shared>>
        tpu.wait_dma2 semaphore(%run_scoped3A : memref<!tpu.dma_semaphore, #tpu.memory_space<semaphore_mem>>) src(%dma_wait3A_96 : memref<400x32xf32, #tpu.memory_space<vmem_shared>>) dst(%dma_wait3A_93 : memref<400x32xf32, #tpu.memory_space<hbm>>)
        tpu.yield
      }) : () -> ()
    } else {
    }
    return
  }
}

#map = affine_map<(d0, d1) -> (0, 0)>
#map1 = affine_map<(d0, d1) -> (0, 0, 0)>
module attributes {stable_mosaic.version = 14 : i64} {
  func.func @sc_scatter(%arg0: i32, %arg1: i32, %arg2: memref<10000x32xf32, #tpu.memory_space<hbm>>, %arg3: memref<32x125x80xi32, #tpu.memory_space<hbm>>, %arg4: memref<32x125x80xi32, #tpu.memory_space<hbm>>, %arg5: memref<10000x32xf32, #tpu.memory_space<hbm>>, %arg6: memref<2x10000x32xf32, #tpu.memory_space<hbm>>, %arg7: memref<125x80xi32, #tpu.memory_space<vmem>>, %arg8: memref<125x80xi32, #tpu.memory_space<vmem>>, %arg9: memref<5x80x32xf32, #tpu.memory_space<vmem>>, %arg10: memref<10000x32xf32, #tpu.memory_space<vmem_shared>>, %arg11: memref<!tpu.dma_semaphore, #tpu.memory_space<semaphore_mem>>, %arg12: memref<!tpu.dma_semaphore, #tpu.memory_space<semaphore_mem>>, %arg13: memref<!tpu.dma_semaphore, #tpu.memory_space<semaphore_mem>>, %arg14: memref<!tpu.dma_semaphore, #tpu.memory_space<semaphore_mem>>, %arg15: memref<!tpu.dma_semaphore, #tpu.memory_space<semaphore_mem>>, %arg16: memref<!tpu.dma_semaphore, #tpu.memory_space<semaphore_mem>>, %arg17: memref<!tpu.dma_semaphore, #tpu.memory_space<semaphore_mem>>, %arg18: memref<!tpu.dma_semaphore, #tpu.memory_space<semaphore_mem>>, %arg19: memref<!tpu.dma_semaphore, #tpu.memory_space<semaphore_mem>>, %arg20: memref<!tpu.dma_semaphore, #tpu.memory_space<semaphore_mem>>) attributes {dimension_semantics = [#tpu.dimension_semantics<core_parallel>, #tpu.dimension_semantics<subcore_parallel>], iteration_bounds = array<i64: 2, 16>, scalar_prefetch = 0 : i64, scratch_operands = 14 : i64, tpu.core_type = #tpu.core_type<sc_vector_subcore>, window_params = [{transform_indices = #map}, {transform_indices = #map1}, {transform_indices = #map1}, {transform_indices = #map}, {transform_indices = #map1}]} {
    %mul3A = arith.constant 2 : i32
    %mul3A_0 = arith.muli %arg1, %mul3A : i32
    %add3A = arith.addi %mul3A_0, %arg0 : i32
    %mul3A_1 = arith.constant 640 : i32
    %mul3A_2 = arith.muli %arg1, %mul3A_1 : i32
    %multiple_of3A = tpu.assume_multiple %mul3A_2, 8 : i32
    %lt3A = arith.constant 15 : i32
    %lt3A_3 = arith.cmpi slt, %arg1, %lt3A : i32
    %convert_element_type3A = arith.extui %lt3A_3 : i1 to i32
    %cond3A = arith.constant 0 : i32
    %cond3A_4 = arith.cmpi ne, %convert_element_type3A, %cond3A : i32
    scf.if %cond3A_4 {
      "tpu.region"() ({
        %run_scoped3A = tpu.sem_alloc : memref<!tpu.dma_semaphore, #tpu.memory_space<semaphore_mem>>
        %dma_start3A = arith.constant 0 : i32
        %dma_start3A_84 = tpu.memref_slice %arg10[%multiple_of3A, %dma_start3A] : memref<10000x32xf32, #tpu.memory_space<vmem_shared>> -> memref<640x32xf32, #tpu.memory_space<vmem_shared>>
        %dma_start3A_85 = arith.constant 0 : i32
        %dma_start3A_86 = tpu.memref_slice %arg5[%multiple_of3A, %dma_start3A_85] : memref<10000x32xf32, #tpu.memory_space<hbm>> -> memref<640x32xf32, #tpu.memory_space<hbm>>
        tpu.enqueue_dma source(%dma_start3A_86 : memref<640x32xf32, #tpu.memory_space<hbm>>) target(%dma_start3A_84 : memref<640x32xf32, #tpu.memory_space<vmem_shared>>) target_semaphore(%run_scoped3A : memref<!tpu.dma_semaphore, #tpu.memory_space<semaphore_mem>>)
        %dma_wait3A_87 = arith.constant 0 : i32
        %dma_wait3A_88 = tpu.memref_slice %arg10[%multiple_of3A, %dma_wait3A_87] : memref<10000x32xf32, #tpu.memory_space<vmem_shared>> -> memref<640x32xf32, #tpu.memory_space<vmem_shared>>
        %dma_wait3A_89 = arith.constant 0 : i32
        %dma_wait3A_90 = tpu.memref_slice %arg5[%multiple_of3A, %dma_wait3A_89] : memref<10000x32xf32, #tpu.memory_space<hbm>> -> memref<640x32xf32, #tpu.memory_space<hbm>>
        tpu.wait_dma2 semaphore(%run_scoped3A : memref<!tpu.dma_semaphore, #tpu.memory_space<semaphore_mem>>) src(%dma_wait3A_90 : memref<640x32xf32, #tpu.memory_space<hbm>>) dst(%dma_wait3A_88 : memref<640x32xf32, #tpu.memory_space<vmem_shared>>)
        tpu.yield
      }) : () -> ()
    } else {
    }
    %eq3A = arith.constant 15 : i32
    %eq3A_5 = arith.cmpi eq, %arg1, %eq3A : i32
    %convert_element_type3A_6 = arith.extui %eq3A_5 : i1 to i32
    %cond3A_7 = arith.constant 0 : i32
    %cond3A_8 = arith.cmpi ne, %convert_element_type3A_6, %cond3A_7 : i32
    scf.if %cond3A_8 {
      "tpu.region"() ({
        %run_scoped3A = tpu.sem_alloc : memref<!tpu.dma_semaphore, #tpu.memory_space<semaphore_mem>>
        %dma_start3A = arith.constant 9600 : i32
        %dma_start3A_84 = arith.constant 0 : i32
        %dma_start3A_85 = tpu.memref_slice %arg10[%dma_start3A, %dma_start3A_84] : memref<10000x32xf32, #tpu.memory_space<vmem_shared>> -> memref<400x32xf32, #tpu.memory_space<vmem_shared>>
        %dma_start3A_86 = arith.constant 9600 : i32
        %dma_start3A_87 = arith.constant 0 : i32
        %dma_start3A_88 = tpu.memref_slice %arg5[%dma_start3A_86, %dma_start3A_87] : memref<10000x32xf32, #tpu.memory_space<hbm>> -> memref<400x32xf32, #tpu.memory_space<hbm>>
        tpu.enqueue_dma source(%dma_start3A_88 : memref<400x32xf32, #tpu.memory_space<hbm>>) target(%dma_start3A_85 : memref<400x32xf32, #tpu.memory_space<vmem_shared>>) target_semaphore(%run_scoped3A : memref<!tpu.dma_semaphore, #tpu.memory_space<semaphore_mem>>)
        %dma_wait3A_89 = arith.constant 9600 : i32
        %dma_wait3A_90 = arith.constant 0 : i32
        %dma_wait3A_91 = tpu.memref_slice %arg10[%dma_wait3A_89, %dma_wait3A_90] : memref<10000x32xf32, #tpu.memory_space<vmem_shared>> -> memref<400x32xf32, #tpu.memory_space<vmem_shared>>
        %dma_wait3A_92 = arith.constant 9600 : i32
        %dma_wait3A_93 = arith.constant 0 : i32
        %dma_wait3A_94 = tpu.memref_slice %arg5[%dma_wait3A_92, %dma_wait3A_93] : memref<10000x32xf32, #tpu.memory_space<hbm>> -> memref<400x32xf32, #tpu.memory_space<hbm>>
        tpu.wait_dma2 semaphore(%run_scoped3A : memref<!tpu.dma_semaphore, #tpu.memory_space<semaphore_mem>>) src(%dma_wait3A_94 : memref<400x32xf32, #tpu.memory_space<hbm>>) dst(%dma_wait3A_91 : memref<400x32xf32, #tpu.memory_space<vmem_shared>>)
        tpu.yield
      }) : () -> ()
    } else {
    }
    "tpu.region"() ({
      %run_scoped3A = tpu.sem_alloc : memref<!tpu.dma_semaphore, #tpu.memory_space<semaphore_mem>>
      %dma_start3A = arith.constant 0 : i32
      %dma_start3A_84 = arith.constant 0 : i32
      %dma_start3A_85 = tpu.memref_slice %arg3[%add3A, %dma_start3A, %dma_start3A_84] : memref<32x125x80xi32, #tpu.memory_space<hbm>> -> memref<1x125x80xi32, #tpu.memory_space<hbm>>
      %dma_start3A_86 = tpu.memref_squeeze %dma_start3A_85 : memref<1x125x80xi32, #tpu.memory_space<hbm>> -> memref<125x80xi32, #tpu.memory_space<hbm>>
      %dma_start3A_87 = arith.constant 0 : i32
      %dma_start3A_88 = arith.constant 0 : i32
      %dma_start3A_89 = tpu.memref_slice %arg3[%add3A, %dma_start3A_87, %dma_start3A_88] : memref<32x125x80xi32, #tpu.memory_space<hbm>> -> memref<1x125x80xi32, #tpu.memory_space<hbm>>
      %dma_start3A_90 = tpu.memref_squeeze %dma_start3A_89 : memref<1x125x80xi32, #tpu.memory_space<hbm>> -> memref<125x80xi32, #tpu.memory_space<hbm>>
      tpu.enqueue_dma source(%dma_start3A_90 : memref<125x80xi32, #tpu.memory_space<hbm>>) target(%arg7 : memref<125x80xi32, #tpu.memory_space<vmem>>) target_semaphore(%run_scoped3A : memref<!tpu.dma_semaphore, #tpu.memory_space<semaphore_mem>>)
      %dma_wait3A_91 = arith.constant 0 : i32
      %dma_wait3A_92 = arith.constant 0 : i32
      %dma_wait3A_93 = tpu.memref_slice %arg3[%add3A, %dma_wait3A_91, %dma_wait3A_92] : memref<32x125x80xi32, #tpu.memory_space<hbm>> -> memref<1x125x80xi32, #tpu.memory_space<hbm>>
      %dma_wait3A_94 = tpu.memref_squeeze %dma_wait3A_93 : memref<1x125x80xi32, #tpu.memory_space<hbm>> -> memref<125x80xi32, #tpu.memory_space<hbm>>
      %dma_wait3A_95 = arith.constant 0 : i32
      %dma_wait3A_96 = arith.constant 0 : i32
      %dma_wait3A_97 = tpu.memref_slice %arg3[%add3A, %dma_wait3A_95, %dma_wait3A_96] : memref<32x125x80xi32, #tpu.memory_space<hbm>> -> memref<1x125x80xi32, #tpu.memory_space<hbm>>
      %dma_wait3A_98 = tpu.memref_squeeze %dma_wait3A_97 : memref<1x125x80xi32, #tpu.memory_space<hbm>> -> memref<125x80xi32, #tpu.memory_space<hbm>>
      tpu.wait_dma2 semaphore(%run_scoped3A : memref<!tpu.dma_semaphore, #tpu.memory_space<semaphore_mem>>) src(%dma_wait3A_98 : memref<125x80xi32, #tpu.memory_space<hbm>>) dst(%arg7 : memref<125x80xi32, #tpu.memory_space<vmem>>)
      tpu.yield
    }) : () -> ()
    "tpu.region"() ({
      %run_scoped3A = tpu.sem_alloc : memref<!tpu.dma_semaphore, #tpu.memory_space<semaphore_mem>>
      %dma_start3A = arith.constant 0 : i32
      %dma_start3A_84 = arith.constant 0 : i32
      %dma_start3A_85 = tpu.memref_slice %arg4[%add3A, %dma_start3A, %dma_start3A_84] : memref<32x125x80xi32, #tpu.memory_space<hbm>> -> memref<1x125x80xi32, #tpu.memory_space<hbm>>
      %dma_start3A_86 = tpu.memref_squeeze %dma_start3A_85 : memref<1x125x80xi32, #tpu.memory_space<hbm>> -> memref<125x80xi32, #tpu.memory_space<hbm>>
      %dma_start3A_87 = arith.constant 0 : i32
      %dma_start3A_88 = arith.constant 0 : i32
      %dma_start3A_89 = tpu.memref_slice %arg4[%add3A, %dma_start3A_87, %dma_start3A_88] : memref<32x125x80xi32, #tpu.memory_space<hbm>> -> memref<1x125x80xi32, #tpu.memory_space<hbm>>
      %dma_start3A_90 = tpu.memref_squeeze %dma_start3A_89 : memref<1x125x80xi32, #tpu.memory_space<hbm>> -> memref<125x80xi32, #tpu.memory_space<hbm>>
      tpu.enqueue_dma source(%dma_start3A_90 : memref<125x80xi32, #tpu.memory_space<hbm>>) target(%arg8 : memref<125x80xi32, #tpu.memory_space<vmem>>) target_semaphore(%run_scoped3A : memref<!tpu.dma_semaphore, #tpu.memory_space<semaphore_mem>>)
      %dma_wait3A_91 = arith.constant 0 : i32
      %dma_wait3A_92 = arith.constant 0 : i32
      %dma_wait3A_93 = tpu.memref_slice %arg4[%add3A, %dma_wait3A_91, %dma_wait3A_92] : memref<32x125x80xi32, #tpu.memory_space<hbm>> -> memref<1x125x80xi32, #tpu.memory_space<hbm>>
      %dma_wait3A_94 = tpu.memref_squeeze %dma_wait3A_93 : memref<1x125x80xi32, #tpu.memory_space<hbm>> -> memref<125x80xi32, #tpu.memory_space<hbm>>
      %dma_wait3A_95 = arith.constant 0 : i32
      %dma_wait3A_96 = arith.constant 0 : i32
      %dma_wait3A_97 = tpu.memref_slice %arg4[%add3A, %dma_wait3A_95, %dma_wait3A_96] : memref<32x125x80xi32, #tpu.memory_space<hbm>> -> memref<1x125x80xi32, #tpu.memory_space<hbm>>
      %dma_wait3A_98 = tpu.memref_squeeze %dma_wait3A_97 : memref<1x125x80xi32, #tpu.memory_space<hbm>> -> memref<125x80xi32, #tpu.memory_space<hbm>>
      tpu.wait_dma2 semaphore(%run_scoped3A : memref<!tpu.dma_semaphore, #tpu.memory_space<semaphore_mem>>) src(%dma_wait3A_98 : memref<125x80xi32, #tpu.memory_space<hbm>>) dst(%arg8 : memref<125x80xi32, #tpu.memory_space<vmem>>)
      tpu.yield
    }) : () -> ()
    %barrier3A = arith.constant 0 : index
    tpu.barrier barrier_id(%barrier3A)
    %scan3A = arith.constant 0 : i32
    %scan3A_9 = arith.constant 0 : i32
    %scan3A_10 = arith.constant 25 : i32
    %scan3A_11 = arith.addi %scan3A_9, %scan3A_10 : i32
    %scan3A_12 = arith.constant 1 : i32
    scf.for %scan3A_84 = %scan3A_9 to %scan3A_11 step %scan3A_12  : i32 {
      %mul3A_85 = arith.constant 5 : i32
      %mul3A_86 = arith.muli %scan3A_84, %mul3A_85 : i32
      %gt3A = arith.constant 0 : i32
      %gt3A_87 = arith.cmpi sgt, %scan3A_84, %gt3A : i32
      %convert_element_type3A_88 = arith.extui %gt3A_87 : i1 to i32
      %cond3A_89 = arith.constant 0 : i32
      %cond3A_90 = arith.cmpi ne, %convert_element_type3A_88, %cond3A_89 : i32
      scf.if %cond3A_90 {
        %dma_wait3A_295 = arith.constant 0 : i32
        %dma_wait3A_296 = arith.constant 0 : i32
        %dma_wait3A_297 = arith.constant 0 : i32
        %dma_wait3A_298 = arith.constant 0 : i32
        %dma_wait3A_299 = tpu.memref_slice %arg9[%dma_wait3A_295, %dma_wait3A_297, %dma_wait3A_298] : memref<5x80x32xf32, #tpu.memory_space<vmem>> -> memref<1x80x32xf32, #tpu.memory_space<vmem>>
        %dma_wait3A_300 = tpu.memref_squeeze %dma_wait3A_299 : memref<1x80x32xf32, #tpu.memory_space<vmem>> -> memref<80x32xf32, #tpu.memory_space<vmem>>
        %dma_wait3A_301 = arith.constant 0 : i32
        %dma_wait3A_302 = tpu.memref_slice %arg8[%dma_wait3A_296, %dma_wait3A_301] : memref<125x80xi32, #tpu.memory_space<vmem>> -> memref<1x80xi32, #tpu.memory_space<vmem>>
        %dma_wait3A_303 = tpu.memref_squeeze %dma_wait3A_302 : memref<1x80xi32, #tpu.memory_space<vmem>> -> memref<80xi32, #tpu.memory_space<vmem>>
        %dma_wait3A_304 = arith.constant 0 : i32
        %dma_wait3A_305 = arith.constant 0 : i32
        %dma_wait3A_306 = tpu.memref_slice %arg10[%dma_wait3A_304, %dma_wait3A_305] : memref<10000x32xf32, #tpu.memory_space<vmem_shared>> -> memref<10000x32xf32, #tpu.memory_space<vmem_shared>>
        tpu.wait_indirect_dma semaphore(%arg16 : memref<!tpu.dma_semaphore, #tpu.memory_space<semaphore_mem>>) src(%dma_wait3A_300 : memref<80x32xf32, #tpu.memory_space<vmem>>) dst(%dma_wait3A_306 : memref<10000x32xf32, #tpu.memory_space<vmem_shared>>)
      } else {
      }
      %add3A_91 = arith.constant 0 : i32
      %add3A_92 = arith.addi %mul3A_86, %add3A_91 : i32
      %dma_start3A = arith.constant 0 : i32
      %dma_start3A_93 = arith.constant 0 : i32
      %dma_start3A_94 = arith.constant 0 : i32
      %dma_start3A_95 = tpu.memref_slice %arg9[%dma_start3A, %dma_start3A_93, %dma_start3A_94] : memref<5x80x32xf32, #tpu.memory_space<vmem>> -> memref<1x80x32xf32, #tpu.memory_space<vmem>>
      %dma_start3A_96 = tpu.memref_squeeze %dma_start3A_95 : memref<1x80x32xf32, #tpu.memory_space<vmem>> -> memref<80x32xf32, #tpu.memory_space<vmem>>
      %dma_start3A_97 = arith.constant 0 : i32
      %dma_start3A_98 = tpu.memref_slice %arg7[%add3A_92, %dma_start3A_97] : memref<125x80xi32, #tpu.memory_space<vmem>> -> memref<1x80xi32, #tpu.memory_space<vmem>>
      %dma_start3A_99 = tpu.memref_squeeze %dma_start3A_98 : memref<1x80xi32, #tpu.memory_space<vmem>> -> memref<80xi32, #tpu.memory_space<vmem>>
      %dma_start3A_100 = arith.constant 0 : i32
      %dma_start3A_101 = arith.constant 0 : i32
      %dma_start3A_102 = tpu.memref_slice %arg2[%dma_start3A_100, %dma_start3A_101] : memref<10000x32xf32, #tpu.memory_space<hbm>> -> memref<10000x32xf32, #tpu.memory_space<hbm>>
      tpu.enqueue_indirect_dma source(%dma_start3A_102 : memref<10000x32xf32, #tpu.memory_space<hbm>>) target(%dma_start3A_96 : memref<80x32xf32, #tpu.memory_space<vmem>>) offsets(%dma_start3A_99 : memref<80xi32, #tpu.memory_space<vmem>>) semaphore(%arg11 : memref<!tpu.dma_semaphore, #tpu.memory_space<semaphore_mem>>)
      %gt3A_103 = arith.constant 0 : i32
      %gt3A_104 = arith.cmpi sgt, %scan3A_84, %gt3A_103 : i32
      %convert_element_type3A_105 = arith.extui %gt3A_104 : i1 to i32
      %cond3A_106 = arith.constant 0 : i32
      %cond3A_107 = arith.cmpi ne, %convert_element_type3A_105, %cond3A_106 : i32
      scf.if %cond3A_107 {
        %dma_wait3A_295 = arith.constant 1 : i32
        %dma_wait3A_296 = arith.constant 0 : i32
        %dma_wait3A_297 = arith.constant 0 : i32
        %dma_wait3A_298 = arith.constant 0 : i32
        %dma_wait3A_299 = tpu.memref_slice %arg9[%dma_wait3A_295, %dma_wait3A_297, %dma_wait3A_298] : memref<5x80x32xf32, #tpu.memory_space<vmem>> -> memref<1x80x32xf32, #tpu.memory_space<vmem>>
        %dma_wait3A_300 = tpu.memref_squeeze %dma_wait3A_299 : memref<1x80x32xf32, #tpu.memory_space<vmem>> -> memref<80x32xf32, #tpu.memory_space<vmem>>
        %dma_wait3A_301 = arith.constant 0 : i32
        %dma_wait3A_302 = tpu.memref_slice %arg8[%dma_wait3A_296, %dma_wait3A_301] : memref<125x80xi32, #tpu.memory_space<vmem>> -> memref<1x80xi32, #tpu.memory_space<vmem>>
        %dma_wait3A_303 = tpu.memref_squeeze %dma_wait3A_302 : memref<1x80xi32, #tpu.memory_space<vmem>> -> memref<80xi32, #tpu.memory_space<vmem>>
        %dma_wait3A_304 = arith.constant 0 : i32
        %dma_wait3A_305 = arith.constant 0 : i32
        %dma_wait3A_306 = tpu.memref_slice %arg10[%dma_wait3A_304, %dma_wait3A_305] : memref<10000x32xf32, #tpu.memory_space<vmem_shared>> -> memref<10000x32xf32, #tpu.memory_space<vmem_shared>>
        tpu.wait_indirect_dma semaphore(%arg17 : memref<!tpu.dma_semaphore, #tpu.memory_space<semaphore_mem>>) src(%dma_wait3A_300 : memref<80x32xf32, #tpu.memory_space<vmem>>) dst(%dma_wait3A_306 : memref<10000x32xf32, #tpu.memory_space<vmem_shared>>)
      } else {
      }
      %add3A_108 = arith.constant 1 : i32
      %add3A_109 = arith.addi %mul3A_86, %add3A_108 : i32
      %dma_start3A_110 = arith.constant 1 : i32
      %dma_start3A_111 = arith.constant 0 : i32
      %dma_start3A_112 = arith.constant 0 : i32
      %dma_start3A_113 = tpu.memref_slice %arg9[%dma_start3A_110, %dma_start3A_111, %dma_start3A_112] : memref<5x80x32xf32, #tpu.memory_space<vmem>> -> memref<1x80x32xf32, #tpu.memory_space<vmem>>
      %dma_start3A_114 = tpu.memref_squeeze %dma_start3A_113 : memref<1x80x32xf32, #tpu.memory_space<vmem>> -> memref<80x32xf32, #tpu.memory_space<vmem>>
      %dma_start3A_115 = arith.constant 0 : i32
      %dma_start3A_116 = tpu.memref_slice %arg7[%add3A_109, %dma_start3A_115] : memref<125x80xi32, #tpu.memory_space<vmem>> -> memref<1x80xi32, #tpu.memory_space<vmem>>
      %dma_start3A_117 = tpu.memref_squeeze %dma_start3A_116 : memref<1x80xi32, #tpu.memory_space<vmem>> -> memref<80xi32, #tpu.memory_space<vmem>>
      %dma_start3A_118 = arith.constant 0 : i32
      %dma_start3A_119 = arith.constant 0 : i32
      %dma_start3A_120 = tpu.memref_slice %arg2[%dma_start3A_118, %dma_start3A_119] : memref<10000x32xf32, #tpu.memory_space<hbm>> -> memref<10000x32xf32, #tpu.memory_space<hbm>>
      tpu.enqueue_indirect_dma source(%dma_start3A_120 : memref<10000x32xf32, #tpu.memory_space<hbm>>) target(%dma_start3A_114 : memref<80x32xf32, #tpu.memory_space<vmem>>) offsets(%dma_start3A_117 : memref<80xi32, #tpu.memory_space<vmem>>) semaphore(%arg12 : memref<!tpu.dma_semaphore, #tpu.memory_space<semaphore_mem>>)
      %gt3A_121 = arith.constant 0 : i32
      %gt3A_122 = arith.cmpi sgt, %scan3A_84, %gt3A_121 : i32
      %convert_element_type3A_123 = arith.extui %gt3A_122 : i1 to i32
      %cond3A_124 = arith.constant 0 : i32
      %cond3A_125 = arith.cmpi ne, %convert_element_type3A_123, %cond3A_124 : i32
      scf.if %cond3A_125 {
        %dma_wait3A_295 = arith.constant 2 : i32
        %dma_wait3A_296 = arith.constant 0 : i32
        %dma_wait3A_297 = arith.constant 0 : i32
        %dma_wait3A_298 = arith.constant 0 : i32
        %dma_wait3A_299 = tpu.memref_slice %arg9[%dma_wait3A_295, %dma_wait3A_297, %dma_wait3A_298] : memref<5x80x32xf32, #tpu.memory_space<vmem>> -> memref<1x80x32xf32, #tpu.memory_space<vmem>>
        %dma_wait3A_300 = tpu.memref_squeeze %dma_wait3A_299 : memref<1x80x32xf32, #tpu.memory_space<vmem>> -> memref<80x32xf32, #tpu.memory_space<vmem>>
        %dma_wait3A_301 = arith.constant 0 : i32
        %dma_wait3A_302 = tpu.memref_slice %arg8[%dma_wait3A_296, %dma_wait3A_301] : memref<125x80xi32, #tpu.memory_space<vmem>> -> memref<1x80xi32, #tpu.memory_space<vmem>>
        %dma_wait3A_303 = tpu.memref_squeeze %dma_wait3A_302 : memref<1x80xi32, #tpu.memory_space<vmem>> -> memref<80xi32, #tpu.memory_space<vmem>>
        %dma_wait3A_304 = arith.constant 0 : i32
        %dma_wait3A_305 = arith.constant 0 : i32
        %dma_wait3A_306 = tpu.memref_slice %arg10[%dma_wait3A_304, %dma_wait3A_305] : memref<10000x32xf32, #tpu.memory_space<vmem_shared>> -> memref<10000x32xf32, #tpu.memory_space<vmem_shared>>
        tpu.wait_indirect_dma semaphore(%arg18 : memref<!tpu.dma_semaphore, #tpu.memory_space<semaphore_mem>>) src(%dma_wait3A_300 : memref<80x32xf32, #tpu.memory_space<vmem>>) dst(%dma_wait3A_306 : memref<10000x32xf32, #tpu.memory_space<vmem_shared>>)
      } else {
      }
      %add3A_126 = arith.constant 2 : i32
      %add3A_127 = arith.addi %mul3A_86, %add3A_126 : i32
      %dma_start3A_128 = arith.constant 2 : i32
      %dma_start3A_129 = arith.constant 0 : i32
      %dma_start3A_130 = arith.constant 0 : i32
      %dma_start3A_131 = tpu.memref_slice %arg9[%dma_start3A_128, %dma_start3A_129, %dma_start3A_130] : memref<5x80x32xf32, #tpu.memory_space<vmem>> -> memref<1x80x32xf32, #tpu.memory_space<vmem>>
      %dma_start3A_132 = tpu.memref_squeeze %dma_start3A_131 : memref<1x80x32xf32, #tpu.memory_space<vmem>> -> memref<80x32xf32, #tpu.memory_space<vmem>>
      %dma_start3A_133 = arith.constant 0 : i32
      %dma_start3A_134 = tpu.memref_slice %arg7[%add3A_127, %dma_start3A_133] : memref<125x80xi32, #tpu.memory_space<vmem>> -> memref<1x80xi32, #tpu.memory_space<vmem>>
      %dma_start3A_135 = tpu.memref_squeeze %dma_start3A_134 : memref<1x80xi32, #tpu.memory_space<vmem>> -> memref<80xi32, #tpu.memory_space<vmem>>
      %dma_start3A_136 = arith.constant 0 : i32
      %dma_start3A_137 = arith.constant 0 : i32
      %dma_start3A_138 = tpu.memref_slice %arg2[%dma_start3A_136, %dma_start3A_137] : memref<10000x32xf32, #tpu.memory_space<hbm>> -> memref<10000x32xf32, #tpu.memory_space<hbm>>
      tpu.enqueue_indirect_dma source(%dma_start3A_138 : memref<10000x32xf32, #tpu.memory_space<hbm>>) target(%dma_start3A_132 : memref<80x32xf32, #tpu.memory_space<vmem>>) offsets(%dma_start3A_135 : memref<80xi32, #tpu.memory_space<vmem>>) semaphore(%arg13 : memref<!tpu.dma_semaphore, #tpu.memory_space<semaphore_mem>>)
      %gt3A_139 = arith.constant 0 : i32
      %gt3A_140 = arith.cmpi sgt, %scan3A_84, %gt3A_139 : i32
      %convert_element_type3A_141 = arith.extui %gt3A_140 : i1 to i32
      %cond3A_142 = arith.constant 0 : i32
      %cond3A_143 = arith.cmpi ne, %convert_element_type3A_141, %cond3A_142 : i32
      scf.if %cond3A_143 {
        %dma_wait3A_295 = arith.constant 3 : i32
        %dma_wait3A_296 = arith.constant 0 : i32
        %dma_wait3A_297 = arith.constant 0 : i32
        %dma_wait3A_298 = arith.constant 0 : i32
        %dma_wait3A_299 = tpu.memref_slice %arg9[%dma_wait3A_295, %dma_wait3A_297, %dma_wait3A_298] : memref<5x80x32xf32, #tpu.memory_space<vmem>> -> memref<1x80x32xf32, #tpu.memory_space<vmem>>
        %dma_wait3A_300 = tpu.memref_squeeze %dma_wait3A_299 : memref<1x80x32xf32, #tpu.memory_space<vmem>> -> memref<80x32xf32, #tpu.memory_space<vmem>>
        %dma_wait3A_301 = arith.constant 0 : i32
        %dma_wait3A_302 = tpu.memref_slice %arg8[%dma_wait3A_296, %dma_wait3A_301] : memref<125x80xi32, #tpu.memory_space<vmem>> -> memref<1x80xi32, #tpu.memory_space<vmem>>
        %dma_wait3A_303 = tpu.memref_squeeze %dma_wait3A_302 : memref<1x80xi32, #tpu.memory_space<vmem>> -> memref<80xi32, #tpu.memory_space<vmem>>
        %dma_wait3A_304 = arith.constant 0 : i32
        %dma_wait3A_305 = arith.constant 0 : i32
        %dma_wait3A_306 = tpu.memref_slice %arg10[%dma_wait3A_304, %dma_wait3A_305] : memref<10000x32xf32, #tpu.memory_space<vmem_shared>> -> memref<10000x32xf32, #tpu.memory_space<vmem_shared>>
        tpu.wait_indirect_dma semaphore(%arg19 : memref<!tpu.dma_semaphore, #tpu.memory_space<semaphore_mem>>) src(%dma_wait3A_300 : memref<80x32xf32, #tpu.memory_space<vmem>>) dst(%dma_wait3A_306 : memref<10000x32xf32, #tpu.memory_space<vmem_shared>>)
      } else {
      }
      %add3A_144 = arith.constant 3 : i32
      %add3A_145 = arith.addi %mul3A_86, %add3A_144 : i32
      %dma_start3A_146 = arith.constant 3 : i32
      %dma_start3A_147 = arith.constant 0 : i32
      %dma_start3A_148 = arith.constant 0 : i32
      %dma_start3A_149 = tpu.memref_slice %arg9[%dma_start3A_146, %dma_start3A_147, %dma_start3A_148] : memref<5x80x32xf32, #tpu.memory_space<vmem>> -> memref<1x80x32xf32, #tpu.memory_space<vmem>>
      %dma_start3A_150 = tpu.memref_squeeze %dma_start3A_149 : memref<1x80x32xf32, #tpu.memory_space<vmem>> -> memref<80x32xf32, #tpu.memory_space<vmem>>
      %dma_start3A_151 = arith.constant 0 : i32
      %dma_start3A_152 = tpu.memref_slice %arg7[%add3A_145, %dma_start3A_151] : memref<125x80xi32, #tpu.memory_space<vmem>> -> memref<1x80xi32, #tpu.memory_space<vmem>>
      %dma_start3A_153 = tpu.memref_squeeze %dma_start3A_152 : memref<1x80xi32, #tpu.memory_space<vmem>> -> memref<80xi32, #tpu.memory_space<vmem>>
      %dma_start3A_154 = arith.constant 0 : i32
      %dma_start3A_155 = arith.constant 0 : i32
      %dma_start3A_156 = tpu.memref_slice %arg2[%dma_start3A_154, %dma_start3A_155] : memref<10000x32xf32, #tpu.memory_space<hbm>> -> memref<10000x32xf32, #tpu.memory_space<hbm>>
      tpu.enqueue_indirect_dma source(%dma_start3A_156 : memref<10000x32xf32, #tpu.memory_space<hbm>>) target(%dma_start3A_150 : memref<80x32xf32, #tpu.memory_space<vmem>>) offsets(%dma_start3A_153 : memref<80xi32, #tpu.memory_space<vmem>>) semaphore(%arg14 : memref<!tpu.dma_semaphore, #tpu.memory_space<semaphore_mem>>)
      %gt3A_157 = arith.constant 0 : i32
      %gt3A_158 = arith.cmpi sgt, %scan3A_84, %gt3A_157 : i32
      %convert_element_type3A_159 = arith.extui %gt3A_158 : i1 to i32
      %cond3A_160 = arith.constant 0 : i32
      %cond3A_161 = arith.cmpi ne, %convert_element_type3A_159, %cond3A_160 : i32
      scf.if %cond3A_161 {
        %dma_wait3A_295 = arith.constant 4 : i32
        %dma_wait3A_296 = arith.constant 0 : i32
        %dma_wait3A_297 = arith.constant 0 : i32
        %dma_wait3A_298 = arith.constant 0 : i32
        %dma_wait3A_299 = tpu.memref_slice %arg9[%dma_wait3A_295, %dma_wait3A_297, %dma_wait3A_298] : memref<5x80x32xf32, #tpu.memory_space<vmem>> -> memref<1x80x32xf32, #tpu.memory_space<vmem>>
        %dma_wait3A_300 = tpu.memref_squeeze %dma_wait3A_299 : memref<1x80x32xf32, #tpu.memory_space<vmem>> -> memref<80x32xf32, #tpu.memory_space<vmem>>
        %dma_wait3A_301 = arith.constant 0 : i32
        %dma_wait3A_302 = tpu.memref_slice %arg8[%dma_wait3A_296, %dma_wait3A_301] : memref<125x80xi32, #tpu.memory_space<vmem>> -> memref<1x80xi32, #tpu.memory_space<vmem>>
        %dma_wait3A_303 = tpu.memref_squeeze %dma_wait3A_302 : memref<1x80xi32, #tpu.memory_space<vmem>> -> memref<80xi32, #tpu.memory_space<vmem>>
        %dma_wait3A_304 = arith.constant 0 : i32
        %dma_wait3A_305 = arith.constant 0 : i32
        %dma_wait3A_306 = tpu.memref_slice %arg10[%dma_wait3A_304, %dma_wait3A_305] : memref<10000x32xf32, #tpu.memory_space<vmem_shared>> -> memref<10000x32xf32, #tpu.memory_space<vmem_shared>>
        tpu.wait_indirect_dma semaphore(%arg20 : memref<!tpu.dma_semaphore, #tpu.memory_space<semaphore_mem>>) src(%dma_wait3A_300 : memref<80x32xf32, #tpu.memory_space<vmem>>) dst(%dma_wait3A_306 : memref<10000x32xf32, #tpu.memory_space<vmem_shared>>)
      } else {
      }
      %add3A_162 = arith.constant 4 : i32
      %add3A_163 = arith.addi %mul3A_86, %add3A_162 : i32
      %dma_start3A_164 = arith.constant 4 : i32
      %dma_start3A_165 = arith.constant 0 : i32
      %dma_start3A_166 = arith.constant 0 : i32
      %dma_start3A_167 = tpu.memref_slice %arg9[%dma_start3A_164, %dma_start3A_165, %dma_start3A_166] : memref<5x80x32xf32, #tpu.memory_space<vmem>> -> memref<1x80x32xf32, #tpu.memory_space<vmem>>
      %dma_start3A_168 = tpu.memref_squeeze %dma_start3A_167 : memref<1x80x32xf32, #tpu.memory_space<vmem>> -> memref<80x32xf32, #tpu.memory_space<vmem>>
      %dma_start3A_169 = arith.constant 0 : i32
      %dma_start3A_170 = tpu.memref_slice %arg7[%add3A_163, %dma_start3A_169] : memref<125x80xi32, #tpu.memory_space<vmem>> -> memref<1x80xi32, #tpu.memory_space<vmem>>
      %dma_start3A_171 = tpu.memref_squeeze %dma_start3A_170 : memref<1x80xi32, #tpu.memory_space<vmem>> -> memref<80xi32, #tpu.memory_space<vmem>>
      %dma_start3A_172 = arith.constant 0 : i32
      %dma_start3A_173 = arith.constant 0 : i32
      %dma_start3A_174 = tpu.memref_slice %arg2[%dma_start3A_172, %dma_start3A_173] : memref<10000x32xf32, #tpu.memory_space<hbm>> -> memref<10000x32xf32, #tpu.memory_space<hbm>>
      tpu.enqueue_indirect_dma source(%dma_start3A_174 : memref<10000x32xf32, #tpu.memory_space<hbm>>) target(%dma_start3A_168 : memref<80x32xf32, #tpu.memory_space<vmem>>) offsets(%dma_start3A_171 : memref<80xi32, #tpu.memory_space<vmem>>) semaphore(%arg15 : memref<!tpu.dma_semaphore, #tpu.memory_space<semaphore_mem>>)
      %dma_wait3A_175 = arith.constant 0 : i32
      %dma_wait3A_176 = arith.constant 0 : i32
      %dma_wait3A_177 = arith.constant 0 : i32
      %dma_wait3A_178 = tpu.memref_slice %arg9[%dma_wait3A_175, %dma_wait3A_176, %dma_wait3A_177] : memref<5x80x32xf32, #tpu.memory_space<vmem>> -> memref<1x80x32xf32, #tpu.memory_space<vmem>>
      %dma_wait3A_179 = tpu.memref_squeeze %dma_wait3A_178 : memref<1x80x32xf32, #tpu.memory_space<vmem>> -> memref<80x32xf32, #tpu.memory_space<vmem>>
      %dma_wait3A_180 = arith.constant 0 : i32
      %dma_wait3A_181 = tpu.memref_slice %arg7[%add3A_92, %dma_wait3A_180] : memref<125x80xi32, #tpu.memory_space<vmem>> -> memref<1x80xi32, #tpu.memory_space<vmem>>
      %dma_wait3A_182 = tpu.memref_squeeze %dma_wait3A_181 : memref<1x80xi32, #tpu.memory_space<vmem>> -> memref<80xi32, #tpu.memory_space<vmem>>
      %dma_wait3A_183 = arith.constant 0 : i32
      %dma_wait3A_184 = arith.constant 0 : i32
      %dma_wait3A_185 = tpu.memref_slice %arg2[%dma_wait3A_183, %dma_wait3A_184] : memref<10000x32xf32, #tpu.memory_space<hbm>> -> memref<10000x32xf32, #tpu.memory_space<hbm>>
      tpu.wait_indirect_dma semaphore(%arg11 : memref<!tpu.dma_semaphore, #tpu.memory_space<semaphore_mem>>) src(%dma_wait3A_185 : memref<10000x32xf32, #tpu.memory_space<hbm>>) dst(%dma_wait3A_179 : memref<80x32xf32, #tpu.memory_space<vmem>>)
      %add3A_186 = arith.constant 0 : i32
      %add3A_187 = arith.addi %mul3A_86, %add3A_186 : i32
      %dma_start3A_188 = arith.constant 0 : i32
      %dma_start3A_189 = arith.constant 0 : i32
      %dma_start3A_190 = arith.constant 0 : i32
      %dma_start3A_191 = tpu.memref_slice %arg9[%dma_start3A_188, %dma_start3A_189, %dma_start3A_190] : memref<5x80x32xf32, #tpu.memory_space<vmem>> -> memref<1x80x32xf32, #tpu.memory_space<vmem>>
      %dma_start3A_192 = tpu.memref_squeeze %dma_start3A_191 : memref<1x80x32xf32, #tpu.memory_space<vmem>> -> memref<80x32xf32, #tpu.memory_space<vmem>>
      %dma_start3A_193 = arith.constant 0 : i32
      %dma_start3A_194 = tpu.memref_slice %arg8[%add3A_187, %dma_start3A_193] : memref<125x80xi32, #tpu.memory_space<vmem>> -> memref<1x80xi32, #tpu.memory_space<vmem>>
      %dma_start3A_195 = tpu.memref_squeeze %dma_start3A_194 : memref<1x80xi32, #tpu.memory_space<vmem>> -> memref<80xi32, #tpu.memory_space<vmem>>
      %dma_start3A_196 = arith.constant 0 : i32
      %dma_start3A_197 = arith.constant 0 : i32
      %dma_start3A_198 = tpu.memref_slice %arg10[%dma_start3A_196, %dma_start3A_197] : memref<10000x32xf32, #tpu.memory_space<vmem_shared>> -> memref<10000x32xf32, #tpu.memory_space<vmem_shared>>
      tpu.enqueue_indirect_dma source(%dma_start3A_192 : memref<80x32xf32, #tpu.memory_space<vmem>>) target(%dma_start3A_198 : memref<10000x32xf32, #tpu.memory_space<vmem_shared>>) offsets(%dma_start3A_195 : memref<80xi32, #tpu.memory_space<vmem>>) semaphore(%arg16 : memref<!tpu.dma_semaphore, #tpu.memory_space<semaphore_mem>>) {add = true}
      %dma_wait3A_199 = arith.constant 1 : i32
      %dma_wait3A_200 = arith.constant 0 : i32
      %dma_wait3A_201 = arith.constant 0 : i32
      %dma_wait3A_202 = tpu.memref_slice %arg9[%dma_wait3A_199, %dma_wait3A_200, %dma_wait3A_201] : memref<5x80x32xf32, #tpu.memory_space<vmem>> -> memref<1x80x32xf32, #tpu.memory_space<vmem>>
      %dma_wait3A_203 = tpu.memref_squeeze %dma_wait3A_202 : memref<1x80x32xf32, #tpu.memory_space<vmem>> -> memref<80x32xf32, #tpu.memory_space<vmem>>
      %dma_wait3A_204 = arith.constant 0 : i32
      %dma_wait3A_205 = tpu.memref_slice %arg7[%add3A_109, %dma_wait3A_204] : memref<125x80xi32, #tpu.memory_space<vmem>> -> memref<1x80xi32, #tpu.memory_space<vmem>>
      %dma_wait3A_206 = tpu.memref_squeeze %dma_wait3A_205 : memref<1x80xi32, #tpu.memory_space<vmem>> -> memref<80xi32, #tpu.memory_space<vmem>>
      %dma_wait3A_207 = arith.constant 0 : i32
      %dma_wait3A_208 = arith.constant 0 : i32
      %dma_wait3A_209 = tpu.memref_slice %arg2[%dma_wait3A_207, %dma_wait3A_208] : memref<10000x32xf32, #tpu.memory_space<hbm>> -> memref<10000x32xf32, #tpu.memory_space<hbm>>
      tpu.wait_indirect_dma semaphore(%arg12 : memref<!tpu.dma_semaphore, #tpu.memory_space<semaphore_mem>>) src(%dma_wait3A_209 : memref<10000x32xf32, #tpu.memory_space<hbm>>) dst(%dma_wait3A_203 : memref<80x32xf32, #tpu.memory_space<vmem>>)
      %add3A_210 = arith.constant 1 : i32
      %add3A_211 = arith.addi %mul3A_86, %add3A_210 : i32
      %dma_start3A_212 = arith.constant 1 : i32
      %dma_start3A_213 = arith.constant 0 : i32
      %dma_start3A_214 = arith.constant 0 : i32
      %dma_start3A_215 = tpu.memref_slice %arg9[%dma_start3A_212, %dma_start3A_213, %dma_start3A_214] : memref<5x80x32xf32, #tpu.memory_space<vmem>> -> memref<1x80x32xf32, #tpu.memory_space<vmem>>
      %dma_start3A_216 = tpu.memref_squeeze %dma_start3A_215 : memref<1x80x32xf32, #tpu.memory_space<vmem>> -> memref<80x32xf32, #tpu.memory_space<vmem>>
      %dma_start3A_217 = arith.constant 0 : i32
      %dma_start3A_218 = tpu.memref_slice %arg8[%add3A_211, %dma_start3A_217] : memref<125x80xi32, #tpu.memory_space<vmem>> -> memref<1x80xi32, #tpu.memory_space<vmem>>
      %dma_start3A_219 = tpu.memref_squeeze %dma_start3A_218 : memref<1x80xi32, #tpu.memory_space<vmem>> -> memref<80xi32, #tpu.memory_space<vmem>>
      %dma_start3A_220 = arith.constant 0 : i32
      %dma_start3A_221 = arith.constant 0 : i32
      %dma_start3A_222 = tpu.memref_slice %arg10[%dma_start3A_220, %dma_start3A_221] : memref<10000x32xf32, #tpu.memory_space<vmem_shared>> -> memref<10000x32xf32, #tpu.memory_space<vmem_shared>>
      tpu.enqueue_indirect_dma source(%dma_start3A_216 : memref<80x32xf32, #tpu.memory_space<vmem>>) target(%dma_start3A_222 : memref<10000x32xf32, #tpu.memory_space<vmem_shared>>) offsets(%dma_start3A_219 : memref<80xi32, #tpu.memory_space<vmem>>) semaphore(%arg17 : memref<!tpu.dma_semaphore, #tpu.memory_space<semaphore_mem>>) {add = true}
      %dma_wait3A_223 = arith.constant 2 : i32
      %dma_wait3A_224 = arith.constant 0 : i32
      %dma_wait3A_225 = arith.constant 0 : i32
      %dma_wait3A_226 = tpu.memref_slice %arg9[%dma_wait3A_223, %dma_wait3A_224, %dma_wait3A_225] : memref<5x80x32xf32, #tpu.memory_space<vmem>> -> memref<1x80x32xf32, #tpu.memory_space<vmem>>
      %dma_wait3A_227 = tpu.memref_squeeze %dma_wait3A_226 : memref<1x80x32xf32, #tpu.memory_space<vmem>> -> memref<80x32xf32, #tpu.memory_space<vmem>>
      %dma_wait3A_228 = arith.constant 0 : i32
      %dma_wait3A_229 = tpu.memref_slice %arg7[%add3A_127, %dma_wait3A_228] : memref<125x80xi32, #tpu.memory_space<vmem>> -> memref<1x80xi32, #tpu.memory_space<vmem>>
      %dma_wait3A_230 = tpu.memref_squeeze %dma_wait3A_229 : memref<1x80xi32, #tpu.memory_space<vmem>> -> memref<80xi32, #tpu.memory_space<vmem>>
      %dma_wait3A_231 = arith.constant 0 : i32
      %dma_wait3A_232 = arith.constant 0 : i32
      %dma_wait3A_233 = tpu.memref_slice %arg2[%dma_wait3A_231, %dma_wait3A_232] : memref<10000x32xf32, #tpu.memory_space<hbm>> -> memref<10000x32xf32, #tpu.memory_space<hbm>>
      tpu.wait_indirect_dma semaphore(%arg13 : memref<!tpu.dma_semaphore, #tpu.memory_space<semaphore_mem>>) src(%dma_wait3A_233 : memref<10000x32xf32, #tpu.memory_space<hbm>>) dst(%dma_wait3A_227 : memref<80x32xf32, #tpu.memory_space<vmem>>)
      %add3A_234 = arith.constant 2 : i32
      %add3A_235 = arith.addi %mul3A_86, %add3A_234 : i32
      %dma_start3A_236 = arith.constant 2 : i32
      %dma_start3A_237 = arith.constant 0 : i32
      %dma_start3A_238 = arith.constant 0 : i32
      %dma_start3A_239 = tpu.memref_slice %arg9[%dma_start3A_236, %dma_start3A_237, %dma_start3A_238] : memref<5x80x32xf32, #tpu.memory_space<vmem>> -> memref<1x80x32xf32, #tpu.memory_space<vmem>>
      %dma_start3A_240 = tpu.memref_squeeze %dma_start3A_239 : memref<1x80x32xf32, #tpu.memory_space<vmem>> -> memref<80x32xf32, #tpu.memory_space<vmem>>
      %dma_start3A_241 = arith.constant 0 : i32
      %dma_start3A_242 = tpu.memref_slice %arg8[%add3A_235, %dma_start3A_241] : memref<125x80xi32, #tpu.memory_space<vmem>> -> memref<1x80xi32, #tpu.memory_space<vmem>>
      %dma_start3A_243 = tpu.memref_squeeze %dma_start3A_242 : memref<1x80xi32, #tpu.memory_space<vmem>> -> memref<80xi32, #tpu.memory_space<vmem>>
      %dma_start3A_244 = arith.constant 0 : i32
      %dma_start3A_245 = arith.constant 0 : i32
      %dma_start3A_246 = tpu.memref_slice %arg10[%dma_start3A_244, %dma_start3A_245] : memref<10000x32xf32, #tpu.memory_space<vmem_shared>> -> memref<10000x32xf32, #tpu.memory_space<vmem_shared>>
      tpu.enqueue_indirect_dma source(%dma_start3A_240 : memref<80x32xf32, #tpu.memory_space<vmem>>) target(%dma_start3A_246 : memref<10000x32xf32, #tpu.memory_space<vmem_shared>>) offsets(%dma_start3A_243 : memref<80xi32, #tpu.memory_space<vmem>>) semaphore(%arg18 : memref<!tpu.dma_semaphore, #tpu.memory_space<semaphore_mem>>) {add = true}
      %dma_wait3A_247 = arith.constant 3 : i32
      %dma_wait3A_248 = arith.constant 0 : i32
      %dma_wait3A_249 = arith.constant 0 : i32
      %dma_wait3A_250 = tpu.memref_slice %arg9[%dma_wait3A_247, %dma_wait3A_248, %dma_wait3A_249] : memref<5x80x32xf32, #tpu.memory_space<vmem>> -> memref<1x80x32xf32, #tpu.memory_space<vmem>>
      %dma_wait3A_251 = tpu.memref_squeeze %dma_wait3A_250 : memref<1x80x32xf32, #tpu.memory_space<vmem>> -> memref<80x32xf32, #tpu.memory_space<vmem>>
      %dma_wait3A_252 = arith.constant 0 : i32
      %dma_wait3A_253 = tpu.memref_slice %arg7[%add3A_145, %dma_wait3A_252] : memref<125x80xi32, #tpu.memory_space<vmem>> -> memref<1x80xi32, #tpu.memory_space<vmem>>
      %dma_wait3A_254 = tpu.memref_squeeze %dma_wait3A_253 : memref<1x80xi32, #tpu.memory_space<vmem>> -> memref<80xi32, #tpu.memory_space<vmem>>
      %dma_wait3A_255 = arith.constant 0 : i32
      %dma_wait3A_256 = arith.constant 0 : i32
      %dma_wait3A_257 = tpu.memref_slice %arg2[%dma_wait3A_255, %dma_wait3A_256] : memref<10000x32xf32, #tpu.memory_space<hbm>> -> memref<10000x32xf32, #tpu.memory_space<hbm>>
      tpu.wait_indirect_dma semaphore(%arg14 : memref<!tpu.dma_semaphore, #tpu.memory_space<semaphore_mem>>) src(%dma_wait3A_257 : memref<10000x32xf32, #tpu.memory_space<hbm>>) dst(%dma_wait3A_251 : memref<80x32xf32, #tpu.memory_space<vmem>>)
      %add3A_258 = arith.constant 3 : i32
      %add3A_259 = arith.addi %mul3A_86, %add3A_258 : i32
      %dma_start3A_260 = arith.constant 3 : i32
      %dma_start3A_261 = arith.constant 0 : i32
      %dma_start3A_262 = arith.constant 0 : i32
      %dma_start3A_263 = tpu.memref_slice %arg9[%dma_start3A_260, %dma_start3A_261, %dma_start3A_262] : memref<5x80x32xf32, #tpu.memory_space<vmem>> -> memref<1x80x32xf32, #tpu.memory_space<vmem>>
      %dma_start3A_264 = tpu.memref_squeeze %dma_start3A_263 : memref<1x80x32xf32, #tpu.memory_space<vmem>> -> memref<80x32xf32, #tpu.memory_space<vmem>>
      %dma_start3A_265 = arith.constant 0 : i32
      %dma_start3A_266 = tpu.memref_slice %arg8[%add3A_259, %dma_start3A_265] : memref<125x80xi32, #tpu.memory_space<vmem>> -> memref<1x80xi32, #tpu.memory_space<vmem>>
      %dma_start3A_267 = tpu.memref_squeeze %dma_start3A_266 : memref<1x80xi32, #tpu.memory_space<vmem>> -> memref<80xi32, #tpu.memory_space<vmem>>
      %dma_start3A_268 = arith.constant 0 : i32
      %dma_start3A_269 = arith.constant 0 : i32
      %dma_start3A_270 = tpu.memref_slice %arg10[%dma_start3A_268, %dma_start3A_269] : memref<10000x32xf32, #tpu.memory_space<vmem_shared>> -> memref<10000x32xf32, #tpu.memory_space<vmem_shared>>
      tpu.enqueue_indirect_dma source(%dma_start3A_264 : memref<80x32xf32, #tpu.memory_space<vmem>>) target(%dma_start3A_270 : memref<10000x32xf32, #tpu.memory_space<vmem_shared>>) offsets(%dma_start3A_267 : memref<80xi32, #tpu.memory_space<vmem>>) semaphore(%arg19 : memref<!tpu.dma_semaphore, #tpu.memory_space<semaphore_mem>>) {add = true}
      %dma_wait3A_271 = arith.constant 4 : i32
      %dma_wait3A_272 = arith.constant 0 : i32
      %dma_wait3A_273 = arith.constant 0 : i32
      %dma_wait3A_274 = tpu.memref_slice %arg9[%dma_wait3A_271, %dma_wait3A_272, %dma_wait3A_273] : memref<5x80x32xf32, #tpu.memory_space<vmem>> -> memref<1x80x32xf32, #tpu.memory_space<vmem>>
      %dma_wait3A_275 = tpu.memref_squeeze %dma_wait3A_274 : memref<1x80x32xf32, #tpu.memory_space<vmem>> -> memref<80x32xf32, #tpu.memory_space<vmem>>
      %dma_wait3A_276 = arith.constant 0 : i32
      %dma_wait3A_277 = tpu.memref_slice %arg7[%add3A_163, %dma_wait3A_276] : memref<125x80xi32, #tpu.memory_space<vmem>> -> memref<1x80xi32, #tpu.memory_space<vmem>>
      %dma_wait3A_278 = tpu.memref_squeeze %dma_wait3A_277 : memref<1x80xi32, #tpu.memory_space<vmem>> -> memref<80xi32, #tpu.memory_space<vmem>>
      %dma_wait3A_279 = arith.constant 0 : i32
      %dma_wait3A_280 = arith.constant 0 : i32
      %dma_wait3A_281 = tpu.memref_slice %arg2[%dma_wait3A_279, %dma_wait3A_280] : memref<10000x32xf32, #tpu.memory_space<hbm>> -> memref<10000x32xf32, #tpu.memory_space<hbm>>
      tpu.wait_indirect_dma semaphore(%arg15 : memref<!tpu.dma_semaphore, #tpu.memory_space<semaphore_mem>>) src(%dma_wait3A_281 : memref<10000x32xf32, #tpu.memory_space<hbm>>) dst(%dma_wait3A_275 : memref<80x32xf32, #tpu.memory_space<vmem>>)
      %add3A_282 = arith.constant 4 : i32
      %add3A_283 = arith.addi %mul3A_86, %add3A_282 : i32
      %dma_start3A_284 = arith.constant 4 : i32
      %dma_start3A_285 = arith.constant 0 : i32
      %dma_start3A_286 = arith.constant 0 : i32
      %dma_start3A_287 = tpu.memref_slice %arg9[%dma_start3A_284, %dma_start3A_285, %dma_start3A_286] : memref<5x80x32xf32, #tpu.memory_space<vmem>> -> memref<1x80x32xf32, #tpu.memory_space<vmem>>
      %dma_start3A_288 = tpu.memref_squeeze %dma_start3A_287 : memref<1x80x32xf32, #tpu.memory_space<vmem>> -> memref<80x32xf32, #tpu.memory_space<vmem>>
      %dma_start3A_289 = arith.constant 0 : i32
      %dma_start3A_290 = tpu.memref_slice %arg8[%add3A_283, %dma_start3A_289] : memref<125x80xi32, #tpu.memory_space<vmem>> -> memref<1x80xi32, #tpu.memory_space<vmem>>
      %dma_start3A_291 = tpu.memref_squeeze %dma_start3A_290 : memref<1x80xi32, #tpu.memory_space<vmem>> -> memref<80xi32, #tpu.memory_space<vmem>>
      %dma_start3A_292 = arith.constant 0 : i32
      %dma_start3A_293 = arith.constant 0 : i32
      %dma_start3A_294 = tpu.memref_slice %arg10[%dma_start3A_292, %dma_start3A_293] : memref<10000x32xf32, #tpu.memory_space<vmem_shared>> -> memref<10000x32xf32, #tpu.memory_space<vmem_shared>>
      tpu.enqueue_indirect_dma source(%dma_start3A_288 : memref<80x32xf32, #tpu.memory_space<vmem>>) target(%dma_start3A_294 : memref<10000x32xf32, #tpu.memory_space<vmem_shared>>) offsets(%dma_start3A_291 : memref<80xi32, #tpu.memory_space<vmem>>) semaphore(%arg20 : memref<!tpu.dma_semaphore, #tpu.memory_space<semaphore_mem>>) {add = true}
    }
    %scan3A_13 = arith.constant 25 : i32
    %dma_wait3A = arith.constant 0 : i32
    %dma_wait3A_14 = arith.constant 0 : i32
    %dma_wait3A_15 = arith.constant 0 : i32
    %dma_wait3A_16 = arith.constant 0 : i32
    %dma_wait3A_17 = tpu.memref_slice %arg9[%dma_wait3A, %dma_wait3A_15, %dma_wait3A_16] : memref<5x80x32xf32, #tpu.memory_space<vmem>> -> memref<1x80x32xf32, #tpu.memory_space<vmem>>
    %dma_wait3A_18 = tpu.memref_squeeze %dma_wait3A_17 : memref<1x80x32xf32, #tpu.memory_space<vmem>> -> memref<80x32xf32, #tpu.memory_space<vmem>>
    %dma_wait3A_19 = arith.constant 0 : i32
    %dma_wait3A_20 = tpu.memref_slice %arg8[%dma_wait3A_14, %dma_wait3A_19] : memref<125x80xi32, #tpu.memory_space<vmem>> -> memref<1x80xi32, #tpu.memory_space<vmem>>
    %dma_wait3A_21 = tpu.memref_squeeze %dma_wait3A_20 : memref<1x80xi32, #tpu.memory_space<vmem>> -> memref<80xi32, #tpu.memory_space<vmem>>
    %dma_wait3A_22 = arith.constant 0 : i32
    %dma_wait3A_23 = arith.constant 0 : i32
    %dma_wait3A_24 = tpu.memref_slice %arg10[%dma_wait3A_22, %dma_wait3A_23] : memref<10000x32xf32, #tpu.memory_space<vmem_shared>> -> memref<10000x32xf32, #tpu.memory_space<vmem_shared>>
    tpu.wait_indirect_dma semaphore(%arg16 : memref<!tpu.dma_semaphore, #tpu.memory_space<semaphore_mem>>) src(%dma_wait3A_18 : memref<80x32xf32, #tpu.memory_space<vmem>>) dst(%dma_wait3A_24 : memref<10000x32xf32, #tpu.memory_space<vmem_shared>>)
    %dma_wait3A_25 = arith.constant 1 : i32
    %dma_wait3A_26 = arith.constant 0 : i32
    %dma_wait3A_27 = arith.constant 0 : i32
    %dma_wait3A_28 = arith.constant 0 : i32
    %dma_wait3A_29 = tpu.memref_slice %arg9[%dma_wait3A_25, %dma_wait3A_27, %dma_wait3A_28] : memref<5x80x32xf32, #tpu.memory_space<vmem>> -> memref<1x80x32xf32, #tpu.memory_space<vmem>>
    %dma_wait3A_30 = tpu.memref_squeeze %dma_wait3A_29 : memref<1x80x32xf32, #tpu.memory_space<vmem>> -> memref<80x32xf32, #tpu.memory_space<vmem>>
    %dma_wait3A_31 = arith.constant 0 : i32
    %dma_wait3A_32 = tpu.memref_slice %arg8[%dma_wait3A_26, %dma_wait3A_31] : memref<125x80xi32, #tpu.memory_space<vmem>> -> memref<1x80xi32, #tpu.memory_space<vmem>>
    %dma_wait3A_33 = tpu.memref_squeeze %dma_wait3A_32 : memref<1x80xi32, #tpu.memory_space<vmem>> -> memref<80xi32, #tpu.memory_space<vmem>>
    %dma_wait3A_34 = arith.constant 0 : i32
    %dma_wait3A_35 = arith.constant 0 : i32
    %dma_wait3A_36 = tpu.memref_slice %arg10[%dma_wait3A_34, %dma_wait3A_35] : memref<10000x32xf32, #tpu.memory_space<vmem_shared>> -> memref<10000x32xf32, #tpu.memory_space<vmem_shared>>
    tpu.wait_indirect_dma semaphore(%arg17 : memref<!tpu.dma_semaphore, #tpu.memory_space<semaphore_mem>>) src(%dma_wait3A_30 : memref<80x32xf32, #tpu.memory_space<vmem>>) dst(%dma_wait3A_36 : memref<10000x32xf32, #tpu.memory_space<vmem_shared>>)
    %dma_wait3A_37 = arith.constant 2 : i32
    %dma_wait3A_38 = arith.constant 0 : i32
    %dma_wait3A_39 = arith.constant 0 : i32
    %dma_wait3A_40 = arith.constant 0 : i32
    %dma_wait3A_41 = tpu.memref_slice %arg9[%dma_wait3A_37, %dma_wait3A_39, %dma_wait3A_40] : memref<5x80x32xf32, #tpu.memory_space<vmem>> -> memref<1x80x32xf32, #tpu.memory_space<vmem>>
    %dma_wait3A_42 = tpu.memref_squeeze %dma_wait3A_41 : memref<1x80x32xf32, #tpu.memory_space<vmem>> -> memref<80x32xf32, #tpu.memory_space<vmem>>
    %dma_wait3A_43 = arith.constant 0 : i32
    %dma_wait3A_44 = tpu.memref_slice %arg8[%dma_wait3A_38, %dma_wait3A_43] : memref<125x80xi32, #tpu.memory_space<vmem>> -> memref<1x80xi32, #tpu.memory_space<vmem>>
    %dma_wait3A_45 = tpu.memref_squeeze %dma_wait3A_44 : memref<1x80xi32, #tpu.memory_space<vmem>> -> memref<80xi32, #tpu.memory_space<vmem>>
    %dma_wait3A_46 = arith.constant 0 : i32
    %dma_wait3A_47 = arith.constant 0 : i32
    %dma_wait3A_48 = tpu.memref_slice %arg10[%dma_wait3A_46, %dma_wait3A_47] : memref<10000x32xf32, #tpu.memory_space<vmem_shared>> -> memref<10000x32xf32, #tpu.memory_space<vmem_shared>>
    tpu.wait_indirect_dma semaphore(%arg18 : memref<!tpu.dma_semaphore, #tpu.memory_space<semaphore_mem>>) src(%dma_wait3A_42 : memref<80x32xf32, #tpu.memory_space<vmem>>) dst(%dma_wait3A_48 : memref<10000x32xf32, #tpu.memory_space<vmem_shared>>)
    %dma_wait3A_49 = arith.constant 3 : i32
    %dma_wait3A_50 = arith.constant 0 : i32
    %dma_wait3A_51 = arith.constant 0 : i32
    %dma_wait3A_52 = arith.constant 0 : i32
    %dma_wait3A_53 = tpu.memref_slice %arg9[%dma_wait3A_49, %dma_wait3A_51, %dma_wait3A_52] : memref<5x80x32xf32, #tpu.memory_space<vmem>> -> memref<1x80x32xf32, #tpu.memory_space<vmem>>
    %dma_wait3A_54 = tpu.memref_squeeze %dma_wait3A_53 : memref<1x80x32xf32, #tpu.memory_space<vmem>> -> memref<80x32xf32, #tpu.memory_space<vmem>>
    %dma_wait3A_55 = arith.constant 0 : i32
    %dma_wait3A_56 = tpu.memref_slice %arg8[%dma_wait3A_50, %dma_wait3A_55] : memref<125x80xi32, #tpu.memory_space<vmem>> -> memref<1x80xi32, #tpu.memory_space<vmem>>
    %dma_wait3A_57 = tpu.memref_squeeze %dma_wait3A_56 : memref<1x80xi32, #tpu.memory_space<vmem>> -> memref<80xi32, #tpu.memory_space<vmem>>
    %dma_wait3A_58 = arith.constant 0 : i32
    %dma_wait3A_59 = arith.constant 0 : i32
    %dma_wait3A_60 = tpu.memref_slice %arg10[%dma_wait3A_58, %dma_wait3A_59] : memref<10000x32xf32, #tpu.memory_space<vmem_shared>> -> memref<10000x32xf32, #tpu.memory_space<vmem_shared>>
    tpu.wait_indirect_dma semaphore(%arg19 : memref<!tpu.dma_semaphore, #tpu.memory_space<semaphore_mem>>) src(%dma_wait3A_54 : memref<80x32xf32, #tpu.memory_space<vmem>>) dst(%dma_wait3A_60 : memref<10000x32xf32, #tpu.memory_space<vmem_shared>>)
    %dma_wait3A_61 = arith.constant 4 : i32
    %dma_wait3A_62 = arith.constant 0 : i32
    %dma_wait3A_63 = arith.constant 0 : i32
    %dma_wait3A_64 = arith.constant 0 : i32
    %dma_wait3A_65 = tpu.memref_slice %arg9[%dma_wait3A_61, %dma_wait3A_63, %dma_wait3A_64] : memref<5x80x32xf32, #tpu.memory_space<vmem>> -> memref<1x80x32xf32, #tpu.memory_space<vmem>>
    %dma_wait3A_66 = tpu.memref_squeeze %dma_wait3A_65 : memref<1x80x32xf32, #tpu.memory_space<vmem>> -> memref<80x32xf32, #tpu.memory_space<vmem>>
    %dma_wait3A_67 = arith.constant 0 : i32
    %dma_wait3A_68 = tpu.memref_slice %arg8[%dma_wait3A_62, %dma_wait3A_67] : memref<125x80xi32, #tpu.memory_space<vmem>> -> memref<1x80xi32, #tpu.memory_space<vmem>>
    %dma_wait3A_69 = tpu.memref_squeeze %dma_wait3A_68 : memref<1x80xi32, #tpu.memory_space<vmem>> -> memref<80xi32, #tpu.memory_space<vmem>>
    %dma_wait3A_70 = arith.constant 0 : i32
    %dma_wait3A_71 = arith.constant 0 : i32
    %dma_wait3A_72 = tpu.memref_slice %arg10[%dma_wait3A_70, %dma_wait3A_71] : memref<10000x32xf32, #tpu.memory_space<vmem_shared>> -> memref<10000x32xf32, #tpu.memory_space<vmem_shared>>
    tpu.wait_indirect_dma semaphore(%arg20 : memref<!tpu.dma_semaphore, #tpu.memory_space<semaphore_mem>>) src(%dma_wait3A_66 : memref<80x32xf32, #tpu.memory_space<vmem>>) dst(%dma_wait3A_72 : memref<10000x32xf32, #tpu.memory_space<vmem_shared>>)
    %barrier3A_73 = arith.constant 0 : index
    tpu.barrier barrier_id(%barrier3A_73)
    %lt3A_74 = arith.constant 15 : i32
    %lt3A_75 = arith.cmpi slt, %arg1, %lt3A_74 : i32
    %convert_element_type3A_76 = arith.extui %lt3A_75 : i1 to i32
    %cond3A_77 = arith.constant 0 : i32
    %cond3A_78 = arith.cmpi ne, %convert_element_type3A_76, %cond3A_77 : i32
    scf.if %cond3A_78 {
      "tpu.region"() ({
        %run_scoped3A = tpu.sem_alloc : memref<!tpu.dma_semaphore, #tpu.memory_space<semaphore_mem>>
        %dma_start3A = arith.constant 0 : i32
        %dma_start3A_84 = tpu.memref_slice %arg6[%arg0, %multiple_of3A, %dma_start3A] : memref<2x10000x32xf32, #tpu.memory_space<hbm>> -> memref<1x640x32xf32, #tpu.memory_space<hbm>>
        %dma_start3A_85 = tpu.memref_squeeze %dma_start3A_84 : memref<1x640x32xf32, #tpu.memory_space<hbm>> -> memref<640x32xf32, #tpu.memory_space<hbm>>
        %dma_start3A_86 = arith.constant 0 : i32
        %dma_start3A_87 = tpu.memref_slice %arg10[%multiple_of3A, %dma_start3A_86] : memref<10000x32xf32, #tpu.memory_space<vmem_shared>> -> memref<640x32xf32, #tpu.memory_space<vmem_shared>>
        tpu.enqueue_dma source(%dma_start3A_87 : memref<640x32xf32, #tpu.memory_space<vmem_shared>>) target(%dma_start3A_85 : memref<640x32xf32, #tpu.memory_space<hbm>>) target_semaphore(%run_scoped3A : memref<!tpu.dma_semaphore, #tpu.memory_space<semaphore_mem>>)
        %dma_wait3A_88 = arith.constant 0 : i32
        %dma_wait3A_89 = tpu.memref_slice %arg6[%arg0, %multiple_of3A, %dma_wait3A_88] : memref<2x10000x32xf32, #tpu.memory_space<hbm>> -> memref<1x640x32xf32, #tpu.memory_space<hbm>>
        %dma_wait3A_90 = tpu.memref_squeeze %dma_wait3A_89 : memref<1x640x32xf32, #tpu.memory_space<hbm>> -> memref<640x32xf32, #tpu.memory_space<hbm>>
        %dma_wait3A_91 = arith.constant 0 : i32
        %dma_wait3A_92 = tpu.memref_slice %arg10[%multiple_of3A, %dma_wait3A_91] : memref<10000x32xf32, #tpu.memory_space<vmem_shared>> -> memref<640x32xf32, #tpu.memory_space<vmem_shared>>
        tpu.wait_dma2 semaphore(%run_scoped3A : memref<!tpu.dma_semaphore, #tpu.memory_space<semaphore_mem>>) src(%dma_wait3A_92 : memref<640x32xf32, #tpu.memory_space<vmem_shared>>) dst(%dma_wait3A_90 : memref<640x32xf32, #tpu.memory_space<hbm>>)
        tpu.yield
      }) : () -> ()
    } else {
    }
    %eq3A_79 = arith.constant 15 : i32
    %eq3A_80 = arith.cmpi eq, %arg1, %eq3A_79 : i32
    %convert_element_type3A_81 = arith.extui %eq3A_80 : i1 to i32
    %cond3A_82 = arith.constant 0 : i32
    %cond3A_83 = arith.cmpi ne, %convert_element_type3A_81, %cond3A_82 : i32
    scf.if %cond3A_83 {
      "tpu.region"() ({
        %run_scoped3A = tpu.sem_alloc : memref<!tpu.dma_semaphore, #tpu.memory_space<semaphore_mem>>
        %dma_start3A = arith.constant 9600 : i32
        %dma_start3A_84 = arith.constant 0 : i32
        %dma_start3A_85 = tpu.memref_slice %arg6[%arg0, %dma_start3A, %dma_start3A_84] : memref<2x10000x32xf32, #tpu.memory_space<hbm>> -> memref<1x400x32xf32, #tpu.memory_space<hbm>>
        %dma_start3A_86 = tpu.memref_squeeze %dma_start3A_85 : memref<1x400x32xf32, #tpu.memory_space<hbm>> -> memref<400x32xf32, #tpu.memory_space<hbm>>
        %dma_start3A_87 = arith.constant 9600 : i32
        %dma_start3A_88 = arith.constant 0 : i32
        %dma_start3A_89 = tpu.memref_slice %arg10[%dma_start3A_87, %dma_start3A_88] : memref<10000x32xf32, #tpu.memory_space<vmem_shared>> -> memref<400x32xf32, #tpu.memory_space<vmem_shared>>
        tpu.enqueue_dma source(%dma_start3A_89 : memref<400x32xf32, #tpu.memory_space<vmem_shared>>) target(%dma_start3A_86 : memref<400x32xf32, #tpu.memory_space<hbm>>) target_semaphore(%run_scoped3A : memref<!tpu.dma_semaphore, #tpu.memory_space<semaphore_mem>>)
        %dma_wait3A_90 = arith.constant 9600 : i32
        %dma_wait3A_91 = arith.constant 0 : i32
        %dma_wait3A_92 = tpu.memref_slice %arg6[%arg0, %dma_wait3A_90, %dma_wait3A_91] : memref<2x10000x32xf32, #tpu.memory_space<hbm>> -> memref<1x400x32xf32, #tpu.memory_space<hbm>>
        %dma_wait3A_93 = tpu.memref_squeeze %dma_wait3A_92 : memref<1x400x32xf32, #tpu.memory_space<hbm>> -> memref<400x32xf32, #tpu.memory_space<hbm>>
        %dma_wait3A_94 = arith.constant 9600 : i32
        %dma_wait3A_95 = arith.constant 0 : i32
        %dma_wait3A_96 = tpu.memref_slice %arg10[%dma_wait3A_94, %dma_wait3A_95] : memref<10000x32xf32, #tpu.memory_space<vmem_shared>> -> memref<400x32xf32, #tpu.memory_space<vmem_shared>>
        tpu.wait_dma2 semaphore(%run_scoped3A : memref<!tpu.dma_semaphore, #tpu.memory_space<semaphore_mem>>) src(%dma_wait3A_96 : memref<400x32xf32, #tpu.memory_space<vmem_shared>>) dst(%dma_wait3A_93 : memref<400x32xf32, #tpu.memory_space<hbm>>)
        tpu.yield
      }) : () -> ()
    } else {
    }
    return
  }
}

module attributes {stable_mosaic.version = 14 : i64} {
  func.func @_pre_body(%arg0: i32, %arg1: memref<2500x512xf32, #tpu.memory_space<vmem>>, %arg2: memref<128x32xf32, #tpu.memory_space<vmem>>, %arg3: memref<16x32xf32, #tpu.memory_space<vmem>>, %arg4: memref<1x8xf32, #tpu.memory_space<vmem>>, %arg5: memref<1x8xf32, #tpu.memory_space<vmem>>, %arg6: memref<1x8xf32, #tpu.memory_space<vmem>>, %arg7: memref<1x8xf32, #tpu.memory_space<vmem>>, %arg8: memref<16x16xf32, #tpu.memory_space<vmem>>, %arg9: memref<1x16xf32, #tpu.memory_space<vmem>>, %arg10: memref<2500x128xf32, #tpu.memory_space<vmem>>) attributes {dimension_semantics = [#tpu.dimension_semantics<arbitrary>], iteration_bounds = array<i64: 1>, scalar_prefetch = 0 : i64, scratch_operands = 0 : i64, tpu.core_type = #tpu.core_type<tc>, window_params = [{transform_indices = @transform_0, window_bounds = array<i64: 2500, 512>}, {pipeline_mode = #tpu.pipeline_mode<synchronous>, transform_indices = @transform_1, window_bounds = array<i64: 128, 32>}, {pipeline_mode = #tpu.pipeline_mode<synchronous>, transform_indices = @transform_2, window_bounds = array<i64: 16, 32>}, {pipeline_mode = #tpu.pipeline_mode<synchronous>, transform_indices = @transform_3, window_bounds = array<i64: 1, 8>}, {pipeline_mode = #tpu.pipeline_mode<synchronous>, transform_indices = @transform_4, window_bounds = array<i64: 1, 8>}, {pipeline_mode = #tpu.pipeline_mode<synchronous>, transform_indices = @transform_5, window_bounds = array<i64: 1, 8>}, {pipeline_mode = #tpu.pipeline_mode<synchronous>, transform_indices = @transform_6, window_bounds = array<i64: 1, 8>}, {pipeline_mode = #tpu.pipeline_mode<synchronous>, transform_indices = @transform_7, window_bounds = array<i64: 16, 16>}, {pipeline_mode = #tpu.pipeline_mode<synchronous>, transform_indices = @transform_8, window_bounds = array<i64: 1, 16>}, {transform_indices = @transform_9, window_bounds = array<i64: 2500, 128>}]} {
    %get3A = arith.constant 0 : index
    %get3A_0 = arith.constant 0 : index
    %get3A_1 = vector.load %arg1[%get3A, %get3A_0] : memref<2500x512xf32, #tpu.memory_space<vmem>>, vector<2500x512xf32>
    %slice3A = vector.extract_strided_slice %get3A_1 {offsets = [0, 0], sizes = [2500, 128], strides = [1, 1]} : vector<2500x512xf32> to vector<2500x128xf32>
    %slice3A_2 = vector.extract_strided_slice %slice3A {offsets = [0, 126], sizes = [2500, 1], strides = [1, 1]} : vector<2500x128xf32> to vector<2500x1xf32>
    %slice3A_3 = vector.extract_strided_slice %slice3A {offsets = [0, 127], sizes = [2500, 1], strides = [1, 1]} : vector<2500x128xf32> to vector<2500x1xf32>
    %get3A_4 = arith.constant 0 : index
    %get3A_5 = arith.constant 0 : index
    %get3A_6 = vector.load %arg4[%get3A_4, %get3A_5] : memref<1x8xf32, #tpu.memory_space<vmem>>, vector<1x8xf32>
    %mul3A = vector.broadcast %slice3A_2 : vector<2500x1xf32> to vector<2500x8xf32>
    %mul3A_7 = vector.broadcast %get3A_6 : vector<1x8xf32> to vector<2500x8xf32>
    %mul3A_8 = arith.mulf %mul3A, %mul3A_7 : vector<2500x8xf32>
    %get3A_9 = arith.constant 0 : index
    %get3A_10 = arith.constant 0 : index
    %get3A_11 = vector.load %arg5[%get3A_9, %get3A_10] : memref<1x8xf32, #tpu.memory_space<vmem>>, vector<1x8xf32>
    %add3A = vector.broadcast %get3A_11 : vector<1x8xf32> to vector<2500x8xf32>
    %add3A_12 = arith.addf %mul3A_8, %add3A : vector<2500x8xf32>
    %max3A = arith.constant 0.000000e+00 : f32
    %max3A_13 = vector.broadcast %max3A : f32 to vector<2500x8xf32>
    %max3A_14 = arith.maximumf %add3A_12, %max3A_13 : vector<2500x8xf32>
    %get3A_15 = arith.constant 0 : index
    %get3A_16 = arith.constant 0 : index
    %get3A_17 = vector.load %arg6[%get3A_15, %get3A_16] : memref<1x8xf32, #tpu.memory_space<vmem>>, vector<1x8xf32>
    %mul3A_18 = vector.broadcast %slice3A_3 : vector<2500x1xf32> to vector<2500x8xf32>
    %mul3A_19 = vector.broadcast %get3A_17 : vector<1x8xf32> to vector<2500x8xf32>
    %mul3A_20 = arith.mulf %mul3A_18, %mul3A_19 : vector<2500x8xf32>
    %get3A_21 = arith.constant 0 : index
    %get3A_22 = arith.constant 0 : index
    %get3A_23 = vector.load %arg7[%get3A_21, %get3A_22] : memref<1x8xf32, #tpu.memory_space<vmem>>, vector<1x8xf32>
    %add3A_24 = vector.broadcast %get3A_23 : vector<1x8xf32> to vector<2500x8xf32>
    %add3A_25 = arith.addf %mul3A_20, %add3A_24 : vector<2500x8xf32>
    %max3A_26 = arith.constant 0.000000e+00 : f32
    %max3A_27 = vector.broadcast %max3A_26 : f32 to vector<2500x8xf32>
    %max3A_28 = arith.maximumf %add3A_25, %max3A_27 : vector<2500x8xf32>
    %concatenate3A = tpu.concatenate %max3A_14, %max3A_28 in 1 : vector<2500x8xf32>, vector<2500x8xf32> -> vector<2500x16xf32>
    %get3A_29 = arith.constant 0 : index
    %get3A_30 = arith.constant 0 : index
    %get3A_31 = vector.load %arg8[%get3A_29, %get3A_30] : memref<16x16xf32, #tpu.memory_space<vmem>>, vector<16x16xf32>
    %dot_general3A = arith.constant dense<0.000000e+00> : vector<2500x16xf32>
    %dot_general3A_32 = tpu.matmul %concatenate3A, %get3A_31, %dot_general3A {dimension_numbers = #tpu.dot_dimension_numbers<[1], [0], [0], [1], [0, 0, 1, 1], [], []>, transpose_lhs_hint = false} : vector<2500x16xf32>, vector<16x16xf32>, vector<2500x16xf32> -> vector<2500x16xf32>
    %get3A_33 = arith.constant 0 : index
    %get3A_34 = arith.constant 0 : index
    %get3A_35 = vector.load %arg9[%get3A_33, %get3A_34] : memref<1x16xf32, #tpu.memory_space<vmem>>, vector<1x16xf32>
    %add3A_36 = vector.broadcast %get3A_35 : vector<1x16xf32> to vector<2500x16xf32>
    %add3A_37 = arith.addf %dot_general3A_32, %add3A_36 : vector<2500x16xf32>
    %get3A_38 = arith.constant 0 : index
    %get3A_39 = arith.constant 0 : index
    %get3A_40 = vector.load %arg2[%get3A_38, %get3A_39] : memref<128x32xf32, #tpu.memory_space<vmem>>, vector<128x32xf32>
    %dot_general3A_41 = arith.constant dense<0.000000e+00> : vector<2500x32xf32>
    %dot_general3A_42 = tpu.matmul %slice3A, %get3A_40, %dot_general3A_41 {dimension_numbers = #tpu.dot_dimension_numbers<[1], [0], [0], [1], [0, 0, 1, 1], [], []>, transpose_lhs_hint = false} : vector<2500x128xf32>, vector<128x32xf32>, vector<2500x32xf32> -> vector<2500x32xf32>
    %get3A_43 = arith.constant 0 : index
    %get3A_44 = arith.constant 0 : index
    %get3A_45 = vector.load %arg3[%get3A_43, %get3A_44] : memref<16x32xf32, #tpu.memory_space<vmem>>, vector<16x32xf32>
    %dot_general3A_46 = arith.constant dense<0.000000e+00> : vector<2500x32xf32>
    %dot_general3A_47 = tpu.matmul %add3A_37, %get3A_45, %dot_general3A_46 {dimension_numbers = #tpu.dot_dimension_numbers<[1], [0], [0], [1], [0, 0, 1, 1], [], []>, transpose_lhs_hint = false} : vector<2500x16xf32>, vector<16x32xf32>, vector<2500x32xf32> -> vector<2500x32xf32>
    %add3A_48 = arith.addf %dot_general3A_42, %dot_general3A_47 : vector<2500x32xf32>
    %slice3A_49 = vector.extract_strided_slice %get3A_1 {offsets = [0, 128], sizes = [2500, 128], strides = [1, 1]} : vector<2500x512xf32> to vector<2500x128xf32>
    %slice3A_50 = vector.extract_strided_slice %slice3A_49 {offsets = [0, 126], sizes = [2500, 1], strides = [1, 1]} : vector<2500x128xf32> to vector<2500x1xf32>
    %slice3A_51 = vector.extract_strided_slice %slice3A_49 {offsets = [0, 127], sizes = [2500, 1], strides = [1, 1]} : vector<2500x128xf32> to vector<2500x1xf32>
    %get3A_52 = arith.constant 0 : index
    %get3A_53 = arith.constant 0 : index
    %get3A_54 = vector.load %arg4[%get3A_52, %get3A_53] : memref<1x8xf32, #tpu.memory_space<vmem>>, vector<1x8xf32>
    %mul3A_55 = vector.broadcast %slice3A_50 : vector<2500x1xf32> to vector<2500x8xf32>
    %mul3A_56 = vector.broadcast %get3A_54 : vector<1x8xf32> to vector<2500x8xf32>
    %mul3A_57 = arith.mulf %mul3A_55, %mul3A_56 : vector<2500x8xf32>
    %get3A_58 = arith.constant 0 : index
    %get3A_59 = arith.constant 0 : index
    %get3A_60 = vector.load %arg5[%get3A_58, %get3A_59] : memref<1x8xf32, #tpu.memory_space<vmem>>, vector<1x8xf32>
    %add3A_61 = vector.broadcast %get3A_60 : vector<1x8xf32> to vector<2500x8xf32>
    %add3A_62 = arith.addf %mul3A_57, %add3A_61 : vector<2500x8xf32>
    %max3A_63 = arith.constant 0.000000e+00 : f32
    %max3A_64 = vector.broadcast %max3A_63 : f32 to vector<2500x8xf32>
    %max3A_65 = arith.maximumf %add3A_62, %max3A_64 : vector<2500x8xf32>
    %get3A_66 = arith.constant 0 : index
    %get3A_67 = arith.constant 0 : index
    %get3A_68 = vector.load %arg6[%get3A_66, %get3A_67] : memref<1x8xf32, #tpu.memory_space<vmem>>, vector<1x8xf32>
    %mul3A_69 = vector.broadcast %slice3A_51 : vector<2500x1xf32> to vector<2500x8xf32>
    %mul3A_70 = vector.broadcast %get3A_68 : vector<1x8xf32> to vector<2500x8xf32>
    %mul3A_71 = arith.mulf %mul3A_69, %mul3A_70 : vector<2500x8xf32>
    %get3A_72 = arith.constant 0 : index
    %get3A_73 = arith.constant 0 : index
    %get3A_74 = vector.load %arg7[%get3A_72, %get3A_73] : memref<1x8xf32, #tpu.memory_space<vmem>>, vector<1x8xf32>
    %add3A_75 = vector.broadcast %get3A_74 : vector<1x8xf32> to vector<2500x8xf32>
    %add3A_76 = arith.addf %mul3A_71, %add3A_75 : vector<2500x8xf32>
    %max3A_77 = arith.constant 0.000000e+00 : f32
    %max3A_78 = vector.broadcast %max3A_77 : f32 to vector<2500x8xf32>
    %max3A_79 = arith.maximumf %add3A_76, %max3A_78 : vector<2500x8xf32>
    %concatenate3A_80 = tpu.concatenate %max3A_65, %max3A_79 in 1 : vector<2500x8xf32>, vector<2500x8xf32> -> vector<2500x16xf32>
    %get3A_81 = arith.constant 0 : index
    %get3A_82 = arith.constant 0 : index
    %get3A_83 = vector.load %arg8[%get3A_81, %get3A_82] : memref<16x16xf32, #tpu.memory_space<vmem>>, vector<16x16xf32>
    %dot_general3A_84 = arith.constant dense<0.000000e+00> : vector<2500x16xf32>
    %dot_general3A_85 = tpu.matmul %concatenate3A_80, %get3A_83, %dot_general3A_84 {dimension_numbers = #tpu.dot_dimension_numbers<[1], [0], [0], [1], [0, 0, 1, 1], [], []>, transpose_lhs_hint = false} : vector<2500x16xf32>, vector<16x16xf32>, vector<2500x16xf32> -> vector<2500x16xf32>
    %get3A_86 = arith.constant 0 : index
    %get3A_87 = arith.constant 0 : index
    %get3A_88 = vector.load %arg9[%get3A_86, %get3A_87] : memref<1x16xf32, #tpu.memory_space<vmem>>, vector<1x16xf32>
    %add3A_89 = vector.broadcast %get3A_88 : vector<1x16xf32> to vector<2500x16xf32>
    %add3A_90 = arith.addf %dot_general3A_85, %add3A_89 : vector<2500x16xf32>
    %get3A_91 = arith.constant 0 : index
    %get3A_92 = arith.constant 0 : index
    %get3A_93 = vector.load %arg2[%get3A_91, %get3A_92] : memref<128x32xf32, #tpu.memory_space<vmem>>, vector<128x32xf32>
    %dot_general3A_94 = arith.constant dense<0.000000e+00> : vector<2500x32xf32>
    %dot_general3A_95 = tpu.matmul %slice3A_49, %get3A_93, %dot_general3A_94 {dimension_numbers = #tpu.dot_dimension_numbers<[1], [0], [0], [1], [0, 0, 1, 1], [], []>, transpose_lhs_hint = false} : vector<2500x128xf32>, vector<128x32xf32>, vector<2500x32xf32> -> vector<2500x32xf32>
    %get3A_96 = arith.constant 0 : index
    %get3A_97 = arith.constant 0 : index
    %get3A_98 = vector.load %arg3[%get3A_96, %get3A_97] : memref<16x32xf32, #tpu.memory_space<vmem>>, vector<16x32xf32>
    %dot_general3A_99 = arith.constant dense<0.000000e+00> : vector<2500x32xf32>
    %dot_general3A_100 = tpu.matmul %add3A_90, %get3A_98, %dot_general3A_99 {dimension_numbers = #tpu.dot_dimension_numbers<[1], [0], [0], [1], [0, 0, 1, 1], [], []>, transpose_lhs_hint = false} : vector<2500x16xf32>, vector<16x32xf32>, vector<2500x32xf32> -> vector<2500x32xf32>
    %add3A_101 = arith.addf %dot_general3A_95, %dot_general3A_100 : vector<2500x32xf32>
    %slice3A_102 = vector.extract_strided_slice %get3A_1 {offsets = [0, 256], sizes = [2500, 128], strides = [1, 1]} : vector<2500x512xf32> to vector<2500x128xf32>
    %slice3A_103 = vector.extract_strided_slice %slice3A_102 {offsets = [0, 126], sizes = [2500, 1], strides = [1, 1]} : vector<2500x128xf32> to vector<2500x1xf32>
    %slice3A_104 = vector.extract_strided_slice %slice3A_102 {offsets = [0, 127], sizes = [2500, 1], strides = [1, 1]} : vector<2500x128xf32> to vector<2500x1xf32>
    %get3A_105 = arith.constant 0 : index
    %get3A_106 = arith.constant 0 : index
    %get3A_107 = vector.load %arg4[%get3A_105, %get3A_106] : memref<1x8xf32, #tpu.memory_space<vmem>>, vector<1x8xf32>
    %mul3A_108 = vector.broadcast %slice3A_103 : vector<2500x1xf32> to vector<2500x8xf32>
    %mul3A_109 = vector.broadcast %get3A_107 : vector<1x8xf32> to vector<2500x8xf32>
    %mul3A_110 = arith.mulf %mul3A_108, %mul3A_109 : vector<2500x8xf32>
    %get3A_111 = arith.constant 0 : index
    %get3A_112 = arith.constant 0 : index
    %get3A_113 = vector.load %arg5[%get3A_111, %get3A_112] : memref<1x8xf32, #tpu.memory_space<vmem>>, vector<1x8xf32>
    %add3A_114 = vector.broadcast %get3A_113 : vector<1x8xf32> to vector<2500x8xf32>
    %add3A_115 = arith.addf %mul3A_110, %add3A_114 : vector<2500x8xf32>
    %max3A_116 = arith.constant 0.000000e+00 : f32
    %max3A_117 = vector.broadcast %max3A_116 : f32 to vector<2500x8xf32>
    %max3A_118 = arith.maximumf %add3A_115, %max3A_117 : vector<2500x8xf32>
    %get3A_119 = arith.constant 0 : index
    %get3A_120 = arith.constant 0 : index
    %get3A_121 = vector.load %arg6[%get3A_119, %get3A_120] : memref<1x8xf32, #tpu.memory_space<vmem>>, vector<1x8xf32>
    %mul3A_122 = vector.broadcast %slice3A_104 : vector<2500x1xf32> to vector<2500x8xf32>
    %mul3A_123 = vector.broadcast %get3A_121 : vector<1x8xf32> to vector<2500x8xf32>
    %mul3A_124 = arith.mulf %mul3A_122, %mul3A_123 : vector<2500x8xf32>
    %get3A_125 = arith.constant 0 : index
    %get3A_126 = arith.constant 0 : index
    %get3A_127 = vector.load %arg7[%get3A_125, %get3A_126] : memref<1x8xf32, #tpu.memory_space<vmem>>, vector<1x8xf32>
    %add3A_128 = vector.broadcast %get3A_127 : vector<1x8xf32> to vector<2500x8xf32>
    %add3A_129 = arith.addf %mul3A_124, %add3A_128 : vector<2500x8xf32>
    %max3A_130 = arith.constant 0.000000e+00 : f32
    %max3A_131 = vector.broadcast %max3A_130 : f32 to vector<2500x8xf32>
    %max3A_132 = arith.maximumf %add3A_129, %max3A_131 : vector<2500x8xf32>
    %concatenate3A_133 = tpu.concatenate %max3A_118, %max3A_132 in 1 : vector<2500x8xf32>, vector<2500x8xf32> -> vector<2500x16xf32>
    %get3A_134 = arith.constant 0 : index
    %get3A_135 = arith.constant 0 : index
    %get3A_136 = vector.load %arg8[%get3A_134, %get3A_135] : memref<16x16xf32, #tpu.memory_space<vmem>>, vector<16x16xf32>
    %dot_general3A_137 = arith.constant dense<0.000000e+00> : vector<2500x16xf32>
    %dot_general3A_138 = tpu.matmul %concatenate3A_133, %get3A_136, %dot_general3A_137 {dimension_numbers = #tpu.dot_dimension_numbers<[1], [0], [0], [1], [0, 0, 1, 1], [], []>, transpose_lhs_hint = false} : vector<2500x16xf32>, vector<16x16xf32>, vector<2500x16xf32> -> vector<2500x16xf32>
    %get3A_139 = arith.constant 0 : index
    %get3A_140 = arith.constant 0 : index
    %get3A_141 = vector.load %arg9[%get3A_139, %get3A_140] : memref<1x16xf32, #tpu.memory_space<vmem>>, vector<1x16xf32>
    %add3A_142 = vector.broadcast %get3A_141 : vector<1x16xf32> to vector<2500x16xf32>
    %add3A_143 = arith.addf %dot_general3A_138, %add3A_142 : vector<2500x16xf32>
    %get3A_144 = arith.constant 0 : index
    %get3A_145 = arith.constant 0 : index
    %get3A_146 = vector.load %arg2[%get3A_144, %get3A_145] : memref<128x32xf32, #tpu.memory_space<vmem>>, vector<128x32xf32>
    %dot_general3A_147 = arith.constant dense<0.000000e+00> : vector<2500x32xf32>
    %dot_general3A_148 = tpu.matmul %slice3A_102, %get3A_146, %dot_general3A_147 {dimension_numbers = #tpu.dot_dimension_numbers<[1], [0], [0], [1], [0, 0, 1, 1], [], []>, transpose_lhs_hint = false} : vector<2500x128xf32>, vector<128x32xf32>, vector<2500x32xf32> -> vector<2500x32xf32>
    %get3A_149 = arith.constant 0 : index
    %get3A_150 = arith.constant 0 : index
    %get3A_151 = vector.load %arg3[%get3A_149, %get3A_150] : memref<16x32xf32, #tpu.memory_space<vmem>>, vector<16x32xf32>
    %dot_general3A_152 = arith.constant dense<0.000000e+00> : vector<2500x32xf32>
    %dot_general3A_153 = tpu.matmul %add3A_143, %get3A_151, %dot_general3A_152 {dimension_numbers = #tpu.dot_dimension_numbers<[1], [0], [0], [1], [0, 0, 1, 1], [], []>, transpose_lhs_hint = false} : vector<2500x16xf32>, vector<16x32xf32>, vector<2500x32xf32> -> vector<2500x32xf32>
    %add3A_154 = arith.addf %dot_general3A_148, %dot_general3A_153 : vector<2500x32xf32>
    %slice3A_155 = vector.extract_strided_slice %get3A_1 {offsets = [0, 384], sizes = [2500, 128], strides = [1, 1]} : vector<2500x512xf32> to vector<2500x128xf32>
    %slice3A_156 = vector.extract_strided_slice %slice3A_155 {offsets = [0, 126], sizes = [2500, 1], strides = [1, 1]} : vector<2500x128xf32> to vector<2500x1xf32>
    %slice3A_157 = vector.extract_strided_slice %slice3A_155 {offsets = [0, 127], sizes = [2500, 1], strides = [1, 1]} : vector<2500x128xf32> to vector<2500x1xf32>
    %get3A_158 = arith.constant 0 : index
    %get3A_159 = arith.constant 0 : index
    %get3A_160 = vector.load %arg4[%get3A_158, %get3A_159] : memref<1x8xf32, #tpu.memory_space<vmem>>, vector<1x8xf32>
    %mul3A_161 = vector.broadcast %slice3A_156 : vector<2500x1xf32> to vector<2500x8xf32>
    %mul3A_162 = vector.broadcast %get3A_160 : vector<1x8xf32> to vector<2500x8xf32>
    %mul3A_163 = arith.mulf %mul3A_161, %mul3A_162 : vector<2500x8xf32>
    %get3A_164 = arith.constant 0 : index
    %get3A_165 = arith.constant 0 : index
    %get3A_166 = vector.load %arg5[%get3A_164, %get3A_165] : memref<1x8xf32, #tpu.memory_space<vmem>>, vector<1x8xf32>
    %add3A_167 = vector.broadcast %get3A_166 : vector<1x8xf32> to vector<2500x8xf32>
    %add3A_168 = arith.addf %mul3A_163, %add3A_167 : vector<2500x8xf32>
    %max3A_169 = arith.constant 0.000000e+00 : f32
    %max3A_170 = vector.broadcast %max3A_169 : f32 to vector<2500x8xf32>
    %max3A_171 = arith.maximumf %add3A_168, %max3A_170 : vector<2500x8xf32>
    %get3A_172 = arith.constant 0 : index
    %get3A_173 = arith.constant 0 : index
    %get3A_174 = vector.load %arg6[%get3A_172, %get3A_173] : memref<1x8xf32, #tpu.memory_space<vmem>>, vector<1x8xf32>
    %mul3A_175 = vector.broadcast %slice3A_157 : vector<2500x1xf32> to vector<2500x8xf32>
    %mul3A_176 = vector.broadcast %get3A_174 : vector<1x8xf32> to vector<2500x8xf32>
    %mul3A_177 = arith.mulf %mul3A_175, %mul3A_176 : vector<2500x8xf32>
    %get3A_178 = arith.constant 0 : index
    %get3A_179 = arith.constant 0 : index
    %get3A_180 = vector.load %arg7[%get3A_178, %get3A_179] : memref<1x8xf32, #tpu.memory_space<vmem>>, vector<1x8xf32>
    %add3A_181 = vector.broadcast %get3A_180 : vector<1x8xf32> to vector<2500x8xf32>
    %add3A_182 = arith.addf %mul3A_177, %add3A_181 : vector<2500x8xf32>
    %max3A_183 = arith.constant 0.000000e+00 : f32
    %max3A_184 = vector.broadcast %max3A_183 : f32 to vector<2500x8xf32>
    %max3A_185 = arith.maximumf %add3A_182, %max3A_184 : vector<2500x8xf32>
    %concatenate3A_186 = tpu.concatenate %max3A_171, %max3A_185 in 1 : vector<2500x8xf32>, vector<2500x8xf32> -> vector<2500x16xf32>
    %get3A_187 = arith.constant 0 : index
    %get3A_188 = arith.constant 0 : index
    %get3A_189 = vector.load %arg8[%get3A_187, %get3A_188] : memref<16x16xf32, #tpu.memory_space<vmem>>, vector<16x16xf32>
    %dot_general3A_190 = arith.constant dense<0.000000e+00> : vector<2500x16xf32>
    %dot_general3A_191 = tpu.matmul %concatenate3A_186, %get3A_189, %dot_general3A_190 {dimension_numbers = #tpu.dot_dimension_numbers<[1], [0], [0], [1], [0, 0, 1, 1], [], []>, transpose_lhs_hint = false} : vector<2500x16xf32>, vector<16x16xf32>, vector<2500x16xf32> -> vector<2500x16xf32>
    %get3A_192 = arith.constant 0 : index
    %get3A_193 = arith.constant 0 : index
    %get3A_194 = vector.load %arg9[%get3A_192, %get3A_193] : memref<1x16xf32, #tpu.memory_space<vmem>>, vector<1x16xf32>
    %add3A_195 = vector.broadcast %get3A_194 : vector<1x16xf32> to vector<2500x16xf32>
    %add3A_196 = arith.addf %dot_general3A_191, %add3A_195 : vector<2500x16xf32>
    %get3A_197 = arith.constant 0 : index
    %get3A_198 = arith.constant 0 : index
    %get3A_199 = vector.load %arg2[%get3A_197, %get3A_198] : memref<128x32xf32, #tpu.memory_space<vmem>>, vector<128x32xf32>
    %dot_general3A_200 = arith.constant dense<0.000000e+00> : vector<2500x32xf32>
    %dot_general3A_201 = tpu.matmul %slice3A_155, %get3A_199, %dot_general3A_200 {dimension_numbers = #tpu.dot_dimension_numbers<[1], [0], [0], [1], [0, 0, 1, 1], [], []>, transpose_lhs_hint = false} : vector<2500x128xf32>, vector<128x32xf32>, vector<2500x32xf32> -> vector<2500x32xf32>
    %get3A_202 = arith.constant 0 : index
    %get3A_203 = arith.constant 0 : index
    %get3A_204 = vector.load %arg3[%get3A_202, %get3A_203] : memref<16x32xf32, #tpu.memory_space<vmem>>, vector<16x32xf32>
    %dot_general3A_205 = arith.constant dense<0.000000e+00> : vector<2500x32xf32>
    %dot_general3A_206 = tpu.matmul %add3A_196, %get3A_204, %dot_general3A_205 {dimension_numbers = #tpu.dot_dimension_numbers<[1], [0], [0], [1], [0, 0, 1, 1], [], []>, transpose_lhs_hint = false} : vector<2500x16xf32>, vector<16x32xf32>, vector<2500x32xf32> -> vector<2500x32xf32>
    %add3A_207 = arith.addf %dot_general3A_201, %dot_general3A_206 : vector<2500x32xf32>
    %concatenate3A_208 = tpu.concatenate %add3A_48, %add3A_101, %add3A_154, %add3A_207 in 1 : vector<2500x32xf32>, vector<2500x32xf32>, vector<2500x32xf32>, vector<2500x32xf32> -> vector<2500x128xf32>
    %swap3A = arith.constant 0 : index
    %swap3A_209 = arith.constant 0 : index
    %swap3A_210 = vector.load %arg10[%swap3A, %swap3A_209] : memref<2500x128xf32, #tpu.memory_space<vmem>>, vector<2500x128xf32>
    tpu.vector_store %arg10[%swap3A, %swap3A_209], %concatenate3A_208 {strides = array<i32>} : memref<2500x128xf32, #tpu.memory_space<vmem>>, vector<2500x128xf32>,
    return
  }
  func.func @transform_0(%arg0: i32) -> (i32, i32) {
    %c0_i32 = arith.constant 0 : i32
    %c0_i32_0 = arith.constant 0 : i32
    return %arg0, %c0_i32 : i32, i32
  }
  func.func @transform_1(%arg0: i32) -> (i32, i32) {
    %c0_i32 = arith.constant 0 : i32
    %c0_i32_0 = arith.constant 0 : i32
    %c0_i32_1 = arith.constant 0 : i32
    return %c0_i32, %c0_i32_0 : i32, i32
  }
  func.func @transform_2(%arg0: i32) -> (i32, i32) {
    %c0_i32 = arith.constant 0 : i32
    %c0_i32_0 = arith.constant 0 : i32
    %c0_i32_1 = arith.constant 0 : i32
    return %c0_i32, %c0_i32_0 : i32, i32
  }
  func.func @transform_3(%arg0: i32) -> (i32, i32) {
    %c0_i32 = arith.constant 0 : i32
    %c0_i32_0 = arith.constant 0 : i32
    %c0_i32_1 = arith.constant 0 : i32
    return %c0_i32, %c0_i32_0 : i32, i32
  }
  func.func @transform_4(%arg0: i32) -> (i32, i32) {
    %c0_i32 = arith.constant 0 : i32
    %c0_i32_0 = arith.constant 0 : i32
    %c0_i32_1 = arith.constant 0 : i32
    return %c0_i32, %c0_i32_0 : i32, i32
  }
  func.func @transform_5(%arg0: i32) -> (i32, i32) {
    %c0_i32 = arith.constant 0 : i32
    %c0_i32_0 = arith.constant 0 : i32
    %c0_i32_1 = arith.constant 0 : i32
    return %c0_i32, %c0_i32_0 : i32, i32
  }
  func.func @transform_6(%arg0: i32) -> (i32, i32) {
    %c0_i32 = arith.constant 0 : i32
    %c0_i32_0 = arith.constant 0 : i32
    %c0_i32_1 = arith.constant 0 : i32
    return %c0_i32, %c0_i32_0 : i32, i32
  }
  func.func @transform_7(%arg0: i32) -> (i32, i32) {
    %c0_i32 = arith.constant 0 : i32
    %c0_i32_0 = arith.constant 0 : i32
    %c0_i32_1 = arith.constant 0 : i32
    return %c0_i32, %c0_i32_0 : i32, i32
  }
  func.func @transform_8(%arg0: i32) -> (i32, i32) {
    %c0_i32 = arith.constant 0 : i32
    %c0_i32_0 = arith.constant 0 : i32
    %c0_i32_1 = arith.constant 0 : i32
    return %c0_i32, %c0_i32_0 : i32, i32
  }
  func.func @transform_9(%arg0: i32) -> (i32, i32) {
    %c0_i32 = arith.constant 0 : i32
    %c0_i32_0 = arith.constant 0 : i32
    return %arg0, %c0_i32 : i32, i32
  }
}

module attributes {stable_mosaic.version = 14 : i64} {
  func.func @_mid_body(%arg0: i32, %arg1: memref<2500x128xf32, #tpu.memory_space<vmem>>, %arg2: memref<2x2500x128xf32, #tpu.memory_space<vmem>>, %arg3: memref<2500x128xf32, #tpu.memory_space<vmem>>, %arg4: memref<1x128xf32, #tpu.memory_space<vmem>>, %arg5: memref<1x128xf32, #tpu.memory_space<vmem>>, %arg6: memref<1x128xf32, #tpu.memory_space<vmem>>, %arg7: memref<128x128xf32, #tpu.memory_space<vmem>>, %arg8: memref<1x128xf32, #tpu.memory_space<vmem>>, %arg9: memref<128x128xf32, #tpu.memory_space<vmem>>, %arg10: memref<2500x128xf32, #tpu.memory_space<vmem>>, %arg11: memref<2500x128xf32, #tpu.memory_space<vmem>>) attributes {dimension_semantics = [#tpu.dimension_semantics<arbitrary>], iteration_bounds = array<i64: 1>, scalar_prefetch = 0 : i64, scratch_operands = 0 : i64, tpu.core_type = #tpu.core_type<tc>, window_params = [{transform_indices = @transform_0, window_bounds = array<i64: 2500, 128>}, {transform_indices = @transform_1, window_bounds = array<i64: 2, 2500, 128>}, {transform_indices = @transform_2, window_bounds = array<i64: 2500, 128>}, {pipeline_mode = #tpu.pipeline_mode<synchronous>, transform_indices = @transform_3, window_bounds = array<i64: 1, 128>}, {pipeline_mode = #tpu.pipeline_mode<synchronous>, transform_indices = @transform_4, window_bounds = array<i64: 1, 128>}, {pipeline_mode = #tpu.pipeline_mode<synchronous>, transform_indices = @transform_5, window_bounds = array<i64: 1, 128>}, {pipeline_mode = #tpu.pipeline_mode<synchronous>, transform_indices = @transform_6, window_bounds = array<i64: 128, 128>}, {pipeline_mode = #tpu.pipeline_mode<synchronous>, transform_indices = @transform_7, window_bounds = array<i64: 1, 128>}, {pipeline_mode = #tpu.pipeline_mode<synchronous>, transform_indices = @transform_8, window_bounds = array<i64: 128, 128>}, {transform_indices = @transform_9, window_bounds = array<i64: 2500, 128>}, {transform_indices = @transform_10, window_bounds = array<i64: 2500, 128>}]} {
    %get3A = arith.constant 0 : index
    %get3A_0 = arith.constant 0 : index
    %get3A_1 = arith.constant 0 : index
    %get3A_2 = vector.load %arg2[%get3A, %get3A_0, %get3A_1] : memref<2x2500x128xf32, #tpu.memory_space<vmem>>, vector<2x2500x128xf32>
    %get3A_3 = arith.constant 0 : index
    %get3A_4 = arith.constant 0 : index
    %get3A_5 = vector.load %arg1[%get3A_3, %get3A_4] : memref<2500x128xf32, #tpu.memory_space<vmem>>, vector<2500x128xf32>
    %slice3A = vector.extract_strided_slice %get3A_2 {offsets = [0, 0, 0], sizes = [1, 2500, 128], strides = [1, 1, 1]} : vector<2x2500x128xf32> to vector<1x2500x128xf32>
    %squeeze3A = vector.shape_cast %slice3A : vector<1x2500x128xf32> to vector<2500x128xf32>
    %add3A = arith.addf %get3A_5, %squeeze3A : vector<2500x128xf32>
    %slice3A_6 = vector.extract_strided_slice %get3A_2 {offsets = [1, 0, 0], sizes = [1, 2500, 128], strides = [1, 1, 1]} : vector<2x2500x128xf32> to vector<1x2500x128xf32>
    %squeeze3A_7 = vector.shape_cast %slice3A_6 : vector<1x2500x128xf32> to vector<2500x128xf32>
    %add3A_8 = arith.addf %add3A, %squeeze3A_7 : vector<2500x128xf32>
    %get3A_9 = arith.constant 0 : index
    %get3A_10 = arith.constant 0 : index
    %get3A_11 = vector.load %arg4[%get3A_9, %get3A_10] : memref<1x128xf32, #tpu.memory_space<vmem>>, vector<1x128xf32>
    %add3A_12 = vector.broadcast %get3A_11 : vector<1x128xf32> to vector<2500x128xf32>
    %add3A_13 = arith.addf %add3A_8, %add3A_12 : vector<2500x128xf32>
    %mul3A = arith.constant 0.999994993 : f32
    %mul3A_14 = vector.broadcast %mul3A : f32 to vector<2500x128xf32>
    %mul3A_15 = arith.mulf %add3A_13, %mul3A_14 : vector<2500x128xf32>
    %get3A_16 = arith.constant 0 : index
    %get3A_17 = arith.constant 0 : index
    %get3A_18 = vector.load %arg5[%get3A_16, %get3A_17] : memref<1x128xf32, #tpu.memory_space<vmem>>, vector<1x128xf32>
    %mul3A_19 = vector.broadcast %get3A_18 : vector<1x128xf32> to vector<2500x128xf32>
    %mul3A_20 = arith.mulf %mul3A_15, %mul3A_19 : vector<2500x128xf32>
    %get3A_21 = arith.constant 0 : index
    %get3A_22 = arith.constant 0 : index
    %get3A_23 = vector.load %arg6[%get3A_21, %get3A_22] : memref<1x128xf32, #tpu.memory_space<vmem>>, vector<1x128xf32>
    %add3A_24 = vector.broadcast %get3A_23 : vector<1x128xf32> to vector<2500x128xf32>
    %add3A_25 = arith.addf %mul3A_20, %add3A_24 : vector<2500x128xf32>
    %max3A = arith.constant 0.000000e+00 : f32
    %max3A_26 = vector.broadcast %max3A : f32 to vector<2500x128xf32>
    %max3A_27 = arith.maximumf %add3A_25, %max3A_26 : vector<2500x128xf32>
    %get3A_28 = arith.constant 0 : index
    %get3A_29 = arith.constant 0 : index
    %get3A_30 = vector.load %arg7[%get3A_28, %get3A_29] : memref<128x128xf32, #tpu.memory_space<vmem>>, vector<128x128xf32>
    %dot_general3A = arith.constant dense<0.000000e+00> : vector<2500x128xf32>
    %dot_general3A_31 = tpu.matmul %max3A_27, %get3A_30, %dot_general3A {dimension_numbers = #tpu.dot_dimension_numbers<[1], [0], [0], [1], [0, 0, 1, 1], [], []>, transpose_lhs_hint = false} : vector<2500x128xf32>, vector<128x128xf32>, vector<2500x128xf32> -> vector<2500x128xf32>
    %get3A_32 = arith.constant 0 : index
    %get3A_33 = arith.constant 0 : index
    %get3A_34 = vector.load %arg8[%get3A_32, %get3A_33] : memref<1x128xf32, #tpu.memory_space<vmem>>, vector<1x128xf32>
    %add3A_35 = vector.broadcast %get3A_34 : vector<1x128xf32> to vector<2500x128xf32>
    %add3A_36 = arith.addf %dot_general3A_31, %add3A_35 : vector<2500x128xf32>
    %max3A_37 = arith.constant 0.000000e+00 : f32
    %max3A_38 = vector.broadcast %max3A_37 : f32 to vector<2500x128xf32>
    %max3A_39 = arith.maximumf %add3A_36, %max3A_38 : vector<2500x128xf32>
    %swap3A = arith.constant 0 : index
    %swap3A_40 = arith.constant 0 : index
    %swap3A_41 = vector.load %arg10[%swap3A, %swap3A_40] : memref<2500x128xf32, #tpu.memory_space<vmem>>, vector<2500x128xf32>
    tpu.vector_store %arg10[%swap3A, %swap3A_40], %max3A_39 {strides = array<i32>} : memref<2500x128xf32, #tpu.memory_space<vmem>>, vector<2500x128xf32>,
    %get3A_42 = arith.constant 0 : index
    %get3A_43 = arith.constant 0 : index
    %get3A_44 = vector.load %arg9[%get3A_42, %get3A_43] : memref<128x128xf32, #tpu.memory_space<vmem>>, vector<128x128xf32>
    %dot_general3A_45 = arith.constant dense<0.000000e+00> : vector<2500x128xf32>
    %dot_general3A_46 = tpu.matmul %max3A_39, %get3A_44, %dot_general3A_45 {dimension_numbers = #tpu.dot_dimension_numbers<[1], [0], [0], [1], [0, 0, 1, 1], [], []>, transpose_lhs_hint = false} : vector<2500x128xf32>, vector<128x128xf32>, vector<2500x128xf32> -> vector<2500x128xf32>
    %swap3A_47 = arith.constant 0 : index
    %swap3A_48 = arith.constant 0 : index
    %swap3A_49 = vector.load %arg11[%swap3A_47, %swap3A_48] : memref<2500x128xf32, #tpu.memory_space<vmem>>, vector<2500x128xf32>
    tpu.vector_store %arg11[%swap3A_47, %swap3A_48], %dot_general3A_46 {strides = array<i32>} : memref<2500x128xf32, #tpu.memory_space<vmem>>, vector<2500x128xf32>,
    return
  }
  func.func @transform_0(%arg0: i32) -> (i32, i32) {
    %c0_i32 = arith.constant 0 : i32
    %c0_i32_0 = arith.constant 0 : i32
    return %arg0, %c0_i32 : i32, i32
  }
  func.func @transform_1(%arg0: i32) -> (i32, i32, i32) {
    %c0_i32 = arith.constant 0 : i32
    %c0_i32_0 = arith.constant 0 : i32
    %c0_i32_1 = arith.constant 0 : i32
    return %c0_i32, %arg0, %c0_i32_0 : i32, i32, i32
  }
  func.func @transform_2(%arg0: i32) -> (i32, i32) {
    %c0_i32 = arith.constant 0 : i32
    %c0_i32_0 = arith.constant 0 : i32
    return %arg0, %c0_i32 : i32, i32
  }
  func.func @transform_3(%arg0: i32) -> (i32, i32) {
    %c0_i32 = arith.constant 0 : i32
    %c0_i32_0 = arith.constant 0 : i32
    %c0_i32_1 = arith.constant 0 : i32
    return %c0_i32, %c0_i32_0 : i32, i32
  }
  func.func @transform_4(%arg0: i32) -> (i32, i32) {
    %c0_i32 = arith.constant 0 : i32
    %c0_i32_0 = arith.constant 0 : i32
    %c0_i32_1 = arith.constant 0 : i32
    return %c0_i32, %c0_i32_0 : i32, i32
  }
  func.func @transform_5(%arg0: i32) -> (i32, i32) {
    %c0_i32 = arith.constant 0 : i32
    %c0_i32_0 = arith.constant 0 : i32
    %c0_i32_1 = arith.constant 0 : i32
    return %c0_i32, %c0_i32_0 : i32, i32
  }
  func.func @transform_6(%arg0: i32) -> (i32, i32) {
    %c0_i32 = arith.constant 0 : i32
    %c0_i32_0 = arith.constant 0 : i32
    %c0_i32_1 = arith.constant 0 : i32
    return %c0_i32, %c0_i32_0 : i32, i32
  }
  func.func @transform_7(%arg0: i32) -> (i32, i32) {
    %c0_i32 = arith.constant 0 : i32
    %c0_i32_0 = arith.constant 0 : i32
    %c0_i32_1 = arith.constant 0 : i32
    return %c0_i32, %c0_i32_0 : i32, i32
  }
  func.func @transform_8(%arg0: i32) -> (i32, i32) {
    %c0_i32 = arith.constant 0 : i32
    %c0_i32_0 = arith.constant 0 : i32
    %c0_i32_1 = arith.constant 0 : i32
    return %c0_i32, %c0_i32_0 : i32, i32
  }
  func.func @transform_9(%arg0: i32) -> (i32, i32) {
    %c0_i32 = arith.constant 0 : i32
    %c0_i32_0 = arith.constant 0 : i32
    return %arg0, %c0_i32 : i32, i32
  }
  func.func @transform_10(%arg0: i32) -> (i32, i32) {
    %c0_i32 = arith.constant 0 : i32
    %c0_i32_0 = arith.constant 0 : i32
    return %arg0, %c0_i32 : i32, i32
  }
}

module attributes {stable_mosaic.version = 14 : i64} {
  func.func @_mid_body(%arg0: i32, %arg1: memref<2500x128xf32, #tpu.memory_space<vmem>>, %arg2: memref<2x2500x128xf32, #tpu.memory_space<vmem>>, %arg3: memref<2500x128xf32, #tpu.memory_space<vmem>>, %arg4: memref<1x128xf32, #tpu.memory_space<vmem>>, %arg5: memref<1x128xf32, #tpu.memory_space<vmem>>, %arg6: memref<1x128xf32, #tpu.memory_space<vmem>>, %arg7: memref<128x128xf32, #tpu.memory_space<vmem>>, %arg8: memref<1x128xf32, #tpu.memory_space<vmem>>, %arg9: memref<128x128xf32, #tpu.memory_space<vmem>>, %arg10: memref<2500x128xf32, #tpu.memory_space<vmem>>, %arg11: memref<2500x128xf32, #tpu.memory_space<vmem>>) attributes {dimension_semantics = [#tpu.dimension_semantics<arbitrary>], iteration_bounds = array<i64: 1>, scalar_prefetch = 0 : i64, scratch_operands = 0 : i64, tpu.core_type = #tpu.core_type<tc>, window_params = [{transform_indices = @transform_0, window_bounds = array<i64: 2500, 128>}, {transform_indices = @transform_1, window_bounds = array<i64: 2, 2500, 128>}, {transform_indices = @transform_2, window_bounds = array<i64: 2500, 128>}, {pipeline_mode = #tpu.pipeline_mode<synchronous>, transform_indices = @transform_3, window_bounds = array<i64: 1, 128>}, {pipeline_mode = #tpu.pipeline_mode<synchronous>, transform_indices = @transform_4, window_bounds = array<i64: 1, 128>}, {pipeline_mode = #tpu.pipeline_mode<synchronous>, transform_indices = @transform_5, window_bounds = array<i64: 1, 128>}, {pipeline_mode = #tpu.pipeline_mode<synchronous>, transform_indices = @transform_6, window_bounds = array<i64: 128, 128>}, {pipeline_mode = #tpu.pipeline_mode<synchronous>, transform_indices = @transform_7, window_bounds = array<i64: 1, 128>}, {pipeline_mode = #tpu.pipeline_mode<synchronous>, transform_indices = @transform_8, window_bounds = array<i64: 128, 128>}, {transform_indices = @transform_9, window_bounds = array<i64: 2500, 128>}, {transform_indices = @transform_10, window_bounds = array<i64: 2500, 128>}]} {
    %get3A = arith.constant 0 : index
    %get3A_0 = arith.constant 0 : index
    %get3A_1 = arith.constant 0 : index
    %get3A_2 = vector.load %arg2[%get3A, %get3A_0, %get3A_1] : memref<2x2500x128xf32, #tpu.memory_space<vmem>>, vector<2x2500x128xf32>
    %get3A_3 = arith.constant 0 : index
    %get3A_4 = arith.constant 0 : index
    %get3A_5 = vector.load %arg1[%get3A_3, %get3A_4] : memref<2500x128xf32, #tpu.memory_space<vmem>>, vector<2500x128xf32>
    %slice3A = vector.extract_strided_slice %get3A_2 {offsets = [0, 0, 0], sizes = [1, 2500, 128], strides = [1, 1, 1]} : vector<2x2500x128xf32> to vector<1x2500x128xf32>
    %squeeze3A = vector.shape_cast %slice3A : vector<1x2500x128xf32> to vector<2500x128xf32>
    %add3A = arith.addf %get3A_5, %squeeze3A : vector<2500x128xf32>
    %slice3A_6 = vector.extract_strided_slice %get3A_2 {offsets = [1, 0, 0], sizes = [1, 2500, 128], strides = [1, 1, 1]} : vector<2x2500x128xf32> to vector<1x2500x128xf32>
    %squeeze3A_7 = vector.shape_cast %slice3A_6 : vector<1x2500x128xf32> to vector<2500x128xf32>
    %add3A_8 = arith.addf %add3A, %squeeze3A_7 : vector<2500x128xf32>
    %get3A_9 = arith.constant 0 : index
    %get3A_10 = arith.constant 0 : index
    %get3A_11 = vector.load %arg4[%get3A_9, %get3A_10] : memref<1x128xf32, #tpu.memory_space<vmem>>, vector<1x128xf32>
    %add3A_12 = vector.broadcast %get3A_11 : vector<1x128xf32> to vector<2500x128xf32>
    %add3A_13 = arith.addf %add3A_8, %add3A_12 : vector<2500x128xf32>
    %mul3A = arith.constant 0.999994993 : f32
    %mul3A_14 = vector.broadcast %mul3A : f32 to vector<2500x128xf32>
    %mul3A_15 = arith.mulf %add3A_13, %mul3A_14 : vector<2500x128xf32>
    %get3A_16 = arith.constant 0 : index
    %get3A_17 = arith.constant 0 : index
    %get3A_18 = vector.load %arg5[%get3A_16, %get3A_17] : memref<1x128xf32, #tpu.memory_space<vmem>>, vector<1x128xf32>
    %mul3A_19 = vector.broadcast %get3A_18 : vector<1x128xf32> to vector<2500x128xf32>
    %mul3A_20 = arith.mulf %mul3A_15, %mul3A_19 : vector<2500x128xf32>
    %get3A_21 = arith.constant 0 : index
    %get3A_22 = arith.constant 0 : index
    %get3A_23 = vector.load %arg6[%get3A_21, %get3A_22] : memref<1x128xf32, #tpu.memory_space<vmem>>, vector<1x128xf32>
    %add3A_24 = vector.broadcast %get3A_23 : vector<1x128xf32> to vector<2500x128xf32>
    %add3A_25 = arith.addf %mul3A_20, %add3A_24 : vector<2500x128xf32>
    %max3A = arith.constant 0.000000e+00 : f32
    %max3A_26 = vector.broadcast %max3A : f32 to vector<2500x128xf32>
    %max3A_27 = arith.maximumf %add3A_25, %max3A_26 : vector<2500x128xf32>
    %get3A_28 = arith.constant 0 : index
    %get3A_29 = arith.constant 0 : index
    %get3A_30 = vector.load %arg7[%get3A_28, %get3A_29] : memref<128x128xf32, #tpu.memory_space<vmem>>, vector<128x128xf32>
    %dot_general3A = arith.constant dense<0.000000e+00> : vector<2500x128xf32>
    %dot_general3A_31 = tpu.matmul %max3A_27, %get3A_30, %dot_general3A {dimension_numbers = #tpu.dot_dimension_numbers<[1], [0], [0], [1], [0, 0, 1, 1], [], []>, transpose_lhs_hint = false} : vector<2500x128xf32>, vector<128x128xf32>, vector<2500x128xf32> -> vector<2500x128xf32>
    %get3A_32 = arith.constant 0 : index
    %get3A_33 = arith.constant 0 : index
    %get3A_34 = vector.load %arg8[%get3A_32, %get3A_33] : memref<1x128xf32, #tpu.memory_space<vmem>>, vector<1x128xf32>
    %add3A_35 = vector.broadcast %get3A_34 : vector<1x128xf32> to vector<2500x128xf32>
    %add3A_36 = arith.addf %dot_general3A_31, %add3A_35 : vector<2500x128xf32>
    %max3A_37 = arith.constant 0.000000e+00 : f32
    %max3A_38 = vector.broadcast %max3A_37 : f32 to vector<2500x128xf32>
    %max3A_39 = arith.maximumf %add3A_36, %max3A_38 : vector<2500x128xf32>
    %get3A_40 = arith.constant 0 : index
    %get3A_41 = arith.constant 0 : index
    %get3A_42 = vector.load %arg3[%get3A_40, %get3A_41] : memref<2500x128xf32, #tpu.memory_space<vmem>>, vector<2500x128xf32>
    %add3A_43 = arith.addf %max3A_39, %get3A_42 : vector<2500x128xf32>
    %swap3A = arith.constant 0 : index
    %swap3A_44 = arith.constant 0 : index
    %swap3A_45 = vector.load %arg10[%swap3A, %swap3A_44] : memref<2500x128xf32, #tpu.memory_space<vmem>>, vector<2500x128xf32>
    tpu.vector_store %arg10[%swap3A, %swap3A_44], %add3A_43 {strides = array<i32>} : memref<2500x128xf32, #tpu.memory_space<vmem>>, vector<2500x128xf32>,
    %get3A_46 = arith.constant 0 : index
    %get3A_47 = arith.constant 0 : index
    %get3A_48 = vector.load %arg9[%get3A_46, %get3A_47] : memref<128x128xf32, #tpu.memory_space<vmem>>, vector<128x128xf32>
    %dot_general3A_49 = arith.constant dense<0.000000e+00> : vector<2500x128xf32>
    %dot_general3A_50 = tpu.matmul %add3A_43, %get3A_48, %dot_general3A_49 {dimension_numbers = #tpu.dot_dimension_numbers<[1], [0], [0], [1], [0, 0, 1, 1], [], []>, transpose_lhs_hint = false} : vector<2500x128xf32>, vector<128x128xf32>, vector<2500x128xf32> -> vector<2500x128xf32>
    %swap3A_51 = arith.constant 0 : index
    %swap3A_52 = arith.constant 0 : index
    %swap3A_53 = vector.load %arg11[%swap3A_51, %swap3A_52] : memref<2500x128xf32, #tpu.memory_space<vmem>>, vector<2500x128xf32>
    tpu.vector_store %arg11[%swap3A_51, %swap3A_52], %dot_general3A_50 {strides = array<i32>} : memref<2500x128xf32, #tpu.memory_space<vmem>>, vector<2500x128xf32>,
    return
  }
  func.func @transform_0(%arg0: i32) -> (i32, i32) {
    %c0_i32 = arith.constant 0 : i32
    %c0_i32_0 = arith.constant 0 : i32
    return %arg0, %c0_i32 : i32, i32
  }
  func.func @transform_1(%arg0: i32) -> (i32, i32, i32) {
    %c0_i32 = arith.constant 0 : i32
    %c0_i32_0 = arith.constant 0 : i32
    %c0_i32_1 = arith.constant 0 : i32
    return %c0_i32, %arg0, %c0_i32_0 : i32, i32, i32
  }
  func.func @transform_2(%arg0: i32) -> (i32, i32) {
    %c0_i32 = arith.constant 0 : i32
    %c0_i32_0 = arith.constant 0 : i32
    return %arg0, %c0_i32 : i32, i32
  }
  func.func @transform_3(%arg0: i32) -> (i32, i32) {
    %c0_i32 = arith.constant 0 : i32
    %c0_i32_0 = arith.constant 0 : i32
    %c0_i32_1 = arith.constant 0 : i32
    return %c0_i32, %c0_i32_0 : i32, i32
  }
  func.func @transform_4(%arg0: i32) -> (i32, i32) {
    %c0_i32 = arith.constant 0 : i32
    %c0_i32_0 = arith.constant 0 : i32
    %c0_i32_1 = arith.constant 0 : i32
    return %c0_i32, %c0_i32_0 : i32, i32
  }
  func.func @transform_5(%arg0: i32) -> (i32, i32) {
    %c0_i32 = arith.constant 0 : i32
    %c0_i32_0 = arith.constant 0 : i32
    %c0_i32_1 = arith.constant 0 : i32
    return %c0_i32, %c0_i32_0 : i32, i32
  }
  func.func @transform_6(%arg0: i32) -> (i32, i32) {
    %c0_i32 = arith.constant 0 : i32
    %c0_i32_0 = arith.constant 0 : i32
    %c0_i32_1 = arith.constant 0 : i32
    return %c0_i32, %c0_i32_0 : i32, i32
  }
  func.func @transform_7(%arg0: i32) -> (i32, i32) {
    %c0_i32 = arith.constant 0 : i32
    %c0_i32_0 = arith.constant 0 : i32
    %c0_i32_1 = arith.constant 0 : i32
    return %c0_i32, %c0_i32_0 : i32, i32
  }
  func.func @transform_8(%arg0: i32) -> (i32, i32) {
    %c0_i32 = arith.constant 0 : i32
    %c0_i32_0 = arith.constant 0 : i32
    %c0_i32_1 = arith.constant 0 : i32
    return %c0_i32, %c0_i32_0 : i32, i32
  }
  func.func @transform_9(%arg0: i32) -> (i32, i32) {
    %c0_i32 = arith.constant 0 : i32
    %c0_i32_0 = arith.constant 0 : i32
    return %arg0, %c0_i32 : i32, i32
  }
  func.func @transform_10(%arg0: i32) -> (i32, i32) {
    %c0_i32 = arith.constant 0 : i32
    %c0_i32_0 = arith.constant 0 : i32
    return %arg0, %c0_i32 : i32, i32
  }
}

module attributes {stable_mosaic.version = 14 : i64} {
  func.func @_final_body(%arg0: i32, %arg1: memref<2500x128xf32, #tpu.memory_space<vmem>>, %arg2: memref<2x2500x128xf32, #tpu.memory_space<vmem>>, %arg3: memref<2500x128xf32, #tpu.memory_space<vmem>>, %arg4: memref<2500x128xf32, #tpu.memory_space<vmem>>, %arg5: memref<2500x4xi32, #tpu.memory_space<vmem>>, %arg6: memref<1x128xf32, #tpu.memory_space<vmem>>, %arg7: memref<1x128xf32, #tpu.memory_space<vmem>>, %arg8: memref<1x128xf32, #tpu.memory_space<vmem>>, %arg9: memref<128x128xf32, #tpu.memory_space<vmem>>, %arg10: memref<1x128xf32, #tpu.memory_space<vmem>>, %arg11: memref<32x16xf32, #tpu.memory_space<vmem>>, %arg12: memref<1x16xf32, #tpu.memory_space<vmem>>, %arg13: memref<16x7xf32, #tpu.memory_space<vmem>>, %arg14: memref<1x7xf32, #tpu.memory_space<vmem>>, %arg15: memref<64x7xf32, #tpu.memory_space<vmem>>, %arg16: memref<64x33xf32, #tpu.memory_space<vmem>>) attributes {dimension_semantics = [#tpu.dimension_semantics<arbitrary>], iteration_bounds = array<i64: 1>, scalar_prefetch = 0 : i64, scratch_operands = 1 : i64, tpu.core_type = #tpu.core_type<tc>, window_params = [{transform_indices = @transform_0, window_bounds = array<i64: 2500, 128>}, {transform_indices = @transform_1, window_bounds = array<i64: 2, 2500, 128>}, {transform_indices = @transform_2, window_bounds = array<i64: 2500, 128>}, {transform_indices = @transform_3, window_bounds = array<i64: 2500, 128>}, {transform_indices = @transform_4, window_bounds = array<i64: 2500, 4>}, {pipeline_mode = #tpu.pipeline_mode<synchronous>, transform_indices = @transform_5, window_bounds = array<i64: 1, 128>}, {pipeline_mode = #tpu.pipeline_mode<synchronous>, transform_indices = @transform_6, window_bounds = array<i64: 1, 128>}, {pipeline_mode = #tpu.pipeline_mode<synchronous>, transform_indices = @transform_7, window_bounds = array<i64: 1, 128>}, {pipeline_mode = #tpu.pipeline_mode<synchronous>, transform_indices = @transform_8, window_bounds = array<i64: 128, 128>}, {pipeline_mode = #tpu.pipeline_mode<synchronous>, transform_indices = @transform_9, window_bounds = array<i64: 1, 128>}, {pipeline_mode = #tpu.pipeline_mode<synchronous>, transform_indices = @transform_10, window_bounds = array<i64: 32, 16>}, {pipeline_mode = #tpu.pipeline_mode<synchronous>, transform_indices = @transform_11, window_bounds = array<i64: 1, 16>}, {pipeline_mode = #tpu.pipeline_mode<synchronous>, transform_indices = @transform_12, window_bounds = array<i64: 16, 7>}, {pipeline_mode = #tpu.pipeline_mode<synchronous>, transform_indices = @transform_13, window_bounds = array<i64: 1, 7>}, {pipeline_mode = #tpu.pipeline_mode<synchronous>, transform_indices = @transform_14, window_bounds = array<i64: 64, 7>}]} {
    %get3A = arith.constant 0 : index
    %get3A_0 = arith.constant 0 : index
    %get3A_1 = arith.constant 0 : index
    %get3A_2 = vector.load %arg2[%get3A, %get3A_0, %get3A_1] : memref<2x2500x128xf32, #tpu.memory_space<vmem>>, vector<2x2500x128xf32>
    %get3A_3 = arith.constant 0 : index
    %get3A_4 = arith.constant 0 : index
    %get3A_5 = vector.load %arg1[%get3A_3, %get3A_4] : memref<2500x128xf32, #tpu.memory_space<vmem>>, vector<2500x128xf32>
    %slice3A = vector.extract_strided_slice %get3A_2 {offsets = [0, 0, 0], sizes = [1, 2500, 128], strides = [1, 1, 1]} : vector<2x2500x128xf32> to vector<1x2500x128xf32>
    %squeeze3A = vector.shape_cast %slice3A : vector<1x2500x128xf32> to vector<2500x128xf32>
    %add3A = arith.addf %get3A_5, %squeeze3A : vector<2500x128xf32>
    %slice3A_6 = vector.extract_strided_slice %get3A_2 {offsets = [1, 0, 0], sizes = [1, 2500, 128], strides = [1, 1, 1]} : vector<2x2500x128xf32> to vector<1x2500x128xf32>
    %squeeze3A_7 = vector.shape_cast %slice3A_6 : vector<1x2500x128xf32> to vector<2500x128xf32>
    %add3A_8 = arith.addf %add3A, %squeeze3A_7 : vector<2500x128xf32>
    %get3A_9 = arith.constant 0 : index
    %get3A_10 = arith.constant 0 : index
    %get3A_11 = vector.load %arg6[%get3A_9, %get3A_10] : memref<1x128xf32, #tpu.memory_space<vmem>>, vector<1x128xf32>
    %add3A_12 = vector.broadcast %get3A_11 : vector<1x128xf32> to vector<2500x128xf32>
    %add3A_13 = arith.addf %add3A_8, %add3A_12 : vector<2500x128xf32>
    %mul3A = arith.constant 0.999994993 : f32
    %mul3A_14 = vector.broadcast %mul3A : f32 to vector<2500x128xf32>
    %mul3A_15 = arith.mulf %add3A_13, %mul3A_14 : vector<2500x128xf32>
    %get3A_16 = arith.constant 0 : index
    %get3A_17 = arith.constant 0 : index
    %get3A_18 = vector.load %arg7[%get3A_16, %get3A_17] : memref<1x128xf32, #tpu.memory_space<vmem>>, vector<1x128xf32>
    %mul3A_19 = vector.broadcast %get3A_18 : vector<1x128xf32> to vector<2500x128xf32>
    %mul3A_20 = arith.mulf %mul3A_15, %mul3A_19 : vector<2500x128xf32>
    %get3A_21 = arith.constant 0 : index
    %get3A_22 = arith.constant 0 : index
    %get3A_23 = vector.load %arg8[%get3A_21, %get3A_22] : memref<1x128xf32, #tpu.memory_space<vmem>>, vector<1x128xf32>
    %add3A_24 = vector.broadcast %get3A_23 : vector<1x128xf32> to vector<2500x128xf32>
    %add3A_25 = arith.addf %mul3A_20, %add3A_24 : vector<2500x128xf32>
    %max3A = arith.constant 0.000000e+00 : f32
    %max3A_26 = vector.broadcast %max3A : f32 to vector<2500x128xf32>
    %max3A_27 = arith.maximumf %add3A_25, %max3A_26 : vector<2500x128xf32>
    %get3A_28 = arith.constant 0 : index
    %get3A_29 = arith.constant 0 : index
    %get3A_30 = vector.load %arg9[%get3A_28, %get3A_29] : memref<128x128xf32, #tpu.memory_space<vmem>>, vector<128x128xf32>
    %dot_general3A = arith.constant dense<0.000000e+00> : vector<2500x128xf32>
    %dot_general3A_31 = tpu.matmul %max3A_27, %get3A_30, %dot_general3A {dimension_numbers = #tpu.dot_dimension_numbers<[1], [0], [0], [1], [0, 0, 1, 1], [], []>, transpose_lhs_hint = false} : vector<2500x128xf32>, vector<128x128xf32>, vector<2500x128xf32> -> vector<2500x128xf32>
    %get3A_32 = arith.constant 0 : index
    %get3A_33 = arith.constant 0 : index
    %get3A_34 = vector.load %arg10[%get3A_32, %get3A_33] : memref<1x128xf32, #tpu.memory_space<vmem>>, vector<1x128xf32>
    %add3A_35 = vector.broadcast %get3A_34 : vector<1x128xf32> to vector<2500x128xf32>
    %add3A_36 = arith.addf %dot_general3A_31, %add3A_35 : vector<2500x128xf32>
    %get3A_37 = arith.constant 0 : index
    %get3A_38 = arith.constant 0 : index
    %get3A_39 = vector.load %arg3[%get3A_37, %get3A_38] : memref<2500x128xf32, #tpu.memory_space<vmem>>, vector<2500x128xf32>
    %add3A_40 = arith.addf %add3A_36, %get3A_39 : vector<2500x128xf32>
    %get3A_41 = arith.constant 0 : index
    %get3A_42 = arith.constant 0 : index
    %get3A_43 = vector.load %arg4[%get3A_41, %get3A_42] : memref<2500x128xf32, #tpu.memory_space<vmem>>, vector<2500x128xf32>
    %add3A_44 = arith.addf %add3A_40, %get3A_43 : vector<2500x128xf32>
    %eq3A = arith.constant 0 : i32
    %eq3A_45 = arith.cmpi eq, %arg0, %eq3A : i32
    %convert_element_type3A = arith.extui %eq3A_45 : i1 to i32
    %cond3A = arith.constant 0 : i32
    %cond3A_46 = arith.cmpi ne, %convert_element_type3A, %cond3A : i32
    scf.if %cond3A_46 {
      %broadcast_in_dim3A_105 = arith.constant 0.000000e+00 : f32
      %broadcast_in_dim3A_106 = vector.broadcast %broadcast_in_dim3A_105 : f32 to vector<64x33xf32>
      %swap3A_107 = arith.constant 0 : index
      %swap3A_108 = arith.constant 0 : index
      %swap3A_109 = vector.load %arg16[%swap3A_107, %swap3A_108] : memref<64x33xf32, #tpu.memory_space<vmem>>, vector<64x33xf32>
      tpu.vector_store %arg16[%swap3A_107, %swap3A_108], %broadcast_in_dim3A_106 {strides = array<i32>} : memref<64x33xf32, #tpu.memory_space<vmem>>, vector<64x33xf32>,
    } else {
    }
    %broadcast_in_dim3A = arith.constant 1.000000e+00 : f32
    %broadcast_in_dim3A_47 = vector.broadcast %broadcast_in_dim3A : f32 to vector<2500x1xf32>
    %iota3A = tpu.iota {dimensions = array<i32: 1>} : vector<2500x64xi32>
    %get3A_48 = arith.constant 0 : index
    %get3A_49 = arith.constant 0 : index
    %get3A_50 = vector.load %arg16[%get3A_48, %get3A_49] : memref<64x33xf32, #tpu.memory_space<vmem>>, vector<64x33xf32>
    %get3A_51 = arith.constant 0 : index
    %get3A_52 = arith.constant 0 : index
    %get3A_53 = vector.load %arg5[%get3A_51, %get3A_52] : memref<2500x4xi32, #tpu.memory_space<vmem>>, vector<2500x1xi32>
    %eq3A_54 = vector.broadcast %get3A_53 : vector<2500x1xi32> to vector<2500x64xi32>
    %eq3A_55 = arith.cmpi eq, %eq3A_54, %iota3A : vector<2500x64xi32>
    %convert_element_type3A_56 = arith.extui %eq3A_55 : vector<2500x64xi1> to vector<2500x64xi32>
    %convert_element_type3A_57 = arith.sitofp %convert_element_type3A_56 : vector<2500x64xi32> to vector<2500x64xf32>
    %slice3A_58 = vector.extract_strided_slice %add3A_44 {offsets = [0, 0], sizes = [2500, 32], strides = [1, 1]} : vector<2500x128xf32> to vector<2500x32xf32>
    %concatenate3A = tpu.concatenate %slice3A_58, %broadcast_in_dim3A_47 in 1 : vector<2500x32xf32>, vector<2500x1xf32> -> vector<2500x33xf32>
    %dot_general3A_59 = arith.constant dense<0.000000e+00> : vector<64x33xf32>
    %dot_general3A_60 = tpu.matmul %convert_element_type3A_57, %concatenate3A, %dot_general3A_59 {dimension_numbers = #tpu.dot_dimension_numbers<[0], [0], [1], [1], [0, 1, 1, 1], [], []>, transpose_lhs_hint = false} : vector<2500x64xf32>, vector<2500x33xf32>, vector<64x33xf32> -> vector<64x33xf32>
    %add3A_61 = arith.addf %get3A_50, %dot_general3A_60 : vector<64x33xf32>
    %get3A_62 = arith.constant 0 : index
    %get3A_63 = arith.constant 1 : index
    %get3A_64 = vector.load %arg5[%get3A_62, %get3A_63] : memref<2500x4xi32, #tpu.memory_space<vmem>>, vector<2500x1xi32>
    %eq3A_65 = vector.broadcast %get3A_64 : vector<2500x1xi32> to vector<2500x64xi32>
    %eq3A_66 = arith.cmpi eq, %eq3A_65, %iota3A : vector<2500x64xi32>
    %convert_element_type3A_67 = arith.extui %eq3A_66 : vector<2500x64xi1> to vector<2500x64xi32>
    %convert_element_type3A_68 = arith.sitofp %convert_element_type3A_67 : vector<2500x64xi32> to vector<2500x64xf32>
    %slice3A_69 = vector.extract_strided_slice %add3A_44 {offsets = [0, 32], sizes = [2500, 32], strides = [1, 1]} : vector<2500x128xf32> to vector<2500x32xf32>
    %concatenate3A_70 = tpu.concatenate %slice3A_69, %broadcast_in_dim3A_47 in 1 : vector<2500x32xf32>, vector<2500x1xf32> -> vector<2500x33xf32>
    %dot_general3A_71 = arith.constant dense<0.000000e+00> : vector<64x33xf32>
    %dot_general3A_72 = tpu.matmul %convert_element_type3A_68, %concatenate3A_70, %dot_general3A_71 {dimension_numbers = #tpu.dot_dimension_numbers<[0], [0], [1], [1], [0, 1, 1, 1], [], []>, transpose_lhs_hint = false} : vector<2500x64xf32>, vector<2500x33xf32>, vector<64x33xf32> -> vector<64x33xf32>
    %add3A_73 = arith.addf %add3A_61, %dot_general3A_72 : vector<64x33xf32>
    %get3A_74 = arith.constant 0 : index
    %get3A_75 = arith.constant 2 : index
    %get3A_76 = vector.load %arg5[%get3A_74, %get3A_75] : memref<2500x4xi32, #tpu.memory_space<vmem>>, vector<2500x1xi32>
    %eq3A_77 = vector.broadcast %get3A_76 : vector<2500x1xi32> to vector<2500x64xi32>
    %eq3A_78 = arith.cmpi eq, %eq3A_77, %iota3A : vector<2500x64xi32>
    %convert_element_type3A_79 = arith.extui %eq3A_78 : vector<2500x64xi1> to vector<2500x64xi32>
    %convert_element_type3A_80 = arith.sitofp %convert_element_type3A_79 : vector<2500x64xi32> to vector<2500x64xf32>
    %slice3A_81 = vector.extract_strided_slice %add3A_44 {offsets = [0, 64], sizes = [2500, 32], strides = [1, 1]} : vector<2500x128xf32> to vector<2500x32xf32>
    %concatenate3A_82 = tpu.concatenate %slice3A_81, %broadcast_in_dim3A_47 in 1 : vector<2500x32xf32>, vector<2500x1xf32> -> vector<2500x33xf32>
    %dot_general3A_83 = arith.constant dense<0.000000e+00> : vector<64x33xf32>
    %dot_general3A_84 = tpu.matmul %convert_element_type3A_80, %concatenate3A_82, %dot_general3A_83 {dimension_numbers = #tpu.dot_dimension_numbers<[0], [0], [1], [1], [0, 1, 1, 1], [], []>, transpose_lhs_hint = false} : vector<2500x64xf32>, vector<2500x33xf32>, vector<64x33xf32> -> vector<64x33xf32>
    %add3A_85 = arith.addf %add3A_73, %dot_general3A_84 : vector<64x33xf32>
    %get3A_86 = arith.constant 0 : index
    %get3A_87 = arith.constant 3 : index
    %get3A_88 = vector.load %arg5[%get3A_86, %get3A_87] : memref<2500x4xi32, #tpu.memory_space<vmem>>, vector<2500x1xi32>
    %eq3A_89 = vector.broadcast %get3A_88 : vector<2500x1xi32> to vector<2500x64xi32>
    %eq3A_90 = arith.cmpi eq, %eq3A_89, %iota3A : vector<2500x64xi32>
    %convert_element_type3A_91 = arith.extui %eq3A_90 : vector<2500x64xi1> to vector<2500x64xi32>
    %convert_element_type3A_92 = arith.sitofp %convert_element_type3A_91 : vector<2500x64xi32> to vector<2500x64xf32>
    %slice3A_93 = vector.extract_strided_slice %add3A_44 {offsets = [0, 96], sizes = [2500, 32], strides = [1, 1]} : vector<2500x128xf32> to vector<2500x32xf32>
    %concatenate3A_94 = tpu.concatenate %slice3A_93, %broadcast_in_dim3A_47 in 1 : vector<2500x32xf32>, vector<2500x1xf32> -> vector<2500x33xf32>
    %dot_general3A_95 = arith.constant dense<0.000000e+00> : vector<64x33xf32>
    %dot_general3A_96 = tpu.matmul %convert_element_type3A_92, %concatenate3A_94, %dot_general3A_95 {dimension_numbers = #tpu.dot_dimension_numbers<[0], [0], [1], [1], [0, 1, 1, 1], [], []>, transpose_lhs_hint = false} : vector<2500x64xf32>, vector<2500x33xf32>, vector<64x33xf32> -> vector<64x33xf32>
    %add3A_97 = arith.addf %add3A_85, %dot_general3A_96 : vector<64x33xf32>
    %swap3A = arith.constant 0 : index
    %swap3A_98 = arith.constant 0 : index
    %swap3A_99 = vector.load %arg16[%swap3A, %swap3A_98] : memref<64x33xf32, #tpu.memory_space<vmem>>, vector<64x33xf32>
    tpu.vector_store %arg16[%swap3A, %swap3A_98], %add3A_97 {strides = array<i32>} : memref<64x33xf32, #tpu.memory_space<vmem>>, vector<64x33xf32>,
    %eq3A_100 = arith.constant 0 : i32
    %eq3A_101 = arith.cmpi eq, %arg0, %eq3A_100 : i32
    %convert_element_type3A_102 = arith.extui %eq3A_101 : i1 to i32
    %cond3A_103 = arith.constant 0 : i32
    %cond3A_104 = arith.cmpi ne, %convert_element_type3A_102, %cond3A_103 : i32
    scf.if %cond3A_104 {
      %get3A_105 = arith.constant 0 : index
      %get3A_106 = arith.constant 0 : index
      %get3A_107 = vector.load %arg16[%get3A_105, %get3A_106] : memref<64x33xf32, #tpu.memory_space<vmem>>, vector<64x32xf32>
      %get3A_108 = arith.constant 0 : index
      %get3A_109 = arith.constant 32 : index
      %get3A_110 = vector.load %arg16[%get3A_108, %get3A_109] : memref<64x33xf32, #tpu.memory_space<vmem>>, vector<64x1xf32>
      %max3A_111 = arith.constant 1.000000e+00 : f32
      %max3A_112 = vector.broadcast %max3A_111 : f32 to vector<64x1xf32>
      %max3A_113 = arith.maximumf %get3A_110, %max3A_112 : vector<64x1xf32>
      %div3A = vector.broadcast %max3A_113 : vector<64x1xf32> to vector<64x32xf32>
      %div3A_114 = arith.divf %get3A_107, %div3A : vector<64x32xf32>
      %get3A_115 = arith.constant 0 : index
      %get3A_116 = arith.constant 0 : index
      %get3A_117 = vector.load %arg11[%get3A_115, %get3A_116] : memref<32x16xf32, #tpu.memory_space<vmem>>, vector<32x16xf32>
      %dot_general3A_118 = arith.constant dense<0.000000e+00> : vector<64x16xf32>
      %dot_general3A_119 = tpu.matmul %div3A_114, %get3A_117, %dot_general3A_118 {dimension_numbers = #tpu.dot_dimension_numbers<[1], [0], [0], [1], [0, 0, 1, 1], [], []>, transpose_lhs_hint = false} : vector<64x32xf32>, vector<32x16xf32>, vector<64x16xf32> -> vector<64x16xf32>
      %get3A_120 = arith.constant 0 : index
      %get3A_121 = arith.constant 0 : index
      %get3A_122 = vector.load %arg12[%get3A_120, %get3A_121] : memref<1x16xf32, #tpu.memory_space<vmem>>, vector<1x16xf32>
      %add3A_123 = vector.broadcast %get3A_122 : vector<1x16xf32> to vector<64x16xf32>
      %add3A_124 = arith.addf %dot_general3A_119, %add3A_123 : vector<64x16xf32>
      %max3A_125 = arith.constant 0.000000e+00 : f32
      %max3A_126 = vector.broadcast %max3A_125 : f32 to vector<64x16xf32>
      %max3A_127 = arith.maximumf %add3A_124, %max3A_126 : vector<64x16xf32>
      %get3A_128 = arith.constant 0 : index
      %get3A_129 = arith.constant 0 : index
      %get3A_130 = vector.load %arg13[%get3A_128, %get3A_129] : memref<16x7xf32, #tpu.memory_space<vmem>>, vector<16x7xf32>
      %dot_general3A_131 = arith.constant dense<0.000000e+00> : vector<64x7xf32>
      %dot_general3A_132 = tpu.matmul %max3A_127, %get3A_130, %dot_general3A_131 {dimension_numbers = #tpu.dot_dimension_numbers<[1], [0], [0], [1], [0, 0, 1, 1], [], []>, transpose_lhs_hint = false} : vector<64x16xf32>, vector<16x7xf32>, vector<64x7xf32> -> vector<64x7xf32>
      %get3A_133 = arith.constant 0 : index
      %get3A_134 = arith.constant 0 : index
      %get3A_135 = vector.load %arg14[%get3A_133, %get3A_134] : memref<1x7xf32, #tpu.memory_space<vmem>>, vector<1x7xf32>
      %add3A_136 = vector.broadcast %get3A_135 : vector<1x7xf32> to vector<64x7xf32>
      %add3A_137 = arith.addf %dot_general3A_132, %add3A_136 : vector<64x7xf32>
      %reduce_max3A = arith.constant dense<0xFF800000> : vector<64xf32>
      %reduce_max3A_138 = vector.multi_reduction <maximumf>, %add3A_137, %reduce_max3A [1] : vector<64x7xf32> to vector<64xf32>
      %broadcast_in_dim3A_139 = vector.shape_cast %reduce_max3A_138 : vector<64xf32> to vector<64x1xf32>
      %sub3A = vector.broadcast %broadcast_in_dim3A_139 : vector<64x1xf32> to vector<64x7xf32>
      %sub3A_140 = arith.subf %add3A_137, %sub3A : vector<64x7xf32>
      %exp3A = math.exp %sub3A_140 : vector<64x7xf32>
      %reduce_sum3A = arith.constant dense<0.000000e+00> : vector<64xf32>
      %reduce_sum3A_141 = vector.multi_reduction <add>, %exp3A, %reduce_sum3A [1] : vector<64x7xf32> to vector<64xf32>
      %broadcast_in_dim3A_142 = vector.shape_cast %reduce_sum3A_141 : vector<64xf32> to vector<64x1xf32>
      %log3A = math.log %broadcast_in_dim3A_142 : vector<64x1xf32>
      %add3A_143 = arith.addf %broadcast_in_dim3A_139, %log3A : vector<64x1xf32>
      %sub3A_144 = vector.broadcast %add3A_143 : vector<64x1xf32> to vector<64x7xf32>
      %sub3A_145 = arith.subf %add3A_137, %sub3A_144 : vector<64x7xf32>
      %swap3A_146 = arith.constant 0 : index
      %swap3A_147 = arith.constant 0 : index
      %swap3A_148 = vector.load %arg15[%swap3A_146, %swap3A_147] : memref<64x7xf32, #tpu.memory_space<vmem>>, vector<64x7xf32>
      tpu.vector_store %arg15[%swap3A_146, %swap3A_147], %sub3A_145 {strides = array<i32>} : memref<64x7xf32, #tpu.memory_space<vmem>>, vector<64x7xf32>,
    } else {
    }
    return
  }
  func.func @transform_0(%arg0: i32) -> (i32, i32) {
    %c0_i32 = arith.constant 0 : i32
    %c0_i32_0 = arith.constant 0 : i32
    return %arg0, %c0_i32 : i32, i32
  }
  func.func @transform_1(%arg0: i32) -> (i32, i32, i32) {
    %c0_i32 = arith.constant 0 : i32
    %c0_i32_0 = arith.constant 0 : i32
    %c0_i32_1 = arith.constant 0 : i32
    return %c0_i32, %arg0, %c0_i32_0 : i32, i32, i32
  }
  func.func @transform_2(%arg0: i32) -> (i32, i32) {
    %c0_i32 = arith.constant 0 : i32
    %c0_i32_0 = arith.constant 0 : i32
    return %arg0, %c0_i32 : i32, i32
  }
  func.func @transform_3(%arg0: i32) -> (i32, i32) {
    %c0_i32 = arith.constant 0 : i32
    %c0_i32_0 = arith.constant 0 : i32
    return %arg0, %c0_i32 : i32, i32
  }
  func.func @transform_4(%arg0: i32) -> (i32, i32) {
    %c0_i32 = arith.constant 0 : i32
    %c0_i32_0 = arith.constant 0 : i32
    return %arg0, %c0_i32 : i32, i32
  }
  func.func @transform_5(%arg0: i32) -> (i32, i32) {
    %c0_i32 = arith.constant 0 : i32
    %c0_i32_0 = arith.constant 0 : i32
    %c0_i32_1 = arith.constant 0 : i32
    return %c0_i32, %c0_i32_0 : i32, i32
  }
  func.func @transform_6(%arg0: i32) -> (i32, i32) {
    %c0_i32 = arith.constant 0 : i32
    %c0_i32_0 = arith.constant 0 : i32
    %c0_i32_1 = arith.constant 0 : i32
    return %c0_i32, %c0_i32_0 : i32, i32
  }
  func.func @transform_7(%arg0: i32) -> (i32, i32) {
    %c0_i32 = arith.constant 0 : i32
    %c0_i32_0 = arith.constant 0 : i32
    %c0_i32_1 = arith.constant 0 : i32
    return %c0_i32, %c0_i32_0 : i32, i32
  }
  func.func @transform_8(%arg0: i32) -> (i32, i32) {
    %c0_i32 = arith.constant 0 : i32
    %c0_i32_0 = arith.constant 0 : i32
    %c0_i32_1 = arith.constant 0 : i32
    return %c0_i32, %c0_i32_0 : i32, i32
  }
  func.func @transform_9(%arg0: i32) -> (i32, i32) {
    %c0_i32 = arith.constant 0 : i32
    %c0_i32_0 = arith.constant 0 : i32
    %c0_i32_1 = arith.constant 0 : i32
    return %c0_i32, %c0_i32_0 : i32, i32
  }
  func.func @transform_10(%arg0: i32) -> (i32, i32) {
    %c0_i32 = arith.constant 0 : i32
    %c0_i32_0 = arith.constant 0 : i32
    %c0_i32_1 = arith.constant 0 : i32
    return %c0_i32, %c0_i32_0 : i32, i32
  }
  func.func @transform_11(%arg0: i32) -> (i32, i32) {
    %c0_i32 = arith.constant 0 : i32
    %c0_i32_0 = arith.constant 0 : i32
    %c0_i32_1 = arith.constant 0 : i32
    return %c0_i32, %c0_i32_0 : i32, i32
  }
  func.func @transform_12(%arg0: i32) -> (i32, i32) {
    %c0_i32 = arith.constant 0 : i32
    %c0_i32_0 = arith.constant 0 : i32
    %c0_i32_1 = arith.constant 0 : i32
    return %c0_i32, %c0_i32_0 : i32, i32
  }
  func.func @transform_13(%arg0: i32) -> (i32, i32) {
    %c0_i32 = arith.constant 0 : i32
    %c0_i32_0 = arith.constant 0 : i32
    %c0_i32_1 = arith.constant 0 : i32
    return %c0_i32, %c0_i32_0 : i32, i32
  }
  func.func @transform_14(%arg0: i32) -> (i32, i32) {
    %c0_i32 = arith.constant 0 : i32
    %c0_i32_0 = arith.constant 0 : i32
    %c0_i32_1 = arith.constant 0 : i32
    return %c0_i32, %c0_i32_0 : i32, i32
  }
}

</mosaic_0001>

<sc_bundles>
// kernel: kernel.12.cloned.1.call-start
scs
__scs_entry_jumppad:
0x0: {  	(pc) =	sbr.rel $0x88, $3  }
0x1: {  	(tag) =	ssettag $0x0;
	lr =	simm.s32 $0x1  }
0x2: {  	[smem:$0x3F82] =	sst lr;
	_ =	strace $0xD0000000  }
0x3: {  	_ = 	snop  }
0x4: {  	_ = 	snop  }
0x5: {  	_ = 	snop  }
0x6: {  	_ = 	snop  }
0x7: {  	_ = 	snop  }
__scs_overlays_trampoline_lowered:
0x8: {  	[smem:$0x3F91] =	sst s0  }
0x9: {  	[smem:$0x3F92] =	sst s1  }
0xa: {  	[smem:$0x3F93] =	sst s2  }
0xb: {  	[smem:$0x3F94] =	sst s3  }
0xc: {  	[smem:$0x3F95] =	sst s4  }
0xd: {  	[smem:$0x3F96] =	sst s5  }
0xe: {  	[smem:$0x3F97] =	sst s6  }
0xf: {  	[smem:$0x3F98] =	sst s7  }
0x10: {  	[smem:$0x3F99] =	sst s8  }
0x11: {  	[smem:$0x3F9A] =	sst s9;
	s0 =	simm.s32 @!p0 $0x0  }
0x12: {  	s1 =	sld [smem:$0x3F80];
	s0 =	simm.s32 @p0 $0x1  }
0x13: {  	[smem:$0x3F9B] =	sst s0;
	s0 =	simm.s32 @!p1 $0x0  }
0x14: {  	s2 =	sld [smem:$0x3F7F];
	s0 =	simm.s32 @p1 $0x1  }
0x15: {  	[smem:$0x3F9C] =	sst s0;
	s0 =	simm.s32 @!p2 $0x0  }
0x16: {  	s3 =	sld [smem:$0x3FDB];
	s0 =	simm.s32 @p2 $0x1  }
0x17: {  	s4 =	simm.s32 $0x1BF5;
	[smem:$0x3F9E] =	sst s0  }
0x18: {  	s0 =	sld [smem:$0x3F81];
	_ =	swait.ge [sflag:s4], $0x0  }
0x19: {  	s7 =	sld [smem:$0x3F82]  }
0x1a: {  	s8 =	sadd.s32 $0xFFFFE003, lr  }
0x1b: {  	s9 =	sadd.s32 $0xFFFFFEF7, lr;
	s5 =	simm.s32 $0xFFFFFFFF;
	p2 =	slt.u32 s8, $0xFFFFF086  }
0x1c: {  	p1 =	slt.u32 s9, $0xF7A;
	s5 =	simm.s32 @!p2 $0x0  }
0x1d: {  	s5 =	simm.s32 @p1 $0x1;
	p0 =	seq.s32 s7, s2  }
0x1e: {  	s7 =	smul.u32 @!p0 $0xF7A, s2;
	p2 =	seq.s32 @!p0 s5, $0x0  }
0x1f: {  	s9 =	smul.u32 $0xF7A, s1;
	s8 =	simm.s32 @!p0 $0x1BF5;
	p2 =	por !p2, p0  }
0x20: {  	[sflag:s8] =	ssyncset.s32 @!p0 $0xFFFFF086;
	s6 =	sadd.s32 @!p0 s3, s7;
	s7 =	simm.s32 @!p0 $0x108  }
0x21: {  	s3 =	sadd.s32 s3, s9;
	s6 =	sadd.s32 @!p0 $0x88, s6;
	s7 =	simm.s32 @p2 $0x1082  }
0x22: {  	[simem:s7], [sflag:s8] =	dma.local @!p0 [hbm:s6], $0xF7A  }
0x23: {  	s9 =	sor.u32 $0xD0000000, s2;
	s6 =	simm.s32 $0x108;
	_ =	swait.ge @!p0 [sflag:s8], $0x0  }
0x24: {  	s3 =	sadd.s32 $0x88, s3;
	s6 =	simm.s32 @!p1 $0x1082;
	[sflag:s4] =	ssyncset.s32 $0xFFFFF086  }
0x25: {  	[simem:s6], [sflag:s4] =	dma.local [hbm:s3], $0xF7A  }
0x26: {  	[smem:$0x3F82] =	sst s1;
	(tag) =	ssettag s2;
	_ =	strace s9  }
0x27: {  	s1 =	sld [smem:$0x3F92]  }
0x28: {  	s2 =	sld [smem:$0x3F93]  }
0x29: {  	s4 =	sld [smem:$0x3F95]  }
0x2a: {  	p0 =	seq.s32 s5, $0x0;
	s5 =	sld [smem:$0x3F96]  }
0x2b: {  	s6 =	sld [smem:$0x3F97]  }
0x2c: {  	s7 =	sld [smem:$0x3F98]  }
0x2d: {  	s3 =	simm.s32 $0x108;
	s8 =	sld [smem:$0x3F99]  }
0x2e: {  	s3 =	simm.s32 @!p0 $0x1082;
	s9 =	sld [smem:$0x3F9A]  }
0x2f: {  	lr =	sadd.s32 s0, s3;
	s0 =	sld [smem:$0x3F91]  }
0x30: {  	s3 =	sld [smem:$0x3F94]  }
0x31: {  	[smem:$0x3F9D] =	sst s10  }
0x32: {  	s10 =	sld [smem:$0x3F9B];
	_ =	sdelay $0x3  }
0x33: {  	p0 =	seq.s32 s10, $0x1;
	s10 =	sld [smem:$0x3F9D];
	_ =	sdelay $0x3  }
0x34: {  	[smem:$0x3F9D] =	sst s10  }
0x35: {  	s10 =	sld [smem:$0x3F9C];
	_ =	sdelay $0x3  }
0x36: {  	p1 =	seq.s32 s10, $0x1;
	s10 =	sld [smem:$0x3F9D];
	_ =	sdelay $0x3  }
0x37: {  	[smem:$0x3F9D] =	sst s10  }
0x38: {  	s10 =	sld [smem:$0x3F9E]  }
0x39: {  	_ = 	snop;
	(pc) =	sbr.ind lr, $3  }
0x3a: {  	_ = 	snop  }
0x3b: {  	_ = 	snop  }
0x3c: {  	p2 =	seq.s32 s10, $0x1;
	s10 =	sld [smem:$0x3F9D]  }
0x3d: {  	_ =	shalt  }
0x3e: {  	_ =	shalt  }
0x3f: {  	_ =	shalt  }
0x40: {  	_ =	shalt  }
0x41: {  	_ =	shalt  }
0x42: {  	_ =	shalt  }
0x43: {  	_ =	shalt  }
0x44: {  	_ =	shalt  }
0x45: {  	_ =	shalt  }
0x46: {  	_ =	shalt  }
0x47: {  	_ =	shalt  }
0x48: {  	_ =	shalt  }
0x49: {  	_ =	shalt  }
0x4a: {  	_ =	shalt  }
0x4b: {  	_ =	shalt  }
0x4c: {  	_ =	shalt  }
0x4d: {  	_ =	shalt  }
0x4e: {  	_ =	shalt  }
0x4f: {  	_ =	shalt  }
0x50: {  	_ =	shalt  }
0x51: {  	_ =	shalt  }
0x52: {  	_ =	shalt  }
0x53: {  	_ =	shalt  }
0x54: {  	_ =	shalt  }
0x55: {  	_ =	shalt  }
0x56: {  	_ =	shalt  }
0x57: {  	_ =	shalt  }
0x58: {  	_ =	shalt  }
0x59: {  	_ =	shalt  }
0x5a: {  	_ =	shalt  }
0x5b: {  	_ =	shalt  }
0x5c: {  	_ =	shalt  }
0x5d: {  	_ =	shalt  }
0x5e: {  	_ =	shalt  }
0x5f: {  	_ =	shalt  }
0x60: {  	_ =	shalt  }
0x61: {  	_ =	shalt  }
0x62: {  	_ =	shalt  }
0x63: {  	_ =	shalt  }
0x64: {  	_ =	shalt  }
0x65: {  	_ =	shalt  }
0x66: {  	_ =	shalt  }
0x67: {  	_ =	shalt  }
0x68: {  	_ =	shalt  }
0x69: {  	_ =	shalt  }
0x6a: {  	_ =	shalt  }
0x6b: {  	_ =	shalt  }
0x6c: {  	_ =	shalt  }
0x6d: {  	_ =	shalt  }
0x6e: {  	_ =	shalt  }
0x6f: {  	_ =	shalt  }
0x70: {  	_ =	shalt  }
0x71: {  	_ =	shalt  }
0x72: {  	_ =	shalt  }
0x73: {  	_ =	shalt  }
0x74: {  	_ =	shalt  }
0x75: {  	_ =	shalt  }
0x76: {  	_ =	shalt  }
0x77: {  	_ =	shalt  }
0x78: {  	_ =	shalt  }
0x79: {  	_ =	shalt  }
0x7a: {  	_ =	shalt  }
0x7b: {  	_ =	shalt  }
0x7c: {  	_ =	shalt  }
0x7d: {  	_ =	shalt  }
0x7e: {  	_ =	shalt  }
0x7f: {  	_ =	shalt  }
0x80: {  	_ =	shalt  }
0x81: {  	_ =	shalt  }
0x82: {  	_ =	shalt  }
0x83: {  	_ =	shalt  }
0x84: {  	_ =	shalt  }
0x85: {  	_ =	shalt  }
0x86: {  	_ =	shalt  }
0x87: {  	_ =	shalt  }
.Lfunc_end0:
.L_simem_size_0:
called_computation.1_lowered:
.L_overlay_start_0:
0x88: {  	s2 =	sld [smem:$0x3FD9]  }
0x89: {  	s3 =	sld [smem:$0x3FFE];
	_ =	sdelay $0x1  }
0x8a: {  	s1 =	srdreg.scid  }
0x8b: {  	s0 =	sand.u32 $0x1, s1  }
0x8c: {  	s16 =	sshll.u32 s0, $0xA;
	s2 =	sadd.s32 s3, s2  }
0x8d: {  	s2 =	sadd.s32 s2, s16  }
0x8e: {  	[smem:$0x3FA9] =	sst s2  }
0x8f: {  	_ = 	snop  }
0x90: {  	(tm) =	ssettm $0x1  }
0x91: {  	s17 =	sld [smem:$0x3FFB];
	_ =	sdelay $0x3  }
0x92: {  	_ =	strace s17  }
0x93: {  	s2 =	sld [smem:$0x3FFC];
	_ =	sdelay $0x3  }
0x94: {  	_ =	strace s2  }
0x95: {  	s2 =	sld [smem:$0x3FFD];
	_ =	sdelay $0x3  }
0x96: {  	_ =	strace s2  }
0x97: {  	_ =	strace $0x8FFFFFFF  }
0x98: {  	s18 =	sld [smem:$0x3FDB];
	_ =	sdelay $0x1  }
0x99: {  	s19 =	simm.s32 $_scs_section_size  }
0x9a: {  	s4 =	simm.s32 $_size__tile_overlayer_lowered;
	s5 =	simm.s32 $_tile_overlayer_lowered  }
0x9b: {  	s22 =	simm.s32 $0x1BFF;
	s21 =	sshll.u32 s5, $0x1;
	s2 =	sadd.s32 s19, s18  }
0x9c: {  	s6 =	simm.s32 $0x0;
	s20 =	sshll.u32 s4, $0x1;
	s4 =	sadd.s32 s21, s2  }
0x9d: {  	[timem:s6], [sflag:s22] =	dma.local [hbm:s4], s20  }
0x9e: {  	_ =	swait.ge [sflag:s22], s20  }
0x9f: {  	s3 =	ssub.s32 $0x0, s20;
	[sflag:s22] =	ssyncset.done $0x0  }
0xa0: {  	[sflag:s22] =	ssyncadd.s32 s3;
	_ =	sdelay $0x1  }
0xa1: {  	s23 =	simm.s32 $0x1B8B  }
0xa2: {  	_ =	swait.ge [sflag:s23], $0x1  }
0xa3: {  	[sflag:s23] =	ssyncset.done $0x0  }
0xa4: {  	s25 =	simm.s32 $0x1B8E;
	s24 =	sld [smem:$0x3FFE];
	[sflag:s23] =	ssyncadd.s32 $0xFFFFFFFF  }
0xa5: {  	s26 =	simm.s32 $execute0_lowered;
	[smem:$0x3FD2] =	sst s25  }
0xa6: {  	s4 =	sshll.u32 s26, $0x1;
	_ =	strace $0x80000049;
	[dreg:$0x1] =	wrdreg $0xFFFFFFFF  }
0xa7: {  	s28 =	simm.s32 $_size_execute0_lowered;
	s2 =	sadd.s32 s2, s4;
	[dreg:$0x0] =	wrdreg $0x0  }
0xa8: {  	s4 =	sshll.u32 s28, $0x1;
	[dreg:$0x2] =	wrdreg s2  }
0xa9: {  	[dreg:$0x3] =	wrdreg s4  }
0xaa: {  	[dreg:$0x4] =	wrdreg $0xC0  }
0xab: {  	_ =	task [dreg:s6], $0x5FFFF  }
0xac: {  	[dreg:$0x1] =	wrdreg $0xFFFFFFFF  }
0xad: {  	[dreg:$0x0] =	wrdreg $0x60  }
0xae: {  	[dreg:$0x2] =	wrdreg s24  }
0xaf: {  	[dreg:$0x3] =	wrdreg $0x80200  }
0xb0: {  	[dreg:$0x4] =	wrdreg $0x9  }
0xb1: {  	_ =	task.clear_ibuf [dreg:s6], $0x5FFFF;
	_ =	strace $0x90000049  }
0xb2: {  	s29 =	simm.s32 $0x9;
	_ =	strace $0x8000004B  }
0xb3: {  	_ =	swait.ge [sflag:s29], $0x1  }
0xb4: {  	[sflag:s29] =	ssyncadd.s32 $0xFFFFFFFF  }
0xb5: {  	_ =	strace $0x9000004B  }
0xb6: {  	_ =	sfence  }
0xb7: {  	s30 =	sld [smem:$0x0];
	_ =	sdelay $0x2  }
0xb8: {  	s31 =	sshll.u32 s1, $0xD;
	s1 =	sshrl.u32 s1, $0x2  }
0xb9: {  	s3 =	sand.u32 $0x4000, s31;
	s1 =	sadd.s32 s1, s30  }
0xba: {  	s0 =	sor.u32 s3, s0;
	s1 =	sshll.u32 s1, $0x11  }
0xbb: {  	s0 =	sor.u32 s1, s0  }
0xbc: {  	s0 =	sadd.s32 $0x8F2B, s0  }
0xbd: {  	[sflag:s0] =	ssyncadd.remote.s32 $0x1  }
0xbe: {  	_ =	sfence.sel $0xFFFF  }
0xbf: {  	[dreg:$0x0] =	wrdreg $0xFFFFFFFF;
	(pc) =	sbr.abs _section_cstart, $3  }
0xc0: {  	[dreg:$0x1] =	wrdreg $0xFFFFFFFF  }
0xc1: {  	_ =	task.clear_ibuf [dreg:s6], $0x2FFFF;
	_ =	strace $0x9FFFFFFF  }
0xc2: {  	(tm) =	ssettm $0x7FFFFFFF  }
0xc3: {  	_ =	shalt  }
tec
execute0_lowered:
.L_overlay_start_1:
0x0: {  	(tag) =	ssettag $0x1  }
0x1: {  	s0 =	srdreg.scid;
	s1 =	rddreg [dreg:$0x0]  }
0x2: {  	s11 =	stileid.u32;
	s2 =	rddreg [dreg:$0x1];
	s15 =	simm.s32 $0xB  }
0x3: {  	s16 =	simm.s32 $0x2710;
	s17 =	simm.s32 $0x50;
	s18 =	simm.s32 $0x4E20  }
0x4: {  	s19 =	simm.s32 $0x5820;
	s21 =	simm.s32 $0x6220;
	s23 =	simm.s32 $0x6C20  }
0x5: {  	s28 =	simm.s32 $0x2;
	s30 =	simm.s32 $0x3;
	s20 =	simm.s32 $0x5  }
0x6: {  	s29 =	simm.s32 $0x7;
	s31 =	simm.s32 $0x8;
	s22 =	simm.s32 $0xA  }
0x7: {  	s0 =	sand.u32 $0x1, s0;
	s3 =	sshll.u32 s11, $0x1;
	s6 =	smul.u32 $0x5000, s11  }
0x8: {  	s10 =	sadd.s32 $0x2CC00, s1;
	s12 =	sadd.s32 $0x4B000, s2;
	p0 =	seq.s32 s11, $0xF  }
0x9: {  	s4 =	sor.u32 s0, s3;
	s7 =	ssub.s32 $0x2, s0;
	s0 =	smul.u32 $0x4E200, s0  }
0xa: {  	s3 =	simm.s32 $0x0;
	s12 =	sshrl.u32 @p0 s12, $0x3;
	s5 =	smul.u32 $0x4E2, s4  }
0xb: {  	[smem:$0x7FF] =	sst s3;
	s4 =	sadd.s32 $0x19000, s1;
	s8 =	sshrl.u32 s6, $0x3  }
0xc: {  	s9 =	sshrl.u32 s7, $0x1;
	s14 =	sadd.s32 s6, s2;
	_ =	strace $0x8000004A  }
0xd: {  	s8 =	sadd.s32 s8, s1;
	s7 =	ssub.s32 s7, s9;
	s26 =	sadd.s32 s6, s0  }
0xe: {  	s0 =	sshrl.u32 s0, $0x3;
	s14 =	sshrl.u32 @!p0 s14, $0x3;
	s8 =	sadd.s32 $0x22E00, s8  }
0xf: {  	s5 =	sadd.s32 s5, s1;
	s1 =	sadd.s32 $0x2C400, s1;
	[dreg:$0x3] =	wrdreg s8  }
0x10: {  	s0 =	sadd.s32 s10, s0;
	[dreg:$0x4] =	wrdreg s1;
	s24 =	sadd.s32 $0xF200, s5  }
0x11: {  	s25 =	sadd.s32 $0x5400, s5;
	s1 =	sshrl.u32 s26, $0x3;
	[dreg:$0x5] =	wrdreg s24  }
0x12: {  	s26 =	simm.s32 $0x1;
	s5 =	simm.s32 $0x0;
	[dreg:$0x6] =	wrdreg s25  }
0x13: {  	s9 =	sadd.s32 s10, s1;
	s10 =	sadd.s32 $0x9600, s0;
	s0 =	sshll.u32 @!p0 s11, $0x6  }
0x14: {  	s11 =	smax.u32 s7, $0x1;
	s25 =	simm.s32 $0x7620;
	s1 =	simm.s32 $0x4  }
0x15: {  	s24 =	simm.s32 $0x6;
	s13 =	sor.u32 @!p0 $0x1C0B, s0;
	s0 =	simm.s32 $0x9  }
.LBB2_1:
0x16: {  	s6 =	simm.s32 @p0 $0x1FCB;
	s7 =	rddreg [dreg:$0x4]  }
0x17: {  	[spmem:s12], [sflag:s6] =	dma.local @p0 [hbm:s7], $0x640  }
0x18: {  	s6 =	simm.s32 @p0 $0xB  }
0x19: {  	_ =	swait.ge @p0 [sflag:s6], $0x640  }
0x1a: {  	[sflag:s6] =	ssyncset.done @p0 $0x0  }
0x1b: {  	[sflag:s6] =	ssyncadd.s32 @p0 $0xFFFFF9C0;
	s6 =	rddreg [dreg:$0x3]  }
0x1c: {  	[spmem:s14], [sflag:s13] =	dma.local @!p0 [hbm:s6], $0xA00  }
0x1d: {  	s6 =	simm.s32 @!p0 $0xB  }
0x1e: {  	_ =	swait.ge @!p0 [sflag:s6], $0xA00  }
0x1f: {  	[sflag:s6] =	ssyncset.done @!p0 $0x0  }
0x20: {  	s7 =	rddreg [dreg:$0x5];
	[sflag:s6] =	ssyncadd.s32 @!p0 $0xFFFFF600  }
0x21: {  	[tilespmem:s3], [sflag:$0xB] =	stream.linear.gather [hbm4b:s7+s3], $0x2710, $0x38;
	[tilespmem:$0xCE40] =	vst v63  }
0x22: {  	_ =	swait.ge [sflag:s15], $0x2710  }
0x23: {  	[sflag:s15] =	ssyncset.done $0x0  }
0x24: {  	s8 =	rddreg [dreg:$0x6];
	[sflag:s15] =	ssyncadd.s32 $0xFFFFD8F0  }
0x25: {  	[tilespmem:s16], [sflag:$0xB] =	stream.linear.gather [hbm4b:s8+s3], $0x2710, $0x38;
	[tilespmem:$0xCE40] =	vst v63  }
0x26: {  	_ =	swait.ge [sflag:s15], $0x2710  }
0x27: {  	[sflag:s15] =	ssyncset.done $0x0  }
0x28: {  	[sflag:s15] =	ssyncadd.s32 $0xFFFFD8F0  }
0x29: {  	[bflag:$0x0] =	sbarrier.arrive $0xFFFF  }
0x2a: {  	[tilespmem:s18], [sflag:$0x1] =	stream.indirect.gather [hbm4b:s4+s17], $0x20, s3, s17, $0xb8;
	[tilespmem:$0xCE40] =	vst v63  }
0x2b: {  	_ = 	snop  }
0x2c: {  	[tilespmem:s19], [sflag:$0x2] =	stream.indirect.gather [hbm4b:s4+s17], $0x20, s17, s17, $0xb8;
	[tilespmem:$0xCE40] =	vst v63  }
0x2d: {  	s7 =	simm.s32 $0xA0  }
0x2e: {  	[tilespmem:s21], [sflag:$0x3] =	stream.indirect.gather [hbm4b:s4+s17], $0x20, s7, s17, $0xb8;
	[tilespmem:$0xCE40] =	vst v63  }
0x2f: {  	s8 =	simm.s32 $0xF0  }
0x30: {  	[tilespmem:s23], [sflag:$0x4] =	stream.indirect.gather [hbm4b:s4+s17], $0x20, s8, s17, $0xb8;
	[tilespmem:$0xCE40] =	vst v63  }
0x31: {  	s7 =	simm.s32 $0x140  }
0x32: {  	[tilespmem:s25], [sflag:$0x5] =	stream.indirect.gather [hbm4b:s4+s17], $0x20, s7, s17, $0xb8;
	[tilespmem:$0xCE40] =	vst v63  }
0x33: {  	_ =	swait.ge [sflag:s26], $0xA00  }
0x34: {  	[sflag:s26] =	ssyncset.done $0x0  }
0x35: {  	[sflag:s26] =	ssyncadd.s32 $0xFFFFF600  }
0x36: {  	[spmem:s2] =	stream.indirect.scatter.add.f32 [tilespmem:s18], [sflag:$0x6], $0x20, s16, s17, $0xb8;
	[tilespmem:$0xCE40] =	vst v63  }
0x37: {  	_ =	swait.ge [sflag:s28], $0xA00  }
0x38: {  	[sflag:s28] =	ssyncset.done $0x0  }
0x39: {  	s8 =	simm.s32 $0x2760;
	[sflag:s28] =	ssyncadd.s32 $0xFFFFF600  }
0x3a: {  	[spmem:s2] =	stream.indirect.scatter.add.f32 [tilespmem:s19], [sflag:$0x7], $0x20, s8, s17, $0xb8;
	[tilespmem:$0xCE40] =	vst v63  }
0x3b: {  	_ =	swait.ge [sflag:s30], $0xA00  }
0x3c: {  	[sflag:s30] =	ssyncset.done $0x0  }
0x3d: {  	s7 =	simm.s32 $0x27B0;
	[sflag:s30] =	ssyncadd.s32 $0xFFFFF600  }
0x3e: {  	[spmem:s2] =	stream.indirect.scatter.add.f32 [tilespmem:s21], [sflag:$0x8], $0x20, s7, s17, $0xb8;
	[tilespmem:$0xCE40] =	vst v63  }
0x3f: {  	_ =	swait.ge [sflag:s1], $0xA00  }
0x40: {  	[sflag:s1] =	ssyncset.done $0x0  }
0x41: {  	s8 =	simm.s32 $0x2800;
	[sflag:s1] =	ssyncadd.s32 $0xFFFFF600  }
0x42: {  	[spmem:s2] =	stream.indirect.scatter.add.f32 [tilespmem:s23], [sflag:$0x9], $0x20, s8, s17, $0xb8;
	[tilespmem:$0xCE40] =	vst v63  }
0x43: {  	_ =	swait.ge [sflag:s20], $0xA00  }
0x44: {  	[sflag:s20] =	ssyncset.done $0x0  }
0x45: {  	s7 =	simm.s32 $0x2850;
	[sflag:s20] =	ssyncadd.s32 $0xFFFFF600  }
0x46: {  	[spmem:s2] =	stream.indirect.scatter.add.f32 [tilespmem:s25], [sflag:$0xA], $0x20, s7, s17, $0xb8;
	[tilespmem:$0xCE40] =	vst v63  }
0x47: {  	_ =	swait.ge [sflag:s24], $0xA00  }
0x48: {  	[sflag:s24] =	ssyncset.done $0x0  }
0x49: {  	s8 =	simm.s32 $0x190;
	[sflag:s24] =	ssyncadd.s32 $0xFFFFF600  }
0x4a: {  	[tilespmem:s18], [sflag:$0x1] =	stream.indirect.gather [hbm4b:s4+s17], $0x20, s8, s17, $0xb8;
	[tilespmem:$0xCE40] =	vst v63  }
0x4b: {  	_ =	swait.ge [sflag:s29], $0xA00  }
0x4c: {  	[sflag:s29] =	ssyncset.done $0x0  }
0x4d: {  	s7 =	simm.s32 $0x1E0;
	[sflag:s29] =	ssyncadd.s32 $0xFFFFF600  }
0x4e: {  	[tilespmem:s19], [sflag:$0x2] =	stream.indirect.gather [hbm4b:s4+s17], $0x20, s7, s17, $0xb8;
	[tilespmem:$0xCE40] =	vst v63  }
0x4f: {  	_ =	swait.ge [sflag:s31], $0xA00  }
0x50: {  	[sflag:s31] =	ssyncset.done $0x0  }
0x51: {  	s8 =	simm.s32 $0x230;
	[sflag:s31] =	ssyncadd.s32 $0xFFFFF600  }
0x52: {  	[tilespmem:s21], [sflag:$0x3] =	stream.indirect.gather [hbm4b:s4+s17], $0x20, s8, s17, $0xb8;
	[tilespmem:$0xCE40] =	vst v63  }
0x53: {  	_ =	swait.ge [sflag:s0], $0xA00  }
0x54: {  	[sflag:s0] =	ssyncset.done $0x0  }
0x55: {  	s7 =	simm.s32 $0x280;
	[sflag:s0] =	ssyncadd.s32 $0xFFFFF600  }
0x56: {  	[tilespmem:s23], [sflag:$0x4] =	stream.indirect.gather [hbm4b:s4+s17], $0x20, s7, s17, $0xb8;
	[tilespmem:$0xCE40] =	vst v63  }
0x57: {  	_ =	swait.ge [sflag:s22], $0xA00  }
0x58: {  	[sflag:s22] =	ssyncset.done $0x0  }
0x59: {  	s8 =	simm.s32 $0x2D0;
	[sflag:s22] =	ssyncadd.s32 $0xFFFFF600  }
0x5a: {  	[tilespmem:s25], [sflag:$0x5] =	stream.indirect.gather [hbm4b:s4+s17], $0x20, s8, s17, $0xb8;
	[tilespmem:$0xCE40] =	vst v63  }
0x5b: {  	_ =	swait.ge [sflag:s26], $0xA00  }
0x5c: {  	[sflag:s26] =	ssyncset.done $0x0  }
0x5d: {  	s7 =	simm.s32 $0x28A0;
	[sflag:s26] =	ssyncadd.s32 $0xFFFFF600  }
0x5e: {  	[spmem:s2] =	stream.indirect.scatter.add.f32 [tilespmem:s18], [sflag:$0x6], $0x20, s7, s17, $0xb8;
	[tilespmem:$0xCE40] =	vst v63  }
0x5f: {  	_ =	swait.ge [sflag:s28], $0xA00  }
0x60: {  	[sflag:s28] =	ssyncset.done $0x0  }
0x61: {  	s8 =	simm.s32 $0x28F0;
	[sflag:s28] =	ssyncadd.s32 $0xFFFFF600  }
0x62: {  	[spmem:s2] =	stream.indirect.scatter.add.f32 [tilespmem:s19], [sflag:$0x7], $0x20, s8, s17, $0xb8;
	[tilespmem:$0xCE40] =	vst v63  }
0x63: {  	_ =	swait.ge [sflag:s30], $0xA00  }
0x64: {  	[sflag:s30] =	ssyncset.done $0x0  }
0x65: {  	s7 =	simm.s32 $0x2940;
	[sflag:s30] =	ssyncadd.s32 $0xFFFFF600  }
0x66: {  	[spmem:s2] =	stream.indirect.scatter.add.f32 [tilespmem:s21], [sflag:$0x8], $0x20, s7, s17, $0xb8;
	[tilespmem:$0xCE40] =	vst v63  }
0x67: {  	_ =	swait.ge [sflag:s1], $0xA00  }
0x68: {  	[sflag:s1] =	ssyncset.done $0x0  }
0x69: {  	s8 =	simm.s32 $0x2990;
	[sflag:s1] =	ssyncadd.s32 $0xFFFFF600  }
0x6a: {  	[spmem:s2] =	stream.indirect.scatter.add.f32 [tilespmem:s23], [sflag:$0x9], $0x20, s8, s17, $0xb8;
	[tilespmem:$0xCE40] =	vst v63  }
0x6b: {  	_ =	swait.ge [sflag:s20], $0xA00  }
0x6c: {  	[sflag:s20] =	ssyncset.done $0x0  }
0x6d: {  	s6 =	simm.s32 $0x640;
	s7 =	simm.s32 $0x29E0;
	[sflag:s20] =	ssyncadd.s32 $0xFFFFF600  }
.LBB2_2:
0x6e: {  	[spmem:s2] =	stream.indirect.scatter.add.f32 [tilespmem:s25], [sflag:$0xA], $0x20, s7, s17, $0xb8;
	[tilespmem:$0xCE40] =	vst v63  }
0x6f: {  	s7 =	smov.u32 s6  }
0x70: {  	p1 =	sne.s32 s6, $0x8FC0;
	s6 =	sadd.s32 $0x640, s6;
	_ =	swait.ge [sflag:s24], $0xA00  }
0x71: {  	s7 =	sshra.s32 s7, $0x2;
	[sflag:s24] =	ssyncset.done $0x0  }
0x72: {  	s8 =	sadd.s32 $0x190, s7;
	[sflag:s24] =	ssyncadd.s32 $0xFFFFF600  }
0x73: {  	[tilespmem:s18], [sflag:$0x1] =	stream.indirect.gather [hbm4b:s4+s17], $0x20, s8, s17, $0xb8;
	[tilespmem:$0xCE40] =	vst v63  }
0x74: {  	_ =	swait.ge [sflag:s29], $0xA00  }
0x75: {  	[sflag:s29] =	ssyncset.done $0x0  }
0x76: {  	s8 =	sadd.s32 $0x1E0, s7;
	[sflag:s29] =	ssyncadd.s32 $0xFFFFF600  }
0x77: {  	[tilespmem:s19], [sflag:$0x2] =	stream.indirect.gather [hbm4b:s4+s17], $0x20, s8, s17, $0xb8;
	[tilespmem:$0xCE40] =	vst v63  }
0x78: {  	_ =	swait.ge [sflag:s31], $0xA00  }
0x79: {  	[sflag:s31] =	ssyncset.done $0x0  }
0x7a: {  	s8 =	sadd.s32 $0x230, s7;
	[sflag:s31] =	ssyncadd.s32 $0xFFFFF600  }
0x7b: {  	[tilespmem:s21], [sflag:$0x3] =	stream.indirect.gather [hbm4b:s4+s17], $0x20, s8, s17, $0xb8;
	[tilespmem:$0xCE40] =	vst v63  }
0x7c: {  	_ =	swait.ge [sflag:s0], $0xA00  }
0x7d: {  	[sflag:s0] =	ssyncset.done $0x0  }
0x7e: {  	s8 =	sadd.s32 $0x280, s7;
	[sflag:s0] =	ssyncadd.s32 $0xFFFFF600  }
0x7f: {  	[tilespmem:s23], [sflag:$0x4] =	stream.indirect.gather [hbm4b:s4+s17], $0x20, s8, s17, $0xb8;
	[tilespmem:$0xCE40] =	vst v63  }
0x80: {  	_ =	swait.ge [sflag:s22], $0xA00  }
0x81: {  	[sflag:s22] =	ssyncset.done $0x0  }
0x82: {  	s8 =	sadd.s32 $0x2D0, s7;
	[sflag:s22] =	ssyncadd.s32 $0xFFFFF600  }
0x83: {  	[tilespmem:s25], [sflag:$0x5] =	stream.indirect.gather [hbm4b:s4+s17], $0x20, s8, s17, $0xb8;
	[tilespmem:$0xCE40] =	vst v63  }
0x84: {  	_ =	swait.ge [sflag:s26], $0xA00  }
0x85: {  	[sflag:s26] =	ssyncset.done $0x0  }
0x86: {  	s8 =	sadd.s32 $0x28A0, s7;
	[sflag:s26] =	ssyncadd.s32 $0xFFFFF600  }
0x87: {  	[spmem:s2] =	stream.indirect.scatter.add.f32 [tilespmem:s18], [sflag:$0x6], $0x20, s8, s17, $0xb8;
	[tilespmem:$0xCE40] =	vst v63  }
0x88: {  	_ =	swait.ge [sflag:s28], $0xA00  }
0x89: {  	[sflag:s28] =	ssyncset.done $0x0  }
0x8a: {  	s8 =	sadd.s32 $0x28F0, s7;
	[sflag:s28] =	ssyncadd.s32 $0xFFFFF600  }
0x8b: {  	[spmem:s2] =	stream.indirect.scatter.add.f32 [tilespmem:s19], [sflag:$0x7], $0x20, s8, s17, $0xb8;
	[tilespmem:$0xCE40] =	vst v63  }
0x8c: {  	_ =	swait.ge [sflag:s30], $0xA00  }
0x8d: {  	[sflag:s30] =	ssyncset.done $0x0  }
0x8e: {  	s8 =	sadd.s32 $0x2940, s7;
	[sflag:s30] =	ssyncadd.s32 $0xFFFFF600  }
0x8f: {  	[spmem:s2] =	stream.indirect.scatter.add.f32 [tilespmem:s21], [sflag:$0x8], $0x20, s8, s17, $0xb8;
	[tilespmem:$0xCE40] =	vst v63  }
0x90: {  	_ =	swait.ge [sflag:s1], $0xA00  }
0x91: {  	[sflag:s1] =	ssyncset.done $0x0  }
.Ltmp0:
0x92: {  	s8 =	sadd.s32 $0x2990, s7;
	[sflag:s1] =	ssyncadd.s32 $0xFFFFF600;
	(pc) =	sbr.rel @p1 .LBB2_2-.Ltmp0, $4  }
0x93: {  	[spmem:s2] =	stream.indirect.scatter.add.f32 [tilespmem:s23], [sflag:$0x9], $0x20, s8, s17, $0xb8;
	[tilespmem:$0xCE40] =	vst v63  }
0x94: {  	_ =	swait.ge [sflag:s20], $0xA00  }
0x95: {  	[sflag:s20] =	ssyncset.done $0x0  }
0x96: {  	s7 =	sadd.s32 $0x29E0, s7;
	[sflag:s20] =	ssyncadd.s32 $0xFFFFF600  }
0x97: {  	[spmem:s2] =	stream.indirect.scatter.add.f32 [tilespmem:s25], [sflag:$0xA], $0x20, s7, s17, $0xb8;
	[tilespmem:$0xCE40] =	vst v63  }
0x98: {  	_ =	swait.ge [sflag:s24], $0xA00  }
0x99: {  	[sflag:s24] =	ssyncset.done $0x0  }
0x9a: {  	[sflag:s24] =	ssyncadd.s32 $0xFFFFF600  }
0x9b: {  	_ =	swait.ge [sflag:s29], $0xA00  }
0x9c: {  	[sflag:s29] =	ssyncset.done $0x0  }
0x9d: {  	[sflag:s29] =	ssyncadd.s32 $0xFFFFF600  }
0x9e: {  	_ =	swait.ge [sflag:s31], $0xA00  }
0x9f: {  	[sflag:s31] =	ssyncset.done $0x0  }
0xa0: {  	[sflag:s31] =	ssyncadd.s32 $0xFFFFF600  }
0xa1: {  	_ =	swait.ge [sflag:s0], $0xA00  }
0xa2: {  	[sflag:s0] =	ssyncset.done $0x0  }
0xa3: {  	[sflag:s0] =	ssyncadd.s32 $0xFFFFF600  }
0xa4: {  	_ =	swait.ge [sflag:s22], $0xA00  }
0xa5: {  	[sflag:s22] =	ssyncset.done $0x0  }
0xa6: {  	[sflag:s22] =	ssyncadd.s32 $0xFFFFF600  }
0xa7: {  	s6 =	simm.s32 @p0 $0x1FCB;
	[bflag:$0x0] =	sbarrier.arrive $0xFFFF  }
0xa8: {  	[hbm:s10], [sflag:s6] =	dma.local @p0 [spmem:s12], $0x640  }
0xa9: {  	s6 =	simm.s32 @p0 $0xB  }
0xaa: {  	s5 =	sadd.s32 $0x1, s5;
	_ =	swait.ge @p0 [sflag:s6], $0x640  }
0xab: {  	p1 =	sne.s32 s5, s11;
	[sflag:s6] =	ssyncset.done @p0 $0x0  }
.Ltmp1:
0xac: {  	[sflag:s6] =	ssyncadd.s32 @p0 $0xFFFFF9C0;
	s6 =	simm.s32 @!p0 $0xB;
	(pc) =	sbr.rel @p1 .LBB2_1-.Ltmp1, $4  }
0xad: {  	[hbm:s9], [sflag:s13] =	dma.local @!p0 [spmem:s14], $0xA00  }
0xae: {  	_ =	swait.ge @!p0 [sflag:s6], $0xA00  }
0xaf: {  	[sflag:s6] =	ssyncset.done @!p0 $0x0  }
0xb0: {  	[sflag:s6] =	ssyncadd.s32 @!p0 $0xFFFFF600  }
0xb1: {  	_ =	sfence.sel $0x180000  }
0xb2: {  	[bflag:$0x0] =	sbarrier.arrive $0xFFFF  }
0xb3: {  	_ =	strace $0x9000004A  }
0xb4: {  	s0 =	stileid.u32;
	[bflag:$0x2] =	sbarrier.arrive $0xFFFF  }
0xb5: {  	p0 =	sne.s32 s0, $0x0;
	s0 =	rddreg [dreg:$0x2]  }
0xb6: {  	s0 =	sadd.s32 @!p0 $0x100000, s0  }
0xb7: {  	[sflag:s0] =	ssyncadd.tile.s32 @!p0 $0x1;
	_ =	shalt  }
.Lfunc_end2:
_tile_overlayer_lowered:
.L_overlay_start_2:
0xb8: {  	(tag) =	ssettag $0x2  }
0xb9: {  	s0 =	rddreg [dreg:$0x0];
	s2 =	stileid.u32  }
0xba: {  	s1 =	rddreg [dreg:$0x1];
	p0 =	sne.s32 s2, $0x0  }
0xbb: {  	s3 =	rddreg [dreg:$0x2];
	[bflag:$0x3] =	sbarrier.arrive $0xFFFF;
	s2 =	simm.s32 @!p0 $0x1C0B  }
0xbc: {  	[timem:s3], [sflag:s2] =	dma.local @!p0 [hbm:s0], s1  }
0xbd: {  	s0 =	simm.s32 @!p0 $0xB  }
0xbe: {  	_ =	swait.ge @!p0 [sflag:s0], s1  }
0xbf: {  	s1 =	ssub.s32 @!p0 $0x0, s1;
	[sflag:s0] =	ssyncset.done @!p0 $0x0  }
0xc0: {  	[sflag:s0] =	ssyncadd.s32 @!p0 s1  }
0xc1: {  	[bflag:$0x3] =	sbarrier.arrive $0xFFFF  }
0xc2: {  	_ =	shalt  }

// kernel: kernel.15.cloned.1.call-start
scs
__scs_entry_jumppad:
0x0: {  	(pc) =	sbr.rel $0x88, $3  }
0x1: {  	(tag) =	ssettag $0x0;
	lr =	simm.s32 $0x1  }
0x2: {  	[smem:$0x3F82] =	sst lr;
	_ =	strace $0xD0000000  }
0x3: {  	_ = 	snop  }
0x4: {  	_ = 	snop  }
0x5: {  	_ = 	snop  }
0x6: {  	_ = 	snop  }
0x7: {  	_ = 	snop  }
__scs_overlays_trampoline_lowered:
0x8: {  	[smem:$0x3F91] =	sst s0  }
0x9: {  	[smem:$0x3F92] =	sst s1  }
0xa: {  	[smem:$0x3F93] =	sst s2  }
0xb: {  	[smem:$0x3F94] =	sst s3  }
0xc: {  	[smem:$0x3F95] =	sst s4  }
0xd: {  	[smem:$0x3F96] =	sst s5  }
0xe: {  	[smem:$0x3F97] =	sst s6  }
0xf: {  	[smem:$0x3F98] =	sst s7  }
0x10: {  	[smem:$0x3F99] =	sst s8  }
0x11: {  	[smem:$0x3F9A] =	sst s9;
	s0 =	simm.s32 @!p0 $0x0  }
0x12: {  	s1 =	sld [smem:$0x3F80];
	s0 =	simm.s32 @p0 $0x1  }
0x13: {  	[smem:$0x3F9B] =	sst s0;
	s0 =	simm.s32 @!p1 $0x0  }
0x14: {  	s2 =	sld [smem:$0x3F7F];
	s0 =	simm.s32 @p1 $0x1  }
0x15: {  	[smem:$0x3F9C] =	sst s0;
	s0 =	simm.s32 @!p2 $0x0  }
0x16: {  	s3 =	sld [smem:$0x3FDB];
	s0 =	simm.s32 @p2 $0x1  }
0x17: {  	s4 =	simm.s32 $0x1BF5;
	[smem:$0x3F9E] =	sst s0  }
0x18: {  	s0 =	sld [smem:$0x3F81];
	_ =	swait.ge [sflag:s4], $0x0  }
0x19: {  	s7 =	sld [smem:$0x3F82]  }
0x1a: {  	s8 =	sadd.s32 $0xFFFFE003, lr  }
0x1b: {  	s9 =	sadd.s32 $0xFFFFFEF7, lr;
	s5 =	simm.s32 $0xFFFFFFFF;
	p2 =	slt.u32 s8, $0xFFFFF086  }
0x1c: {  	p1 =	slt.u32 s9, $0xF7A;
	s5 =	simm.s32 @!p2 $0x0  }
0x1d: {  	s5 =	simm.s32 @p1 $0x1;
	p0 =	seq.s32 s7, s2  }
0x1e: {  	s7 =	smul.u32 @!p0 $0xF7A, s2;
	p2 =	seq.s32 @!p0 s5, $0x0  }
0x1f: {  	s9 =	smul.u32 $0xF7A, s1;
	s8 =	simm.s32 @!p0 $0x1BF5;
	p2 =	por !p2, p0  }
0x20: {  	[sflag:s8] =	ssyncset.s32 @!p0 $0xFFFFF086;
	s6 =	sadd.s32 @!p0 s3, s7;
	s7 =	simm.s32 @!p0 $0x108  }
0x21: {  	s3 =	sadd.s32 s3, s9;
	s6 =	sadd.s32 @!p0 $0x88, s6;
	s7 =	simm.s32 @p2 $0x1082  }
0x22: {  	[simem:s7], [sflag:s8] =	dma.local @!p0 [hbm:s6], $0xF7A  }
0x23: {  	s9 =	sor.u32 $0xD0000000, s2;
	s6 =	simm.s32 $0x108;
	_ =	swait.ge @!p0 [sflag:s8], $0x0  }
0x24: {  	s3 =	sadd.s32 $0x88, s3;
	s6 =	simm.s32 @!p1 $0x1082;
	[sflag:s4] =	ssyncset.s32 $0xFFFFF086  }
0x25: {  	[simem:s6], [sflag:s4] =	dma.local [hbm:s3], $0xF7A  }
0x26: {  	[smem:$0x3F82] =	sst s1;
	(tag) =	ssettag s2;
	_ =	strace s9  }
0x27: {  	s1 =	sld [smem:$0x3F92]  }
0x28: {  	s2 =	sld [smem:$0x3F93]  }
0x29: {  	s4 =	sld [smem:$0x3F95]  }
0x2a: {  	p0 =	seq.s32 s5, $0x0;
	s5 =	sld [smem:$0x3F96]  }
0x2b: {  	s6 =	sld [smem:$0x3F97]  }
0x2c: {  	s7 =	sld [smem:$0x3F98]  }
0x2d: {  	s3 =	simm.s32 $0x108;
	s8 =	sld [smem:$0x3F99]  }
0x2e: {  	s3 =	simm.s32 @!p0 $0x1082;
	s9 =	sld [smem:$0x3F9A]  }
0x2f: {  	lr =	sadd.s32 s0, s3;
	s0 =	sld [smem:$0x3F91]  }
0x30: {  	s3 =	sld [smem:$0x3F94]  }
0x31: {  	[smem:$0x3F9D] =	sst s10  }
0x32: {  	s10 =	sld [smem:$0x3F9B];
	_ =	sdelay $0x3  }
0x33: {  	p0 =	seq.s32 s10, $0x1;
	s10 =	sld [smem:$0x3F9D];
	_ =	sdelay $0x3  }
0x34: {  	[smem:$0x3F9D] =	sst s10  }
0x35: {  	s10 =	sld [smem:$0x3F9C];
	_ =	sdelay $0x3  }
0x36: {  	p1 =	seq.s32 s10, $0x1;
	s10 =	sld [smem:$0x3F9D];
	_ =	sdelay $0x3  }
0x37: {  	[smem:$0x3F9D] =	sst s10  }
0x38: {  	s10 =	sld [smem:$0x3F9E]  }
0x39: {  	_ = 	snop;
	(pc) =	sbr.ind lr, $3  }
0x3a: {  	_ = 	snop  }
0x3b: {  	_ = 	snop  }
0x3c: {  	p2 =	seq.s32 s10, $0x1;
	s10 =	sld [smem:$0x3F9D]  }
0x3d: {  	_ =	shalt  }
0x3e: {  	_ =	shalt  }
0x3f: {  	_ =	shalt  }
0x40: {  	_ =	shalt  }
0x41: {  	_ =	shalt  }
0x42: {  	_ =	shalt  }
0x43: {  	_ =	shalt  }
0x44: {  	_ =	shalt  }
0x45: {  	_ =	shalt  }
0x46: {  	_ =	shalt  }
0x47: {  	_ =	shalt  }
0x48: {  	_ =	shalt  }
0x49: {  	_ =	shalt  }
0x4a: {  	_ =	shalt  }
0x4b: {  	_ =	shalt  }
0x4c: {  	_ =	shalt  }
0x4d: {  	_ =	shalt  }
0x4e: {  	_ =	shalt  }
0x4f: {  	_ =	shalt  }
0x50: {  	_ =	shalt  }
0x51: {  	_ =	shalt  }
0x52: {  	_ =	shalt  }
0x53: {  	_ =	shalt  }
0x54: {  	_ =	shalt  }
0x55: {  	_ =	shalt  }
0x56: {  	_ =	shalt  }
0x57: {  	_ =	shalt  }
0x58: {  	_ =	shalt  }
0x59: {  	_ =	shalt  }
0x5a: {  	_ =	shalt  }
0x5b: {  	_ =	shalt  }
0x5c: {  	_ =	shalt  }
0x5d: {  	_ =	shalt  }
0x5e: {  	_ =	shalt  }
0x5f: {  	_ =	shalt  }
0x60: {  	_ =	shalt  }
0x61: {  	_ =	shalt  }
0x62: {  	_ =	shalt  }
0x63: {  	_ =	shalt  }
0x64: {  	_ =	shalt  }
0x65: {  	_ =	shalt  }
0x66: {  	_ =	shalt  }
0x67: {  	_ =	shalt  }
0x68: {  	_ =	shalt  }
0x69: {  	_ =	shalt  }
0x6a: {  	_ =	shalt  }
0x6b: {  	_ =	shalt  }
0x6c: {  	_ =	shalt  }
0x6d: {  	_ =	shalt  }
0x6e: {  	_ =	shalt  }
0x6f: {  	_ =	shalt  }
0x70: {  	_ =	shalt  }
0x71: {  	_ =	shalt  }
0x72: {  	_ =	shalt  }
0x73: {  	_ =	shalt  }
0x74: {  	_ =	shalt  }
0x75: {  	_ =	shalt  }
0x76: {  	_ =	shalt  }
0x77: {  	_ =	shalt  }
0x78: {  	_ =	shalt  }
0x79: {  	_ =	shalt  }
0x7a: {  	_ =	shalt  }
0x7b: {  	_ =	shalt  }
0x7c: {  	_ =	shalt  }
0x7d: {  	_ =	shalt  }
0x7e: {  	_ =	shalt  }
0x7f: {  	_ =	shalt  }
0x80: {  	_ =	shalt  }
0x81: {  	_ =	shalt  }
0x82: {  	_ =	shalt  }
0x83: {  	_ =	shalt  }
0x84: {  	_ =	shalt  }
0x85: {  	_ =	shalt  }
0x86: {  	_ =	shalt  }
0x87: {  	_ =	shalt  }
.Lfunc_end0:
.L_simem_size_0:
called_computation.2_lowered:
.L_overlay_start_0:
0x88: {  	s2 =	sld [smem:$0x3FD9]  }
0x89: {  	s3 =	sld [smem:$0x3FFE];
	_ =	sdelay $0x1  }
0x8a: {  	s1 =	srdreg.scid  }
0x8b: {  	s0 =	sand.u32 $0x1, s1  }
0x8c: {  	s16 =	sshll.u32 s0, $0xA;
	s2 =	sadd.s32 s3, s2  }
0x8d: {  	s2 =	sadd.s32 s2, s16  }
0x8e: {  	[smem:$0x3FA9] =	sst s2  }
0x8f: {  	_ = 	snop  }
0x90: {  	(tm) =	ssettm $0x1  }
0x91: {  	s17 =	sld [smem:$0x3FFB];
	_ =	sdelay $0x3  }
0x92: {  	_ =	strace s17  }
0x93: {  	s2 =	sld [smem:$0x3FFC];
	_ =	sdelay $0x3  }
0x94: {  	_ =	strace s2  }
0x95: {  	s2 =	sld [smem:$0x3FFD];
	_ =	sdelay $0x3  }
0x96: {  	_ =	strace s2  }
0x97: {  	_ =	strace $0x8FFFFFFF  }
0x98: {  	s18 =	sld [smem:$0x3FDB];
	_ =	sdelay $0x1  }
0x99: {  	s19 =	simm.s32 $_scs_section_size  }
0x9a: {  	s4 =	simm.s32 $_size__tile_overlayer_lowered;
	s5 =	simm.s32 $_tile_overlayer_lowered  }
0x9b: {  	s22 =	simm.s32 $0x1BFF;
	s21 =	sshll.u32 s5, $0x1;
	s2 =	sadd.s32 s19, s18  }
0x9c: {  	s6 =	simm.s32 $0x0;
	s20 =	sshll.u32 s4, $0x1;
	s4 =	sadd.s32 s21, s2  }
0x9d: {  	[timem:s6], [sflag:s22] =	dma.local [hbm:s4], s20  }
0x9e: {  	_ =	swait.ge [sflag:s22], s20  }
0x9f: {  	s3 =	ssub.s32 $0x0, s20;
	[sflag:s22] =	ssyncset.done $0x0  }
0xa0: {  	[sflag:s22] =	ssyncadd.s32 s3;
	_ =	sdelay $0x1  }
0xa1: {  	s23 =	simm.s32 $0x1B8B  }
0xa2: {  	_ =	swait.ge [sflag:s23], $0x1  }
0xa3: {  	[sflag:s23] =	ssyncset.done $0x0  }
0xa4: {  	s25 =	simm.s32 $0x1B8E;
	s24 =	sld [smem:$0x3FFE];
	[sflag:s23] =	ssyncadd.s32 $0xFFFFFFFF  }
0xa5: {  	s26 =	simm.s32 $execute0_lowered;
	[smem:$0x3FD2] =	sst s25  }
0xa6: {  	s4 =	sshll.u32 s26, $0x1;
	_ =	strace $0x8000004C;
	[dreg:$0x1] =	wrdreg $0xFFFFFFFF  }
0xa7: {  	s28 =	simm.s32 $_size_execute0_lowered;
	s2 =	sadd.s32 s2, s4;
	[dreg:$0x0] =	wrdreg $0x0  }
0xa8: {  	s4 =	sshll.u32 s28, $0x1;
	[dreg:$0x2] =	wrdreg s2  }
0xa9: {  	[dreg:$0x3] =	wrdreg s4  }
0xaa: {  	[dreg:$0x4] =	wrdreg $0xC0  }
0xab: {  	_ =	task [dreg:s6], $0x5FFFF  }
0xac: {  	[dreg:$0x1] =	wrdreg $0xFFFFFFFF  }
0xad: {  	[dreg:$0x0] =	wrdreg $0x60  }
0xae: {  	[dreg:$0x2] =	wrdreg s24  }
0xaf: {  	[dreg:$0x3] =	wrdreg $0x80200  }
0xb0: {  	[dreg:$0x4] =	wrdreg $0x9  }
0xb1: {  	_ =	task.clear_ibuf [dreg:s6], $0x5FFFF;
	_ =	strace $0x9000004C  }
0xb2: {  	s29 =	simm.s32 $0x9;
	_ =	strace $0x8000004E  }
0xb3: {  	_ =	swait.ge [sflag:s29], $0x1  }
0xb4: {  	[sflag:s29] =	ssyncadd.s32 $0xFFFFFFFF  }
0xb5: {  	_ =	strace $0x9000004E  }
0xb6: {  	_ =	sfence  }
0xb7: {  	s30 =	sld [smem:$0x0];
	_ =	sdelay $0x2  }
0xb8: {  	s31 =	sshll.u32 s1, $0xD;
	s1 =	sshrl.u32 s1, $0x2  }
0xb9: {  	s3 =	sand.u32 $0x4000, s31;
	s1 =	sadd.s32 s1, s30  }
0xba: {  	s0 =	sor.u32 s3, s0;
	s1 =	sshll.u32 s1, $0x11  }
0xbb: {  	s0 =	sor.u32 s1, s0  }
0xbc: {  	s0 =	sadd.s32 $0x8F2B, s0  }
0xbd: {  	[sflag:s0] =	ssyncadd.remote.s32 $0x1  }
0xbe: {  	_ =	sfence.sel $0xFFFF  }
0xbf: {  	[dreg:$0x0] =	wrdreg $0xFFFFFFFF;
	(pc) =	sbr.abs _section_cstart, $3  }
0xc0: {  	[dreg:$0x1] =	wrdreg $0xFFFFFFFF  }
0xc1: {  	_ =	task.clear_ibuf [dreg:s6], $0x2FFFF;
	_ =	strace $0x9FFFFFFF  }
0xc2: {  	(tm) =	ssettm $0x7FFFFFFF  }
0xc3: {  	_ =	shalt  }
tec
execute0_lowered:
.L_overlay_start_1:
0x0: {  	(tag) =	ssettag $0x1  }
0x1: {  	s0 =	srdreg.scid;
	s1 =	rddreg [dreg:$0x0]  }
0x2: {  	s11 =	stileid.u32;
	s2 =	rddreg [dreg:$0x1];
	s15 =	simm.s32 $0xB  }
0x3: {  	s16 =	simm.s32 $0x2710;
	s17 =	simm.s32 $0x50;
	s18 =	simm.s32 $0x4E20  }
0x4: {  	s19 =	simm.s32 $0x5820;
	s21 =	simm.s32 $0x6220;
	s23 =	simm.s32 $0x6C20  }
0x5: {  	s28 =	simm.s32 $0x2;
	s30 =	simm.s32 $0x3;
	s20 =	simm.s32 $0x5  }
0x6: {  	s29 =	simm.s32 $0x7;
	s31 =	simm.s32 $0x8;
	s22 =	simm.s32 $0xA  }
0x7: {  	s0 =	sand.u32 $0x1, s0;
	s3 =	sshll.u32 s11, $0x1;
	s6 =	smul.u32 $0x5000, s11  }
0x8: {  	s10 =	sadd.s32 $0x2CC00, s1;
	s12 =	sadd.s32 $0x4B000, s2;
	p0 =	seq.s32 s11, $0xF  }
0x9: {  	s4 =	sor.u32 s0, s3;
	s7 =	ssub.s32 $0x2, s0;
	s0 =	smul.u32 $0x4E200, s0  }
0xa: {  	s3 =	simm.s32 $0x0;
	s12 =	sshrl.u32 @p0 s12, $0x3;
	s5 =	smul.u32 $0x4E2, s4  }
0xb: {  	[smem:$0x7FF] =	sst s3;
	s4 =	sadd.s32 $0x19000, s1;
	s8 =	sshrl.u32 s6, $0x3  }
0xc: {  	s9 =	sshrl.u32 s7, $0x1;
	s14 =	sadd.s32 s6, s2;
	_ =	strace $0x8000004D  }
0xd: {  	s8 =	sadd.s32 s8, s1;
	s7 =	ssub.s32 s7, s9;
	s26 =	sadd.s32 s6, s0  }
0xe: {  	s0 =	sshrl.u32 s0, $0x3;
	s14 =	sshrl.u32 @!p0 s14, $0x3;
	s8 =	sadd.s32 $0x22E00, s8  }
0xf: {  	s5 =	sadd.s32 s5, s1;
	s1 =	sadd.s32 $0x2C400, s1;
	[dreg:$0x3] =	wrdreg s8  }
0x10: {  	s0 =	sadd.s32 s10, s0;
	[dreg:$0x4] =	wrdreg s1;
	s24 =	sadd.s32 $0xF200, s5  }
0x11: {  	s25 =	sadd.s32 $0x5400, s5;
	s1 =	sshrl.u32 s26, $0x3;
	[dreg:$0x5] =	wrdreg s24  }
0x12: {  	s26 =	simm.s32 $0x1;
	s5 =	simm.s32 $0x0;
	[dreg:$0x6] =	wrdreg s25  }
0x13: {  	s9 =	sadd.s32 s10, s1;
	s10 =	sadd.s32 $0x9600, s0;
	s0 =	sshll.u32 @!p0 s11, $0x6  }
0x14: {  	s11 =	smax.u32 s7, $0x1;
	s25 =	simm.s32 $0x7620;
	s1 =	simm.s32 $0x4  }
0x15: {  	s24 =	simm.s32 $0x6;
	s13 =	sor.u32 @!p0 $0x1C0B, s0;
	s0 =	simm.s32 $0x9  }
.LBB2_1:
0x16: {  	s6 =	simm.s32 @p0 $0x1FCB;
	s7 =	rddreg [dreg:$0x4]  }
0x17: {  	[spmem:s12], [sflag:s6] =	dma.local @p0 [hbm:s7], $0x640  }
0x18: {  	s6 =	simm.s32 @p0 $0xB  }
0x19: {  	_ =	swait.ge @p0 [sflag:s6], $0x640  }
0x1a: {  	[sflag:s6] =	ssyncset.done @p0 $0x0  }
0x1b: {  	[sflag:s6] =	ssyncadd.s32 @p0 $0xFFFFF9C0;
	s6 =	rddreg [dreg:$0x3]  }
0x1c: {  	[spmem:s14], [sflag:s13] =	dma.local @!p0 [hbm:s6], $0xA00  }
0x1d: {  	s6 =	simm.s32 @!p0 $0xB  }
0x1e: {  	_ =	swait.ge @!p0 [sflag:s6], $0xA00  }
0x1f: {  	[sflag:s6] =	ssyncset.done @!p0 $0x0  }
0x20: {  	s7 =	rddreg [dreg:$0x5];
	[sflag:s6] =	ssyncadd.s32 @!p0 $0xFFFFF600  }
0x21: {  	[tilespmem:s3], [sflag:$0xB] =	stream.linear.gather [hbm4b:s7+s3], $0x2710, $0x38;
	[tilespmem:$0xCE40] =	vst v63  }
0x22: {  	_ =	swait.ge [sflag:s15], $0x2710  }
0x23: {  	[sflag:s15] =	ssyncset.done $0x0  }
0x24: {  	s8 =	rddreg [dreg:$0x6];
	[sflag:s15] =	ssyncadd.s32 $0xFFFFD8F0  }
0x25: {  	[tilespmem:s16], [sflag:$0xB] =	stream.linear.gather [hbm4b:s8+s3], $0x2710, $0x38;
	[tilespmem:$0xCE40] =	vst v63  }
0x26: {  	_ =	swait.ge [sflag:s15], $0x2710  }
0x27: {  	[sflag:s15] =	ssyncset.done $0x0  }
0x28: {  	[sflag:s15] =	ssyncadd.s32 $0xFFFFD8F0  }
0x29: {  	[bflag:$0x0] =	sbarrier.arrive $0xFFFF  }
0x2a: {  	[tilespmem:s18], [sflag:$0x1] =	stream.indirect.gather [hbm4b:s4+s17], $0x20, s3, s17, $0xb8;
	[tilespmem:$0xCE40] =	vst v63  }
0x2b: {  	_ = 	snop  }
0x2c: {  	[tilespmem:s19], [sflag:$0x2] =	stream.indirect.gather [hbm4b:s4+s17], $0x20, s17, s17, $0xb8;
	[tilespmem:$0xCE40] =	vst v63  }
0x2d: {  	s7 =	simm.s32 $0xA0  }
0x2e: {  	[tilespmem:s21], [sflag:$0x3] =	stream.indirect.gather [hbm4b:s4+s17], $0x20, s7, s17, $0xb8;
	[tilespmem:$0xCE40] =	vst v63  }
0x2f: {  	s8 =	simm.s32 $0xF0  }
0x30: {  	[tilespmem:s23], [sflag:$0x4] =	stream.indirect.gather [hbm4b:s4+s17], $0x20, s8, s17, $0xb8;
	[tilespmem:$0xCE40] =	vst v63  }
0x31: {  	s7 =	simm.s32 $0x140  }
0x32: {  	[tilespmem:s25], [sflag:$0x5] =	stream.indirect.gather [hbm4b:s4+s17], $0x20, s7, s17, $0xb8;
	[tilespmem:$0xCE40] =	vst v63  }
0x33: {  	_ =	swait.ge [sflag:s26], $0xA00  }
0x34: {  	[sflag:s26] =	ssyncset.done $0x0  }
0x35: {  	[sflag:s26] =	ssyncadd.s32 $0xFFFFF600  }
0x36: {  	[spmem:s2] =	stream.indirect.scatter.add.f32 [tilespmem:s18], [sflag:$0x6], $0x20, s16, s17, $0xb8;
	[tilespmem:$0xCE40] =	vst v63  }
0x37: {  	_ =	swait.ge [sflag:s28], $0xA00  }
0x38: {  	[sflag:s28] =	ssyncset.done $0x0  }
0x39: {  	s8 =	simm.s32 $0x2760;
	[sflag:s28] =	ssyncadd.s32 $0xFFFFF600  }
0x3a: {  	[spmem:s2] =	stream.indirect.scatter.add.f32 [tilespmem:s19], [sflag:$0x7], $0x20, s8, s17, $0xb8;
	[tilespmem:$0xCE40] =	vst v63  }
0x3b: {  	_ =	swait.ge [sflag:s30], $0xA00  }
0x3c: {  	[sflag:s30] =	ssyncset.done $0x0  }
0x3d: {  	s7 =	simm.s32 $0x27B0;
	[sflag:s30] =	ssyncadd.s32 $0xFFFFF600  }
0x3e: {  	[spmem:s2] =	stream.indirect.scatter.add.f32 [tilespmem:s21], [sflag:$0x8], $0x20, s7, s17, $0xb8;
	[tilespmem:$0xCE40] =	vst v63  }
0x3f: {  	_ =	swait.ge [sflag:s1], $0xA00  }
0x40: {  	[sflag:s1] =	ssyncset.done $0x0  }
0x41: {  	s8 =	simm.s32 $0x2800;
	[sflag:s1] =	ssyncadd.s32 $0xFFFFF600  }
0x42: {  	[spmem:s2] =	stream.indirect.scatter.add.f32 [tilespmem:s23], [sflag:$0x9], $0x20, s8, s17, $0xb8;
	[tilespmem:$0xCE40] =	vst v63  }
0x43: {  	_ =	swait.ge [sflag:s20], $0xA00  }
0x44: {  	[sflag:s20] =	ssyncset.done $0x0  }
0x45: {  	s7 =	simm.s32 $0x2850;
	[sflag:s20] =	ssyncadd.s32 $0xFFFFF600  }
0x46: {  	[spmem:s2] =	stream.indirect.scatter.add.f32 [tilespmem:s25], [sflag:$0xA], $0x20, s7, s17, $0xb8;
	[tilespmem:$0xCE40] =	vst v63  }
0x47: {  	_ =	swait.ge [sflag:s24], $0xA00  }
0x48: {  	[sflag:s24] =	ssyncset.done $0x0  }
0x49: {  	s8 =	simm.s32 $0x190;
	[sflag:s24] =	ssyncadd.s32 $0xFFFFF600  }
0x4a: {  	[tilespmem:s18], [sflag:$0x1] =	stream.indirect.gather [hbm4b:s4+s17], $0x20, s8, s17, $0xb8;
	[tilespmem:$0xCE40] =	vst v63  }
0x4b: {  	_ =	swait.ge [sflag:s29], $0xA00  }
0x4c: {  	[sflag:s29] =	ssyncset.done $0x0  }
0x4d: {  	s7 =	simm.s32 $0x1E0;
	[sflag:s29] =	ssyncadd.s32 $0xFFFFF600  }
0x4e: {  	[tilespmem:s19], [sflag:$0x2] =	stream.indirect.gather [hbm4b:s4+s17], $0x20, s7, s17, $0xb8;
	[tilespmem:$0xCE40] =	vst v63  }
0x4f: {  	_ =	swait.ge [sflag:s31], $0xA00  }
0x50: {  	[sflag:s31] =	ssyncset.done $0x0  }
0x51: {  	s8 =	simm.s32 $0x230;
	[sflag:s31] =	ssyncadd.s32 $0xFFFFF600  }
0x52: {  	[tilespmem:s21], [sflag:$0x3] =	stream.indirect.gather [hbm4b:s4+s17], $0x20, s8, s17, $0xb8;
	[tilespmem:$0xCE40] =	vst v63  }
0x53: {  	_ =	swait.ge [sflag:s0], $0xA00  }
0x54: {  	[sflag:s0] =	ssyncset.done $0x0  }
0x55: {  	s7 =	simm.s32 $0x280;
	[sflag:s0] =	ssyncadd.s32 $0xFFFFF600  }
0x56: {  	[tilespmem:s23], [sflag:$0x4] =	stream.indirect.gather [hbm4b:s4+s17], $0x20, s7, s17, $0xb8;
	[tilespmem:$0xCE40] =	vst v63  }
0x57: {  	_ =	swait.ge [sflag:s22], $0xA00  }
0x58: {  	[sflag:s22] =	ssyncset.done $0x0  }
0x59: {  	s8 =	simm.s32 $0x2D0;
	[sflag:s22] =	ssyncadd.s32 $0xFFFFF600  }
0x5a: {  	[tilespmem:s25], [sflag:$0x5] =	stream.indirect.gather [hbm4b:s4+s17], $0x20, s8, s17, $0xb8;
	[tilespmem:$0xCE40] =	vst v63  }
0x5b: {  	_ =	swait.ge [sflag:s26], $0xA00  }
0x5c: {  	[sflag:s26] =	ssyncset.done $0x0  }
0x5d: {  	s7 =	simm.s32 $0x28A0;
	[sflag:s26] =	ssyncadd.s32 $0xFFFFF600  }
0x5e: {  	[spmem:s2] =	stream.indirect.scatter.add.f32 [tilespmem:s18], [sflag:$0x6], $0x20, s7, s17, $0xb8;
	[tilespmem:$0xCE40] =	vst v63  }
0x5f: {  	_ =	swait.ge [sflag:s28], $0xA00  }
0x60: {  	[sflag:s28] =	ssyncset.done $0x0  }
0x61: {  	s8 =	simm.s32 $0x28F0;
	[sflag:s28] =	ssyncadd.s32 $0xFFFFF600  }
0x62: {  	[spmem:s2] =	stream.indirect.scatter.add.f32 [tilespmem:s19], [sflag:$0x7], $0x20, s8, s17, $0xb8;
	[tilespmem:$0xCE40] =	vst v63  }
0x63: {  	_ =	swait.ge [sflag:s30], $0xA00  }
0x64: {  	[sflag:s30] =	ssyncset.done $0x0  }
0x65: {  	s7 =	simm.s32 $0x2940;
	[sflag:s30] =	ssyncadd.s32 $0xFFFFF600  }
0x66: {  	[spmem:s2] =	stream.indirect.scatter.add.f32 [tilespmem:s21], [sflag:$0x8], $0x20, s7, s17, $0xb8;
	[tilespmem:$0xCE40] =	vst v63  }
0x67: {  	_ =	swait.ge [sflag:s1], $0xA00  }
0x68: {  	[sflag:s1] =	ssyncset.done $0x0  }
0x69: {  	s8 =	simm.s32 $0x2990;
	[sflag:s1] =	ssyncadd.s32 $0xFFFFF600  }
0x6a: {  	[spmem:s2] =	stream.indirect.scatter.add.f32 [tilespmem:s23], [sflag:$0x9], $0x20, s8, s17, $0xb8;
	[tilespmem:$0xCE40] =	vst v63  }
0x6b: {  	_ =	swait.ge [sflag:s20], $0xA00  }
0x6c: {  	[sflag:s20] =	ssyncset.done $0x0  }
0x6d: {  	s6 =	simm.s32 $0x640;
	s7 =	simm.s32 $0x29E0;
	[sflag:s20] =	ssyncadd.s32 $0xFFFFF600  }
.LBB2_2:
0x6e: {  	[spmem:s2] =	stream.indirect.scatter.add.f32 [tilespmem:s25], [sflag:$0xA], $0x20, s7, s17, $0xb8;
	[tilespmem:$0xCE40] =	vst v63  }
0x6f: {  	s7 =	smov.u32 s6  }
0x70: {  	p1 =	sne.s32 s6, $0x8FC0;
	s6 =	sadd.s32 $0x640, s6;
	_ =	swait.ge [sflag:s24], $0xA00  }
0x71: {  	s7 =	sshra.s32 s7, $0x2;
	[sflag:s24] =	ssyncset.done $0x0  }
0x72: {  	s8 =	sadd.s32 $0x190, s7;
	[sflag:s24] =	ssyncadd.s32 $0xFFFFF600  }
0x73: {  	[tilespmem:s18], [sflag:$0x1] =	stream.indirect.gather [hbm4b:s4+s17], $0x20, s8, s17, $0xb8;
	[tilespmem:$0xCE40] =	vst v63  }
0x74: {  	_ =	swait.ge [sflag:s29], $0xA00  }
0x75: {  	[sflag:s29] =	ssyncset.done $0x0  }
0x76: {  	s8 =	sadd.s32 $0x1E0, s7;
	[sflag:s29] =	ssyncadd.s32 $0xFFFFF600  }
0x77: {  	[tilespmem:s19], [sflag:$0x2] =	stream.indirect.gather [hbm4b:s4+s17], $0x20, s8, s17, $0xb8;
	[tilespmem:$0xCE40] =	vst v63  }
0x78: {  	_ =	swait.ge [sflag:s31], $0xA00  }
0x79: {  	[sflag:s31] =	ssyncset.done $0x0  }
0x7a: {  	s8 =	sadd.s32 $0x230, s7;
	[sflag:s31] =	ssyncadd.s32 $0xFFFFF600  }
0x7b: {  	[tilespmem:s21], [sflag:$0x3] =	stream.indirect.gather [hbm4b:s4+s17], $0x20, s8, s17, $0xb8;
	[tilespmem:$0xCE40] =	vst v63  }
0x7c: {  	_ =	swait.ge [sflag:s0], $0xA00  }
0x7d: {  	[sflag:s0] =	ssyncset.done $0x0  }
0x7e: {  	s8 =	sadd.s32 $0x280, s7;
	[sflag:s0] =	ssyncadd.s32 $0xFFFFF600  }
0x7f: {  	[tilespmem:s23], [sflag:$0x4] =	stream.indirect.gather [hbm4b:s4+s17], $0x20, s8, s17, $0xb8;
	[tilespmem:$0xCE40] =	vst v63  }
0x80: {  	_ =	swait.ge [sflag:s22], $0xA00  }
0x81: {  	[sflag:s22] =	ssyncset.done $0x0  }
0x82: {  	s8 =	sadd.s32 $0x2D0, s7;
	[sflag:s22] =	ssyncadd.s32 $0xFFFFF600  }
0x83: {  	[tilespmem:s25], [sflag:$0x5] =	stream.indirect.gather [hbm4b:s4+s17], $0x20, s8, s17, $0xb8;
	[tilespmem:$0xCE40] =	vst v63  }
0x84: {  	_ =	swait.ge [sflag:s26], $0xA00  }
0x85: {  	[sflag:s26] =	ssyncset.done $0x0  }
0x86: {  	s8 =	sadd.s32 $0x28A0, s7;
	[sflag:s26] =	ssyncadd.s32 $0xFFFFF600  }
0x87: {  	[spmem:s2] =	stream.indirect.scatter.add.f32 [tilespmem:s18], [sflag:$0x6], $0x20, s8, s17, $0xb8;
	[tilespmem:$0xCE40] =	vst v63  }
0x88: {  	_ =	swait.ge [sflag:s28], $0xA00  }
0x89: {  	[sflag:s28] =	ssyncset.done $0x0  }
0x8a: {  	s8 =	sadd.s32 $0x28F0, s7;
	[sflag:s28] =	ssyncadd.s32 $0xFFFFF600  }
0x8b: {  	[spmem:s2] =	stream.indirect.scatter.add.f32 [tilespmem:s19], [sflag:$0x7], $0x20, s8, s17, $0xb8;
	[tilespmem:$0xCE40] =	vst v63  }
0x8c: {  	_ =	swait.ge [sflag:s30], $0xA00  }
0x8d: {  	[sflag:s30] =	ssyncset.done $0x0  }
0x8e: {  	s8 =	sadd.s32 $0x2940, s7;
	[sflag:s30] =	ssyncadd.s32 $0xFFFFF600  }
0x8f: {  	[spmem:s2] =	stream.indirect.scatter.add.f32 [tilespmem:s21], [sflag:$0x8], $0x20, s8, s17, $0xb8;
	[tilespmem:$0xCE40] =	vst v63  }
0x90: {  	_ =	swait.ge [sflag:s1], $0xA00  }
0x91: {  	[sflag:s1] =	ssyncset.done $0x0  }
.Ltmp0:
0x92: {  	s8 =	sadd.s32 $0x2990, s7;
	[sflag:s1] =	ssyncadd.s32 $0xFFFFF600;
	(pc) =	sbr.rel @p1 .LBB2_2-.Ltmp0, $4  }
0x93: {  	[spmem:s2] =	stream.indirect.scatter.add.f32 [tilespmem:s23], [sflag:$0x9], $0x20, s8, s17, $0xb8;
	[tilespmem:$0xCE40] =	vst v63  }
0x94: {  	_ =	swait.ge [sflag:s20], $0xA00  }
0x95: {  	[sflag:s20] =	ssyncset.done $0x0  }
0x96: {  	s7 =	sadd.s32 $0x29E0, s7;
	[sflag:s20] =	ssyncadd.s32 $0xFFFFF600  }
0x97: {  	[spmem:s2] =	stream.indirect.scatter.add.f32 [tilespmem:s25], [sflag:$0xA], $0x20, s7, s17, $0xb8;
	[tilespmem:$0xCE40] =	vst v63  }
0x98: {  	_ =	swait.ge [sflag:s24], $0xA00  }
0x99: {  	[sflag:s24] =	ssyncset.done $0x0  }
0x9a: {  	[sflag:s24] =	ssyncadd.s32 $0xFFFFF600  }
0x9b: {  	_ =	swait.ge [sflag:s29], $0xA00  }
0x9c: {  	[sflag:s29] =	ssyncset.done $0x0  }
0x9d: {  	[sflag:s29] =	ssyncadd.s32 $0xFFFFF600  }
0x9e: {  	_ =	swait.ge [sflag:s31], $0xA00  }
0x9f: {  	[sflag:s31] =	ssyncset.done $0x0  }
0xa0: {  	[sflag:s31] =	ssyncadd.s32 $0xFFFFF600  }
0xa1: {  	_ =	swait.ge [sflag:s0], $0xA00  }
0xa2: {  	[sflag:s0] =	ssyncset.done $0x0  }
0xa3: {  	[sflag:s0] =	ssyncadd.s32 $0xFFFFF600  }
0xa4: {  	_ =	swait.ge [sflag:s22], $0xA00  }
0xa5: {  	[sflag:s22] =	ssyncset.done $0x0  }
0xa6: {  	[sflag:s22] =	ssyncadd.s32 $0xFFFFF600  }
0xa7: {  	s6 =	simm.s32 @p0 $0x1FCB;
	[bflag:$0x0] =	sbarrier.arrive $0xFFFF  }
0xa8: {  	[hbm:s10], [sflag:s6] =	dma.local @p0 [spmem:s12], $0x640  }
0xa9: {  	s6 =	simm.s32 @p0 $0xB  }
0xaa: {  	s5 =	sadd.s32 $0x1, s5;
	_ =	swait.ge @p0 [sflag:s6], $0x640  }
0xab: {  	p1 =	sne.s32 s5, s11;
	[sflag:s6] =	ssyncset.done @p0 $0x0  }
.Ltmp1:
0xac: {  	[sflag:s6] =	ssyncadd.s32 @p0 $0xFFFFF9C0;
	s6 =	simm.s32 @!p0 $0xB;
	(pc) =	sbr.rel @p1 .LBB2_1-.Ltmp1, $4  }
0xad: {  	[hbm:s9], [sflag:s13] =	dma.local @!p0 [spmem:s14], $0xA00  }
0xae: {  	_ =	swait.ge @!p0 [sflag:s6], $0xA00  }
0xaf: {  	[sflag:s6] =	ssyncset.done @!p0 $0x0  }
0xb0: {  	[sflag:s6] =	ssyncadd.s32 @!p0 $0xFFFFF600  }
0xb1: {  	_ =	sfence.sel $0x180000  }
0xb2: {  	[bflag:$0x0] =	sbarrier.arrive $0xFFFF  }
0xb3: {  	_ =	strace $0x9000004D  }
0xb4: {  	s0 =	stileid.u32;
	[bflag:$0x2] =	sbarrier.arrive $0xFFFF  }
0xb5: {  	p0 =	sne.s32 s0, $0x0;
	s0 =	rddreg [dreg:$0x2]  }
0xb6: {  	s0 =	sadd.s32 @!p0 $0x100000, s0  }
0xb7: {  	[sflag:s0] =	ssyncadd.tile.s32 @!p0 $0x1;
	_ =	shalt  }
.Lfunc_end2:
_tile_overlayer_lowered:
.L_overlay_start_2:
0xb8: {  	(tag) =	ssettag $0x2  }
0xb9: {  	s0 =	rddreg [dreg:$0x0];
	s2 =	stileid.u32  }
0xba: {  	s1 =	rddreg [dreg:$0x1];
	p0 =	sne.s32 s2, $0x0  }
0xbb: {  	s3 =	rddreg [dreg:$0x2];
	[bflag:$0x3] =	sbarrier.arrive $0xFFFF;
	s2 =	simm.s32 @!p0 $0x1C0B  }
0xbc: {  	[timem:s3], [sflag:s2] =	dma.local @!p0 [hbm:s0], s1  }
0xbd: {  	s0 =	simm.s32 @!p0 $0xB  }
0xbe: {  	_ =	swait.ge @!p0 [sflag:s0], s1  }
0xbf: {  	s1 =	ssub.s32 @!p0 $0x0, s1;
	[sflag:s0] =	ssyncset.done @!p0 $0x0  }
0xc0: {  	[sflag:s0] =	ssyncadd.s32 @!p0 s1  }
0xc1: {  	[bflag:$0x3] =	sbarrier.arrive $0xFFFF  }
0xc2: {  	_ =	shalt  }

// kernel: kernel.9.cloned.1.call-start
scs
__scs_entry_jumppad:
0x0: {  	(pc) =	sbr.rel $0x88, $3  }
0x1: {  	(tag) =	ssettag $0x0;
	lr =	simm.s32 $0x1  }
0x2: {  	[smem:$0x3F82] =	sst lr;
	_ =	strace $0xD0000000  }
0x3: {  	_ = 	snop  }
0x4: {  	_ = 	snop  }
0x5: {  	_ = 	snop  }
0x6: {  	_ = 	snop  }
0x7: {  	_ = 	snop  }
__scs_overlays_trampoline_lowered:
0x8: {  	[smem:$0x3F91] =	sst s0  }
0x9: {  	[smem:$0x3F92] =	sst s1  }
0xa: {  	[smem:$0x3F93] =	sst s2  }
0xb: {  	[smem:$0x3F94] =	sst s3  }
0xc: {  	[smem:$0x3F95] =	sst s4  }
0xd: {  	[smem:$0x3F96] =	sst s5  }
0xe: {  	[smem:$0x3F97] =	sst s6  }
0xf: {  	[smem:$0x3F98] =	sst s7  }
0x10: {  	[smem:$0x3F99] =	sst s8  }
0x11: {  	[smem:$0x3F9A] =	sst s9;
	s0 =	simm.s32 @!p0 $0x0  }
0x12: {  	s1 =	sld [smem:$0x3F80];
	s0 =	simm.s32 @p0 $0x1  }
0x13: {  	[smem:$0x3F9B] =	sst s0;
	s0 =	simm.s32 @!p1 $0x0  }
0x14: {  	s2 =	sld [smem:$0x3F7F];
	s0 =	simm.s32 @p1 $0x1  }
0x15: {  	[smem:$0x3F9C] =	sst s0;
	s0 =	simm.s32 @!p2 $0x0  }
0x16: {  	s3 =	sld [smem:$0x3FDB];
	s0 =	simm.s32 @p2 $0x1  }
0x17: {  	s4 =	simm.s32 $0x1BF5;
	[smem:$0x3F9E] =	sst s0  }
0x18: {  	s0 =	sld [smem:$0x3F81];
	_ =	swait.ge [sflag:s4], $0x0  }
0x19: {  	s7 =	sld [smem:$0x3F82]  }
0x1a: {  	s8 =	sadd.s32 $0xFFFFE003, lr  }
0x1b: {  	s9 =	sadd.s32 $0xFFFFFEF7, lr;
	s5 =	simm.s32 $0xFFFFFFFF;
	p2 =	slt.u32 s8, $0xFFFFF086  }
0x1c: {  	p1 =	slt.u32 s9, $0xF7A;
	s5 =	simm.s32 @!p2 $0x0  }
0x1d: {  	s5 =	simm.s32 @p1 $0x1;
	p0 =	seq.s32 s7, s2  }
0x1e: {  	s7 =	smul.u32 @!p0 $0xF7A, s2;
	p2 =	seq.s32 @!p0 s5, $0x0  }
0x1f: {  	s9 =	smul.u32 $0xF7A, s1;
	s8 =	simm.s32 @!p0 $0x1BF5;
	p2 =	por !p2, p0  }
0x20: {  	[sflag:s8] =	ssyncset.s32 @!p0 $0xFFFFF086;
	s6 =	sadd.s32 @!p0 s3, s7;
	s7 =	simm.s32 @!p0 $0x108  }
0x21: {  	s3 =	sadd.s32 s3, s9;
	s6 =	sadd.s32 @!p0 $0x88, s6;
	s7 =	simm.s32 @p2 $0x1082  }
0x22: {  	[simem:s7], [sflag:s8] =	dma.local @!p0 [hbm:s6], $0xF7A  }
0x23: {  	s9 =	sor.u32 $0xD0000000, s2;
	s6 =	simm.s32 $0x108;
	_ =	swait.ge @!p0 [sflag:s8], $0x0  }
0x24: {  	s3 =	sadd.s32 $0x88, s3;
	s6 =	simm.s32 @!p1 $0x1082;
	[sflag:s4] =	ssyncset.s32 $0xFFFFF086  }
0x25: {  	[simem:s6], [sflag:s4] =	dma.local [hbm:s3], $0xF7A  }
0x26: {  	[smem:$0x3F82] =	sst s1;
	(tag) =	ssettag s2;
	_ =	strace s9  }
0x27: {  	s1 =	sld [smem:$0x3F92]  }
0x28: {  	s2 =	sld [smem:$0x3F93]  }
0x29: {  	s4 =	sld [smem:$0x3F95]  }
0x2a: {  	p0 =	seq.s32 s5, $0x0;
	s5 =	sld [smem:$0x3F96]  }
0x2b: {  	s6 =	sld [smem:$0x3F97]  }
0x2c: {  	s7 =	sld [smem:$0x3F98]  }
0x2d: {  	s3 =	simm.s32 $0x108;
	s8 =	sld [smem:$0x3F99]  }
0x2e: {  	s3 =	simm.s32 @!p0 $0x1082;
	s9 =	sld [smem:$0x3F9A]  }
0x2f: {  	lr =	sadd.s32 s0, s3;
	s0 =	sld [smem:$0x3F91]  }
0x30: {  	s3 =	sld [smem:$0x3F94]  }
0x31: {  	[smem:$0x3F9D] =	sst s10  }
0x32: {  	s10 =	sld [smem:$0x3F9B];
	_ =	sdelay $0x3  }
0x33: {  	p0 =	seq.s32 s10, $0x1;
	s10 =	sld [smem:$0x3F9D];
	_ =	sdelay $0x3  }
0x34: {  	[smem:$0x3F9D] =	sst s10  }
0x35: {  	s10 =	sld [smem:$0x3F9C];
	_ =	sdelay $0x3  }
0x36: {  	p1 =	seq.s32 s10, $0x1;
	s10 =	sld [smem:$0x3F9D];
	_ =	sdelay $0x3  }
0x37: {  	[smem:$0x3F9D] =	sst s10  }
0x38: {  	s10 =	sld [smem:$0x3F9E]  }
0x39: {  	_ = 	snop;
	(pc) =	sbr.ind lr, $3  }
0x3a: {  	_ = 	snop  }
0x3b: {  	_ = 	snop  }
0x3c: {  	p2 =	seq.s32 s10, $0x1;
	s10 =	sld [smem:$0x3F9D]  }
0x3d: {  	_ =	shalt  }
0x3e: {  	_ =	shalt  }
0x3f: {  	_ =	shalt  }
0x40: {  	_ =	shalt  }
0x41: {  	_ =	shalt  }
0x42: {  	_ =	shalt  }
0x43: {  	_ =	shalt  }
0x44: {  	_ =	shalt  }
0x45: {  	_ =	shalt  }
0x46: {  	_ =	shalt  }
0x47: {  	_ =	shalt  }
0x48: {  	_ =	shalt  }
0x49: {  	_ =	shalt  }
0x4a: {  	_ =	shalt  }
0x4b: {  	_ =	shalt  }
0x4c: {  	_ =	shalt  }
0x4d: {  	_ =	shalt  }
0x4e: {  	_ =	shalt  }
0x4f: {  	_ =	shalt  }
0x50: {  	_ =	shalt  }
0x51: {  	_ =	shalt  }
0x52: {  	_ =	shalt  }
0x53: {  	_ =	shalt  }
0x54: {  	_ =	shalt  }
0x55: {  	_ =	shalt  }
0x56: {  	_ =	shalt  }
0x57: {  	_ =	shalt  }
0x58: {  	_ =	shalt  }
0x59: {  	_ =	shalt  }
0x5a: {  	_ =	shalt  }
0x5b: {  	_ =	shalt  }
0x5c: {  	_ =	shalt  }
0x5d: {  	_ =	shalt  }
0x5e: {  	_ =	shalt  }
0x5f: {  	_ =	shalt  }
0x60: {  	_ =	shalt  }
0x61: {  	_ =	shalt  }
0x62: {  	_ =	shalt  }
0x63: {  	_ =	shalt  }
0x64: {  	_ =	shalt  }
0x65: {  	_ =	shalt  }
0x66: {  	_ =	shalt  }
0x67: {  	_ =	shalt  }
0x68: {  	_ =	shalt  }
0x69: {  	_ =	shalt  }
0x6a: {  	_ =	shalt  }
0x6b: {  	_ =	shalt  }
0x6c: {  	_ =	shalt  }
0x6d: {  	_ =	shalt  }
0x6e: {  	_ =	shalt  }
0x6f: {  	_ =	shalt  }
0x70: {  	_ =	shalt  }
0x71: {  	_ =	shalt  }
0x72: {  	_ =	shalt  }
0x73: {  	_ =	shalt  }
0x74: {  	_ =	shalt  }
0x75: {  	_ =	shalt  }
0x76: {  	_ =	shalt  }
0x77: {  	_ =	shalt  }
0x78: {  	_ =	shalt  }
0x79: {  	_ =	shalt  }
0x7a: {  	_ =	shalt  }
0x7b: {  	_ =	shalt  }
0x7c: {  	_ =	shalt  }
0x7d: {  	_ =	shalt  }
0x7e: {  	_ =	shalt  }
0x7f: {  	_ =	shalt  }
0x80: {  	_ =	shalt  }
0x81: {  	_ =	shalt  }
0x82: {  	_ =	shalt  }
0x83: {  	_ =	shalt  }
0x84: {  	_ =	shalt  }
0x85: {  	_ =	shalt  }
0x86: {  	_ =	shalt  }
0x87: {  	_ =	shalt  }
.Lfunc_end0:
.L_simem_size_0:
called_computation_lowered:
.L_overlay_start_0:
0x88: {  	s2 =	sld [smem:$0x3FD9]  }
0x89: {  	s3 =	sld [smem:$0x3FFE];
	_ =	sdelay $0x1  }
0x8a: {  	s1 =	srdreg.scid  }
0x8b: {  	s0 =	sand.u32 $0x1, s1  }
0x8c: {  	s16 =	sshll.u32 s0, $0xA;
	s2 =	sadd.s32 s3, s2  }
0x8d: {  	s2 =	sadd.s32 s2, s16  }
0x8e: {  	[smem:$0x3FA9] =	sst s2  }
0x8f: {  	_ = 	snop  }
0x90: {  	(tm) =	ssettm $0x1  }
0x91: {  	s17 =	sld [smem:$0x3FFB];
	_ =	sdelay $0x3  }
0x92: {  	_ =	strace s17  }
0x93: {  	s2 =	sld [smem:$0x3FFC];
	_ =	sdelay $0x3  }
0x94: {  	_ =	strace s2  }
0x95: {  	s2 =	sld [smem:$0x3FFD];
	_ =	sdelay $0x3  }
0x96: {  	_ =	strace s2  }
0x97: {  	_ =	strace $0x8FFFFFFF  }
0x98: {  	s18 =	sld [smem:$0x3FDB];
	_ =	sdelay $0x1  }
0x99: {  	s19 =	simm.s32 $_scs_section_size  }
0x9a: {  	s4 =	simm.s32 $_size__tile_overlayer_lowered;
	s5 =	simm.s32 $_tile_overlayer_lowered  }
0x9b: {  	s22 =	simm.s32 $0x1BFF;
	s21 =	sshll.u32 s5, $0x1;
	s2 =	sadd.s32 s19, s18  }
0x9c: {  	s6 =	simm.s32 $0x0;
	s20 =	sshll.u32 s4, $0x1;
	s4 =	sadd.s32 s21, s2  }
0x9d: {  	[timem:s6], [sflag:s22] =	dma.local [hbm:s4], s20  }
0x9e: {  	_ =	swait.ge [sflag:s22], s20  }
0x9f: {  	s3 =	ssub.s32 $0x0, s20;
	[sflag:s22] =	ssyncset.done $0x0  }
0xa0: {  	[sflag:s22] =	ssyncadd.s32 s3;
	_ =	sdelay $0x1  }
0xa1: {  	s23 =	simm.s32 $0x1B8B  }
0xa2: {  	_ =	swait.ge [sflag:s23], $0x1  }
0xa3: {  	[sflag:s23] =	ssyncset.done $0x0  }
0xa4: {  	s25 =	simm.s32 $0x1B8E;
	s24 =	sld [smem:$0x3FFE];
	[sflag:s23] =	ssyncadd.s32 $0xFFFFFFFF  }
0xa5: {  	s26 =	simm.s32 $execute0_lowered;
	[smem:$0x3FD2] =	sst s25  }
0xa6: {  	s4 =	sshll.u32 s26, $0x1;
	_ =	strace $0x80000046;
	[dreg:$0x1] =	wrdreg $0xFFFFFFFF  }
0xa7: {  	s28 =	simm.s32 $_size_execute0_lowered;
	s2 =	sadd.s32 s2, s4;
	[dreg:$0x0] =	wrdreg $0x0  }
0xa8: {  	s4 =	sshll.u32 s28, $0x1;
	[dreg:$0x2] =	wrdreg s2  }
0xa9: {  	[dreg:$0x3] =	wrdreg s4  }
0xaa: {  	[dreg:$0x4] =	wrdreg $0xC0  }
0xab: {  	_ =	task [dreg:s6], $0x5FFFF  }
0xac: {  	[dreg:$0x1] =	wrdreg $0xFFFFFFFF  }
0xad: {  	[dreg:$0x0] =	wrdreg $0x60  }
0xae: {  	[dreg:$0x2] =	wrdreg s24  }
0xaf: {  	[dreg:$0x3] =	wrdreg $0x80200  }
0xb0: {  	[dreg:$0x4] =	wrdreg $0x9  }
0xb1: {  	_ =	task.clear_ibuf [dreg:s6], $0x5FFFF;
	_ =	strace $0x90000046  }
0xb2: {  	s29 =	simm.s32 $0x9;
	_ =	strace $0x80000048  }
0xb3: {  	_ =	swait.ge [sflag:s29], $0x1  }
0xb4: {  	[sflag:s29] =	ssyncadd.s32 $0xFFFFFFFF  }
0xb5: {  	_ =	strace $0x90000048  }
0xb6: {  	_ =	sfence  }
0xb7: {  	s30 =	sld [smem:$0x0];
	_ =	sdelay $0x2  }
0xb8: {  	s31 =	sshll.u32 s1, $0xD;
	s1 =	sshrl.u32 s1, $0x2  }
0xb9: {  	s3 =	sand.u32 $0x4000, s31;
	s1 =	sadd.s32 s1, s30  }
0xba: {  	s0 =	sor.u32 s3, s0;
	s1 =	sshll.u32 s1, $0x11  }
0xbb: {  	s0 =	sor.u32 s1, s0  }
0xbc: {  	s0 =	sadd.s32 $0x8F2B, s0  }
0xbd: {  	[sflag:s0] =	ssyncadd.remote.s32 $0x1  }
0xbe: {  	_ =	sfence.sel $0xFFFF  }
0xbf: {  	[dreg:$0x0] =	wrdreg $0xFFFFFFFF;
	(pc) =	sbr.abs _section_cstart, $3  }
0xc0: {  	[dreg:$0x1] =	wrdreg $0xFFFFFFFF  }
0xc1: {  	_ =	task.clear_ibuf [dreg:s6], $0x2FFFF;
	_ =	strace $0x9FFFFFFF  }
0xc2: {  	(tm) =	ssettm $0x7FFFFFFF  }
0xc3: {  	_ =	shalt  }
tec
execute0_lowered:
.L_overlay_start_1:
0x0: {  	(tag) =	ssettag $0x1  }
0x1: {  	s0 =	srdreg.scid;
	s1 =	rddreg [dreg:$0x0]  }
0x2: {  	s11 =	stileid.u32;
	s2 =	rddreg [dreg:$0x1];
	s15 =	simm.s32 $0xB  }
0x3: {  	s16 =	simm.s32 $0x2710;
	s17 =	simm.s32 $0x50;
	s18 =	simm.s32 $0x4E20  }
0x4: {  	s19 =	simm.s32 $0x5820;
	s21 =	simm.s32 $0x6220;
	s23 =	simm.s32 $0x6C20  }
0x5: {  	s28 =	simm.s32 $0x2;
	s30 =	simm.s32 $0x3;
	s20 =	simm.s32 $0x5  }
0x6: {  	s29 =	simm.s32 $0x7;
	s31 =	simm.s32 $0x8;
	s22 =	simm.s32 $0xA  }
0x7: {  	s0 =	sand.u32 $0x1, s0;
	s3 =	sshll.u32 s11, $0x1;
	s6 =	smul.u32 $0x5000, s11  }
0x8: {  	s10 =	sadd.s32 $0x2CC00, s1;
	s12 =	sadd.s32 $0x4B000, s2;
	p0 =	seq.s32 s11, $0xF  }
0x9: {  	s4 =	sor.u32 s0, s3;
	s7 =	ssub.s32 $0x2, s0;
	s0 =	smul.u32 $0x4E200, s0  }
0xa: {  	s3 =	simm.s32 $0x0;
	s12 =	sshrl.u32 @p0 s12, $0x3;
	s5 =	smul.u32 $0x4E2, s4  }
0xb: {  	[smem:$0x7FF] =	sst s3;
	s4 =	sadd.s32 $0x19000, s1;
	s8 =	sshrl.u32 s6, $0x3  }
0xc: {  	s9 =	sshrl.u32 s7, $0x1;
	s14 =	sadd.s32 s6, s2;
	_ =	strace $0x80000047  }
0xd: {  	s8 =	sadd.s32 s8, s1;
	s7 =	ssub.s32 s7, s9;
	s26 =	sadd.s32 s6, s0  }
0xe: {  	s0 =	sshrl.u32 s0, $0x3;
	s14 =	sshrl.u32 @!p0 s14, $0x3;
	s8 =	sadd.s32 $0x22E00, s8  }
0xf: {  	s5 =	sadd.s32 s5, s1;
	s1 =	sadd.s32 $0x2C400, s1;
	[dreg:$0x3] =	wrdreg s8  }
0x10: {  	s0 =	sadd.s32 s10, s0;
	[dreg:$0x4] =	wrdreg s1;
	s24 =	sadd.s32 $0xF200, s5  }
0x11: {  	s25 =	sadd.s32 $0x5400, s5;
	s1 =	sshrl.u32 s26, $0x3;
	[dreg:$0x5] =	wrdreg s24  }
0x12: {  	s26 =	simm.s32 $0x1;
	s5 =	simm.s32 $0x0;
	[dreg:$0x6] =	wrdreg s25  }
0x13: {  	s9 =	sadd.s32 s10, s1;
	s10 =	sadd.s32 $0x9600, s0;
	s0 =	sshll.u32 @!p0 s11, $0x6  }
0x14: {  	s11 =	smax.u32 s7, $0x1;
	s25 =	simm.s32 $0x7620;
	s1 =	simm.s32 $0x4  }
0x15: {  	s24 =	simm.s32 $0x6;
	s13 =	sor.u32 @!p0 $0x1C0B, s0;
	s0 =	simm.s32 $0x9  }
.LBB2_1:
0x16: {  	s6 =	simm.s32 @p0 $0x1FCB;
	s7 =	rddreg [dreg:$0x4]  }
0x17: {  	[spmem:s12], [sflag:s6] =	dma.local @p0 [hbm:s7], $0x640  }
0x18: {  	s6 =	simm.s32 @p0 $0xB  }
0x19: {  	_ =	swait.ge @p0 [sflag:s6], $0x640  }
0x1a: {  	[sflag:s6] =	ssyncset.done @p0 $0x0  }
0x1b: {  	[sflag:s6] =	ssyncadd.s32 @p0 $0xFFFFF9C0;
	s6 =	rddreg [dreg:$0x3]  }
0x1c: {  	[spmem:s14], [sflag:s13] =	dma.local @!p0 [hbm:s6], $0xA00  }
0x1d: {  	s6 =	simm.s32 @!p0 $0xB  }
0x1e: {  	_ =	swait.ge @!p0 [sflag:s6], $0xA00  }
0x1f: {  	[sflag:s6] =	ssyncset.done @!p0 $0x0  }
0x20: {  	s7 =	rddreg [dreg:$0x5];
	[sflag:s6] =	ssyncadd.s32 @!p0 $0xFFFFF600  }
0x21: {  	[tilespmem:s3], [sflag:$0xB] =	stream.linear.gather [hbm4b:s7+s3], $0x2710, $0x38;
	[tilespmem:$0xCE40] =	vst v63  }
0x22: {  	_ =	swait.ge [sflag:s15], $0x2710  }
0x23: {  	[sflag:s15] =	ssyncset.done $0x0  }
0x24: {  	s8 =	rddreg [dreg:$0x6];
	[sflag:s15] =	ssyncadd.s32 $0xFFFFD8F0  }
0x25: {  	[tilespmem:s16], [sflag:$0xB] =	stream.linear.gather [hbm4b:s8+s3], $0x2710, $0x38;
	[tilespmem:$0xCE40] =	vst v63  }
0x26: {  	_ =	swait.ge [sflag:s15], $0x2710  }
0x27: {  	[sflag:s15] =	ssyncset.done $0x0  }
0x28: {  	[sflag:s15] =	ssyncadd.s32 $0xFFFFD8F0  }
0x29: {  	[bflag:$0x0] =	sbarrier.arrive $0xFFFF  }
0x2a: {  	[tilespmem:s18], [sflag:$0x1] =	stream.indirect.gather [hbm4b:s4+s17], $0x20, s3, s17, $0xb8;
	[tilespmem:$0xCE40] =	vst v63  }
0x2b: {  	_ = 	snop  }
0x2c: {  	[tilespmem:s19], [sflag:$0x2] =	stream.indirect.gather [hbm4b:s4+s17], $0x20, s17, s17, $0xb8;
	[tilespmem:$0xCE40] =	vst v63  }
0x2d: {  	s7 =	simm.s32 $0xA0  }
0x2e: {  	[tilespmem:s21], [sflag:$0x3] =	stream.indirect.gather [hbm4b:s4+s17], $0x20, s7, s17, $0xb8;
	[tilespmem:$0xCE40] =	vst v63  }
0x2f: {  	s8 =	simm.s32 $0xF0  }
0x30: {  	[tilespmem:s23], [sflag:$0x4] =	stream.indirect.gather [hbm4b:s4+s17], $0x20, s8, s17, $0xb8;
	[tilespmem:$0xCE40] =	vst v63  }
0x31: {  	s7 =	simm.s32 $0x140  }
0x32: {  	[tilespmem:s25], [sflag:$0x5] =	stream.indirect.gather [hbm4b:s4+s17], $0x20, s7, s17, $0xb8;
	[tilespmem:$0xCE40] =	vst v63  }
0x33: {  	_ =	swait.ge [sflag:s26], $0xA00  }
0x34: {  	[sflag:s26] =	ssyncset.done $0x0  }
0x35: {  	[sflag:s26] =	ssyncadd.s32 $0xFFFFF600  }
0x36: {  	[spmem:s2] =	stream.indirect.scatter.add.f32 [tilespmem:s18], [sflag:$0x6], $0x20, s16, s17, $0xb8;
	[tilespmem:$0xCE40] =	vst v63  }
0x37: {  	_ =	swait.ge [sflag:s28], $0xA00  }
0x38: {  	[sflag:s28] =	ssyncset.done $0x0  }
0x39: {  	s8 =	simm.s32 $0x2760;
	[sflag:s28] =	ssyncadd.s32 $0xFFFFF600  }
0x3a: {  	[spmem:s2] =	stream.indirect.scatter.add.f32 [tilespmem:s19], [sflag:$0x7], $0x20, s8, s17, $0xb8;
	[tilespmem:$0xCE40] =	vst v63  }
0x3b: {  	_ =	swait.ge [sflag:s30], $0xA00  }
0x3c: {  	[sflag:s30] =	ssyncset.done $0x0  }
0x3d: {  	s7 =	simm.s32 $0x27B0;
	[sflag:s30] =	ssyncadd.s32 $0xFFFFF600  }
0x3e: {  	[spmem:s2] =	stream.indirect.scatter.add.f32 [tilespmem:s21], [sflag:$0x8], $0x20, s7, s17, $0xb8;
	[tilespmem:$0xCE40] =	vst v63  }
0x3f: {  	_ =	swait.ge [sflag:s1], $0xA00  }
0x40: {  	[sflag:s1] =	ssyncset.done $0x0  }
0x41: {  	s8 =	simm.s32 $0x2800;
	[sflag:s1] =	ssyncadd.s32 $0xFFFFF600  }
0x42: {  	[spmem:s2] =	stream.indirect.scatter.add.f32 [tilespmem:s23], [sflag:$0x9], $0x20, s8, s17, $0xb8;
	[tilespmem:$0xCE40] =	vst v63  }
0x43: {  	_ =	swait.ge [sflag:s20], $0xA00  }
0x44: {  	[sflag:s20] =	ssyncset.done $0x0  }
0x45: {  	s7 =	simm.s32 $0x2850;
	[sflag:s20] =	ssyncadd.s32 $0xFFFFF600  }
0x46: {  	[spmem:s2] =	stream.indirect.scatter.add.f32 [tilespmem:s25], [sflag:$0xA], $0x20, s7, s17, $0xb8;
	[tilespmem:$0xCE40] =	vst v63  }
0x47: {  	_ =	swait.ge [sflag:s24], $0xA00  }
0x48: {  	[sflag:s24] =	ssyncset.done $0x0  }
0x49: {  	s8 =	simm.s32 $0x190;
	[sflag:s24] =	ssyncadd.s32 $0xFFFFF600  }
0x4a: {  	[tilespmem:s18], [sflag:$0x1] =	stream.indirect.gather [hbm4b:s4+s17], $0x20, s8, s17, $0xb8;
	[tilespmem:$0xCE40] =	vst v63  }
0x4b: {  	_ =	swait.ge [sflag:s29], $0xA00  }
0x4c: {  	[sflag:s29] =	ssyncset.done $0x0  }
0x4d: {  	s7 =	simm.s32 $0x1E0;
	[sflag:s29] =	ssyncadd.s32 $0xFFFFF600  }
0x4e: {  	[tilespmem:s19], [sflag:$0x2] =	stream.indirect.gather [hbm4b:s4+s17], $0x20, s7, s17, $0xb8;
	[tilespmem:$0xCE40] =	vst v63  }
0x4f: {  	_ =	swait.ge [sflag:s31], $0xA00  }
0x50: {  	[sflag:s31] =	ssyncset.done $0x0  }
0x51: {  	s8 =	simm.s32 $0x230;
	[sflag:s31] =	ssyncadd.s32 $0xFFFFF600  }
0x52: {  	[tilespmem:s21], [sflag:$0x3] =	stream.indirect.gather [hbm4b:s4+s17], $0x20, s8, s17, $0xb8;
	[tilespmem:$0xCE40] =	vst v63  }
0x53: {  	_ =	swait.ge [sflag:s0], $0xA00  }
0x54: {  	[sflag:s0] =	ssyncset.done $0x0  }
0x55: {  	s7 =	simm.s32 $0x280;
	[sflag:s0] =	ssyncadd.s32 $0xFFFFF600  }
0x56: {  	[tilespmem:s23], [sflag:$0x4] =	stream.indirect.gather [hbm4b:s4+s17], $0x20, s7, s17, $0xb8;
	[tilespmem:$0xCE40] =	vst v63  }
0x57: {  	_ =	swait.ge [sflag:s22], $0xA00  }
0x58: {  	[sflag:s22] =	ssyncset.done $0x0  }
0x59: {  	s8 =	simm.s32 $0x2D0;
	[sflag:s22] =	ssyncadd.s32 $0xFFFFF600  }
0x5a: {  	[tilespmem:s25], [sflag:$0x5] =	stream.indirect.gather [hbm4b:s4+s17], $0x20, s8, s17, $0xb8;
	[tilespmem:$0xCE40] =	vst v63  }
0x5b: {  	_ =	swait.ge [sflag:s26], $0xA00  }
0x5c: {  	[sflag:s26] =	ssyncset.done $0x0  }
0x5d: {  	s7 =	simm.s32 $0x28A0;
	[sflag:s26] =	ssyncadd.s32 $0xFFFFF600  }
0x5e: {  	[spmem:s2] =	stream.indirect.scatter.add.f32 [tilespmem:s18], [sflag:$0x6], $0x20, s7, s17, $0xb8;
	[tilespmem:$0xCE40] =	vst v63  }
0x5f: {  	_ =	swait.ge [sflag:s28], $0xA00  }
0x60: {  	[sflag:s28] =	ssyncset.done $0x0  }
0x61: {  	s8 =	simm.s32 $0x28F0;
	[sflag:s28] =	ssyncadd.s32 $0xFFFFF600  }
0x62: {  	[spmem:s2] =	stream.indirect.scatter.add.f32 [tilespmem:s19], [sflag:$0x7], $0x20, s8, s17, $0xb8;
	[tilespmem:$0xCE40] =	vst v63  }
0x63: {  	_ =	swait.ge [sflag:s30], $0xA00  }
0x64: {  	[sflag:s30] =	ssyncset.done $0x0  }
0x65: {  	s7 =	simm.s32 $0x2940;
	[sflag:s30] =	ssyncadd.s32 $0xFFFFF600  }
0x66: {  	[spmem:s2] =	stream.indirect.scatter.add.f32 [tilespmem:s21], [sflag:$0x8], $0x20, s7, s17, $0xb8;
	[tilespmem:$0xCE40] =	vst v63  }
0x67: {  	_ =	swait.ge [sflag:s1], $0xA00  }
0x68: {  	[sflag:s1] =	ssyncset.done $0x0  }
0x69: {  	s8 =	simm.s32 $0x2990;
	[sflag:s1] =	ssyncadd.s32 $0xFFFFF600  }
0x6a: {  	[spmem:s2] =	stream.indirect.scatter.add.f32 [tilespmem:s23], [sflag:$0x9], $0x20, s8, s17, $0xb8;
	[tilespmem:$0xCE40] =	vst v63  }
0x6b: {  	_ =	swait.ge [sflag:s20], $0xA00  }
0x6c: {  	[sflag:s20] =	ssyncset.done $0x0  }
0x6d: {  	s6 =	simm.s32 $0x640;
	s7 =	simm.s32 $0x29E0;
	[sflag:s20] =	ssyncadd.s32 $0xFFFFF600  }
.LBB2_2:
0x6e: {  	[spmem:s2] =	stream.indirect.scatter.add.f32 [tilespmem:s25], [sflag:$0xA], $0x20, s7, s17, $0xb8;
	[tilespmem:$0xCE40] =	vst v63  }
0x6f: {  	s7 =	smov.u32 s6  }
0x70: {  	p1 =	sne.s32 s6, $0x8FC0;
	s6 =	sadd.s32 $0x640, s6;
	_ =	swait.ge [sflag:s24], $0xA00  }
0x71: {  	s7 =	sshra.s32 s7, $0x2;
	[sflag:s24] =	ssyncset.done $0x0  }
0x72: {  	s8 =	sadd.s32 $0x190, s7;
	[sflag:s24] =	ssyncadd.s32 $0xFFFFF600  }
0x73: {  	[tilespmem:s18], [sflag:$0x1] =	stream.indirect.gather [hbm4b:s4+s17], $0x20, s8, s17, $0xb8;
	[tilespmem:$0xCE40] =	vst v63  }
0x74: {  	_ =	swait.ge [sflag:s29], $0xA00  }
0x75: {  	[sflag:s29] =	ssyncset.done $0x0  }
0x76: {  	s8 =	sadd.s32 $0x1E0, s7;
	[sflag:s29] =	ssyncadd.s32 $0xFFFFF600  }
0x77: {  	[tilespmem:s19], [sflag:$0x2] =	stream.indirect.gather [hbm4b:s4+s17], $0x20, s8, s17, $0xb8;
	[tilespmem:$0xCE40] =	vst v63  }
0x78: {  	_ =	swait.ge [sflag:s31], $0xA00  }
0x79: {  	[sflag:s31] =	ssyncset.done $0x0  }
0x7a: {  	s8 =	sadd.s32 $0x230, s7;
	[sflag:s31] =	ssyncadd.s32 $0xFFFFF600  }
0x7b: {  	[tilespmem:s21], [sflag:$0x3] =	stream.indirect.gather [hbm4b:s4+s17], $0x20, s8, s17, $0xb8;
	[tilespmem:$0xCE40] =	vst v63  }
0x7c: {  	_ =	swait.ge [sflag:s0], $0xA00  }
0x7d: {  	[sflag:s0] =	ssyncset.done $0x0  }
0x7e: {  	s8 =	sadd.s32 $0x280, s7;
	[sflag:s0] =	ssyncadd.s32 $0xFFFFF600  }
0x7f: {  	[tilespmem:s23], [sflag:$0x4] =	stream.indirect.gather [hbm4b:s4+s17], $0x20, s8, s17, $0xb8;
	[tilespmem:$0xCE40] =	vst v63  }
0x80: {  	_ =	swait.ge [sflag:s22], $0xA00  }
0x81: {  	[sflag:s22] =	ssyncset.done $0x0  }
0x82: {  	s8 =	sadd.s32 $0x2D0, s7;
	[sflag:s22] =	ssyncadd.s32 $0xFFFFF600  }
0x83: {  	[tilespmem:s25], [sflag:$0x5] =	stream.indirect.gather [hbm4b:s4+s17], $0x20, s8, s17, $0xb8;
	[tilespmem:$0xCE40] =	vst v63  }
0x84: {  	_ =	swait.ge [sflag:s26], $0xA00  }
0x85: {  	[sflag:s26] =	ssyncset.done $0x0  }
0x86: {  	s8 =	sadd.s32 $0x28A0, s7;
	[sflag:s26] =	ssyncadd.s32 $0xFFFFF600  }
0x87: {  	[spmem:s2] =	stream.indirect.scatter.add.f32 [tilespmem:s18], [sflag:$0x6], $0x20, s8, s17, $0xb8;
	[tilespmem:$0xCE40] =	vst v63  }
0x88: {  	_ =	swait.ge [sflag:s28], $0xA00  }
0x89: {  	[sflag:s28] =	ssyncset.done $0x0  }
0x8a: {  	s8 =	sadd.s32 $0x28F0, s7;
	[sflag:s28] =	ssyncadd.s32 $0xFFFFF600  }
0x8b: {  	[spmem:s2] =	stream.indirect.scatter.add.f32 [tilespmem:s19], [sflag:$0x7], $0x20, s8, s17, $0xb8;
	[tilespmem:$0xCE40] =	vst v63  }
0x8c: {  	_ =	swait.ge [sflag:s30], $0xA00  }
0x8d: {  	[sflag:s30] =	ssyncset.done $0x0  }
0x8e: {  	s8 =	sadd.s32 $0x2940, s7;
	[sflag:s30] =	ssyncadd.s32 $0xFFFFF600  }
0x8f: {  	[spmem:s2] =	stream.indirect.scatter.add.f32 [tilespmem:s21], [sflag:$0x8], $0x20, s8, s17, $0xb8;
	[tilespmem:$0xCE40] =	vst v63  }
0x90: {  	_ =	swait.ge [sflag:s1], $0xA00  }
0x91: {  	[sflag:s1] =	ssyncset.done $0x0  }
.Ltmp0:
0x92: {  	s8 =	sadd.s32 $0x2990, s7;
	[sflag:s1] =	ssyncadd.s32 $0xFFFFF600;
	(pc) =	sbr.rel @p1 .LBB2_2-.Ltmp0, $4  }
0x93: {  	[spmem:s2] =	stream.indirect.scatter.add.f32 [tilespmem:s23], [sflag:$0x9], $0x20, s8, s17, $0xb8;
	[tilespmem:$0xCE40] =	vst v63  }
0x94: {  	_ =	swait.ge [sflag:s20], $0xA00  }
0x95: {  	[sflag:s20] =	ssyncset.done $0x0  }
0x96: {  	s7 =	sadd.s32 $0x29E0, s7;
	[sflag:s20] =	ssyncadd.s32 $0xFFFFF600  }
0x97: {  	[spmem:s2] =	stream.indirect.scatter.add.f32 [tilespmem:s25], [sflag:$0xA], $0x20, s7, s17, $0xb8;
	[tilespmem:$0xCE40] =	vst v63  }
0x98: {  	_ =	swait.ge [sflag:s24], $0xA00  }
0x99: {  	[sflag:s24] =	ssyncset.done $0x0  }
0x9a: {  	[sflag:s24] =	ssyncadd.s32 $0xFFFFF600  }
0x9b: {  	_ =	swait.ge [sflag:s29], $0xA00  }
0x9c: {  	[sflag:s29] =	ssyncset.done $0x0  }
0x9d: {  	[sflag:s29] =	ssyncadd.s32 $0xFFFFF600  }
0x9e: {  	_ =	swait.ge [sflag:s31], $0xA00  }
0x9f: {  	[sflag:s31] =	ssyncset.done $0x0  }
0xa0: {  	[sflag:s31] =	ssyncadd.s32 $0xFFFFF600  }
0xa1: {  	_ =	swait.ge [sflag:s0], $0xA00  }
0xa2: {  	[sflag:s0] =	ssyncset.done $0x0  }
0xa3: {  	[sflag:s0] =	ssyncadd.s32 $0xFFFFF600  }
0xa4: {  	_ =	swait.ge [sflag:s22], $0xA00  }
0xa5: {  	[sflag:s22] =	ssyncset.done $0x0  }
0xa6: {  	[sflag:s22] =	ssyncadd.s32 $0xFFFFF600  }
0xa7: {  	s6 =	simm.s32 @p0 $0x1FCB;
	[bflag:$0x0] =	sbarrier.arrive $0xFFFF  }
0xa8: {  	[hbm:s10], [sflag:s6] =	dma.local @p0 [spmem:s12], $0x640  }
0xa9: {  	s6 =	simm.s32 @p0 $0xB  }
0xaa: {  	s5 =	sadd.s32 $0x1, s5;
	_ =	swait.ge @p0 [sflag:s6], $0x640  }
0xab: {  	p1 =	sne.s32 s5, s11;
	[sflag:s6] =	ssyncset.done @p0 $0x0  }
.Ltmp1:
0xac: {  	[sflag:s6] =	ssyncadd.s32 @p0 $0xFFFFF9C0;
	s6 =	simm.s32 @!p0 $0xB;
	(pc) =	sbr.rel @p1 .LBB2_1-.Ltmp1, $4  }
0xad: {  	[hbm:s9], [sflag:s13] =	dma.local @!p0 [spmem:s14], $0xA00  }
0xae: {  	_ =	swait.ge @!p0 [sflag:s6], $0xA00  }
0xaf: {  	[sflag:s6] =	ssyncset.done @!p0 $0x0  }
0xb0: {  	[sflag:s6] =	ssyncadd.s32 @!p0 $0xFFFFF600  }
0xb1: {  	_ =	sfence.sel $0x180000  }
0xb2: {  	[bflag:$0x0] =	sbarrier.arrive $0xFFFF  }
0xb3: {  	_ =	strace $0x90000047  }
0xb4: {  	s0 =	stileid.u32;
	[bflag:$0x2] =	sbarrier.arrive $0xFFFF  }
0xb5: {  	p0 =	sne.s32 s0, $0x0;
	s0 =	rddreg [dreg:$0x2]  }
0xb6: {  	s0 =	sadd.s32 @!p0 $0x100000, s0  }
0xb7: {  	[sflag:s0] =	ssyncadd.tile.s32 @!p0 $0x1;
	_ =	shalt  }
.Lfunc_end2:
_tile_overlayer_lowered:
.L_overlay_start_2:
0xb8: {  	(tag) =	ssettag $0x2  }
0xb9: {  	s0 =	rddreg [dreg:$0x0];
	s2 =	stileid.u32  }
0xba: {  	s1 =	rddreg [dreg:$0x1];
	p0 =	sne.s32 s2, $0x0  }
0xbb: {  	s3 =	rddreg [dreg:$0x2];
	[bflag:$0x3] =	sbarrier.arrive $0xFFFF;
	s2 =	simm.s32 @!p0 $0x1C0B  }
0xbc: {  	[timem:s3], [sflag:s2] =	dma.local @!p0 [hbm:s0], s1  }
0xbd: {  	s0 =	simm.s32 @!p0 $0xB  }
0xbe: {  	_ =	swait.ge @!p0 [sflag:s0], s1  }
0xbf: {  	s1 =	ssub.s32 @!p0 $0x0, s1;
	[sflag:s0] =	ssyncset.done @!p0 $0x0  }
0xc0: {  	[sflag:s0] =	ssyncadd.s32 @!p0 s1  }
0xc1: {  	[bflag:$0x3] =	sbarrier.arrive $0xFFFF  }
0xc2: {  	_ =	shalt  }

</sc_bundles>
